<compile_context>
chip_gen: v7x
topology: tpu7x:2x2x1
jax: 0.10.2.dev20260603
libtpu: 0.0.44.dev20260713+nightly
codegen_flags: <defaults>
</compile_context>

<pallas_src>
import functools

import jax
import jax.numpy as jnp
from jax import lax
from jax.experimental import pallas as pl
from jax.experimental.pallas import tpu as pltpu
from jax.experimental.pallas import tpu_sc as plsc

N = 10000
E = 320000
D = 128
H_ACTOR = 256
G = 64

NC = 2
NS = 16
CHUNK = 128
NCHUNK = 80
E_PAD = NCHUNK * CHUNK * NS * NC
EPT = NCHUNK * CHUNK
EPC = EPT * NS
NCH0 = 80
NCH1 = 2 * NCHUNK - NCH0
_MAXCH = max(NCH0, NCH1)

N_ACC = 10112
N_HIST = 10240
R = 1000
NB = N // R

_SC_MESH = plsc.VectorSubcoreMesh(core_axis_name="c", subcore_axis_name="s")



@functools.partial(
    pl.kernel,
    out_type=jax.ShapeDtypeStruct((NC, N_HIST), jnp.float32),
    scratch_types=[
        pltpu.VMEM((NCHUNK, CHUNK), jnp.int32),
        pltpu.VMEM((CHUNK,), jnp.float32),
        pltpu.VMEM_SHARED((N_HIST,), jnp.float32),
        pltpu.SemaphoreType.DMA,
        pltpu.SemaphoreType.DMA,
    ],
    mesh=_SC_MESH,
)
def _deg_kernel(dst_hbm, zeros_hbm, out_hbm, dst_t, ones_v, hist_sh,
                sa0, sa1):
    c = lax.axis_index("c")
    s = lax.axis_index("s")
    for j in range(CHUNK // 16):
        ones_v[pl.ds(j * 16, 16)] = jnp.full((16,), 1.0, dtype=jnp.float32)
    tph = N_HIST // NS
    pltpu.sync_copy(zeros_hbm.at[pl.ds(s * tph, tph)],
                    hist_sh.at[pl.ds(s * tph, tph)])
    cb = (c * NS + s) * NCHUNK
    pltpu.sync_copy(dst_hbm.at[pl.ds(cb, NCHUNK)], dst_t)
    plsc.subcore_barrier()

    pltpu.async_copy(ones_v, hist_sh.at[dst_t.at[0]], sa0, add=True)
    pltpu.async_copy(ones_v, hist_sh.at[dst_t.at[1]], sa1, add=True)

    def body(i, carry):
        j = 2 * i + 2
        pltpu.make_async_copy(ones_v, hist_sh.at[dst_t.at[0]], sa0).wait()
        pltpu.async_copy(ones_v, hist_sh.at[dst_t.at[j]], sa0, add=True)
        pltpu.make_async_copy(ones_v, hist_sh.at[dst_t.at[0]], sa1).wait()
        pltpu.async_copy(ones_v, hist_sh.at[dst_t.at[j + 1]], sa1, add=True)
        return carry

    lax.fori_loop(0, (NCHUNK - 2) // 2, body, 0)
    pltpu.make_async_copy(ones_v, hist_sh.at[dst_t.at[0]], sa0).wait()
    pltpu.make_async_copy(ones_v, hist_sh.at[dst_t.at[0]], sa1).wait()
    plsc.subcore_barrier()
    pltpu.sync_copy(hist_sh.at[pl.ds(s * tph, tph)],
                    out_hbm.at[c, pl.ds(s * tph, tph)])


@functools.partial(
    pl.kernel,
    out_type=jax.ShapeDtypeStruct((NC, N_ACC, D), jnp.float32),
    scratch_types=[
        pltpu.VMEM((_MAXCH // 2, CHUNK), jnp.int32),
        pltpu.VMEM((_MAXCH // 2, CHUNK), jnp.int32),
        pltpu.VMEM((CHUNK, D), jnp.float32),
        pltpu.VMEM((CHUNK, D), jnp.float32),
        pltpu.VMEM_SHARED((N_ACC, D), jnp.float32),
        pltpu.SemaphoreType.DMA,
        pltpu.SemaphoreType.DMA,
        pltpu.SemaphoreType.DMA,
        pltpu.SemaphoreType.DMA,
    ],
    mesh=_SC_MESH,
)
def _edge_kernel(y_hbm, src_hbm, dst_hbm, zeros_hbm, out_hbm,
                 src_t, dst_t, rows0, rows1, acc_sh, gs0, gs1, ss0, ss1):
    c = lax.axis_index("c")
    s = lax.axis_index("s")
    rpt = N_ACC // NS

    @pl.when(c == 0)
    def _():
        pltpu.sync_copy(y_hbm.at[pl.ds(s * rpt, rpt)],
                        acc_sh.at[pl.ds(s * rpt, rpt)])

    @pl.when(c == 1)
    def _():
        pltpu.sync_copy(zeros_hbm.at[pl.ds(s * rpt, rpt)],
                        acc_sh.at[pl.ds(s * rpt, rpt)])

    plsc.subcore_barrier()

    def pipe(cbase, nch):
        half = nch // 2
        for h in range(2):
            cb = cbase + h * half
            pltpu.sync_copy(src_hbm.at[pl.ds(cb, half)],
                            src_t.at[pl.ds(0, half)])
            pltpu.sync_copy(dst_hbm.at[pl.ds(cb, half)],
                            dst_t.at[pl.ds(0, half)])

            pltpu.async_copy(y_hbm.at[src_t.at[0]], rows0, gs0)
            pltpu.async_copy(y_hbm.at[src_t.at[1]], rows1, gs1)
            pltpu.make_async_copy(y_hbm.at[src_t.at[0]], rows0, gs0).wait()
            pltpu.async_copy(rows0, acc_sh.at[dst_t.at[0]], ss0, add=True)

            def body(i, carry):
                j = 2 * i + 1
                pltpu.make_async_copy(rows0, acc_sh.at[dst_t.at[0]],
                                      ss0).wait()
                pltpu.async_copy(y_hbm.at[src_t.at[j + 1]], rows0, gs0)
                pltpu.make_async_copy(y_hbm.at[src_t.at[0]], rows1,
                                      gs1).wait()
                pltpu.async_copy(rows1, acc_sh.at[dst_t.at[j]], ss1,
                                 add=True)

                pltpu.make_async_copy(rows1, acc_sh.at[dst_t.at[0]],
                                      ss1).wait()
                pltpu.async_copy(y_hbm.at[src_t.at[j + 2]], rows1, gs1)
                pltpu.make_async_copy(y_hbm.at[src_t.at[0]], rows0,
                                      gs0).wait()
                pltpu.async_copy(rows0, acc_sh.at[dst_t.at[j + 1]], ss0,
                                 add=True)
                return carry

            lax.fori_loop(0, (half - 2) // 2, body, 0)
            pltpu.make_async_copy(rows0, acc_sh.at[dst_t.at[0]], ss0).wait()
            pltpu.make_async_copy(y_hbm.at[src_t.at[0]], rows1, gs1).wait()
            pltpu.async_copy(rows1, acc_sh.at[dst_t.at[half - 1]], ss1,
                             add=True).wait()

    @pl.when(c == 0)
    def _():
        pipe(s * NCH0, NCH0)

    @pl.when(c == 1)
    def _():
        pipe(NS * NCH0 + s * NCH1, NCH1)

    plsc.subcore_barrier()
    pltpu.sync_copy(acc_sh.at[pl.ds(s * rpt, rpt)],
                    out_hbm.at[c, pl.ds(s * rpt, rpt)])



def _tc0_body(histT_ref, x_ref, w_ref, y_ref, dinv_ref):
    deg = histT_ref[:, 0:1] + histT_ref[:, 1:2] + 1.0
    dinv = lax.rsqrt(deg)
    dinv_ref[...] = dinv
    y_ref[...] = dinv * jnp.dot(x_ref[...], w_ref[...],
                                preferred_element_type=jnp.float32)


_tc0_call = pl.pallas_call(
    _tc0_body,
    grid=(NB,),
    in_specs=[
        pl.BlockSpec((R, 2), lambda i: (i, 0)),
        pl.BlockSpec((R, D), lambda i: (i, 0)),
        pl.BlockSpec((D, D), lambda i: (0, 0)),
    ],
    out_specs=[
        pl.BlockSpec((R, D), lambda i: (i, 0)),
        pl.BlockSpec((R, 1), lambda i: (i, 0)),
    ],
    out_shape=[
        jax.ShapeDtypeStruct((N_ACC, D), jnp.float32),
        jax.ShapeDtypeStruct((N, 1), jnp.float32),
    ],
)


def _tcl_body(acc_ref, dinv_ref, b_ref, w_ref, out_ref):
    d = dinv_ref[...]
    h = jnp.maximum(d * (acc_ref[0] + acc_ref[1]) + b_ref[...], 0.0)
    out_ref[...] = d * jnp.dot(h, w_ref[...],
                               preferred_element_type=jnp.float32)


_tcl_call = pl.pallas_call(
    _tcl_body,
    grid=(NB,),
    in_specs=[
        pl.BlockSpec((NC, R, D), lambda i: (0, i, 0)),
        pl.BlockSpec((R, 1), lambda i: (i, 0)),
        pl.BlockSpec((1, D), lambda i: (0, 0)),
        pl.BlockSpec((D, D), lambda i: (0, 0)),
    ],
    out_specs=pl.BlockSpec((R, D), lambda i: (i, 0)),
    out_shape=jax.ShapeDtypeStruct((N_ACC, D), jnp.float32),
)


def _tcf_body(acc_ref, dinv_ref, b_ref, nw_ref, nb_ref, batch_ref,
              w1_ref, b1_ref, w2_ref, b2_ref,
              np_ref, pooled_ref, cnt_ref, fea_ref):
    i = pl.program_id(0)
    d = dinv_ref[...]
    h = jnp.maximum(d * (acc_ref[0] + acc_ref[1]) + b_ref[...], 0.0)
    np_ref[...] = jnp.dot(h, nw_ref[...],
                          preferred_element_type=jnp.float32) + nb_ref[0, 0]
    gid = lax.broadcasted_iota(jnp.int32, (R, G), 1)
    m = (batch_ref[...] == gid).astype(jnp.float32)
    dn = (((0,), (0,)), ((), ()))
    part = lax.dot_general(m, h, dn, preferred_element_type=jnp.float32)
    cpart = lax.dot_general(m, jnp.ones((R, 1), jnp.float32), dn,
                            preferred_element_type=jnp.float32)

    @pl.when(i == 0)
    def _():
        pooled_ref[...] = part
        cnt_ref[...] = cpart

    @pl.when(i > 0)
    def _():
        pooled_ref[...] = pooled_ref[...] + part
        cnt_ref[...] = cnt_ref[...] + cpart

    @pl.when(i == NB - 1)
    def _():
        pooled = pooled_ref[...] / jnp.maximum(cnt_ref[...], 1.0)
        f = jnp.maximum(
            jnp.dot(pooled, w1_ref[...],
                    preferred_element_type=jnp.float32) + b1_ref[...], 0.0)
        fea_ref[...] = jnp.dot(f, w2_ref[...],
                               preferred_element_type=jnp.float32) + b2_ref[...]


_tcf_call = pl.pallas_call(
    _tcf_body,
    grid=(NB,),
    in_specs=[
        pl.BlockSpec((NC, R, D), lambda i: (0, i, 0)),
        pl.BlockSpec((R, 1), lambda i: (i, 0)),
        pl.BlockSpec((1, D), lambda i: (0, 0)),
        pl.BlockSpec((D, 1), lambda i: (0, 0)),
        pl.BlockSpec((1, 1), lambda i: (0, 0)),
        pl.BlockSpec((R, 1), lambda i: (i, 0)),
        pl.BlockSpec((D, H_ACTOR), lambda i: (0, 0)),
        pl.BlockSpec((1, H_ACTOR), lambda i: (0, 0)),
        pl.BlockSpec((H_ACTOR, D), lambda i: (0, 0)),
        pl.BlockSpec((1, D), lambda i: (0, 0)),
    ],
    out_specs=[
        pl.BlockSpec((R, 1), lambda i: (i, 0)),
        pl.BlockSpec((G, D), lambda i: (0, 0)),
        pl.BlockSpec((G, 1), lambda i: (0, 0)),
        pl.BlockSpec((G, D), lambda i: (0, 0)),
    ],
    out_shape=[
        jax.ShapeDtypeStruct((N, 1), jnp.float32),
        jax.ShapeDtypeStruct((G, D), jnp.float32),
        jax.ShapeDtypeStruct((G, 1), jnp.float32),
        jax.ShapeDtypeStruct((G, D), jnp.float32),
    ],
)


def kernel(x, edge_index, batch, conv_W0, conv_b0, conv_W1, conv_b1,
           conv_W2, conv_b2, node_W, node_b, fea1_W, fea1_b, fea2_W, fea2_b):
    pad = E_PAD - E
    pr = jnp.arange(pad, dtype=jnp.int32)
    srcp = jnp.concatenate(
        [edge_index[0], pr % N]).reshape(-1, CHUNK)
    dstp = jnp.concatenate(
        [edge_index[1], N + pr % (N_ACC - N)]).reshape(-1, CHUNK)
    zeros_hist = jnp.zeros((N_HIST,), jnp.float32)
    zeros_acc = jnp.zeros((N_ACC, D), jnp.float32)

    hist = _deg_kernel(dstp, zeros_hist)
    histT = hist.T

    y0, dinv = _tc0_call(histT, x, conv_W0)
    acc = _edge_kernel(y0, srcp, dstp, zeros_acc)
    y1 = _tcl_call(acc, dinv, conv_b0.reshape(1, D), conv_W1)
    acc = _edge_kernel(y1, srcp, dstp, zeros_acc)
    y2 = _tcl_call(acc, dinv, conv_b1.reshape(1, D), conv_W2)
    acc = _edge_kernel(y2, srcp, dstp, zeros_acc)

    node_col, _, _, fea_prob = _tcf_call(
        acc, dinv, conv_b2.reshape(1, D), node_W,
        node_b.reshape(1, 1), batch.reshape(N, 1),
        fea1_W, fea1_b.reshape(1, H_ACTOR), fea2_W, fea2_b.reshape(1, D))
    return (node_col.reshape(N), fea_prob)

# --- scband reference (transcript-rebuilt; emitter-appended) ---
"""Pipeline reference for scband-invase-gnn-55997783605446 (READ-ONLY COPY).

The authoritative reference and input builder live on the scoring server;
editing this copy changes nothing except your own understanding.
"""

import jax, jax.numpy as jnp
import numpy as np

N = 10000
E = 320000
D = 128
H_ACTOR = 256
G = 64
N_LAYER = 3

def setup_inputs(seed: int = 0):
    key = jax.random.key(seed)
    ks = jax.random.split(key, 16)
    inp = {}
    inp["x"] = jax.random.normal(ks[0], (N, D), dtype=jnp.float32)
    inp["edge_index"] = jax.random.randint(ks[1], (2, E), 0, N, dtype=jnp.int32)
    inp["batch"] = jnp.sort(jax.random.randint(ks[2], (N,), 0, G, dtype=jnp.int32))
    s = 1.0 / np.sqrt(D)
    for i in range(N_LAYER):
        inp["conv_W%d" % i] = jax.random.uniform(ks[3 + i], (D, D), minval=-s, maxval=s, dtype=jnp.float32)
        inp["conv_b%d" % i] = jax.random.uniform(ks[6 + i], (D,), minval=-s, maxval=s, dtype=jnp.float32)
    inp["node_W"] = jax.random.uniform(ks[9], (D, 1), minval=-s, maxval=s, dtype=jnp.float32)
    inp["node_b"] = jax.random.uniform(ks[10], (1,), minval=-s, maxval=s, dtype=jnp.float32)
    inp["fea1_W"] = jax.random.uniform(ks[11], (D, H_ACTOR), minval=-s, maxval=s, dtype=jnp.float32)
    inp["fea1_b"] = jax.random.uniform(ks[12], (H_ACTOR,), minval=-s, maxval=s, dtype=jnp.float32)
    sh = 1.0 / np.sqrt(H_ACTOR)
    inp["fea2_W"] = jax.random.uniform(ks[13], (H_ACTOR, D), minval=-sh, maxval=sh, dtype=jnp.float32)
    inp["fea2_b"] = jax.random.uniform(ks[14], (D,), minval=-sh, maxval=sh, dtype=jnp.float32)
    return inp

def _gcn_conv(x, src, dst, W, b):
    # PyG GCNConv: x' = D^{-1/2} (A + I) D^{-1/2} X W + b
    xw = x @ W
    loop = jnp.arange(N, dtype=src.dtype)
    s = jnp.concatenate([src, loop])
    d = jnp.concatenate([dst, loop])
    deg = jax.ops.segment_sum(jnp.ones(s.shape[0], dtype=xw.dtype), d, num_segments=N)
    deg_safe = jnp.where(deg > 0, deg, 1.0)
    dinv = jnp.where(deg > 0, jax.lax.rsqrt(deg_safe), 0.0)
    norm = dinv[s] * dinv[d]
    out = jax.ops.segment_sum(xw[s] * norm[:, None], d, num_segments=N)
    return out + b

def reference(x, edge_index, batch, conv_W0, conv_b0, conv_W1, conv_b1, conv_W2, conv_b2, node_W, node_b, fea1_W, fea1_b, fea2_W, fea2_b):
    # InvaseGNN.forward with component='actor' (default): Actor.forward(x, edge_index, batch)
    src, dst = edge_index[0], edge_index[1]
    Ws = [conv_W0, conv_W1, conv_W2]
    bs = [conv_b0, conv_b1, conv_b2]
    h = x
    for W, b in zip(Ws, bs):
        h = _gcn_conv(h, src, dst, W, b)
        h = jax.nn.relu(h)
    node_prob = jnp.squeeze(h @ node_W + node_b, axis=-1)
    pooled_sum = jax.ops.segment_sum(h, batch, num_segments=G)
    counts = jax.ops.segment_sum(jnp.ones(N, dtype=h.dtype), batch, num_segments=G)
    pooled = pooled_sum / jnp.maximum(counts, 1.0)[:, None]
    fea_prob = jax.nn.relu(pooled @ fea1_W + fea1_b)
    fea_prob = fea_prob @ fea2_W + fea2_b
    return (node_prob, fea_prob)

if __name__ == "__main__":
    import jax
    _d = setup_inputs()
    print(jax.jit(kernel)(*tuple(_d.values())))

</pallas_src>

<mosaic_0001>
#map = affine_map<(d0, d1) -> (0, 0)>
#map1 = affine_map<(d0, d1) -> (0, 0, 0)>
module attributes {stable_mosaic.version = 14 : i64} {
  func.func @_edge_kernel(%arg0: i32, %arg1: i32, %arg2: memref<10112x128xf32, #tpu.memory_space<hbm>>, %arg3: memref<2560x128xi32, #tpu.memory_space<hbm>>, %arg4: memref<2560x128xi32, #tpu.memory_space<hbm>>, %arg5: memref<10112x128xf32, #tpu.memory_space<hbm>>, %arg6: memref<2x10112x128xf32, #tpu.memory_space<hbm>>, %arg7: memref<40x128xi32, #tpu.memory_space<vmem>>, %arg8: memref<40x128xi32, #tpu.memory_space<vmem>>, %arg9: memref<128x128xf32, #tpu.memory_space<vmem>>, %arg10: memref<128x128xf32, #tpu.memory_space<vmem>>, %arg11: memref<10112x128xf32, #tpu.memory_space<vmem_shared>>, %arg12: memref<!tpu.dma_semaphore, #tpu.memory_space<semaphore_mem>>, %arg13: memref<!tpu.dma_semaphore, #tpu.memory_space<semaphore_mem>>, %arg14: memref<!tpu.dma_semaphore, #tpu.memory_space<semaphore_mem>>, %arg15: memref<!tpu.dma_semaphore, #tpu.memory_space<semaphore_mem>>) attributes {dimension_semantics = [#tpu.dimension_semantics<core_parallel>, #tpu.dimension_semantics<subcore_parallel>], iteration_bounds = array<i64: 2, 16>, scalar_prefetch = 0 : i64, scratch_operands = 9 : i64, tpu.core_type = #tpu.core_type<sc_vector_subcore>, window_params = [{transform_indices = #map}, {transform_indices = #map}, {transform_indices = #map}, {transform_indices = #map}, {transform_indices = #map1}]} {
    %eq3A = arith.constant 0 : i32
    %eq3A_0 = arith.cmpi eq, %arg0, %eq3A : i32
    %convert_element_type3A = arith.extui %eq3A_0 : i1 to i32
    %cond3A = arith.constant 0 : i32
    %cond3A_1 = arith.cmpi ne, %convert_element_type3A, %cond3A : i32
    scf.if %cond3A_1 {
      %mul3A_21 = arith.constant 632 : i32
      %mul3A_22 = arith.muli %arg1, %mul3A_21 : i32
      %mul3A_23 = arith.constant 632 : i32
      %mul3A_24 = arith.muli %arg1, %mul3A_23 : i32
      "tpu.region"() ({
        %run_scoped3A = tpu.sem_alloc : memref<!tpu.dma_semaphore, #tpu.memory_space<semaphore_mem>>
        %dma_start3A = arith.constant 0 : i32
        %dma_start3A_25 = tpu.memref_slice %arg11[%mul3A_24, %dma_start3A] : memref<10112x128xf32, #tpu.memory_space<vmem_shared>> -> memref<632x128xf32, #tpu.memory_space<vmem_shared>>
        %dma_start3A_26 = arith.constant 0 : i32
        %dma_start3A_27 = tpu.memref_slice %arg2[%mul3A_22, %dma_start3A_26] : memref<10112x128xf32, #tpu.memory_space<hbm>> -> memref<632x128xf32, #tpu.memory_space<hbm>>
        tpu.enqueue_dma source(%dma_start3A_27 : memref<632x128xf32, #tpu.memory_space<hbm>>) target(%dma_start3A_25 : memref<632x128xf32, #tpu.memory_space<vmem_shared>>) target_semaphore(%run_scoped3A : memref<!tpu.dma_semaphore, #tpu.memory_space<semaphore_mem>>)
        %dma_wait3A = arith.constant 0 : i32
        %dma_wait3A_28 = tpu.memref_slice %arg11[%mul3A_24, %dma_wait3A] : memref<10112x128xf32, #tpu.memory_space<vmem_shared>> -> memref<632x128xf32, #tpu.memory_space<vmem_shared>>
        %dma_wait3A_29 = arith.constant 0 : i32
        %dma_wait3A_30 = tpu.memref_slice %arg2[%mul3A_22, %dma_wait3A_29] : memref<10112x128xf32, #tpu.memory_space<hbm>> -> memref<632x128xf32, #tpu.memory_space<hbm>>
        tpu.wait_dma2 semaphore(%run_scoped3A : memref<!tpu.dma_semaphore, #tpu.memory_space<semaphore_mem>>) src(%dma_wait3A_30 : memref<632x128xf32, #tpu.memory_space<hbm>>) dst(%dma_wait3A_28 : memref<632x128xf32, #tpu.memory_space<vmem_shared>>)
        tpu.yield
      }) : () -> ()
    } else {
    }
    %eq3A_2 = arith.constant 1 : i32
    %eq3A_3 = arith.cmpi eq, %arg0, %eq3A_2 : i32
    %convert_element_type3A_4 = arith.extui %eq3A_3 : i1 to i32
    %cond3A_5 = arith.constant 0 : i32
    %cond3A_6 = arith.cmpi ne, %convert_element_type3A_4, %cond3A_5 : i32
    scf.if %cond3A_6 {
      %mul3A_21 = arith.constant 632 : i32
      %mul3A_22 = arith.muli %arg1, %mul3A_21 : i32
      %mul3A_23 = arith.constant 632 : i32
      %mul3A_24 = arith.muli %arg1, %mul3A_23 : i32
      "tpu.region"() ({
        %run_scoped3A = tpu.sem_alloc : memref<!tpu.dma_semaphore, #tpu.memory_space<semaphore_mem>>
        %dma_start3A = arith.constant 0 : i32
        %dma_start3A_25 = tpu.memref_slice %arg11[%mul3A_24, %dma_start3A] : memref<10112x128xf32, #tpu.memory_space<vmem_shared>> -> memref<632x128xf32, #tpu.memory_space<vmem_shared>>
        %dma_start3A_26 = arith.constant 0 : i32
        %dma_start3A_27 = tpu.memref_slice %arg5[%mul3A_22, %dma_start3A_26] : memref<10112x128xf32, #tpu.memory_space<hbm>> -> memref<632x128xf32, #tpu.memory_space<hbm>>
        tpu.enqueue_dma source(%dma_start3A_27 : memref<632x128xf32, #tpu.memory_space<hbm>>) target(%dma_start3A_25 : memref<632x128xf32, #tpu.memory_space<vmem_shared>>) target_semaphore(%run_scoped3A : memref<!tpu.dma_semaphore, #tpu.memory_space<semaphore_mem>>)
        %dma_wait3A = arith.constant 0 : i32
        %dma_wait3A_28 = tpu.memref_slice %arg11[%mul3A_24, %dma_wait3A] : memref<10112x128xf32, #tpu.memory_space<vmem_shared>> -> memref<632x128xf32, #tpu.memory_space<vmem_shared>>
        %dma_wait3A_29 = arith.constant 0 : i32
        %dma_wait3A_30 = tpu.memref_slice %arg5[%mul3A_22, %dma_wait3A_29] : memref<10112x128xf32, #tpu.memory_space<hbm>> -> memref<632x128xf32, #tpu.memory_space<hbm>>
        tpu.wait_dma2 semaphore(%run_scoped3A : memref<!tpu.dma_semaphore, #tpu.memory_space<semaphore_mem>>) src(%dma_wait3A_30 : memref<632x128xf32, #tpu.memory_space<hbm>>) dst(%dma_wait3A_28 : memref<632x128xf32, #tpu.memory_space<vmem_shared>>)
        tpu.yield
      }) : () -> ()
    } else {
    }
    %barrier3A = arith.constant 0 : index
    tpu.barrier barrier_id(%barrier3A)
    %eq3A_7 = arith.constant 0 : i32
    %eq3A_8 = arith.cmpi eq, %arg0, %eq3A_7 : i32
    %convert_element_type3A_9 = arith.extui %eq3A_8 : i1 to i32
    %cond3A_10 = arith.constant 0 : i32
    %cond3A_11 = arith.cmpi ne, %convert_element_type3A_9, %cond3A_10 : i32
    scf.if %cond3A_11 {
      %mul3A_21 = arith.constant 80 : i32
      %mul3A_22 = arith.muli %arg1, %mul3A_21 : i32
      %add3A = arith.constant 0 : i32
      %add3A_23 = arith.addi %mul3A_22, %add3A : i32
      "tpu.region"() ({
        %run_scoped3A = tpu.sem_alloc : memref<!tpu.dma_semaphore, #tpu.memory_space<semaphore_mem>>
        %dma_start3A_147 = arith.constant 0 : i32
        %dma_start3A_148 = arith.constant 0 : i32
        %dma_start3A_149 = tpu.memref_slice %arg7[%dma_start3A_147, %dma_start3A_148] : memref<40x128xi32, #tpu.memory_space<vmem>> -> memref<40x128xi32, #tpu.memory_space<vmem>>
        %dma_start3A_150 = arith.constant 0 : i32
        %dma_start3A_151 = tpu.memref_slice %arg3[%add3A_23, %dma_start3A_150] : memref<2560x128xi32, #tpu.memory_space<hbm>> -> memref<40x128xi32, #tpu.memory_space<hbm>>
        %dma_start3A_152 = arith.constant 0 : i32
        %dma_start3A_153 = arith.constant 0 : i32
        %dma_start3A_154 = tpu.memref_slice %arg7[%dma_start3A_152, %dma_start3A_153] : memref<40x128xi32, #tpu.memory_space<vmem>> -> memref<40x128xi32, #tpu.memory_space<vmem>>
        %dma_start3A_155 = arith.constant 0 : i32
        %dma_start3A_156 = tpu.memref_slice %arg3[%add3A_23, %dma_start3A_155] : memref<2560x128xi32, #tpu.memory_space<hbm>> -> memref<40x128xi32, #tpu.memory_space<hbm>>
        tpu.enqueue_dma source(%dma_start3A_156 : memref<40x128xi32, #tpu.memory_space<hbm>>) target(%dma_start3A_154 : memref<40x128xi32, #tpu.memory_space<vmem>>) target_semaphore(%run_scoped3A : memref<!tpu.dma_semaphore, #tpu.memory_space<semaphore_mem>>)
        %dma_wait3A_157 = arith.constant 0 : i32
        %dma_wait3A_158 = arith.constant 0 : i32
        %dma_wait3A_159 = tpu.memref_slice %arg7[%dma_wait3A_157, %dma_wait3A_158] : memref<40x128xi32, #tpu.memory_space<vmem>> -> memref<40x128xi32, #tpu.memory_space<vmem>>
        %dma_wait3A_160 = arith.constant 0 : i32
        %dma_wait3A_161 = tpu.memref_slice %arg3[%add3A_23, %dma_wait3A_160] : memref<2560x128xi32, #tpu.memory_space<hbm>> -> memref<40x128xi32, #tpu.memory_space<hbm>>
        %dma_wait3A_162 = arith.constant 0 : i32
        %dma_wait3A_163 = arith.constant 0 : i32
        %dma_wait3A_164 = tpu.memref_slice %arg7[%dma_wait3A_162, %dma_wait3A_163] : memref<40x128xi32, #tpu.memory_space<vmem>> -> memref<40x128xi32, #tpu.memory_space<vmem>>
        %dma_wait3A_165 = arith.constant 0 : i32
        %dma_wait3A_166 = tpu.memref_slice %arg3[%add3A_23, %dma_wait3A_165] : memref<2560x128xi32, #tpu.memory_space<hbm>> -> memref<40x128xi32, #tpu.memory_space<hbm>>
        tpu.wait_dma2 semaphore(%run_scoped3A : memref<!tpu.dma_semaphore, #tpu.memory_space<semaphore_mem>>) src(%dma_wait3A_166 : memref<40x128xi32, #tpu.memory_space<hbm>>) dst(%dma_wait3A_164 : memref<40x128xi32, #tpu.memory_space<vmem>>)
        tpu.yield
      }) : () -> ()
      "tpu.region"() ({
        %run_scoped3A = tpu.sem_alloc : memref<!tpu.dma_semaphore, #tpu.memory_space<semaphore_mem>>
        %dma_start3A_147 = arith.constant 0 : i32
        %dma_start3A_148 = arith.constant 0 : i32
        %dma_start3A_149 = tpu.memref_slice %arg8[%dma_start3A_147, %dma_start3A_148] : memref<40x128xi32, #tpu.memory_space<vmem>> -> memref<40x128xi32, #tpu.memory_space<vmem>>
        %dma_start3A_150 = arith.constant 0 : i32
        %dma_start3A_151 = tpu.memref_slice %arg4[%add3A_23, %dma_start3A_150] : memref<2560x128xi32, #tpu.memory_space<hbm>> -> memref<40x128xi32, #tpu.memory_space<hbm>>
        %dma_start3A_152 = arith.constant 0 : i32
        %dma_start3A_153 = arith.constant 0 : i32
        %dma_start3A_154 = tpu.memref_slice %arg8[%dma_start3A_152, %dma_start3A_153] : memref<40x128xi32, #tpu.memory_space<vmem>> -> memref<40x128xi32, #tpu.memory_space<vmem>>
        %dma_start3A_155 = arith.constant 0 : i32
        %dma_start3A_156 = tpu.memref_slice %arg4[%add3A_23, %dma_start3A_155] : memref<2560x128xi32, #tpu.memory_space<hbm>> -> memref<40x128xi32, #tpu.memory_space<hbm>>
        tpu.enqueue_dma source(%dma_start3A_156 : memref<40x128xi32, #tpu.memory_space<hbm>>) target(%dma_start3A_154 : memref<40x128xi32, #tpu.memory_space<vmem>>) target_semaphore(%run_scoped3A : memref<!tpu.dma_semaphore, #tpu.memory_space<semaphore_mem>>)
        %dma_wait3A_157 = arith.constant 0 : i32
        %dma_wait3A_158 = arith.constant 0 : i32
        %dma_wait3A_159 = tpu.memref_slice %arg8[%dma_wait3A_157, %dma_wait3A_158] : memref<40x128xi32, #tpu.memory_space<vmem>> -> memref<40x128xi32, #tpu.memory_space<vmem>>
        %dma_wait3A_160 = arith.constant 0 : i32
        %dma_wait3A_161 = tpu.memref_slice %arg4[%add3A_23, %dma_wait3A_160] : memref<2560x128xi32, #tpu.memory_space<hbm>> -> memref<40x128xi32, #tpu.memory_space<hbm>>
        %dma_wait3A_162 = arith.constant 0 : i32
        %dma_wait3A_163 = arith.constant 0 : i32
        %dma_wait3A_164 = tpu.memref_slice %arg8[%dma_wait3A_162, %dma_wait3A_163] : memref<40x128xi32, #tpu.memory_space<vmem>> -> memref<40x128xi32, #tpu.memory_space<vmem>>
        %dma_wait3A_165 = arith.constant 0 : i32
        %dma_wait3A_166 = tpu.memref_slice %arg4[%add3A_23, %dma_wait3A_165] : memref<2560x128xi32, #tpu.memory_space<hbm>> -> memref<40x128xi32, #tpu.memory_space<hbm>>
        tpu.wait_dma2 semaphore(%run_scoped3A : memref<!tpu.dma_semaphore, #tpu.memory_space<semaphore_mem>>) src(%dma_wait3A_166 : memref<40x128xi32, #tpu.memory_space<hbm>>) dst(%dma_wait3A_164 : memref<40x128xi32, #tpu.memory_space<vmem>>)
        tpu.yield
      }) : () -> ()
      %dma_start3A = arith.constant 0 : i32
      %dma_start3A_24 = arith.constant 0 : i32
      %dma_start3A_25 = tpu.memref_slice %arg7[%dma_start3A, %dma_start3A_24] : memref<40x128xi32, #tpu.memory_space<vmem>> -> memref<1x128xi32, #tpu.memory_space<vmem>>
      %dma_start3A_26 = tpu.memref_squeeze %dma_start3A_25 : memref<1x128xi32, #tpu.memory_space<vmem>> -> memref<128xi32, #tpu.memory_space<vmem>>
      %dma_start3A_27 = arith.constant 0 : i32
      %dma_start3A_28 = arith.constant 0 : i32
      %dma_start3A_29 = tpu.memref_slice %arg2[%dma_start3A_27, %dma_start3A_28] : memref<10112x128xf32, #tpu.memory_space<hbm>> -> memref<10112x128xf32, #tpu.memory_space<hbm>>
      tpu.enqueue_indirect_dma source(%dma_start3A_29 : memref<10112x128xf32, #tpu.memory_space<hbm>>) target(%arg9 : memref<128x128xf32, #tpu.memory_space<vmem>>) offsets(%dma_start3A_26 : memref<128xi32, #tpu.memory_space<vmem>>) semaphore(%arg12 : memref<!tpu.dma_semaphore, #tpu.memory_space<semaphore_mem>>)
      %dma_start3A_30 = arith.constant 1 : i32
      %dma_start3A_31 = arith.constant 0 : i32
      %dma_start3A_32 = tpu.memref_slice %arg7[%dma_start3A_30, %dma_start3A_31] : memref<40x128xi32, #tpu.memory_space<vmem>> -> memref<1x128xi32, #tpu.memory_space<vmem>>
      %dma_start3A_33 = tpu.memref_squeeze %dma_start3A_32 : memref<1x128xi32, #tpu.memory_space<vmem>> -> memref<128xi32, #tpu.memory_space<vmem>>
      %dma_start3A_34 = arith.constant 0 : i32
      %dma_start3A_35 = arith.constant 0 : i32
      %dma_start3A_36 = tpu.memref_slice %arg2[%dma_start3A_34, %dma_start3A_35] : memref<10112x128xf32, #tpu.memory_space<hbm>> -> memref<10112x128xf32, #tpu.memory_space<hbm>>
      tpu.enqueue_indirect_dma source(%dma_start3A_36 : memref<10112x128xf32, #tpu.memory_space<hbm>>) target(%arg10 : memref<128x128xf32, #tpu.memory_space<vmem>>) offsets(%dma_start3A_33 : memref<128xi32, #tpu.memory_space<vmem>>) semaphore(%arg13 : memref<!tpu.dma_semaphore, #tpu.memory_space<semaphore_mem>>)
      %dma_wait3A = arith.constant 0 : i32
      %dma_wait3A_37 = arith.constant 0 : i32
      %dma_wait3A_38 = tpu.memref_slice %arg7[%dma_wait3A, %dma_wait3A_37] : memref<40x128xi32, #tpu.memory_space<vmem>> -> memref<1x128xi32, #tpu.memory_space<vmem>>
      %dma_wait3A_39 = tpu.memref_squeeze %dma_wait3A_38 : memref<1x128xi32, #tpu.memory_space<vmem>> -> memref<128xi32, #tpu.memory_space<vmem>>
      %dma_wait3A_40 = arith.constant 0 : i32
      %dma_wait3A_41 = arith.constant 0 : i32
      %dma_wait3A_42 = tpu.memref_slice %arg2[%dma_wait3A_40, %dma_wait3A_41] : memref<10112x128xf32, #tpu.memory_space<hbm>> -> memref<10112x128xf32, #tpu.memory_space<hbm>>
      tpu.wait_indirect_dma semaphore(%arg12 : memref<!tpu.dma_semaphore, #tpu.memory_space<semaphore_mem>>) src(%dma_wait3A_42 : memref<10112x128xf32, #tpu.memory_space<hbm>>) dst(%arg9 : memref<128x128xf32, #tpu.memory_space<vmem>>)
      %dma_start3A_43 = arith.constant 0 : i32
      %dma_start3A_44 = arith.constant 0 : i32
      %dma_start3A_45 = tpu.memref_slice %arg8[%dma_start3A_43, %dma_start3A_44] : memref<40x128xi32, #tpu.memory_space<vmem>> -> memref<1x128xi32, #tpu.memory_space<vmem>>
      %dma_start3A_46 = tpu.memref_squeeze %dma_start3A_45 : memref<1x128xi32, #tpu.memory_space<vmem>> -> memref<128xi32, #tpu.memory_space<vmem>>
      %dma_start3A_47 = arith.constant 0 : i32
      %dma_start3A_48 = arith.constant 0 : i32
      %dma_start3A_49 = tpu.memref_slice %arg11[%dma_start3A_47, %dma_start3A_48] : memref<10112x128xf32, #tpu.memory_space<vmem_shared>> -> memref<10112x128xf32, #tpu.memory_space<vmem_shared>>
      tpu.enqueue_indirect_dma source(%arg9 : memref<128x128xf32, #tpu.memory_space<vmem>>) target(%dma_start3A_49 : memref<10112x128xf32, #tpu.memory_space<vmem_shared>>) offsets(%dma_start3A_46 : memref<128xi32, #tpu.memory_space<vmem>>) semaphore(%arg14 : memref<!tpu.dma_semaphore, #tpu.memory_space<semaphore_mem>>) {add = true}
      %scan3A = arith.constant 0 : i32
      %scan3A_50 = arith.constant 0 : i32
      %scan3A_51 = arith.constant 19 : i32
      %scan3A_52 = arith.addi %scan3A_50, %scan3A_51 : i32
      %scan3A_53 = arith.constant 1 : i32
      scf.for %scan3A_147 = %scan3A_50 to %scan3A_52 step %scan3A_53  : i32 {
        %mul3A_148 = arith.constant 2 : i32
        %mul3A_149 = arith.muli %mul3A_148, %scan3A_147 : i32
        %add3A_150 = arith.constant 1 : i32
        %add3A_151 = arith.addi %mul3A_149, %add3A_150 : i32
        %dma_wait3A_152 = arith.constant 0 : i32
        %dma_wait3A_153 = arith.constant 0 : i32
        %dma_wait3A_154 = tpu.memref_slice %arg8[%dma_wait3A_152, %dma_wait3A_153] : memref<40x128xi32, #tpu.memory_space<vmem>> -> memref<1x128xi32, #tpu.memory_space<vmem>>
        %dma_wait3A_155 = tpu.memref_squeeze %dma_wait3A_154 : memref<1x128xi32, #tpu.memory_space<vmem>> -> memref<128xi32, #tpu.memory_space<vmem>>
        %dma_wait3A_156 = arith.constant 0 : i32
        %dma_wait3A_157 = arith.constant 0 : i32
        %dma_wait3A_158 = tpu.memref_slice %arg11[%dma_wait3A_156, %dma_wait3A_157] : memref<10112x128xf32, #tpu.memory_space<vmem_shared>> -> memref<10112x128xf32, #tpu.memory_space<vmem_shared>>
        tpu.wait_indirect_dma semaphore(%arg14 : memref<!tpu.dma_semaphore, #tpu.memory_space<semaphore_mem>>) src(%arg9 : memref<128x128xf32, #tpu.memory_space<vmem>>) dst(%dma_wait3A_158 : memref<10112x128xf32, #tpu.memory_space<vmem_shared>>)
        %add3A_159 = arith.constant 1 : i32
        %add3A_160 = arith.addi %add3A_151, %add3A_159 : i32
        %dma_start3A_161 = arith.constant 0 : i32
        %dma_start3A_162 = tpu.memref_slice %arg7[%add3A_160, %dma_start3A_161] : memref<40x128xi32, #tpu.memory_space<vmem>> -> memref<1x128xi32, #tpu.memory_space<vmem>>
        %dma_start3A_163 = tpu.memref_squeeze %dma_start3A_162 : memref<1x128xi32, #tpu.memory_space<vmem>> -> memref<128xi32, #tpu.memory_space<vmem>>
        %dma_start3A_164 = arith.constant 0 : i32
        %dma_start3A_165 = arith.constant 0 : i32
        %dma_start3A_166 = tpu.memref_slice %arg2[%dma_start3A_164, %dma_start3A_165] : memref<10112x128xf32, #tpu.memory_space<hbm>> -> memref<10112x128xf32, #tpu.memory_space<hbm>>
        tpu.enqueue_indirect_dma source(%dma_start3A_166 : memref<10112x128xf32, #tpu.memory_space<hbm>>) target(%arg9 : memref<128x128xf32, #tpu.memory_space<vmem>>) offsets(%dma_start3A_163 : memref<128xi32, #tpu.memory_space<vmem>>) semaphore(%arg12 : memref<!tpu.dma_semaphore, #tpu.memory_space<semaphore_mem>>)
        %dma_wait3A_167 = arith.constant 0 : i32
        %dma_wait3A_168 = arith.constant 0 : i32
        %dma_wait3A_169 = tpu.memref_slice %arg7[%dma_wait3A_167, %dma_wait3A_168] : memref<40x128xi32, #tpu.memory_space<vmem>> -> memref<1x128xi32, #tpu.memory_space<vmem>>
        %dma_wait3A_170 = tpu.memref_squeeze %dma_wait3A_169 : memref<1x128xi32, #tpu.memory_space<vmem>> -> memref<128xi32, #tpu.memory_space<vmem>>
        %dma_wait3A_171 = arith.constant 0 : i32
        %dma_wait3A_172 = arith.constant 0 : i32
        %dma_wait3A_173 = tpu.memref_slice %arg2[%dma_wait3A_171, %dma_wait3A_172] : memref<10112x128xf32, #tpu.memory_space<hbm>> -> memref<10112x128xf32, #tpu.memory_space<hbm>>
        tpu.wait_indirect_dma semaphore(%arg13 : memref<!tpu.dma_semaphore, #tpu.memory_space<semaphore_mem>>) src(%dma_wait3A_173 : memref<10112x128xf32, #tpu.memory_space<hbm>>) dst(%arg10 : memref<128x128xf32, #tpu.memory_space<vmem>>)
        %dma_start3A_174 = arith.constant 0 : i32
        %dma_start3A_175 = tpu.memref_slice %arg8[%add3A_151, %dma_start3A_174] : memref<40x128xi32, #tpu.memory_space<vmem>> -> memref<1x128xi32, #tpu.memory_space<vmem>>
        %dma_start3A_176 = tpu.memref_squeeze %dma_start3A_175 : memref<1x128xi32, #tpu.memory_space<vmem>> -> memref<128xi32, #tpu.memory_space<vmem>>
        %dma_start3A_177 = arith.constant 0 : i32
        %dma_start3A_178 = arith.constant 0 : i32
        %dma_start3A_179 = tpu.memref_slice %arg11[%dma_start3A_177, %dma_start3A_178] : memref<10112x128xf32, #tpu.memory_space<vmem_shared>> -> memref<10112x128xf32, #tpu.memory_space<vmem_shared>>
        tpu.enqueue_indirect_dma source(%arg10 : memref<128x128xf32, #tpu.memory_space<vmem>>) target(%dma_start3A_179 : memref<10112x128xf32, #tpu.memory_space<vmem_shared>>) offsets(%dma_start3A_176 : memref<128xi32, #tpu.memory_space<vmem>>) semaphore(%arg15 : memref<!tpu.dma_semaphore, #tpu.memory_space<semaphore_mem>>) {add = true}
        %dma_wait3A_180 = arith.constant 0 : i32
        %dma_wait3A_181 = arith.constant 0 : i32
        %dma_wait3A_182 = tpu.memref_slice %arg8[%dma_wait3A_180, %dma_wait3A_181] : memref<40x128xi32, #tpu.memory_space<vmem>> -> memref<1x128xi32, #tpu.memory_space<vmem>>
        %dma_wait3A_183 = tpu.memref_squeeze %dma_wait3A_182 : memref<1x128xi32, #tpu.memory_space<vmem>> -> memref<128xi32, #tpu.memory_space<vmem>>
        %dma_wait3A_184 = arith.constant 0 : i32
        %dma_wait3A_185 = arith.constant 0 : i32
        %dma_wait3A_186 = tpu.memref_slice %arg11[%dma_wait3A_184, %dma_wait3A_185] : memref<10112x128xf32, #tpu.memory_space<vmem_shared>> -> memref<10112x128xf32, #tpu.memory_space<vmem_shared>>
        tpu.wait_indirect_dma semaphore(%arg15 : memref<!tpu.dma_semaphore, #tpu.memory_space<semaphore_mem>>) src(%arg10 : memref<128x128xf32, #tpu.memory_space<vmem>>) dst(%dma_wait3A_186 : memref<10112x128xf32, #tpu.memory_space<vmem_shared>>)
        %add3A_187 = arith.constant 2 : i32
        %add3A_188 = arith.addi %add3A_151, %add3A_187 : i32
        %dma_start3A_189 = arith.constant 0 : i32
        %dma_start3A_190 = tpu.memref_slice %arg7[%add3A_188, %dma_start3A_189] : memref<40x128xi32, #tpu.memory_space<vmem>> -> memref<1x128xi32, #tpu.memory_space<vmem>>
        %dma_start3A_191 = tpu.memref_squeeze %dma_start3A_190 : memref<1x128xi32, #tpu.memory_space<vmem>> -> memref<128xi32, #tpu.memory_space<vmem>>
        %dma_start3A_192 = arith.constant 0 : i32
        %dma_start3A_193 = arith.constant 0 : i32
        %dma_start3A_194 = tpu.memref_slice %arg2[%dma_start3A_192, %dma_start3A_193] : memref<10112x128xf32, #tpu.memory_space<hbm>> -> memref<10112x128xf32, #tpu.memory_space<hbm>>
        tpu.enqueue_indirect_dma source(%dma_start3A_194 : memref<10112x128xf32, #tpu.memory_space<hbm>>) target(%arg10 : memref<128x128xf32, #tpu.memory_space<vmem>>) offsets(%dma_start3A_191 : memref<128xi32, #tpu.memory_space<vmem>>) semaphore(%arg13 : memref<!tpu.dma_semaphore, #tpu.memory_space<semaphore_mem>>)
        %dma_wait3A_195 = arith.constant 0 : i32
        %dma_wait3A_196 = arith.constant 0 : i32
        %dma_wait3A_197 = tpu.memref_slice %arg7[%dma_wait3A_195, %dma_wait3A_196] : memref<40x128xi32, #tpu.memory_space<vmem>> -> memref<1x128xi32, #tpu.memory_space<vmem>>
        %dma_wait3A_198 = tpu.memref_squeeze %dma_wait3A_197 : memref<1x128xi32, #tpu.memory_space<vmem>> -> memref<128xi32, #tpu.memory_space<vmem>>
        %dma_wait3A_199 = arith.constant 0 : i32
        %dma_wait3A_200 = arith.constant 0 : i32
        %dma_wait3A_201 = tpu.memref_slice %arg2[%dma_wait3A_199, %dma_wait3A_200] : memref<10112x128xf32, #tpu.memory_space<hbm>> -> memref<10112x128xf32, #tpu.memory_space<hbm>>
        tpu.wait_indirect_dma semaphore(%arg12 : memref<!tpu.dma_semaphore, #tpu.memory_space<semaphore_mem>>) src(%dma_wait3A_201 : memref<10112x128xf32, #tpu.memory_space<hbm>>) dst(%arg9 : memref<128x128xf32, #tpu.memory_space<vmem>>)
        %add3A_202 = arith.constant 1 : i32
        %add3A_203 = arith.addi %add3A_151, %add3A_202 : i32
        %dma_start3A_204 = arith.constant 0 : i32
        %dma_start3A_205 = tpu.memref_slice %arg8[%add3A_203, %dma_start3A_204] : memref<40x128xi32, #tpu.memory_space<vmem>> -> memref<1x128xi32, #tpu.memory_space<vmem>>
        %dma_start3A_206 = tpu.memref_squeeze %dma_start3A_205 : memref<1x128xi32, #tpu.memory_space<vmem>> -> memref<128xi32, #tpu.memory_space<vmem>>
        %dma_start3A_207 = arith.constant 0 : i32
        %dma_start3A_208 = arith.constant 0 : i32
        %dma_start3A_209 = tpu.memref_slice %arg11[%dma_start3A_207, %dma_start3A_208] : memref<10112x128xf32, #tpu.memory_space<vmem_shared>> -> memref<10112x128xf32, #tpu.memory_space<vmem_shared>>
        tpu.enqueue_indirect_dma source(%arg9 : memref<128x128xf32, #tpu.memory_space<vmem>>) target(%dma_start3A_209 : memref<10112x128xf32, #tpu.memory_space<vmem_shared>>) offsets(%dma_start3A_206 : memref<128xi32, #tpu.memory_space<vmem>>) semaphore(%arg14 : memref<!tpu.dma_semaphore, #tpu.memory_space<semaphore_mem>>) {add = true}
      }
      %scan3A_54 = arith.constant 19 : i32
      %dma_wait3A_55 = arith.constant 0 : i32
      %dma_wait3A_56 = arith.constant 0 : i32
      %dma_wait3A_57 = tpu.memref_slice %arg8[%dma_wait3A_55, %dma_wait3A_56] : memref<40x128xi32, #tpu.memory_space<vmem>> -> memref<1x128xi32, #tpu.memory_space<vmem>>
      %dma_wait3A_58 = tpu.memref_squeeze %dma_wait3A_57 : memref<1x128xi32, #tpu.memory_space<vmem>> -> memref<128xi32, #tpu.memory_space<vmem>>
      %dma_wait3A_59 = arith.constant 0 : i32
      %dma_wait3A_60 = arith.constant 0 : i32
      %dma_wait3A_61 = tpu.memref_slice %arg11[%dma_wait3A_59, %dma_wait3A_60] : memref<10112x128xf32, #tpu.memory_space<vmem_shared>> -> memref<10112x128xf32, #tpu.memory_space<vmem_shared>>
      tpu.wait_indirect_dma semaphore(%arg14 : memref<!tpu.dma_semaphore, #tpu.memory_space<semaphore_mem>>) src(%arg9 : memref<128x128xf32, #tpu.memory_space<vmem>>) dst(%dma_wait3A_61 : memref<10112x128xf32, #tpu.memory_space<vmem_shared>>)
      %dma_wait3A_62 = arith.constant 0 : i32
      %dma_wait3A_63 = arith.constant 0 : i32
      %dma_wait3A_64 = tpu.memref_slice %arg7[%dma_wait3A_62, %dma_wait3A_63] : memref<40x128xi32, #tpu.memory_space<vmem>> -> memref<1x128xi32, #tpu.memory_space<vmem>>
      %dma_wait3A_65 = tpu.memref_squeeze %dma_wait3A_64 : memref<1x128xi32, #tpu.memory_space<vmem>> -> memref<128xi32, #tpu.memory_space<vmem>>
      %dma_wait3A_66 = arith.constant 0 : i32
      %dma_wait3A_67 = arith.constant 0 : i32
      %dma_wait3A_68 = tpu.memref_slice %arg2[%dma_wait3A_66, %dma_wait3A_67] : memref<10112x128xf32, #tpu.memory_space<hbm>> -> memref<10112x128xf32, #tpu.memory_space<hbm>>
      tpu.wait_indirect_dma semaphore(%arg13 : memref<!tpu.dma_semaphore, #tpu.memory_space<semaphore_mem>>) src(%dma_wait3A_68 : memref<10112x128xf32, #tpu.memory_space<hbm>>) dst(%arg10 : memref<128x128xf32, #tpu.memory_space<vmem>>)
      %dma_start3A_69 = arith.constant 39 : i32
      %dma_start3A_70 = arith.constant 0 : i32
      %dma_start3A_71 = tpu.memref_slice %arg8[%dma_start3A_69, %dma_start3A_70] : memref<40x128xi32, #tpu.memory_space<vmem>> -> memref<1x128xi32, #tpu.memory_space<vmem>>
      %dma_start3A_72 = tpu.memref_squeeze %dma_start3A_71 : memref<1x128xi32, #tpu.memory_space<vmem>> -> memref<128xi32, #tpu.memory_space<vmem>>
      %dma_start3A_73 = arith.constant 0 : i32
      %dma_start3A_74 = arith.constant 0 : i32
      %dma_start3A_75 = tpu.memref_slice %arg11[%dma_start3A_73, %dma_start3A_74] : memref<10112x128xf32, #tpu.memory_space<vmem_shared>> -> memref<10112x128xf32, #tpu.memory_space<vmem_shared>>
      tpu.enqueue_indirect_dma source(%arg10 : memref<128x128xf32, #tpu.memory_space<vmem>>) target(%dma_start3A_75 : memref<10112x128xf32, #tpu.memory_space<vmem_shared>>) offsets(%dma_start3A_72 : memref<128xi32, #tpu.memory_space<vmem>>) semaphore(%arg15 : memref<!tpu.dma_semaphore, #tpu.memory_space<semaphore_mem>>) {add = true}
      %dma_wait3A_76 = arith.constant 39 : i32
      %dma_wait3A_77 = arith.constant 0 : i32
      %dma_wait3A_78 = tpu.memref_slice %arg8[%dma_wait3A_76, %dma_wait3A_77] : memref<40x128xi32, #tpu.memory_space<vmem>> -> memref<1x128xi32, #tpu.memory_space<vmem>>
      %dma_wait3A_79 = tpu.memref_squeeze %dma_wait3A_78 : memref<1x128xi32, #tpu.memory_space<vmem>> -> memref<128xi32, #tpu.memory_space<vmem>>
      %dma_wait3A_80 = arith.constant 0 : i32
      %dma_wait3A_81 = arith.constant 0 : i32
      %dma_wait3A_82 = tpu.memref_slice %arg11[%dma_wait3A_80, %dma_wait3A_81] : memref<10112x128xf32, #tpu.memory_space<vmem_shared>> -> memref<10112x128xf32, #tpu.memory_space<vmem_shared>>
      tpu.wait_indirect_dma semaphore(%arg15 : memref<!tpu.dma_semaphore, #tpu.memory_space<semaphore_mem>>) src(%arg10 : memref<128x128xf32, #tpu.memory_space<vmem>>) dst(%dma_wait3A_82 : memref<10112x128xf32, #tpu.memory_space<vmem_shared>>)
      %add3A_83 = arith.constant 40 : i32
      %add3A_84 = arith.addi %mul3A_22, %add3A_83 : i32
      "tpu.region"() ({
        %run_scoped3A = tpu.sem_alloc : memref<!tpu.dma_semaphore, #tpu.memory_space<semaphore_mem>>
        %dma_start3A_147 = arith.constant 0 : i32
        %dma_start3A_148 = arith.constant 0 : i32
        %dma_start3A_149 = tpu.memref_slice %arg7[%dma_start3A_147, %dma_start3A_148] : memref<40x128xi32, #tpu.memory_space<vmem>> -> memref<40x128xi32, #tpu.memory_space<vmem>>
        %dma_start3A_150 = arith.constant 0 : i32
        %dma_start3A_151 = tpu.memref_slice %arg3[%add3A_84, %dma_start3A_150] : memref<2560x128xi32, #tpu.memory_space<hbm>> -> memref<40x128xi32, #tpu.memory_space<hbm>>
        %dma_start3A_152 = arith.constant 0 : i32
        %dma_start3A_153 = arith.constant 0 : i32
        %dma_start3A_154 = tpu.memref_slice %arg7[%dma_start3A_152, %dma_start3A_153] : memref<40x128xi32, #tpu.memory_space<vmem>> -> memref<40x128xi32, #tpu.memory_space<vmem>>
        %dma_start3A_155 = arith.constant 0 : i32
        %dma_start3A_156 = tpu.memref_slice %arg3[%add3A_84, %dma_start3A_155] : memref<2560x128xi32, #tpu.memory_space<hbm>> -> memref<40x128xi32, #tpu.memory_space<hbm>>
        tpu.enqueue_dma source(%dma_start3A_156 : memref<40x128xi32, #tpu.memory_space<hbm>>) target(%dma_start3A_154 : memref<40x128xi32, #tpu.memory_space<vmem>>) target_semaphore(%run_scoped3A : memref<!tpu.dma_semaphore, #tpu.memory_space<semaphore_mem>>)
        %dma_wait3A_157 = arith.constant 0 : i32
        %dma_wait3A_158 = arith.constant 0 : i32
        %dma_wait3A_159 = tpu.memref_slice %arg7[%dma_wait3A_157, %dma_wait3A_158] : memref<40x128xi32, #tpu.memory_space<vmem>> -> memref<40x128xi32, #tpu.memory_space<vmem>>
        %dma_wait3A_160 = arith.constant 0 : i32
        %dma_wait3A_161 = tpu.memref_slice %arg3[%add3A_84, %dma_wait3A_160] : memref<2560x128xi32, #tpu.memory_space<hbm>> -> memref<40x128xi32, #tpu.memory_space<hbm>>
        %dma_wait3A_162 = arith.constant 0 : i32
        %dma_wait3A_163 = arith.constant 0 : i32
        %dma_wait3A_164 = tpu.memref_slice %arg7[%dma_wait3A_162, %dma_wait3A_163] : memref<40x128xi32, #tpu.memory_space<vmem>> -> memref<40x128xi32, #tpu.memory_space<vmem>>
        %dma_wait3A_165 = arith.constant 0 : i32
        %dma_wait3A_166 = tpu.memref_slice %arg3[%add3A_84, %dma_wait3A_165] : memref<2560x128xi32, #tpu.memory_space<hbm>> -> memref<40x128xi32, #tpu.memory_space<hbm>>
        tpu.wait_dma2 semaphore(%run_scoped3A : memref<!tpu.dma_semaphore, #tpu.memory_space<semaphore_mem>>) src(%dma_wait3A_166 : memref<40x128xi32, #tpu.memory_space<hbm>>) dst(%dma_wait3A_164 : memref<40x128xi32, #tpu.memory_space<vmem>>)
        tpu.yield
      }) : () -> ()
      "tpu.region"() ({
        %run_scoped3A = tpu.sem_alloc : memref<!tpu.dma_semaphore, #tpu.memory_space<semaphore_mem>>
        %dma_start3A_147 = arith.constant 0 : i32
        %dma_start3A_148 = arith.constant 0 : i32
        %dma_start3A_149 = tpu.memref_slice %arg8[%dma_start3A_147, %dma_start3A_148] : memref<40x128xi32, #tpu.memory_space<vmem>> -> memref<40x128xi32, #tpu.memory_space<vmem>>
        %dma_start3A_150 = arith.constant 0 : i32
        %dma_start3A_151 = tpu.memref_slice %arg4[%add3A_84, %dma_start3A_150] : memref<2560x128xi32, #tpu.memory_space<hbm>> -> memref<40x128xi32, #tpu.memory_space<hbm>>
        %dma_start3A_152 = arith.constant 0 : i32
        %dma_start3A_153 = arith.constant 0 : i32
        %dma_start3A_154 = tpu.memref_slice %arg8[%dma_start3A_152, %dma_start3A_153] : memref<40x128xi32, #tpu.memory_space<vmem>> -> memref<40x128xi32, #tpu.memory_space<vmem>>
        %dma_start3A_155 = arith.constant 0 : i32
        %dma_start3A_156 = tpu.memref_slice %arg4[%add3A_84, %dma_start3A_155] : memref<2560x128xi32, #tpu.memory_space<hbm>> -> memref<40x128xi32, #tpu.memory_space<hbm>>
        tpu.enqueue_dma source(%dma_start3A_156 : memref<40x128xi32, #tpu.memory_space<hbm>>) target(%dma_start3A_154 : memref<40x128xi32, #tpu.memory_space<vmem>>) target_semaphore(%run_scoped3A : memref<!tpu.dma_semaphore, #tpu.memory_space<semaphore_mem>>)
        %dma_wait3A_157 = arith.constant 0 : i32
        %dma_wait3A_158 = arith.constant 0 : i32
        %dma_wait3A_159 = tpu.memref_slice %arg8[%dma_wait3A_157, %dma_wait3A_158] : memref<40x128xi32, #tpu.memory_space<vmem>> -> memref<40x128xi32, #tpu.memory_space<vmem>>
        %dma_wait3A_160 = arith.constant 0 : i32
        %dma_wait3A_161 = tpu.memref_slice %arg4[%add3A_84, %dma_wait3A_160] : memref<2560x128xi32, #tpu.memory_space<hbm>> -> memref<40x128xi32, #tpu.memory_space<hbm>>
        %dma_wait3A_162 = arith.constant 0 : i32
        %dma_wait3A_163 = arith.constant 0 : i32
        %dma_wait3A_164 = tpu.memref_slice %arg8[%dma_wait3A_162, %dma_wait3A_163] : memref<40x128xi32, #tpu.memory_space<vmem>> -> memref<40x128xi32, #tpu.memory_space<vmem>>
        %dma_wait3A_165 = arith.constant 0 : i32
        %dma_wait3A_166 = tpu.memref_slice %arg4[%add3A_84, %dma_wait3A_165] : memref<2560x128xi32, #tpu.memory_space<hbm>> -> memref<40x128xi32, #tpu.memory_space<hbm>>
        tpu.wait_dma2 semaphore(%run_scoped3A : memref<!tpu.dma_semaphore, #tpu.memory_space<semaphore_mem>>) src(%dma_wait3A_166 : memref<40x128xi32, #tpu.memory_space<hbm>>) dst(%dma_wait3A_164 : memref<40x128xi32, #tpu.memory_space<vmem>>)
        tpu.yield
      }) : () -> ()
      %dma_start3A_85 = arith.constant 0 : i32
      %dma_start3A_86 = arith.constant 0 : i32
      %dma_start3A_87 = tpu.memref_slice %arg7[%dma_start3A_85, %dma_start3A_86] : memref<40x128xi32, #tpu.memory_space<vmem>> -> memref<1x128xi32, #tpu.memory_space<vmem>>
      %dma_start3A_88 = tpu.memref_squeeze %dma_start3A_87 : memref<1x128xi32, #tpu.memory_space<vmem>> -> memref<128xi32, #tpu.memory_space<vmem>>
      %dma_start3A_89 = arith.constant 0 : i32
      %dma_start3A_90 = arith.constant 0 : i32
      %dma_start3A_91 = tpu.memref_slice %arg2[%dma_start3A_89, %dma_start3A_90] : memref<10112x128xf32, #tpu.memory_space<hbm>> -> memref<10112x128xf32, #tpu.memory_space<hbm>>
      tpu.enqueue_indirect_dma source(%dma_start3A_91 : memref<10112x128xf32, #tpu.memory_space<hbm>>) target(%arg9 : memref<128x128xf32, #tpu.memory_space<vmem>>) offsets(%dma_start3A_88 : memref<128xi32, #tpu.memory_space<vmem>>) semaphore(%arg12 : memref<!tpu.dma_semaphore, #tpu.memory_space<semaphore_mem>>)
      %dma_start3A_92 = arith.constant 1 : i32
      %dma_start3A_93 = arith.constant 0 : i32
      %dma_start3A_94 = tpu.memref_slice %arg7[%dma_start3A_92, %dma_start3A_93] : memref<40x128xi32, #tpu.memory_space<vmem>> -> memref<1x128xi32, #tpu.memory_space<vmem>>
      %dma_start3A_95 = tpu.memref_squeeze %dma_start3A_94 : memref<1x128xi32, #tpu.memory_space<vmem>> -> memref<128xi32, #tpu.memory_space<vmem>>
      %dma_start3A_96 = arith.constant 0 : i32
      %dma_start3A_97 = arith.constant 0 : i32
      %dma_start3A_98 = tpu.memref_slice %arg2[%dma_start3A_96, %dma_start3A_97] : memref<10112x128xf32, #tpu.memory_space<hbm>> -> memref<10112x128xf32, #tpu.memory_space<hbm>>
      tpu.enqueue_indirect_dma source(%dma_start3A_98 : memref<10112x128xf32, #tpu.memory_space<hbm>>) target(%arg10 : memref<128x128xf32, #tpu.memory_space<vmem>>) offsets(%dma_start3A_95 : memref<128xi32, #tpu.memory_space<vmem>>) semaphore(%arg13 : memref<!tpu.dma_semaphore, #tpu.memory_space<semaphore_mem>>)
      %dma_wait3A_99 = arith.constant 0 : i32
      %dma_wait3A_100 = arith.constant 0 : i32
      %dma_wait3A_101 = tpu.memref_slice %arg7[%dma_wait3A_99, %dma_wait3A_100] : memref<40x128xi32, #tpu.memory_space<vmem>> -> memref<1x128xi32, #tpu.memory_space<vmem>>
      %dma_wait3A_102 = tpu.memref_squeeze %dma_wait3A_101 : memref<1x128xi32, #tpu.memory_space<vmem>> -> memref<128xi32, #tpu.memory_space<vmem>>
      %dma_wait3A_103 = arith.constant 0 : i32
      %dma_wait3A_104 = arith.constant 0 : i32
      %dma_wait3A_105 = tpu.memref_slice %arg2[%dma_wait3A_103, %dma_wait3A_104] : memref<10112x128xf32, #tpu.memory_space<hbm>> -> memref<10112x128xf32, #tpu.memory_space<hbm>>
      tpu.wait_indirect_dma semaphore(%arg12 : memref<!tpu.dma_semaphore, #tpu.memory_space<semaphore_mem>>) src(%dma_wait3A_105 : memref<10112x128xf32, #tpu.memory_space<hbm>>) dst(%arg9 : memref<128x128xf32, #tpu.memory_space<vmem>>)
      %dma_start3A_106 = arith.constant 0 : i32
      %dma_start3A_107 = arith.constant 0 : i32
      %dma_start3A_108 = tpu.memref_slice %arg8[%dma_start3A_106, %dma_start3A_107] : memref<40x128xi32, #tpu.memory_space<vmem>> -> memref<1x128xi32, #tpu.memory_space<vmem>>
      %dma_start3A_109 = tpu.memref_squeeze %dma_start3A_108 : memref<1x128xi32, #tpu.memory_space<vmem>> -> memref<128xi32, #tpu.memory_space<vmem>>
      %dma_start3A_110 = arith.constant 0 : i32
      %dma_start3A_111 = arith.constant 0 : i32
      %dma_start3A_112 = tpu.memref_slice %arg11[%dma_start3A_110, %dma_start3A_111] : memref<10112x128xf32, #tpu.memory_space<vmem_shared>> -> memref<10112x128xf32, #tpu.memory_space<vmem_shared>>
      tpu.enqueue_indirect_dma source(%arg9 : memref<128x128xf32, #tpu.memory_space<vmem>>) target(%dma_start3A_112 : memref<10112x128xf32, #tpu.memory_space<vmem_shared>>) offsets(%dma_start3A_109 : memref<128xi32, #tpu.memory_space<vmem>>) semaphore(%arg14 : memref<!tpu.dma_semaphore, #tpu.memory_space<semaphore_mem>>) {add = true}
      %scan3A_113 = arith.constant 0 : i32
      %scan3A_114 = arith.constant 0 : i32
      %scan3A_115 = arith.constant 19 : i32
      %scan3A_116 = arith.addi %scan3A_114, %scan3A_115 : i32
      %scan3A_117 = arith.constant 1 : i32
      scf.for %scan3A_147 = %scan3A_114 to %scan3A_116 step %scan3A_117  : i32 {
        %mul3A_148 = arith.constant 2 : i32
        %mul3A_149 = arith.muli %mul3A_148, %scan3A_147 : i32
        %add3A_150 = arith.constant 1 : i32
        %add3A_151 = arith.addi %mul3A_149, %add3A_150 : i32
        %dma_wait3A_152 = arith.constant 0 : i32
        %dma_wait3A_153 = arith.constant 0 : i32
        %dma_wait3A_154 = tpu.memref_slice %arg8[%dma_wait3A_152, %dma_wait3A_153] : memref<40x128xi32, #tpu.memory_space<vmem>> -> memref<1x128xi32, #tpu.memory_space<vmem>>
        %dma_wait3A_155 = tpu.memref_squeeze %dma_wait3A_154 : memref<1x128xi32, #tpu.memory_space<vmem>> -> memref<128xi32, #tpu.memory_space<vmem>>
        %dma_wait3A_156 = arith.constant 0 : i32
        %dma_wait3A_157 = arith.constant 0 : i32
        %dma_wait3A_158 = tpu.memref_slice %arg11[%dma_wait3A_156, %dma_wait3A_157] : memref<10112x128xf32, #tpu.memory_space<vmem_shared>> -> memref<10112x128xf32, #tpu.memory_space<vmem_shared>>
        tpu.wait_indirect_dma semaphore(%arg14 : memref<!tpu.dma_semaphore, #tpu.memory_space<semaphore_mem>>) src(%arg9 : memref<128x128xf32, #tpu.memory_space<vmem>>) dst(%dma_wait3A_158 : memref<10112x128xf32, #tpu.memory_space<vmem_shared>>)
        %add3A_159 = arith.constant 1 : i32
        %add3A_160 = arith.addi %add3A_151, %add3A_159 : i32
        %dma_start3A_161 = arith.constant 0 : i32
        %dma_start3A_162 = tpu.memref_slice %arg7[%add3A_160, %dma_start3A_161] : memref<40x128xi32, #tpu.memory_space<vmem>> -> memref<1x128xi32, #tpu.memory_space<vmem>>
        %dma_start3A_163 = tpu.memref_squeeze %dma_start3A_162 : memref<1x128xi32, #tpu.memory_space<vmem>> -> memref<128xi32, #tpu.memory_space<vmem>>
        %dma_start3A_164 = arith.constant 0 : i32
        %dma_start3A_165 = arith.constant 0 : i32
        %dma_start3A_166 = tpu.memref_slice %arg2[%dma_start3A_164, %dma_start3A_165] : memref<10112x128xf32, #tpu.memory_space<hbm>> -> memref<10112x128xf32, #tpu.memory_space<hbm>>
        tpu.enqueue_indirect_dma source(%dma_start3A_166 : memref<10112x128xf32, #tpu.memory_space<hbm>>) target(%arg9 : memref<128x128xf32, #tpu.memory_space<vmem>>) offsets(%dma_start3A_163 : memref<128xi32, #tpu.memory_space<vmem>>) semaphore(%arg12 : memref<!tpu.dma_semaphore, #tpu.memory_space<semaphore_mem>>)
        %dma_wait3A_167 = arith.constant 0 : i32
        %dma_wait3A_168 = arith.constant 0 : i32
        %dma_wait3A_169 = tpu.memref_slice %arg7[%dma_wait3A_167, %dma_wait3A_168] : memref<40x128xi32, #tpu.memory_space<vmem>> -> memref<1x128xi32, #tpu.memory_space<vmem>>
        %dma_wait3A_170 = tpu.memref_squeeze %dma_wait3A_169 : memref<1x128xi32, #tpu.memory_space<vmem>> -> memref<128xi32, #tpu.memory_space<vmem>>
        %dma_wait3A_171 = arith.constant 0 : i32
        %dma_wait3A_172 = arith.constant 0 : i32
        %dma_wait3A_173 = tpu.memref_slice %arg2[%dma_wait3A_171, %dma_wait3A_172] : memref<10112x128xf32, #tpu.memory_space<hbm>> -> memref<10112x128xf32, #tpu.memory_space<hbm>>
        tpu.wait_indirect_dma semaphore(%arg13 : memref<!tpu.dma_semaphore, #tpu.memory_space<semaphore_mem>>) src(%dma_wait3A_173 : memref<10112x128xf32, #tpu.memory_space<hbm>>) dst(%arg10 : memref<128x128xf32, #tpu.memory_space<vmem>>)
        %dma_start3A_174 = arith.constant 0 : i32
        %dma_start3A_175 = tpu.memref_slice %arg8[%add3A_151, %dma_start3A_174] : memref<40x128xi32, #tpu.memory_space<vmem>> -> memref<1x128xi32, #tpu.memory_space<vmem>>
        %dma_start3A_176 = tpu.memref_squeeze %dma_start3A_175 : memref<1x128xi32, #tpu.memory_space<vmem>> -> memref<128xi32, #tpu.memory_space<vmem>>
        %dma_start3A_177 = arith.constant 0 : i32
        %dma_start3A_178 = arith.constant 0 : i32
        %dma_start3A_179 = tpu.memref_slice %arg11[%dma_start3A_177, %dma_start3A_178] : memref<10112x128xf32, #tpu.memory_space<vmem_shared>> -> memref<10112x128xf32, #tpu.memory_space<vmem_shared>>
        tpu.enqueue_indirect_dma source(%arg10 : memref<128x128xf32, #tpu.memory_space<vmem>>) target(%dma_start3A_179 : memref<10112x128xf32, #tpu.memory_space<vmem_shared>>) offsets(%dma_start3A_176 : memref<128xi32, #tpu.memory_space<vmem>>) semaphore(%arg15 : memref<!tpu.dma_semaphore, #tpu.memory_space<semaphore_mem>>) {add = true}
        %dma_wait3A_180 = arith.constant 0 : i32
        %dma_wait3A_181 = arith.constant 0 : i32
        %dma_wait3A_182 = tpu.memref_slice %arg8[%dma_wait3A_180, %dma_wait3A_181] : memref<40x128xi32, #tpu.memory_space<vmem>> -> memref<1x128xi32, #tpu.memory_space<vmem>>
        %dma_wait3A_183 = tpu.memref_squeeze %dma_wait3A_182 : memref<1x128xi32, #tpu.memory_space<vmem>> -> memref<128xi32, #tpu.memory_space<vmem>>
        %dma_wait3A_184 = arith.constant 0 : i32
        %dma_wait3A_185 = arith.constant 0 : i32
        %dma_wait3A_186 = tpu.memref_slice %arg11[%dma_wait3A_184, %dma_wait3A_185] : memref<10112x128xf32, #tpu.memory_space<vmem_shared>> -> memref<10112x128xf32, #tpu.memory_space<vmem_shared>>
        tpu.wait_indirect_dma semaphore(%arg15 : memref<!tpu.dma_semaphore, #tpu.memory_space<semaphore_mem>>) src(%arg10 : memref<128x128xf32, #tpu.memory_space<vmem>>) dst(%dma_wait3A_186 : memref<10112x128xf32, #tpu.memory_space<vmem_shared>>)
        %add3A_187 = arith.constant 2 : i32
        %add3A_188 = arith.addi %add3A_151, %add3A_187 : i32
        %dma_start3A_189 = arith.constant 0 : i32
        %dma_start3A_190 = tpu.memref_slice %arg7[%add3A_188, %dma_start3A_189] : memref<40x128xi32, #tpu.memory_space<vmem>> -> memref<1x128xi32, #tpu.memory_space<vmem>>
        %dma_start3A_191 = tpu.memref_squeeze %dma_start3A_190 : memref<1x128xi32, #tpu.memory_space<vmem>> -> memref<128xi32, #tpu.memory_space<vmem>>
        %dma_start3A_192 = arith.constant 0 : i32
        %dma_start3A_193 = arith.constant 0 : i32
        %dma_start3A_194 = tpu.memref_slice %arg2[%dma_start3A_192, %dma_start3A_193] : memref<10112x128xf32, #tpu.memory_space<hbm>> -> memref<10112x128xf32, #tpu.memory_space<hbm>>
        tpu.enqueue_indirect_dma source(%dma_start3A_194 : memref<10112x128xf32, #tpu.memory_space<hbm>>) target(%arg10 : memref<128x128xf32, #tpu.memory_space<vmem>>) offsets(%dma_start3A_191 : memref<128xi32, #tpu.memory_space<vmem>>) semaphore(%arg13 : memref<!tpu.dma_semaphore, #tpu.memory_space<semaphore_mem>>)
        %dma_wait3A_195 = arith.constant 0 : i32
        %dma_wait3A_196 = arith.constant 0 : i32
        %dma_wait3A_197 = tpu.memref_slice %arg7[%dma_wait3A_195, %dma_wait3A_196] : memref<40x128xi32, #tpu.memory_space<vmem>> -> memref<1x128xi32, #tpu.memory_space<vmem>>
        %dma_wait3A_198 = tpu.memref_squeeze %dma_wait3A_197 : memref<1x128xi32, #tpu.memory_space<vmem>> -> memref<128xi32, #tpu.memory_space<vmem>>
        %dma_wait3A_199 = arith.constant 0 : i32
        %dma_wait3A_200 = arith.constant 0 : i32
        %dma_wait3A_201 = tpu.memref_slice %arg2[%dma_wait3A_199, %dma_wait3A_200] : memref<10112x128xf32, #tpu.memory_space<hbm>> -> memref<10112x128xf32, #tpu.memory_space<hbm>>
        tpu.wait_indirect_dma semaphore(%arg12 : memref<!tpu.dma_semaphore, #tpu.memory_space<semaphore_mem>>) src(%dma_wait3A_201 : memref<10112x128xf32, #tpu.memory_space<hbm>>) dst(%arg9 : memref<128x128xf32, #tpu.memory_space<vmem>>)
        %add3A_202 = arith.constant 1 : i32
        %add3A_203 = arith.addi %add3A_151, %add3A_202 : i32
        %dma_start3A_204 = arith.constant 0 : i32
        %dma_start3A_205 = tpu.memref_slice %arg8[%add3A_203, %dma_start3A_204] : memref<40x128xi32, #tpu.memory_space<vmem>> -> memref<1x128xi32, #tpu.memory_space<vmem>>
        %dma_start3A_206 = tpu.memref_squeeze %dma_start3A_205 : memref<1x128xi32, #tpu.memory_space<vmem>> -> memref<128xi32, #tpu.memory_space<vmem>>
        %dma_start3A_207 = arith.constant 0 : i32
        %dma_start3A_208 = arith.constant 0 : i32
        %dma_start3A_209 = tpu.memref_slice %arg11[%dma_start3A_207, %dma_start3A_208] : memref<10112x128xf32, #tpu.memory_space<vmem_shared>> -> memref<10112x128xf32, #tpu.memory_space<vmem_shared>>
        tpu.enqueue_indirect_dma source(%arg9 : memref<128x128xf32, #tpu.memory_space<vmem>>) target(%dma_start3A_209 : memref<10112x128xf32, #tpu.memory_space<vmem_shared>>) offsets(%dma_start3A_206 : memref<128xi32, #tpu.memory_space<vmem>>) semaphore(%arg14 : memref<!tpu.dma_semaphore, #tpu.memory_space<semaphore_mem>>) {add = true}
      }
      %scan3A_118 = arith.constant 19 : i32
      %dma_wait3A_119 = arith.constant 0 : i32
      %dma_wait3A_120 = arith.constant 0 : i32
      %dma_wait3A_121 = tpu.memref_slice %arg8[%dma_wait3A_119, %dma_wait3A_120] : memref<40x128xi32, #tpu.memory_space<vmem>> -> memref<1x128xi32, #tpu.memory_space<vmem>>
      %dma_wait3A_122 = tpu.memref_squeeze %dma_wait3A_121 : memref<1x128xi32, #tpu.memory_space<vmem>> -> memref<128xi32, #tpu.memory_space<vmem>>
      %dma_wait3A_123 = arith.constant 0 : i32
      %dma_wait3A_124 = arith.constant 0 : i32
      %dma_wait3A_125 = tpu.memref_slice %arg11[%dma_wait3A_123, %dma_wait3A_124] : memref<10112x128xf32, #tpu.memory_space<vmem_shared>> -> memref<10112x128xf32, #tpu.memory_space<vmem_shared>>
      tpu.wait_indirect_dma semaphore(%arg14 : memref<!tpu.dma_semaphore, #tpu.memory_space<semaphore_mem>>) src(%arg9 : memref<128x128xf32, #tpu.memory_space<vmem>>) dst(%dma_wait3A_125 : memref<10112x128xf32, #tpu.memory_space<vmem_shared>>)
      %dma_wait3A_126 = arith.constant 0 : i32
      %dma_wait3A_127 = arith.constant 0 : i32
      %dma_wait3A_128 = tpu.memref_slice %arg7[%dma_wait3A_126, %dma_wait3A_127] : memref<40x128xi32, #tpu.memory_space<vmem>> -> memref<1x128xi32, #tpu.memory_space<vmem>>
      %dma_wait3A_129 = tpu.memref_squeeze %dma_wait3A_128 : memref<1x128xi32, #tpu.memory_space<vmem>> -> memref<128xi32, #tpu.memory_space<vmem>>
      %dma_wait3A_130 = arith.constant 0 : i32
      %dma_wait3A_131 = arith.constant 0 : i32
      %dma_wait3A_132 = tpu.memref_slice %arg2[%dma_wait3A_130, %dma_wait3A_131] : memref<10112x128xf32, #tpu.memory_space<hbm>> -> memref<10112x128xf32, #tpu.memory_space<hbm>>
      tpu.wait_indirect_dma semaphore(%arg13 : memref<!tpu.dma_semaphore, #tpu.memory_space<semaphore_mem>>) src(%dma_wait3A_132 : memref<10112x128xf32, #tpu.memory_space<hbm>>) dst(%arg10 : memref<128x128xf32, #tpu.memory_space<vmem>>)
      %dma_start3A_133 = arith.constant 39 : i32
      %dma_start3A_134 = arith.constant 0 : i32
      %dma_start3A_135 = tpu.memref_slice %arg8[%dma_start3A_133, %dma_start3A_134] : memref<40x128xi32, #tpu.memory_space<vmem>> -> memref<1x128xi32, #tpu.memory_space<vmem>>
      %dma_start3A_136 = tpu.memref_squeeze %dma_start3A_135 : memref<1x128xi32, #tpu.memory_space<vmem>> -> memref<128xi32, #tpu.memory_space<vmem>>
      %dma_start3A_137 = arith.constant 0 : i32
      %dma_start3A_138 = arith.constant 0 : i32
      %dma_start3A_139 = tpu.memref_slice %arg11[%dma_start3A_137, %dma_start3A_138] : memref<10112x128xf32, #tpu.memory_space<vmem_shared>> -> memref<10112x128xf32, #tpu.memory_space<vmem_shared>>
      tpu.enqueue_indirect_dma source(%arg10 : memref<128x128xf32, #tpu.memory_space<vmem>>) target(%dma_start3A_139 : memref<10112x128xf32, #tpu.memory_space<vmem_shared>>) offsets(%dma_start3A_136 : memref<128xi32, #tpu.memory_space<vmem>>) semaphore(%arg15 : memref<!tpu.dma_semaphore, #tpu.memory_space<semaphore_mem>>) {add = true}
      %dma_wait3A_140 = arith.constant 39 : i32
      %dma_wait3A_141 = arith.constant 0 : i32
      %dma_wait3A_142 = tpu.memref_slice %arg8[%dma_wait3A_140, %dma_wait3A_141] : memref<40x128xi32, #tpu.memory_space<vmem>> -> memref<1x128xi32, #tpu.memory_space<vmem>>
      %dma_wait3A_143 = tpu.memref_squeeze %dma_wait3A_142 : memref<1x128xi32, #tpu.memory_space<vmem>> -> memref<128xi32, #tpu.memory_space<vmem>>
      %dma_wait3A_144 = arith.constant 0 : i32
      %dma_wait3A_145 = arith.constant 0 : i32
      %dma_wait3A_146 = tpu.memref_slice %arg11[%dma_wait3A_144, %dma_wait3A_145] : memref<10112x128xf32, #tpu.memory_space<vmem_shared>> -> memref<10112x128xf32, #tpu.memory_space<vmem_shared>>
      tpu.wait_indirect_dma semaphore(%arg15 : memref<!tpu.dma_semaphore, #tpu.memory_space<semaphore_mem>>) src(%arg10 : memref<128x128xf32, #tpu.memory_space<vmem>>) dst(%dma_wait3A_146 : memref<10112x128xf32, #tpu.memory_space<vmem_shared>>)
    } else {
    }
    %eq3A_12 = arith.constant 1 : i32
    %eq3A_13 = arith.cmpi eq, %arg0, %eq3A_12 : i32
    %convert_element_type3A_14 = arith.extui %eq3A_13 : i1 to i32
    %cond3A_15 = arith.constant 0 : i32
    %cond3A_16 = arith.cmpi ne, %convert_element_type3A_14, %cond3A_15 : i32
    scf.if %cond3A_16 {
      %mul3A_21 = arith.constant 80 : i32
      %mul3A_22 = arith.muli %arg1, %mul3A_21 : i32
      %add3A = arith.constant 1280 : i32
      %add3A_23 = arith.addi %add3A, %mul3A_22 : i32
      %add3A_24 = arith.constant 0 : i32
      %add3A_25 = arith.addi %add3A_23, %add3A_24 : i32
      "tpu.region"() ({
        %run_scoped3A = tpu.sem_alloc : memref<!tpu.dma_semaphore, #tpu.memory_space<semaphore_mem>>
        %dma_start3A_149 = arith.constant 0 : i32
        %dma_start3A_150 = arith.constant 0 : i32
        %dma_start3A_151 = tpu.memref_slice %arg7[%dma_start3A_149, %dma_start3A_150] : memref<40x128xi32, #tpu.memory_space<vmem>> -> memref<40x128xi32, #tpu.memory_space<vmem>>
        %dma_start3A_152 = arith.constant 0 : i32
        %dma_start3A_153 = tpu.memref_slice %arg3[%add3A_25, %dma_start3A_152] : memref<2560x128xi32, #tpu.memory_space<hbm>> -> memref<40x128xi32, #tpu.memory_space<hbm>>
        %dma_start3A_154 = arith.constant 0 : i32
        %dma_start3A_155 = arith.constant 0 : i32
        %dma_start3A_156 = tpu.memref_slice %arg7[%dma_start3A_154, %dma_start3A_155] : memref<40x128xi32, #tpu.memory_space<vmem>> -> memref<40x128xi32, #tpu.memory_space<vmem>>
        %dma_start3A_157 = arith.constant 0 : i32
        %dma_start3A_158 = tpu.memref_slice %arg3[%add3A_25, %dma_start3A_157] : memref<2560x128xi32, #tpu.memory_space<hbm>> -> memref<40x128xi32, #tpu.memory_space<hbm>>
        tpu.enqueue_dma source(%dma_start3A_158 : memref<40x128xi32, #tpu.memory_space<hbm>>) target(%dma_start3A_156 : memref<40x128xi32, #tpu.memory_space<vmem>>) target_semaphore(%run_scoped3A : memref<!tpu.dma_semaphore, #tpu.memory_space<semaphore_mem>>)
        %dma_wait3A_159 = arith.constant 0 : i32
        %dma_wait3A_160 = arith.constant 0 : i32
        %dma_wait3A_161 = tpu.memref_slice %arg7[%dma_wait3A_159, %dma_wait3A_160] : memref<40x128xi32, #tpu.memory_space<vmem>> -> memref<40x128xi32, #tpu.memory_space<vmem>>
        %dma_wait3A_162 = arith.constant 0 : i32
        %dma_wait3A_163 = tpu.memref_slice %arg3[%add3A_25, %dma_wait3A_162] : memref<2560x128xi32, #tpu.memory_space<hbm>> -> memref<40x128xi32, #tpu.memory_space<hbm>>
        %dma_wait3A_164 = arith.constant 0 : i32
        %dma_wait3A_165 = arith.constant 0 : i32
        %dma_wait3A_166 = tpu.memref_slice %arg7[%dma_wait3A_164, %dma_wait3A_165] : memref<40x128xi32, #tpu.memory_space<vmem>> -> memref<40x128xi32, #tpu.memory_space<vmem>>
        %dma_wait3A_167 = arith.constant 0 : i32
        %dma_wait3A_168 = tpu.memref_slice %arg3[%add3A_25, %dma_wait3A_167] : memref<2560x128xi32, #tpu.memory_space<hbm>> -> memref<40x128xi32, #tpu.memory_space<hbm>>
        tpu.wait_dma2 semaphore(%run_scoped3A : memref<!tpu.dma_semaphore, #tpu.memory_space<semaphore_mem>>) src(%dma_wait3A_168 : memref<40x128xi32, #tpu.memory_space<hbm>>) dst(%dma_wait3A_166 : memref<40x128xi32, #tpu.memory_space<vmem>>)
        tpu.yield
      }) : () -> ()
      "tpu.region"() ({
        %run_scoped3A = tpu.sem_alloc : memref<!tpu.dma_semaphore, #tpu.memory_space<semaphore_mem>>
        %dma_start3A_149 = arith.constant 0 : i32
        %dma_start3A_150 = arith.constant 0 : i32
        %dma_start3A_151 = tpu.memref_slice %arg8[%dma_start3A_149, %dma_start3A_150] : memref<40x128xi32, #tpu.memory_space<vmem>> -> memref<40x128xi32, #tpu.memory_space<vmem>>
        %dma_start3A_152 = arith.constant 0 : i32
        %dma_start3A_153 = tpu.memref_slice %arg4[%add3A_25, %dma_start3A_152] : memref<2560x128xi32, #tpu.memory_space<hbm>> -> memref<40x128xi32, #tpu.memory_space<hbm>>
        %dma_start3A_154 = arith.constant 0 : i32
        %dma_start3A_155 = arith.constant 0 : i32
        %dma_start3A_156 = tpu.memref_slice %arg8[%dma_start3A_154, %dma_start3A_155] : memref<40x128xi32, #tpu.memory_space<vmem>> -> memref<40x128xi32, #tpu.memory_space<vmem>>
        %dma_start3A_157 = arith.constant 0 : i32
        %dma_start3A_158 = tpu.memref_slice %arg4[%add3A_25, %dma_start3A_157] : memref<2560x128xi32, #tpu.memory_space<hbm>> -> memref<40x128xi32, #tpu.memory_space<hbm>>
        tpu.enqueue_dma source(%dma_start3A_158 : memref<40x128xi32, #tpu.memory_space<hbm>>) target(%dma_start3A_156 : memref<40x128xi32, #tpu.memory_space<vmem>>) target_semaphore(%run_scoped3A : memref<!tpu.dma_semaphore, #tpu.memory_space<semaphore_mem>>)
        %dma_wait3A_159 = arith.constant 0 : i32
        %dma_wait3A_160 = arith.constant 0 : i32
        %dma_wait3A_161 = tpu.memref_slice %arg8[%dma_wait3A_159, %dma_wait3A_160] : memref<40x128xi32, #tpu.memory_space<vmem>> -> memref<40x128xi32, #tpu.memory_space<vmem>>
        %dma_wait3A_162 = arith.constant 0 : i32
        %dma_wait3A_163 = tpu.memref_slice %arg4[%add3A_25, %dma_wait3A_162] : memref<2560x128xi32, #tpu.memory_space<hbm>> -> memref<40x128xi32, #tpu.memory_space<hbm>>
        %dma_wait3A_164 = arith.constant 0 : i32
        %dma_wait3A_165 = arith.constant 0 : i32
        %dma_wait3A_166 = tpu.memref_slice %arg8[%dma_wait3A_164, %dma_wait3A_165] : memref<40x128xi32, #tpu.memory_space<vmem>> -> memref<40x128xi32, #tpu.memory_space<vmem>>
        %dma_wait3A_167 = arith.constant 0 : i32
        %dma_wait3A_168 = tpu.memref_slice %arg4[%add3A_25, %dma_wait3A_167] : memref<2560x128xi32, #tpu.memory_space<hbm>> -> memref<40x128xi32, #tpu.memory_space<hbm>>
        tpu.wait_dma2 semaphore(%run_scoped3A : memref<!tpu.dma_semaphore, #tpu.memory_space<semaphore_mem>>) src(%dma_wait3A_168 : memref<40x128xi32, #tpu.memory_space<hbm>>) dst(%dma_wait3A_166 : memref<40x128xi32, #tpu.memory_space<vmem>>)
        tpu.yield
      }) : () -> ()
      %dma_start3A = arith.constant 0 : i32
      %dma_start3A_26 = arith.constant 0 : i32
      %dma_start3A_27 = tpu.memref_slice %arg7[%dma_start3A, %dma_start3A_26] : memref<40x128xi32, #tpu.memory_space<vmem>> -> memref<1x128xi32, #tpu.memory_space<vmem>>
      %dma_start3A_28 = tpu.memref_squeeze %dma_start3A_27 : memref<1x128xi32, #tpu.memory_space<vmem>> -> memref<128xi32, #tpu.memory_space<vmem>>
      %dma_start3A_29 = arith.constant 0 : i32
      %dma_start3A_30 = arith.constant 0 : i32
      %dma_start3A_31 = tpu.memref_slice %arg2[%dma_start3A_29, %dma_start3A_30] : memref<10112x128xf32, #tpu.memory_space<hbm>> -> memref<10112x128xf32, #tpu.memory_space<hbm>>
      tpu.enqueue_indirect_dma source(%dma_start3A_31 : memref<10112x128xf32, #tpu.memory_space<hbm>>) target(%arg9 : memref<128x128xf32, #tpu.memory_space<vmem>>) offsets(%dma_start3A_28 : memref<128xi32, #tpu.memory_space<vmem>>) semaphore(%arg12 : memref<!tpu.dma_semaphore, #tpu.memory_space<semaphore_mem>>)
      %dma_start3A_32 = arith.constant 1 : i32
      %dma_start3A_33 = arith.constant 0 : i32
      %dma_start3A_34 = tpu.memref_slice %arg7[%dma_start3A_32, %dma_start3A_33] : memref<40x128xi32, #tpu.memory_space<vmem>> -> memref<1x128xi32, #tpu.memory_space<vmem>>
      %dma_start3A_35 = tpu.memref_squeeze %dma_start3A_34 : memref<1x128xi32, #tpu.memory_space<vmem>> -> memref<128xi32, #tpu.memory_space<vmem>>
      %dma_start3A_36 = arith.constant 0 : i32
      %dma_start3A_37 = arith.constant 0 : i32
      %dma_start3A_38 = tpu.memref_slice %arg2[%dma_start3A_36, %dma_start3A_37] : memref<10112x128xf32, #tpu.memory_space<hbm>> -> memref<10112x128xf32, #tpu.memory_space<hbm>>
      tpu.enqueue_indirect_dma source(%dma_start3A_38 : memref<10112x128xf32, #tpu.memory_space<hbm>>) target(%arg10 : memref<128x128xf32, #tpu.memory_space<vmem>>) offsets(%dma_start3A_35 : memref<128xi32, #tpu.memory_space<vmem>>) semaphore(%arg13 : memref<!tpu.dma_semaphore, #tpu.memory_space<semaphore_mem>>)
      %dma_wait3A = arith.constant 0 : i32
      %dma_wait3A_39 = arith.constant 0 : i32
      %dma_wait3A_40 = tpu.memref_slice %arg7[%dma_wait3A, %dma_wait3A_39] : memref<40x128xi32, #tpu.memory_space<vmem>> -> memref<1x128xi32, #tpu.memory_space<vmem>>
      %dma_wait3A_41 = tpu.memref_squeeze %dma_wait3A_40 : memref<1x128xi32, #tpu.memory_space<vmem>> -> memref<128xi32, #tpu.memory_space<vmem>>
      %dma_wait3A_42 = arith.constant 0 : i32
      %dma_wait3A_43 = arith.constant 0 : i32
      %dma_wait3A_44 = tpu.memref_slice %arg2[%dma_wait3A_42, %dma_wait3A_43] : memref<10112x128xf32, #tpu.memory_space<hbm>> -> memref<10112x128xf32, #tpu.memory_space<hbm>>
      tpu.wait_indirect_dma semaphore(%arg12 : memref<!tpu.dma_semaphore, #tpu.memory_space<semaphore_mem>>) src(%dma_wait3A_44 : memref<10112x128xf32, #tpu.memory_space<hbm>>) dst(%arg9 : memref<128x128xf32, #tpu.memory_space<vmem>>)
      %dma_start3A_45 = arith.constant 0 : i32
      %dma_start3A_46 = arith.constant 0 : i32
      %dma_start3A_47 = tpu.memref_slice %arg8[%dma_start3A_45, %dma_start3A_46] : memref<40x128xi32, #tpu.memory_space<vmem>> -> memref<1x128xi32, #tpu.memory_space<vmem>>
      %dma_start3A_48 = tpu.memref_squeeze %dma_start3A_47 : memref<1x128xi32, #tpu.memory_space<vmem>> -> memref<128xi32, #tpu.memory_space<vmem>>
      %dma_start3A_49 = arith.constant 0 : i32
      %dma_start3A_50 = arith.constant 0 : i32
      %dma_start3A_51 = tpu.memref_slice %arg11[%dma_start3A_49, %dma_start3A_50] : memref<10112x128xf32, #tpu.memory_space<vmem_shared>> -> memref<10112x128xf32, #tpu.memory_space<vmem_shared>>
      tpu.enqueue_indirect_dma source(%arg9 : memref<128x128xf32, #tpu.memory_space<vmem>>) target(%dma_start3A_51 : memref<10112x128xf32, #tpu.memory_space<vmem_shared>>) offsets(%dma_start3A_48 : memref<128xi32, #tpu.memory_space<vmem>>) semaphore(%arg14 : memref<!tpu.dma_semaphore, #tpu.memory_space<semaphore_mem>>) {add = true}
      %scan3A = arith.constant 0 : i32
      %scan3A_52 = arith.constant 0 : i32
      %scan3A_53 = arith.constant 19 : i32
      %scan3A_54 = arith.addi %scan3A_52, %scan3A_53 : i32
      %scan3A_55 = arith.constant 1 : i32
      scf.for %scan3A_149 = %scan3A_52 to %scan3A_54 step %scan3A_55  : i32 {
        %mul3A_150 = arith.constant 2 : i32
        %mul3A_151 = arith.muli %mul3A_150, %scan3A_149 : i32
        %add3A_152 = arith.constant 1 : i32
        %add3A_153 = arith.addi %mul3A_151, %add3A_152 : i32
        %dma_wait3A_154 = arith.constant 0 : i32
        %dma_wait3A_155 = arith.constant 0 : i32
        %dma_wait3A_156 = tpu.memref_slice %arg8[%dma_wait3A_154, %dma_wait3A_155] : memref<40x128xi32, #tpu.memory_space<vmem>> -> memref<1x128xi32, #tpu.memory_space<vmem>>
        %dma_wait3A_157 = tpu.memref_squeeze %dma_wait3A_156 : memref<1x128xi32, #tpu.memory_space<vmem>> -> memref<128xi32, #tpu.memory_space<vmem>>
        %dma_wait3A_158 = arith.constant 0 : i32
        %dma_wait3A_159 = arith.constant 0 : i32
        %dma_wait3A_160 = tpu.memref_slice %arg11[%dma_wait3A_158, %dma_wait3A_159] : memref<10112x128xf32, #tpu.memory_space<vmem_shared>> -> memref<10112x128xf32, #tpu.memory_space<vmem_shared>>
        tpu.wait_indirect_dma semaphore(%arg14 : memref<!tpu.dma_semaphore, #tpu.memory_space<semaphore_mem>>) src(%arg9 : memref<128x128xf32, #tpu.memory_space<vmem>>) dst(%dma_wait3A_160 : memref<10112x128xf32, #tpu.memory_space<vmem_shared>>)
        %add3A_161 = arith.constant 1 : i32
        %add3A_162 = arith.addi %add3A_153, %add3A_161 : i32
        %dma_start3A_163 = arith.constant 0 : i32
        %dma_start3A_164 = tpu.memref_slice %arg7[%add3A_162, %dma_start3A_163] : memref<40x128xi32, #tpu.memory_space<vmem>> -> memref<1x128xi32, #tpu.memory_space<vmem>>
        %dma_start3A_165 = tpu.memref_squeeze %dma_start3A_164 : memref<1x128xi32, #tpu.memory_space<vmem>> -> memref<128xi32, #tpu.memory_space<vmem>>
        %dma_start3A_166 = arith.constant 0 : i32
        %dma_start3A_167 = arith.constant 0 : i32
        %dma_start3A_168 = tpu.memref_slice %arg2[%dma_start3A_166, %dma_start3A_167] : memref<10112x128xf32, #tpu.memory_space<hbm>> -> memref<10112x128xf32, #tpu.memory_space<hbm>>
        tpu.enqueue_indirect_dma source(%dma_start3A_168 : memref<10112x128xf32, #tpu.memory_space<hbm>>) target(%arg9 : memref<128x128xf32, #tpu.memory_space<vmem>>) offsets(%dma_start3A_165 : memref<128xi32, #tpu.memory_space<vmem>>) semaphore(%arg12 : memref<!tpu.dma_semaphore, #tpu.memory_space<semaphore_mem>>)
        %dma_wait3A_169 = arith.constant 0 : i32
        %dma_wait3A_170 = arith.constant 0 : i32
        %dma_wait3A_171 = tpu.memref_slice %arg7[%dma_wait3A_169, %dma_wait3A_170] : memref<40x128xi32, #tpu.memory_space<vmem>> -> memref<1x128xi32, #tpu.memory_space<vmem>>
        %dma_wait3A_172 = tpu.memref_squeeze %dma_wait3A_171 : memref<1x128xi32, #tpu.memory_space<vmem>> -> memref<128xi32, #tpu.memory_space<vmem>>
        %dma_wait3A_173 = arith.constant 0 : i32
        %dma_wait3A_174 = arith.constant 0 : i32
        %dma_wait3A_175 = tpu.memref_slice %arg2[%dma_wait3A_173, %dma_wait3A_174] : memref<10112x128xf32, #tpu.memory_space<hbm>> -> memref<10112x128xf32, #tpu.memory_space<hbm>>
        tpu.wait_indirect_dma semaphore(%arg13 : memref<!tpu.dma_semaphore, #tpu.memory_space<semaphore_mem>>) src(%dma_wait3A_175 : memref<10112x128xf32, #tpu.memory_space<hbm>>) dst(%arg10 : memref<128x128xf32, #tpu.memory_space<vmem>>)
        %dma_start3A_176 = arith.constant 0 : i32
        %dma_start3A_177 = tpu.memref_slice %arg8[%add3A_153, %dma_start3A_176] : memref<40x128xi32, #tpu.memory_space<vmem>> -> memref<1x128xi32, #tpu.memory_space<vmem>>
        %dma_start3A_178 = tpu.memref_squeeze %dma_start3A_177 : memref<1x128xi32, #tpu.memory_space<vmem>> -> memref<128xi32, #tpu.memory_space<vmem>>
        %dma_start3A_179 = arith.constant 0 : i32
        %dma_start3A_180 = arith.constant 0 : i32
        %dma_start3A_181 = tpu.memref_slice %arg11[%dma_start3A_179, %dma_start3A_180] : memref<10112x128xf32, #tpu.memory_space<vmem_shared>> -> memref<10112x128xf32, #tpu.memory_space<vmem_shared>>
        tpu.enqueue_indirect_dma source(%arg10 : memref<128x128xf32, #tpu.memory_space<vmem>>) target(%dma_start3A_181 : memref<10112x128xf32, #tpu.memory_space<vmem_shared>>) offsets(%dma_start3A_178 : memref<128xi32, #tpu.memory_space<vmem>>) semaphore(%arg15 : memref<!tpu.dma_semaphore, #tpu.memory_space<semaphore_mem>>) {add = true}
        %dma_wait3A_182 = arith.constant 0 : i32
        %dma_wait3A_183 = arith.constant 0 : i32
        %dma_wait3A_184 = tpu.memref_slice %arg8[%dma_wait3A_182, %dma_wait3A_183] : memref<40x128xi32, #tpu.memory_space<vmem>> -> memref<1x128xi32, #tpu.memory_space<vmem>>
        %dma_wait3A_185 = tpu.memref_squeeze %dma_wait3A_184 : memref<1x128xi32, #tpu.memory_space<vmem>> -> memref<128xi32, #tpu.memory_space<vmem>>
        %dma_wait3A_186 = arith.constant 0 : i32
        %dma_wait3A_187 = arith.constant 0 : i32
        %dma_wait3A_188 = tpu.memref_slice %arg11[%dma_wait3A_186, %dma_wait3A_187] : memref<10112x128xf32, #tpu.memory_space<vmem_shared>> -> memref<10112x128xf32, #tpu.memory_space<vmem_shared>>
        tpu.wait_indirect_dma semaphore(%arg15 : memref<!tpu.dma_semaphore, #tpu.memory_space<semaphore_mem>>) src(%arg10 : memref<128x128xf32, #tpu.memory_space<vmem>>) dst(%dma_wait3A_188 : memref<10112x128xf32, #tpu.memory_space<vmem_shared>>)
        %add3A_189 = arith.constant 2 : i32
        %add3A_190 = arith.addi %add3A_153, %add3A_189 : i32
        %dma_start3A_191 = arith.constant 0 : i32
        %dma_start3A_192 = tpu.memref_slice %arg7[%add3A_190, %dma_start3A_191] : memref<40x128xi32, #tpu.memory_space<vmem>> -> memref<1x128xi32, #tpu.memory_space<vmem>>
        %dma_start3A_193 = tpu.memref_squeeze %dma_start3A_192 : memref<1x128xi32, #tpu.memory_space<vmem>> -> memref<128xi32, #tpu.memory_space<vmem>>
        %dma_start3A_194 = arith.constant 0 : i32
        %dma_start3A_195 = arith.constant 0 : i32
        %dma_start3A_196 = tpu.memref_slice %arg2[%dma_start3A_194, %dma_start3A_195] : memref<10112x128xf32, #tpu.memory_space<hbm>> -> memref<10112x128xf32, #tpu.memory_space<hbm>>
        tpu.enqueue_indirect_dma source(%dma_start3A_196 : memref<10112x128xf32, #tpu.memory_space<hbm>>) target(%arg10 : memref<128x128xf32, #tpu.memory_space<vmem>>) offsets(%dma_start3A_193 : memref<128xi32, #tpu.memory_space<vmem>>) semaphore(%arg13 : memref<!tpu.dma_semaphore, #tpu.memory_space<semaphore_mem>>)
        %dma_wait3A_197 = arith.constant 0 : i32
        %dma_wait3A_198 = arith.constant 0 : i32
        %dma_wait3A_199 = tpu.memref_slice %arg7[%dma_wait3A_197, %dma_wait3A_198] : memref<40x128xi32, #tpu.memory_space<vmem>> -> memref<1x128xi32, #tpu.memory_space<vmem>>
        %dma_wait3A_200 = tpu.memref_squeeze %dma_wait3A_199 : memref<1x128xi32, #tpu.memory_space<vmem>> -> memref<128xi32, #tpu.memory_space<vmem>>
        %dma_wait3A_201 = arith.constant 0 : i32
        %dma_wait3A_202 = arith.constant 0 : i32
        %dma_wait3A_203 = tpu.memref_slice %arg2[%dma_wait3A_201, %dma_wait3A_202] : memref<10112x128xf32, #tpu.memory_space<hbm>> -> memref<10112x128xf32, #tpu.memory_space<hbm>>
        tpu.wait_indirect_dma semaphore(%arg12 : memref<!tpu.dma_semaphore, #tpu.memory_space<semaphore_mem>>) src(%dma_wait3A_203 : memref<10112x128xf32, #tpu.memory_space<hbm>>) dst(%arg9 : memref<128x128xf32, #tpu.memory_space<vmem>>)
        %add3A_204 = arith.constant 1 : i32
        %add3A_205 = arith.addi %add3A_153, %add3A_204 : i32
        %dma_start3A_206 = arith.constant 0 : i32
        %dma_start3A_207 = tpu.memref_slice %arg8[%add3A_205, %dma_start3A_206] : memref<40x128xi32, #tpu.memory_space<vmem>> -> memref<1x128xi32, #tpu.memory_space<vmem>>
        %dma_start3A_208 = tpu.memref_squeeze %dma_start3A_207 : memref<1x128xi32, #tpu.memory_space<vmem>> -> memref<128xi32, #tpu.memory_space<vmem>>
        %dma_start3A_209 = arith.constant 0 : i32
        %dma_start3A_210 = arith.constant 0 : i32
        %dma_start3A_211 = tpu.memref_slice %arg11[%dma_start3A_209, %dma_start3A_210] : memref<10112x128xf32, #tpu.memory_space<vmem_shared>> -> memref<10112x128xf32, #tpu.memory_space<vmem_shared>>
        tpu.enqueue_indirect_dma source(%arg9 : memref<128x128xf32, #tpu.memory_space<vmem>>) target(%dma_start3A_211 : memref<10112x128xf32, #tpu.memory_space<vmem_shared>>) offsets(%dma_start3A_208 : memref<128xi32, #tpu.memory_space<vmem>>) semaphore(%arg14 : memref<!tpu.dma_semaphore, #tpu.memory_space<semaphore_mem>>) {add = true}
      }
      %scan3A_56 = arith.constant 19 : i32
      %dma_wait3A_57 = arith.constant 0 : i32
      %dma_wait3A_58 = arith.constant 0 : i32
      %dma_wait3A_59 = tpu.memref_slice %arg8[%dma_wait3A_57, %dma_wait3A_58] : memref<40x128xi32, #tpu.memory_space<vmem>> -> memref<1x128xi32, #tpu.memory_space<vmem>>
      %dma_wait3A_60 = tpu.memref_squeeze %dma_wait3A_59 : memref<1x128xi32, #tpu.memory_space<vmem>> -> memref<128xi32, #tpu.memory_space<vmem>>
      %dma_wait3A_61 = arith.constant 0 : i32
      %dma_wait3A_62 = arith.constant 0 : i32
      %dma_wait3A_63 = tpu.memref_slice %arg11[%dma_wait3A_61, %dma_wait3A_62] : memref<10112x128xf32, #tpu.memory_space<vmem_shared>> -> memref<10112x128xf32, #tpu.memory_space<vmem_shared>>
      tpu.wait_indirect_dma semaphore(%arg14 : memref<!tpu.dma_semaphore, #tpu.memory_space<semaphore_mem>>) src(%arg9 : memref<128x128xf32, #tpu.memory_space<vmem>>) dst(%dma_wait3A_63 : memref<10112x128xf32, #tpu.memory_space<vmem_shared>>)
      %dma_wait3A_64 = arith.constant 0 : i32
      %dma_wait3A_65 = arith.constant 0 : i32
      %dma_wait3A_66 = tpu.memref_slice %arg7[%dma_wait3A_64, %dma_wait3A_65] : memref<40x128xi32, #tpu.memory_space<vmem>> -> memref<1x128xi32, #tpu.memory_space<vmem>>
      %dma_wait3A_67 = tpu.memref_squeeze %dma_wait3A_66 : memref<1x128xi32, #tpu.memory_space<vmem>> -> memref<128xi32, #tpu.memory_space<vmem>>
      %dma_wait3A_68 = arith.constant 0 : i32
      %dma_wait3A_69 = arith.constant 0 : i32
      %dma_wait3A_70 = tpu.memref_slice %arg2[%dma_wait3A_68, %dma_wait3A_69] : memref<10112x128xf32, #tpu.memory_space<hbm>> -> memref<10112x128xf32, #tpu.memory_space<hbm>>
      tpu.wait_indirect_dma semaphore(%arg13 : memref<!tpu.dma_semaphore, #tpu.memory_space<semaphore_mem>>) src(%dma_wait3A_70 : memref<10112x128xf32, #tpu.memory_space<hbm>>) dst(%arg10 : memref<128x128xf32, #tpu.memory_space<vmem>>)
      %dma_start3A_71 = arith.constant 39 : i32
      %dma_start3A_72 = arith.constant 0 : i32
      %dma_start3A_73 = tpu.memref_slice %arg8[%dma_start3A_71, %dma_start3A_72] : memref<40x128xi32, #tpu.memory_space<vmem>> -> memref<1x128xi32, #tpu.memory_space<vmem>>
      %dma_start3A_74 = tpu.memref_squeeze %dma_start3A_73 : memref<1x128xi32, #tpu.memory_space<vmem>> -> memref<128xi32, #tpu.memory_space<vmem>>
      %dma_start3A_75 = arith.constant 0 : i32
      %dma_start3A_76 = arith.constant 0 : i32
      %dma_start3A_77 = tpu.memref_slice %arg11[%dma_start3A_75, %dma_start3A_76] : memref<10112x128xf32, #tpu.memory_space<vmem_shared>> -> memref<10112x128xf32, #tpu.memory_space<vmem_shared>>
      tpu.enqueue_indirect_dma source(%arg10 : memref<128x128xf32, #tpu.memory_space<vmem>>) target(%dma_start3A_77 : memref<10112x128xf32, #tpu.memory_space<vmem_shared>>) offsets(%dma_start3A_74 : memref<128xi32, #tpu.memory_space<vmem>>) semaphore(%arg15 : memref<!tpu.dma_semaphore, #tpu.memory_space<semaphore_mem>>) {add = true}
      %dma_wait3A_78 = arith.constant 39 : i32
      %dma_wait3A_79 = arith.constant 0 : i32
      %dma_wait3A_80 = tpu.memref_slice %arg8[%dma_wait3A_78, %dma_wait3A_79] : memref<40x128xi32, #tpu.memory_space<vmem>> -> memref<1x128xi32, #tpu.memory_space<vmem>>
      %dma_wait3A_81 = tpu.memref_squeeze %dma_wait3A_80 : memref<1x128xi32, #tpu.memory_space<vmem>> -> memref<128xi32, #tpu.memory_space<vmem>>
      %dma_wait3A_82 = arith.constant 0 : i32
      %dma_wait3A_83 = arith.constant 0 : i32
      %dma_wait3A_84 = tpu.memref_slice %arg11[%dma_wait3A_82, %dma_wait3A_83] : memref<10112x128xf32, #tpu.memory_space<vmem_shared>> -> memref<10112x128xf32, #tpu.memory_space<vmem_shared>>
      tpu.wait_indirect_dma semaphore(%arg15 : memref<!tpu.dma_semaphore, #tpu.memory_space<semaphore_mem>>) src(%arg10 : memref<128x128xf32, #tpu.memory_space<vmem>>) dst(%dma_wait3A_84 : memref<10112x128xf32, #tpu.memory_space<vmem_shared>>)
      %add3A_85 = arith.constant 40 : i32
      %add3A_86 = arith.addi %add3A_23, %add3A_85 : i32
      "tpu.region"() ({
        %run_scoped3A = tpu.sem_alloc : memref<!tpu.dma_semaphore, #tpu.memory_space<semaphore_mem>>
        %dma_start3A_149 = arith.constant 0 : i32
        %dma_start3A_150 = arith.constant 0 : i32
        %dma_start3A_151 = tpu.memref_slice %arg7[%dma_start3A_149, %dma_start3A_150] : memref<40x128xi32, #tpu.memory_space<vmem>> -> memref<40x128xi32, #tpu.memory_space<vmem>>
        %dma_start3A_152 = arith.constant 0 : i32
        %dma_start3A_153 = tpu.memref_slice %arg3[%add3A_86, %dma_start3A_152] : memref<2560x128xi32, #tpu.memory_space<hbm>> -> memref<40x128xi32, #tpu.memory_space<hbm>>
        %dma_start3A_154 = arith.constant 0 : i32
        %dma_start3A_155 = arith.constant 0 : i32
        %dma_start3A_156 = tpu.memref_slice %arg7[%dma_start3A_154, %dma_start3A_155] : memref<40x128xi32, #tpu.memory_space<vmem>> -> memref<40x128xi32, #tpu.memory_space<vmem>>
        %dma_start3A_157 = arith.constant 0 : i32
        %dma_start3A_158 = tpu.memref_slice %arg3[%add3A_86, %dma_start3A_157] : memref<2560x128xi32, #tpu.memory_space<hbm>> -> memref<40x128xi32, #tpu.memory_space<hbm>>
        tpu.enqueue_dma source(%dma_start3A_158 : memref<40x128xi32, #tpu.memory_space<hbm>>) target(%dma_start3A_156 : memref<40x128xi32, #tpu.memory_space<vmem>>) target_semaphore(%run_scoped3A : memref<!tpu.dma_semaphore, #tpu.memory_space<semaphore_mem>>)
        %dma_wait3A_159 = arith.constant 0 : i32
        %dma_wait3A_160 = arith.constant 0 : i32
        %dma_wait3A_161 = tpu.memref_slice %arg7[%dma_wait3A_159, %dma_wait3A_160] : memref<40x128xi32, #tpu.memory_space<vmem>> -> memref<40x128xi32, #tpu.memory_space<vmem>>
        %dma_wait3A_162 = arith.constant 0 : i32
        %dma_wait3A_163 = tpu.memref_slice %arg3[%add3A_86, %dma_wait3A_162] : memref<2560x128xi32, #tpu.memory_space<hbm>> -> memref<40x128xi32, #tpu.memory_space<hbm>>
        %dma_wait3A_164 = arith.constant 0 : i32
        %dma_wait3A_165 = arith.constant 0 : i32
        %dma_wait3A_166 = tpu.memref_slice %arg7[%dma_wait3A_164, %dma_wait3A_165] : memref<40x128xi32, #tpu.memory_space<vmem>> -> memref<40x128xi32, #tpu.memory_space<vmem>>
        %dma_wait3A_167 = arith.constant 0 : i32
        %dma_wait3A_168 = tpu.memref_slice %arg3[%add3A_86, %dma_wait3A_167] : memref<2560x128xi32, #tpu.memory_space<hbm>> -> memref<40x128xi32, #tpu.memory_space<hbm>>
        tpu.wait_dma2 semaphore(%run_scoped3A : memref<!tpu.dma_semaphore, #tpu.memory_space<semaphore_mem>>) src(%dma_wait3A_168 : memref<40x128xi32, #tpu.memory_space<hbm>>) dst(%dma_wait3A_166 : memref<40x128xi32, #tpu.memory_space<vmem>>)
        tpu.yield
      }) : () -> ()
      "tpu.region"() ({
        %run_scoped3A = tpu.sem_alloc : memref<!tpu.dma_semaphore, #tpu.memory_space<semaphore_mem>>
        %dma_start3A_149 = arith.constant 0 : i32
        %dma_start3A_150 = arith.constant 0 : i32
        %dma_start3A_151 = tpu.memref_slice %arg8[%dma_start3A_149, %dma_start3A_150] : memref<40x128xi32, #tpu.memory_space<vmem>> -> memref<40x128xi32, #tpu.memory_space<vmem>>
        %dma_start3A_152 = arith.constant 0 : i32
        %dma_start3A_153 = tpu.memref_slice %arg4[%add3A_86, %dma_start3A_152] : memref<2560x128xi32, #tpu.memory_space<hbm>> -> memref<40x128xi32, #tpu.memory_space<hbm>>
        %dma_start3A_154 = arith.constant 0 : i32
        %dma_start3A_155 = arith.constant 0 : i32
        %dma_start3A_156 = tpu.memref_slice %arg8[%dma_start3A_154, %dma_start3A_155] : memref<40x128xi32, #tpu.memory_space<vmem>> -> memref<40x128xi32, #tpu.memory_space<vmem>>
        %dma_start3A_157 = arith.constant 0 : i32
        %dma_start3A_158 = tpu.memref_slice %arg4[%add3A_86, %dma_start3A_157] : memref<2560x128xi32, #tpu.memory_space<hbm>> -> memref<40x128xi32, #tpu.memory_space<hbm>>
        tpu.enqueue_dma source(%dma_start3A_158 : memref<40x128xi32, #tpu.memory_space<hbm>>) target(%dma_start3A_156 : memref<40x128xi32, #tpu.memory_space<vmem>>) target_semaphore(%run_scoped3A : memref<!tpu.dma_semaphore, #tpu.memory_space<semaphore_mem>>)
        %dma_wait3A_159 = arith.constant 0 : i32
        %dma_wait3A_160 = arith.constant 0 : i32
        %dma_wait3A_161 = tpu.memref_slice %arg8[%dma_wait3A_159, %dma_wait3A_160] : memref<40x128xi32, #tpu.memory_space<vmem>> -> memref<40x128xi32, #tpu.memory_space<vmem>>
        %dma_wait3A_162 = arith.constant 0 : i32
        %dma_wait3A_163 = tpu.memref_slice %arg4[%add3A_86, %dma_wait3A_162] : memref<2560x128xi32, #tpu.memory_space<hbm>> -> memref<40x128xi32, #tpu.memory_space<hbm>>
        %dma_wait3A_164 = arith.constant 0 : i32
        %dma_wait3A_165 = arith.constant 0 : i32
        %dma_wait3A_166 = tpu.memref_slice %arg8[%dma_wait3A_164, %dma_wait3A_165] : memref<40x128xi32, #tpu.memory_space<vmem>> -> memref<40x128xi32, #tpu.memory_space<vmem>>
        %dma_wait3A_167 = arith.constant 0 : i32
        %dma_wait3A_168 = tpu.memref_slice %arg4[%add3A_86, %dma_wait3A_167] : memref<2560x128xi32, #tpu.memory_space<hbm>> -> memref<40x128xi32, #tpu.memory_space<hbm>>
        tpu.wait_dma2 semaphore(%run_scoped3A : memref<!tpu.dma_semaphore, #tpu.memory_space<semaphore_mem>>) src(%dma_wait3A_168 : memref<40x128xi32, #tpu.memory_space<hbm>>) dst(%dma_wait3A_166 : memref<40x128xi32, #tpu.memory_space<vmem>>)
        tpu.yield
      }) : () -> ()
      %dma_start3A_87 = arith.constant 0 : i32
      %dma_start3A_88 = arith.constant 0 : i32
      %dma_start3A_89 = tpu.memref_slice %arg7[%dma_start3A_87, %dma_start3A_88] : memref<40x128xi32, #tpu.memory_space<vmem>> -> memref<1x128xi32, #tpu.memory_space<vmem>>
      %dma_start3A_90 = tpu.memref_squeeze %dma_start3A_89 : memref<1x128xi32, #tpu.memory_space<vmem>> -> memref<128xi32, #tpu.memory_space<vmem>>
      %dma_start3A_91 = arith.constant 0 : i32
      %dma_start3A_92 = arith.constant 0 : i32
      %dma_start3A_93 = tpu.memref_slice %arg2[%dma_start3A_91, %dma_start3A_92] : memref<10112x128xf32, #tpu.memory_space<hbm>> -> memref<10112x128xf32, #tpu.memory_space<hbm>>
      tpu.enqueue_indirect_dma source(%dma_start3A_93 : memref<10112x128xf32, #tpu.memory_space<hbm>>) target(%arg9 : memref<128x128xf32, #tpu.memory_space<vmem>>) offsets(%dma_start3A_90 : memref<128xi32, #tpu.memory_space<vmem>>) semaphore(%arg12 : memref<!tpu.dma_semaphore, #tpu.memory_space<semaphore_mem>>)
      %dma_start3A_94 = arith.constant 1 : i32
      %dma_start3A_95 = arith.constant 0 : i32
      %dma_start3A_96 = tpu.memref_slice %arg7[%dma_start3A_94, %dma_start3A_95] : memref<40x128xi32, #tpu.memory_space<vmem>> -> memref<1x128xi32, #tpu.memory_space<vmem>>
      %dma_start3A_97 = tpu.memref_squeeze %dma_start3A_96 : memref<1x128xi32, #tpu.memory_space<vmem>> -> memref<128xi32, #tpu.memory_space<vmem>>
      %dma_start3A_98 = arith.constant 0 : i32
      %dma_start3A_99 = arith.constant 0 : i32
      %dma_start3A_100 = tpu.memref_slice %arg2[%dma_start3A_98, %dma_start3A_99] : memref<10112x128xf32, #tpu.memory_space<hbm>> -> memref<10112x128xf32, #tpu.memory_space<hbm>>
      tpu.enqueue_indirect_dma source(%dma_start3A_100 : memref<10112x128xf32, #tpu.memory_space<hbm>>) target(%arg10 : memref<128x128xf32, #tpu.memory_space<vmem>>) offsets(%dma_start3A_97 : memref<128xi32, #tpu.memory_space<vmem>>) semaphore(%arg13 : memref<!tpu.dma_semaphore, #tpu.memory_space<semaphore_mem>>)
      %dma_wait3A_101 = arith.constant 0 : i32
      %dma_wait3A_102 = arith.constant 0 : i32
      %dma_wait3A_103 = tpu.memref_slice %arg7[%dma_wait3A_101, %dma_wait3A_102] : memref<40x128xi32, #tpu.memory_space<vmem>> -> memref<1x128xi32, #tpu.memory_space<vmem>>
      %dma_wait3A_104 = tpu.memref_squeeze %dma_wait3A_103 : memref<1x128xi32, #tpu.memory_space<vmem>> -> memref<128xi32, #tpu.memory_space<vmem>>
      %dma_wait3A_105 = arith.constant 0 : i32
      %dma_wait3A_106 = arith.constant 0 : i32
      %dma_wait3A_107 = tpu.memref_slice %arg2[%dma_wait3A_105, %dma_wait3A_106] : memref<10112x128xf32, #tpu.memory_space<hbm>> -> memref<10112x128xf32, #tpu.memory_space<hbm>>
      tpu.wait_indirect_dma semaphore(%arg12 : memref<!tpu.dma_semaphore, #tpu.memory_space<semaphore_mem>>) src(%dma_wait3A_107 : memref<10112x128xf32, #tpu.memory_space<hbm>>) dst(%arg9 : memref<128x128xf32, #tpu.memory_space<vmem>>)
      %dma_start3A_108 = arith.constant 0 : i32
      %dma_start3A_109 = arith.constant 0 : i32
      %dma_start3A_110 = tpu.memref_slice %arg8[%dma_start3A_108, %dma_start3A_109] : memref<40x128xi32, #tpu.memory_space<vmem>> -> memref<1x128xi32, #tpu.memory_space<vmem>>
      %dma_start3A_111 = tpu.memref_squeeze %dma_start3A_110 : memref<1x128xi32, #tpu.memory_space<vmem>> -> memref<128xi32, #tpu.memory_space<vmem>>
      %dma_start3A_112 = arith.constant 0 : i32
      %dma_start3A_113 = arith.constant 0 : i32
      %dma_start3A_114 = tpu.memref_slice %arg11[%dma_start3A_112, %dma_start3A_113] : memref<10112x128xf32, #tpu.memory_space<vmem_shared>> -> memref<10112x128xf32, #tpu.memory_space<vmem_shared>>
      tpu.enqueue_indirect_dma source(%arg9 : memref<128x128xf32, #tpu.memory_space<vmem>>) target(%dma_start3A_114 : memref<10112x128xf32, #tpu.memory_space<vmem_shared>>) offsets(%dma_start3A_111 : memref<128xi32, #tpu.memory_space<vmem>>) semaphore(%arg14 : memref<!tpu.dma_semaphore, #tpu.memory_space<semaphore_mem>>) {add = true}
      %scan3A_115 = arith.constant 0 : i32
      %scan3A_116 = arith.constant 0 : i32
      %scan3A_117 = arith.constant 19 : i32
      %scan3A_118 = arith.addi %scan3A_116, %scan3A_117 : i32
      %scan3A_119 = arith.constant 1 : i32
      scf.for %scan3A_149 = %scan3A_116 to %scan3A_118 step %scan3A_119  : i32 {
        %mul3A_150 = arith.constant 2 : i32
        %mul3A_151 = arith.muli %mul3A_150, %scan3A_149 : i32
        %add3A_152 = arith.constant 1 : i32
        %add3A_153 = arith.addi %mul3A_151, %add3A_152 : i32
        %dma_wait3A_154 = arith.constant 0 : i32
        %dma_wait3A_155 = arith.constant 0 : i32
        %dma_wait3A_156 = tpu.memref_slice %arg8[%dma_wait3A_154, %dma_wait3A_155] : memref<40x128xi32, #tpu.memory_space<vmem>> -> memref<1x128xi32, #tpu.memory_space<vmem>>
        %dma_wait3A_157 = tpu.memref_squeeze %dma_wait3A_156 : memref<1x128xi32, #tpu.memory_space<vmem>> -> memref<128xi32, #tpu.memory_space<vmem>>
        %dma_wait3A_158 = arith.constant 0 : i32
        %dma_wait3A_159 = arith.constant 0 : i32
        %dma_wait3A_160 = tpu.memref_slice %arg11[%dma_wait3A_158, %dma_wait3A_159] : memref<10112x128xf32, #tpu.memory_space<vmem_shared>> -> memref<10112x128xf32, #tpu.memory_space<vmem_shared>>
        tpu.wait_indirect_dma semaphore(%arg14 : memref<!tpu.dma_semaphore, #tpu.memory_space<semaphore_mem>>) src(%arg9 : memref<128x128xf32, #tpu.memory_space<vmem>>) dst(%dma_wait3A_160 : memref<10112x128xf32, #tpu.memory_space<vmem_shared>>)
        %add3A_161 = arith.constant 1 : i32
        %add3A_162 = arith.addi %add3A_153, %add3A_161 : i32
        %dma_start3A_163 = arith.constant 0 : i32
        %dma_start3A_164 = tpu.memref_slice %arg7[%add3A_162, %dma_start3A_163] : memref<40x128xi32, #tpu.memory_space<vmem>> -> memref<1x128xi32, #tpu.memory_space<vmem>>
        %dma_start3A_165 = tpu.memref_squeeze %dma_start3A_164 : memref<1x128xi32, #tpu.memory_space<vmem>> -> memref<128xi32, #tpu.memory_space<vmem>>
        %dma_start3A_166 = arith.constant 0 : i32
        %dma_start3A_167 = arith.constant 0 : i32
        %dma_start3A_168 = tpu.memref_slice %arg2[%dma_start3A_166, %dma_start3A_167] : memref<10112x128xf32, #tpu.memory_space<hbm>> -> memref<10112x128xf32, #tpu.memory_space<hbm>>
        tpu.enqueue_indirect_dma source(%dma_start3A_168 : memref<10112x128xf32, #tpu.memory_space<hbm>>) target(%arg9 : memref<128x128xf32, #tpu.memory_space<vmem>>) offsets(%dma_start3A_165 : memref<128xi32, #tpu.memory_space<vmem>>) semaphore(%arg12 : memref<!tpu.dma_semaphore, #tpu.memory_space<semaphore_mem>>)
        %dma_wait3A_169 = arith.constant 0 : i32
        %dma_wait3A_170 = arith.constant 0 : i32
        %dma_wait3A_171 = tpu.memref_slice %arg7[%dma_wait3A_169, %dma_wait3A_170] : memref<40x128xi32, #tpu.memory_space<vmem>> -> memref<1x128xi32, #tpu.memory_space<vmem>>
        %dma_wait3A_172 = tpu.memref_squeeze %dma_wait3A_171 : memref<1x128xi32, #tpu.memory_space<vmem>> -> memref<128xi32, #tpu.memory_space<vmem>>
        %dma_wait3A_173 = arith.constant 0 : i32
        %dma_wait3A_174 = arith.constant 0 : i32
        %dma_wait3A_175 = tpu.memref_slice %arg2[%dma_wait3A_173, %dma_wait3A_174] : memref<10112x128xf32, #tpu.memory_space<hbm>> -> memref<10112x128xf32, #tpu.memory_space<hbm>>
        tpu.wait_indirect_dma semaphore(%arg13 : memref<!tpu.dma_semaphore, #tpu.memory_space<semaphore_mem>>) src(%dma_wait3A_175 : memref<10112x128xf32, #tpu.memory_space<hbm>>) dst(%arg10 : memref<128x128xf32, #tpu.memory_space<vmem>>)
        %dma_start3A_176 = arith.constant 0 : i32
        %dma_start3A_177 = tpu.memref_slice %arg8[%add3A_153, %dma_start3A_176] : memref<40x128xi32, #tpu.memory_space<vmem>> -> memref<1x128xi32, #tpu.memory_space<vmem>>
        %dma_start3A_178 = tpu.memref_squeeze %dma_start3A_177 : memref<1x128xi32, #tpu.memory_space<vmem>> -> memref<128xi32, #tpu.memory_space<vmem>>
        %dma_start3A_179 = arith.constant 0 : i32
        %dma_start3A_180 = arith.constant 0 : i32
        %dma_start3A_181 = tpu.memref_slice %arg11[%dma_start3A_179, %dma_start3A_180] : memref<10112x128xf32, #tpu.memory_space<vmem_shared>> -> memref<10112x128xf32, #tpu.memory_space<vmem_shared>>
        tpu.enqueue_indirect_dma source(%arg10 : memref<128x128xf32, #tpu.memory_space<vmem>>) target(%dma_start3A_181 : memref<10112x128xf32, #tpu.memory_space<vmem_shared>>) offsets(%dma_start3A_178 : memref<128xi32, #tpu.memory_space<vmem>>) semaphore(%arg15 : memref<!tpu.dma_semaphore, #tpu.memory_space<semaphore_mem>>) {add = true}
        %dma_wait3A_182 = arith.constant 0 : i32
        %dma_wait3A_183 = arith.constant 0 : i32
        %dma_wait3A_184 = tpu.memref_slice %arg8[%dma_wait3A_182, %dma_wait3A_183] : memref<40x128xi32, #tpu.memory_space<vmem>> -> memref<1x128xi32, #tpu.memory_space<vmem>>
        %dma_wait3A_185 = tpu.memref_squeeze %dma_wait3A_184 : memref<1x128xi32, #tpu.memory_space<vmem>> -> memref<128xi32, #tpu.memory_space<vmem>>
        %dma_wait3A_186 = arith.constant 0 : i32
        %dma_wait3A_187 = arith.constant 0 : i32
        %dma_wait3A_188 = tpu.memref_slice %arg11[%dma_wait3A_186, %dma_wait3A_187] : memref<10112x128xf32, #tpu.memory_space<vmem_shared>> -> memref<10112x128xf32, #tpu.memory_space<vmem_shared>>
        tpu.wait_indirect_dma semaphore(%arg15 : memref<!tpu.dma_semaphore, #tpu.memory_space<semaphore_mem>>) src(%arg10 : memref<128x128xf32, #tpu.memory_space<vmem>>) dst(%dma_wait3A_188 : memref<10112x128xf32, #tpu.memory_space<vmem_shared>>)
        %add3A_189 = arith.constant 2 : i32
        %add3A_190 = arith.addi %add3A_153, %add3A_189 : i32
        %dma_start3A_191 = arith.constant 0 : i32
        %dma_start3A_192 = tpu.memref_slice %arg7[%add3A_190, %dma_start3A_191] : memref<40x128xi32, #tpu.memory_space<vmem>> -> memref<1x128xi32, #tpu.memory_space<vmem>>
        %dma_start3A_193 = tpu.memref_squeeze %dma_start3A_192 : memref<1x128xi32, #tpu.memory_space<vmem>> -> memref<128xi32, #tpu.memory_space<vmem>>
        %dma_start3A_194 = arith.constant 0 : i32
        %dma_start3A_195 = arith.constant 0 : i32
        %dma_start3A_196 = tpu.memref_slice %arg2[%dma_start3A_194, %dma_start3A_195] : memref<10112x128xf32, #tpu.memory_space<hbm>> -> memref<10112x128xf32, #tpu.memory_space<hbm>>
        tpu.enqueue_indirect_dma source(%dma_start3A_196 : memref<10112x128xf32, #tpu.memory_space<hbm>>) target(%arg10 : memref<128x128xf32, #tpu.memory_space<vmem>>) offsets(%dma_start3A_193 : memref<128xi32, #tpu.memory_space<vmem>>) semaphore(%arg13 : memref<!tpu.dma_semaphore, #tpu.memory_space<semaphore_mem>>)
        %dma_wait3A_197 = arith.constant 0 : i32
        %dma_wait3A_198 = arith.constant 0 : i32
        %dma_wait3A_199 = tpu.memref_slice %arg7[%dma_wait3A_197, %dma_wait3A_198] : memref<40x128xi32, #tpu.memory_space<vmem>> -> memref<1x128xi32, #tpu.memory_space<vmem>>
        %dma_wait3A_200 = tpu.memref_squeeze %dma_wait3A_199 : memref<1x128xi32, #tpu.memory_space<vmem>> -> memref<128xi32, #tpu.memory_space<vmem>>
        %dma_wait3A_201 = arith.constant 0 : i32
        %dma_wait3A_202 = arith.constant 0 : i32
        %dma_wait3A_203 = tpu.memref_slice %arg2[%dma_wait3A_201, %dma_wait3A_202] : memref<10112x128xf32, #tpu.memory_space<hbm>> -> memref<10112x128xf32, #tpu.memory_space<hbm>>
        tpu.wait_indirect_dma semaphore(%arg12 : memref<!tpu.dma_semaphore, #tpu.memory_space<semaphore_mem>>) src(%dma_wait3A_203 : memref<10112x128xf32, #tpu.memory_space<hbm>>) dst(%arg9 : memref<128x128xf32, #tpu.memory_space<vmem>>)
        %add3A_204 = arith.constant 1 : i32
        %add3A_205 = arith.addi %add3A_153, %add3A_204 : i32
        %dma_start3A_206 = arith.constant 0 : i32
        %dma_start3A_207 = tpu.memref_slice %arg8[%add3A_205, %dma_start3A_206] : memref<40x128xi32, #tpu.memory_space<vmem>> -> memref<1x128xi32, #tpu.memory_space<vmem>>
        %dma_start3A_208 = tpu.memref_squeeze %dma_start3A_207 : memref<1x128xi32, #tpu.memory_space<vmem>> -> memref<128xi32, #tpu.memory_space<vmem>>
        %dma_start3A_209 = arith.constant 0 : i32
        %dma_start3A_210 = arith.constant 0 : i32
        %dma_start3A_211 = tpu.memref_slice %arg11[%dma_start3A_209, %dma_start3A_210] : memref<10112x128xf32, #tpu.memory_space<vmem_shared>> -> memref<10112x128xf32, #tpu.memory_space<vmem_shared>>
        tpu.enqueue_indirect_dma source(%arg9 : memref<128x128xf32, #tpu.memory_space<vmem>>) target(%dma_start3A_211 : memref<10112x128xf32, #tpu.memory_space<vmem_shared>>) offsets(%dma_start3A_208 : memref<128xi32, #tpu.memory_space<vmem>>) semaphore(%arg14 : memref<!tpu.dma_semaphore, #tpu.memory_space<semaphore_mem>>) {add = true}
      }
      %scan3A_120 = arith.constant 19 : i32
      %dma_wait3A_121 = arith.constant 0 : i32
      %dma_wait3A_122 = arith.constant 0 : i32
      %dma_wait3A_123 = tpu.memref_slice %arg8[%dma_wait3A_121, %dma_wait3A_122] : memref<40x128xi32, #tpu.memory_space<vmem>> -> memref<1x128xi32, #tpu.memory_space<vmem>>
      %dma_wait3A_124 = tpu.memref_squeeze %dma_wait3A_123 : memref<1x128xi32, #tpu.memory_space<vmem>> -> memref<128xi32, #tpu.memory_space<vmem>>
      %dma_wait3A_125 = arith.constant 0 : i32
      %dma_wait3A_126 = arith.constant 0 : i32
      %dma_wait3A_127 = tpu.memref_slice %arg11[%dma_wait3A_125, %dma_wait3A_126] : memref<10112x128xf32, #tpu.memory_space<vmem_shared>> -> memref<10112x128xf32, #tpu.memory_space<vmem_shared>>
      tpu.wait_indirect_dma semaphore(%arg14 : memref<!tpu.dma_semaphore, #tpu.memory_space<semaphore_mem>>) src(%arg9 : memref<128x128xf32, #tpu.memory_space<vmem>>) dst(%dma_wait3A_127 : memref<10112x128xf32, #tpu.memory_space<vmem_shared>>)
      %dma_wait3A_128 = arith.constant 0 : i32
      %dma_wait3A_129 = arith.constant 0 : i32
      %dma_wait3A_130 = tpu.memref_slice %arg7[%dma_wait3A_128, %dma_wait3A_129] : memref<40x128xi32, #tpu.memory_space<vmem>> -> memref<1x128xi32, #tpu.memory_space<vmem>>
      %dma_wait3A_131 = tpu.memref_squeeze %dma_wait3A_130 : memref<1x128xi32, #tpu.memory_space<vmem>> -> memref<128xi32, #tpu.memory_space<vmem>>
      %dma_wait3A_132 = arith.constant 0 : i32
      %dma_wait3A_133 = arith.constant 0 : i32
      %dma_wait3A_134 = tpu.memref_slice %arg2[%dma_wait3A_132, %dma_wait3A_133] : memref<10112x128xf32, #tpu.memory_space<hbm>> -> memref<10112x128xf32, #tpu.memory_space<hbm>>
      tpu.wait_indirect_dma semaphore(%arg13 : memref<!tpu.dma_semaphore, #tpu.memory_space<semaphore_mem>>) src(%dma_wait3A_134 : memref<10112x128xf32, #tpu.memory_space<hbm>>) dst(%arg10 : memref<128x128xf32, #tpu.memory_space<vmem>>)
      %dma_start3A_135 = arith.constant 39 : i32
      %dma_start3A_136 = arith.constant 0 : i32
      %dma_start3A_137 = tpu.memref_slice %arg8[%dma_start3A_135, %dma_start3A_136] : memref<40x128xi32, #tpu.memory_space<vmem>> -> memref<1x128xi32, #tpu.memory_space<vmem>>
      %dma_start3A_138 = tpu.memref_squeeze %dma_start3A_137 : memref<1x128xi32, #tpu.memory_space<vmem>> -> memref<128xi32, #tpu.memory_space<vmem>>
      %dma_start3A_139 = arith.constant 0 : i32
      %dma_start3A_140 = arith.constant 0 : i32
      %dma_start3A_141 = tpu.memref_slice %arg11[%dma_start3A_139, %dma_start3A_140] : memref<10112x128xf32, #tpu.memory_space<vmem_shared>> -> memref<10112x128xf32, #tpu.memory_space<vmem_shared>>
      tpu.enqueue_indirect_dma source(%arg10 : memref<128x128xf32, #tpu.memory_space<vmem>>) target(%dma_start3A_141 : memref<10112x128xf32, #tpu.memory_space<vmem_shared>>) offsets(%dma_start3A_138 : memref<128xi32, #tpu.memory_space<vmem>>) semaphore(%arg15 : memref<!tpu.dma_semaphore, #tpu.memory_space<semaphore_mem>>) {add = true}
      %dma_wait3A_142 = arith.constant 39 : i32
      %dma_wait3A_143 = arith.constant 0 : i32
      %dma_wait3A_144 = tpu.memref_slice %arg8[%dma_wait3A_142, %dma_wait3A_143] : memref<40x128xi32, #tpu.memory_space<vmem>> -> memref<1x128xi32, #tpu.memory_space<vmem>>
      %dma_wait3A_145 = tpu.memref_squeeze %dma_wait3A_144 : memref<1x128xi32, #tpu.memory_space<vmem>> -> memref<128xi32, #tpu.memory_space<vmem>>
      %dma_wait3A_146 = arith.constant 0 : i32
      %dma_wait3A_147 = arith.constant 0 : i32
      %dma_wait3A_148 = tpu.memref_slice %arg11[%dma_wait3A_146, %dma_wait3A_147] : memref<10112x128xf32, #tpu.memory_space<vmem_shared>> -> memref<10112x128xf32, #tpu.memory_space<vmem_shared>>
      tpu.wait_indirect_dma semaphore(%arg15 : memref<!tpu.dma_semaphore, #tpu.memory_space<semaphore_mem>>) src(%arg10 : memref<128x128xf32, #tpu.memory_space<vmem>>) dst(%dma_wait3A_148 : memref<10112x128xf32, #tpu.memory_space<vmem_shared>>)
    } else {
    }
    %barrier3A_17 = arith.constant 0 : index
    tpu.barrier barrier_id(%barrier3A_17)
    %mul3A = arith.constant 632 : i32
    %mul3A_18 = arith.muli %arg1, %mul3A : i32
    %mul3A_19 = arith.constant 632 : i32
    %mul3A_20 = arith.muli %arg1, %mul3A_19 : i32
    "tpu.region"() ({
      %run_scoped3A = tpu.sem_alloc : memref<!tpu.dma_semaphore, #tpu.memory_space<semaphore_mem>>
      %dma_start3A = arith.constant 0 : i32
      %dma_start3A_21 = tpu.memref_slice %arg6[%arg0, %mul3A_20, %dma_start3A] : memref<2x10112x128xf32, #tpu.memory_space<hbm>> -> memref<1x632x128xf32, #tpu.memory_space<hbm>>
      %dma_start3A_22 = tpu.memref_squeeze %dma_start3A_21 : memref<1x632x128xf32, #tpu.memory_space<hbm>> -> memref<632x128xf32, #tpu.memory_space<hbm>>
      %dma_start3A_23 = arith.constant 0 : i32
      %dma_start3A_24 = tpu.memref_slice %arg11[%mul3A_18, %dma_start3A_23] : memref<10112x128xf32, #tpu.memory_space<vmem_shared>> -> memref<632x128xf32, #tpu.memory_space<vmem_shared>>
      tpu.enqueue_dma source(%dma_start3A_24 : memref<632x128xf32, #tpu.memory_space<vmem_shared>>) target(%dma_start3A_22 : memref<632x128xf32, #tpu.memory_space<hbm>>) target_semaphore(%run_scoped3A : memref<!tpu.dma_semaphore, #tpu.memory_space<semaphore_mem>>)
      %dma_wait3A = arith.constant 0 : i32
      %dma_wait3A_25 = tpu.memref_slice %arg6[%arg0, %mul3A_20, %dma_wait3A] : memref<2x10112x128xf32, #tpu.memory_space<hbm>> -> memref<1x632x128xf32, #tpu.memory_space<hbm>>
      %dma_wait3A_26 = tpu.memref_squeeze %dma_wait3A_25 : memref<1x632x128xf32, #tpu.memory_space<hbm>> -> memref<632x128xf32, #tpu.memory_space<hbm>>
      %dma_wait3A_27 = arith.constant 0 : i32
      %dma_wait3A_28 = tpu.memref_slice %arg11[%mul3A_18, %dma_wait3A_27] : memref<10112x128xf32, #tpu.memory_space<vmem_shared>> -> memref<632x128xf32, #tpu.memory_space<vmem_shared>>
      tpu.wait_dma2 semaphore(%run_scoped3A : memref<!tpu.dma_semaphore, #tpu.memory_space<semaphore_mem>>) src(%dma_wait3A_28 : memref<632x128xf32, #tpu.memory_space<vmem_shared>>) dst(%dma_wait3A_26 : memref<632x128xf32, #tpu.memory_space<hbm>>)
      tpu.yield
    }) : () -> ()
    return
  }
}

#map = affine_map<(d0, d1) -> (0, 0)>
#map1 = affine_map<(d0, d1) -> (0)>
module attributes {stable_mosaic.version = 14 : i64} {
  func.func @_deg_kernel(%arg0: i32, %arg1: i32, %arg2: memref<2560x128xi32, #tpu.memory_space<hbm>>, %arg3: memref<10240xf32, #tpu.memory_space<hbm>>, %arg4: memref<2x10240xf32, #tpu.memory_space<hbm>>, %arg5: memref<80x128xi32, #tpu.memory_space<vmem>>, %arg6: memref<128xf32, #tpu.memory_space<vmem>>, %arg7: memref<10240xf32, #tpu.memory_space<vmem_shared>>, %arg8: memref<!tpu.dma_semaphore, #tpu.memory_space<semaphore_mem>>, %arg9: memref<!tpu.dma_semaphore, #tpu.memory_space<semaphore_mem>>) attributes {dimension_semantics = [#tpu.dimension_semantics<core_parallel>, #tpu.dimension_semantics<subcore_parallel>], iteration_bounds = array<i64: 2, 16>, scalar_prefetch = 0 : i64, scratch_operands = 5 : i64, tpu.core_type = #tpu.core_type<sc_vector_subcore>, window_params = [{transform_indices = #map}, {transform_indices = #map1}, {transform_indices = #map}]} {
    %broadcast_in_dim3A = arith.constant 1.000000e+00 : f32
    %broadcast_in_dim3A_0 = vector.broadcast %broadcast_in_dim3A : f32 to vector<16xf32>
    %swap3A = arith.constant 0 : index
    %swap3A_1 = tpu.vector_load %arg6[%swap3A] {strides = array<i32>} : memref<128xf32, #tpu.memory_space<vmem>>, vector<16xf32>,
    %swap3A_2 = vector.shape_cast %swap3A_1 : vector<16xf32> to vector<16xf32>
    %swap3A_3 = vector.shape_cast %broadcast_in_dim3A_0 : vector<16xf32> to vector<16xf32>
    tpu.vector_store %arg6[%swap3A], %swap3A_3 {strides = array<i32>} : memref<128xf32, #tpu.memory_space<vmem>>, vector<16xf32>,
    %broadcast_in_dim3A_4 = arith.constant 1.000000e+00 : f32
    %broadcast_in_dim3A_5 = vector.broadcast %broadcast_in_dim3A_4 : f32 to vector<16xf32>
    %swap3A_6 = arith.constant 16 : index
    %swap3A_7 = tpu.vector_load %arg6[%swap3A_6] {strides = array<i32>} : memref<128xf32, #tpu.memory_space<vmem>>, vector<16xf32>,
    %swap3A_8 = vector.shape_cast %swap3A_7 : vector<16xf32> to vector<16xf32>
    %swap3A_9 = vector.shape_cast %broadcast_in_dim3A_5 : vector<16xf32> to vector<16xf32>
    tpu.vector_store %arg6[%swap3A_6], %swap3A_9 {strides = array<i32>} : memref<128xf32, #tpu.memory_space<vmem>>, vector<16xf32>,
    %broadcast_in_dim3A_10 = arith.constant 1.000000e+00 : f32
    %broadcast_in_dim3A_11 = vector.broadcast %broadcast_in_dim3A_10 : f32 to vector<16xf32>
    %swap3A_12 = arith.constant 32 : index
    %swap3A_13 = tpu.vector_load %arg6[%swap3A_12] {strides = array<i32>} : memref<128xf32, #tpu.memory_space<vmem>>, vector<16xf32>,
    %swap3A_14 = vector.shape_cast %swap3A_13 : vector<16xf32> to vector<16xf32>
    %swap3A_15 = vector.shape_cast %broadcast_in_dim3A_11 : vector<16xf32> to vector<16xf32>
    tpu.vector_store %arg6[%swap3A_12], %swap3A_15 {strides = array<i32>} : memref<128xf32, #tpu.memory_space<vmem>>, vector<16xf32>,
    %broadcast_in_dim3A_16 = arith.constant 1.000000e+00 : f32
    %broadcast_in_dim3A_17 = vector.broadcast %broadcast_in_dim3A_16 : f32 to vector<16xf32>
    %swap3A_18 = arith.constant 48 : index
    %swap3A_19 = tpu.vector_load %arg6[%swap3A_18] {strides = array<i32>} : memref<128xf32, #tpu.memory_space<vmem>>, vector<16xf32>,
    %swap3A_20 = vector.shape_cast %swap3A_19 : vector<16xf32> to vector<16xf32>
    %swap3A_21 = vector.shape_cast %broadcast_in_dim3A_17 : vector<16xf32> to vector<16xf32>
    tpu.vector_store %arg6[%swap3A_18], %swap3A_21 {strides = array<i32>} : memref<128xf32, #tpu.memory_space<vmem>>, vector<16xf32>,
    %broadcast_in_dim3A_22 = arith.constant 1.000000e+00 : f32
    %broadcast_in_dim3A_23 = vector.broadcast %broadcast_in_dim3A_22 : f32 to vector<16xf32>
    %swap3A_24 = arith.constant 64 : index
    %swap3A_25 = tpu.vector_load %arg6[%swap3A_24] {strides = array<i32>} : memref<128xf32, #tpu.memory_space<vmem>>, vector<16xf32>,
    %swap3A_26 = vector.shape_cast %swap3A_25 : vector<16xf32> to vector<16xf32>
    %swap3A_27 = vector.shape_cast %broadcast_in_dim3A_23 : vector<16xf32> to vector<16xf32>
    tpu.vector_store %arg6[%swap3A_24], %swap3A_27 {strides = array<i32>} : memref<128xf32, #tpu.memory_space<vmem>>, vector<16xf32>,
    %broadcast_in_dim3A_28 = arith.constant 1.000000e+00 : f32
    %broadcast_in_dim3A_29 = vector.broadcast %broadcast_in_dim3A_28 : f32 to vector<16xf32>
    %swap3A_30 = arith.constant 80 : index
    %swap3A_31 = tpu.vector_load %arg6[%swap3A_30] {strides = array<i32>} : memref<128xf32, #tpu.memory_space<vmem>>, vector<16xf32>,
    %swap3A_32 = vector.shape_cast %swap3A_31 : vector<16xf32> to vector<16xf32>
    %swap3A_33 = vector.shape_cast %broadcast_in_dim3A_29 : vector<16xf32> to vector<16xf32>
    tpu.vector_store %arg6[%swap3A_30], %swap3A_33 {strides = array<i32>} : memref<128xf32, #tpu.memory_space<vmem>>, vector<16xf32>,
    %broadcast_in_dim3A_34 = arith.constant 1.000000e+00 : f32
    %broadcast_in_dim3A_35 = vector.broadcast %broadcast_in_dim3A_34 : f32 to vector<16xf32>
    %swap3A_36 = arith.constant 96 : index
    %swap3A_37 = tpu.vector_load %arg6[%swap3A_36] {strides = array<i32>} : memref<128xf32, #tpu.memory_space<vmem>>, vector<16xf32>,
    %swap3A_38 = vector.shape_cast %swap3A_37 : vector<16xf32> to vector<16xf32>
    %swap3A_39 = vector.shape_cast %broadcast_in_dim3A_35 : vector<16xf32> to vector<16xf32>
    tpu.vector_store %arg6[%swap3A_36], %swap3A_39 {strides = array<i32>} : memref<128xf32, #tpu.memory_space<vmem>>, vector<16xf32>,
    %broadcast_in_dim3A_40 = arith.constant 1.000000e+00 : f32
    %broadcast_in_dim3A_41 = vector.broadcast %broadcast_in_dim3A_40 : f32 to vector<16xf32>
    %swap3A_42 = arith.constant 112 : index
    %swap3A_43 = tpu.vector_load %arg6[%swap3A_42] {strides = array<i32>} : memref<128xf32, #tpu.memory_space<vmem>>, vector<16xf32>,
    %swap3A_44 = vector.shape_cast %swap3A_43 : vector<16xf32> to vector<16xf32>
    %swap3A_45 = vector.shape_cast %broadcast_in_dim3A_41 : vector<16xf32> to vector<16xf32>
    tpu.vector_store %arg6[%swap3A_42], %swap3A_45 {strides = array<i32>} : memref<128xf32, #tpu.memory_space<vmem>>, vector<16xf32>,
    %mul3A = arith.constant 640 : i32
    %mul3A_46 = arith.muli %arg1, %mul3A : i32
    %mul3A_47 = arith.constant 640 : i32
    %mul3A_48 = arith.muli %arg1, %mul3A_47 : i32
    "tpu.region"() ({
      %run_scoped3A = tpu.sem_alloc : memref<!tpu.dma_semaphore, #tpu.memory_space<semaphore_mem>>
      %dma_start3A_85 = tpu.memref_slice %arg7[%mul3A_48] : memref<10240xf32, #tpu.memory_space<vmem_shared>> -> memref<640xf32, #tpu.memory_space<vmem_shared>>
      %dma_start3A_86 = tpu.memref_slice %arg3[%mul3A_46] : memref<10240xf32, #tpu.memory_space<hbm>> -> memref<640xf32, #tpu.memory_space<hbm>>
      tpu.enqueue_dma source(%dma_start3A_86 : memref<640xf32, #tpu.memory_space<hbm>>) target(%dma_start3A_85 : memref<640xf32, #tpu.memory_space<vmem_shared>>) target_semaphore(%run_scoped3A : memref<!tpu.dma_semaphore, #tpu.memory_space<semaphore_mem>>)
      %dma_wait3A_87 = tpu.memref_slice %arg7[%mul3A_48] : memref<10240xf32, #tpu.memory_space<vmem_shared>> -> memref<640xf32, #tpu.memory_space<vmem_shared>>
      %dma_wait3A_88 = tpu.memref_slice %arg3[%mul3A_46] : memref<10240xf32, #tpu.memory_space<hbm>> -> memref<640xf32, #tpu.memory_space<hbm>>
      tpu.wait_dma2 semaphore(%run_scoped3A : memref<!tpu.dma_semaphore, #tpu.memory_space<semaphore_mem>>) src(%dma_wait3A_88 : memref<640xf32, #tpu.memory_space<hbm>>) dst(%dma_wait3A_87 : memref<640xf32, #tpu.memory_space<vmem_shared>>)
      tpu.yield
    }) : () -> ()
    %mul3A_49 = arith.constant 16 : i32
    %mul3A_50 = arith.muli %arg0, %mul3A_49 : i32
    %add3A = arith.addi %mul3A_50, %arg1 : i32
    %mul3A_51 = arith.constant 80 : i32
    %mul3A_52 = arith.muli %add3A, %mul3A_51 : i32
    "tpu.region"() ({
      %run_scoped3A = tpu.sem_alloc : memref<!tpu.dma_semaphore, #tpu.memory_space<semaphore_mem>>
      %dma_start3A_85 = arith.constant 0 : i32
      %dma_start3A_86 = tpu.memref_slice %arg2[%mul3A_52, %dma_start3A_85] : memref<2560x128xi32, #tpu.memory_space<hbm>> -> memref<80x128xi32, #tpu.memory_space<hbm>>
      %dma_start3A_87 = arith.constant 0 : i32
      %dma_start3A_88 = tpu.memref_slice %arg2[%mul3A_52, %dma_start3A_87] : memref<2560x128xi32, #tpu.memory_space<hbm>> -> memref<80x128xi32, #tpu.memory_space<hbm>>
      tpu.enqueue_dma source(%dma_start3A_88 : memref<80x128xi32, #tpu.memory_space<hbm>>) target(%arg5 : memref<80x128xi32, #tpu.memory_space<vmem>>) target_semaphore(%run_scoped3A : memref<!tpu.dma_semaphore, #tpu.memory_space<semaphore_mem>>)
      %dma_wait3A_89 = arith.constant 0 : i32
      %dma_wait3A_90 = tpu.memref_slice %arg2[%mul3A_52, %dma_wait3A_89] : memref<2560x128xi32, #tpu.memory_space<hbm>> -> memref<80x128xi32, #tpu.memory_space<hbm>>
      %dma_wait3A_91 = arith.constant 0 : i32
      %dma_wait3A_92 = tpu.memref_slice %arg2[%mul3A_52, %dma_wait3A_91] : memref<2560x128xi32, #tpu.memory_space<hbm>> -> memref<80x128xi32, #tpu.memory_space<hbm>>
      tpu.wait_dma2 semaphore(%run_scoped3A : memref<!tpu.dma_semaphore, #tpu.memory_space<semaphore_mem>>) src(%dma_wait3A_92 : memref<80x128xi32, #tpu.memory_space<hbm>>) dst(%arg5 : memref<80x128xi32, #tpu.memory_space<vmem>>)
      tpu.yield
    }) : () -> ()
    %barrier3A = arith.constant 0 : index
    tpu.barrier barrier_id(%barrier3A)
    %dma_start3A = arith.constant 0 : i32
    %dma_start3A_53 = arith.constant 0 : i32
    %dma_start3A_54 = tpu.memref_slice %arg5[%dma_start3A, %dma_start3A_53] : memref<80x128xi32, #tpu.memory_space<vmem>> -> memref<1x128xi32, #tpu.memory_space<vmem>>
    %dma_start3A_55 = tpu.memref_squeeze %dma_start3A_54 : memref<1x128xi32, #tpu.memory_space<vmem>> -> memref<128xi32, #tpu.memory_space<vmem>>
    %dma_start3A_56 = arith.constant 0 : i32
    %dma_start3A_57 = tpu.memref_slice %arg7[%dma_start3A_56] : memref<10240xf32, #tpu.memory_space<vmem_shared>> -> memref<10240xf32, #tpu.memory_space<vmem_shared>>
    tpu.enqueue_indirect_dma source(%arg6 : memref<128xf32, #tpu.memory_space<vmem>>) target(%dma_start3A_57 : memref<10240xf32, #tpu.memory_space<vmem_shared>>) offsets(%dma_start3A_55 : memref<128xi32, #tpu.memory_space<vmem>>) semaphore(%arg8 : memref<!tpu.dma_semaphore, #tpu.memory_space<semaphore_mem>>) {add = true}
    %dma_start3A_58 = arith.constant 1 : i32
    %dma_start3A_59 = arith.constant 0 : i32
    %dma_start3A_60 = tpu.memref_slice %arg5[%dma_start3A_58, %dma_start3A_59] : memref<80x128xi32, #tpu.memory_space<vmem>> -> memref<1x128xi32, #tpu.memory_space<vmem>>
    %dma_start3A_61 = tpu.memref_squeeze %dma_start3A_60 : memref<1x128xi32, #tpu.memory_space<vmem>> -> memref<128xi32, #tpu.memory_space<vmem>>
    %dma_start3A_62 = arith.constant 0 : i32
    %dma_start3A_63 = tpu.memref_slice %arg7[%dma_start3A_62] : memref<10240xf32, #tpu.memory_space<vmem_shared>> -> memref<10240xf32, #tpu.memory_space<vmem_shared>>
    tpu.enqueue_indirect_dma source(%arg6 : memref<128xf32, #tpu.memory_space<vmem>>) target(%dma_start3A_63 : memref<10240xf32, #tpu.memory_space<vmem_shared>>) offsets(%dma_start3A_61 : memref<128xi32, #tpu.memory_space<vmem>>) semaphore(%arg9 : memref<!tpu.dma_semaphore, #tpu.memory_space<semaphore_mem>>) {add = true}
    %scan3A = arith.constant 0 : i32
    %scan3A_64 = arith.constant 0 : i32
    %scan3A_65 = arith.constant 39 : i32
    %scan3A_66 = arith.addi %scan3A_64, %scan3A_65 : i32
    %scan3A_67 = arith.constant 1 : i32
    scf.for %scan3A_85 = %scan3A_64 to %scan3A_66 step %scan3A_67  : i32 {
      %mul3A_86 = arith.constant 2 : i32
      %mul3A_87 = arith.muli %mul3A_86, %scan3A_85 : i32
      %add3A_88 = arith.constant 2 : i32
      %add3A_89 = arith.addi %mul3A_87, %add3A_88 : i32
      %dma_wait3A_90 = arith.constant 0 : i32
      %dma_wait3A_91 = arith.constant 0 : i32
      %dma_wait3A_92 = tpu.memref_slice %arg5[%dma_wait3A_90, %dma_wait3A_91] : memref<80x128xi32, #tpu.memory_space<vmem>> -> memref<1x128xi32, #tpu.memory_space<vmem>>
      %dma_wait3A_93 = tpu.memref_squeeze %dma_wait3A_92 : memref<1x128xi32, #tpu.memory_space<vmem>> -> memref<128xi32, #tpu.memory_space<vmem>>
      %dma_wait3A_94 = arith.constant 0 : i32
      %dma_wait3A_95 = tpu.memref_slice %arg7[%dma_wait3A_94] : memref<10240xf32, #tpu.memory_space<vmem_shared>> -> memref<10240xf32, #tpu.memory_space<vmem_shared>>
      tpu.wait_indirect_dma semaphore(%arg8 : memref<!tpu.dma_semaphore, #tpu.memory_space<semaphore_mem>>) src(%arg6 : memref<128xf32, #tpu.memory_space<vmem>>) dst(%dma_wait3A_95 : memref<10240xf32, #tpu.memory_space<vmem_shared>>)
      %dma_start3A_96 = arith.constant 0 : i32
      %dma_start3A_97 = tpu.memref_slice %arg5[%add3A_89, %dma_start3A_96] : memref<80x128xi32, #tpu.memory_space<vmem>> -> memref<1x128xi32, #tpu.memory_space<vmem>>
      %dma_start3A_98 = tpu.memref_squeeze %dma_start3A_97 : memref<1x128xi32, #tpu.memory_space<vmem>> -> memref<128xi32, #tpu.memory_space<vmem>>
      %dma_start3A_99 = arith.constant 0 : i32
      %dma_start3A_100 = tpu.memref_slice %arg7[%dma_start3A_99] : memref<10240xf32, #tpu.memory_space<vmem_shared>> -> memref<10240xf32, #tpu.memory_space<vmem_shared>>
      tpu.enqueue_indirect_dma source(%arg6 : memref<128xf32, #tpu.memory_space<vmem>>) target(%dma_start3A_100 : memref<10240xf32, #tpu.memory_space<vmem_shared>>) offsets(%dma_start3A_98 : memref<128xi32, #tpu.memory_space<vmem>>) semaphore(%arg8 : memref<!tpu.dma_semaphore, #tpu.memory_space<semaphore_mem>>) {add = true}
      %dma_wait3A_101 = arith.constant 0 : i32
      %dma_wait3A_102 = arith.constant 0 : i32
      %dma_wait3A_103 = tpu.memref_slice %arg5[%dma_wait3A_101, %dma_wait3A_102] : memref<80x128xi32, #tpu.memory_space<vmem>> -> memref<1x128xi32, #tpu.memory_space<vmem>>
      %dma_wait3A_104 = tpu.memref_squeeze %dma_wait3A_103 : memref<1x128xi32, #tpu.memory_space<vmem>> -> memref<128xi32, #tpu.memory_space<vmem>>
      %dma_wait3A_105 = arith.constant 0 : i32
      %dma_wait3A_106 = tpu.memref_slice %arg7[%dma_wait3A_105] : memref<10240xf32, #tpu.memory_space<vmem_shared>> -> memref<10240xf32, #tpu.memory_space<vmem_shared>>
      tpu.wait_indirect_dma semaphore(%arg9 : memref<!tpu.dma_semaphore, #tpu.memory_space<semaphore_mem>>) src(%arg6 : memref<128xf32, #tpu.memory_space<vmem>>) dst(%dma_wait3A_106 : memref<10240xf32, #tpu.memory_space<vmem_shared>>)
      %add3A_107 = arith.constant 1 : i32
      %add3A_108 = arith.addi %add3A_89, %add3A_107 : i32
      %dma_start3A_109 = arith.constant 0 : i32
      %dma_start3A_110 = tpu.memref_slice %arg5[%add3A_108, %dma_start3A_109] : memref<80x128xi32, #tpu.memory_space<vmem>> -> memref<1x128xi32, #tpu.memory_space<vmem>>
      %dma_start3A_111 = tpu.memref_squeeze %dma_start3A_110 : memref<1x128xi32, #tpu.memory_space<vmem>> -> memref<128xi32, #tpu.memory_space<vmem>>
      %dma_start3A_112 = arith.constant 0 : i32
      %dma_start3A_113 = tpu.memref_slice %arg7[%dma_start3A_112] : memref<10240xf32, #tpu.memory_space<vmem_shared>> -> memref<10240xf32, #tpu.memory_space<vmem_shared>>
      tpu.enqueue_indirect_dma source(%arg6 : memref<128xf32, #tpu.memory_space<vmem>>) target(%dma_start3A_113 : memref<10240xf32, #tpu.memory_space<vmem_shared>>) offsets(%dma_start3A_111 : memref<128xi32, #tpu.memory_space<vmem>>) semaphore(%arg9 : memref<!tpu.dma_semaphore, #tpu.memory_space<semaphore_mem>>) {add = true}
    }
    %scan3A_68 = arith.constant 39 : i32
    %dma_wait3A = arith.constant 0 : i32
    %dma_wait3A_69 = arith.constant 0 : i32
    %dma_wait3A_70 = tpu.memref_slice %arg5[%dma_wait3A, %dma_wait3A_69] : memref<80x128xi32, #tpu.memory_space<vmem>> -> memref<1x128xi32, #tpu.memory_space<vmem>>
    %dma_wait3A_71 = tpu.memref_squeeze %dma_wait3A_70 : memref<1x128xi32, #tpu.memory_space<vmem>> -> memref<128xi32, #tpu.memory_space<vmem>>
    %dma_wait3A_72 = arith.constant 0 : i32
    %dma_wait3A_73 = tpu.memref_slice %arg7[%dma_wait3A_72] : memref<10240xf32, #tpu.memory_space<vmem_shared>> -> memref<10240xf32, #tpu.memory_space<vmem_shared>>
    tpu.wait_indirect_dma semaphore(%arg8 : memref<!tpu.dma_semaphore, #tpu.memory_space<semaphore_mem>>) src(%arg6 : memref<128xf32, #tpu.memory_space<vmem>>) dst(%dma_wait3A_73 : memref<10240xf32, #tpu.memory_space<vmem_shared>>)
    %dma_wait3A_74 = arith.constant 0 : i32
    %dma_wait3A_75 = arith.constant 0 : i32
    %dma_wait3A_76 = tpu.memref_slice %arg5[%dma_wait3A_74, %dma_wait3A_75] : memref<80x128xi32, #tpu.memory_space<vmem>> -> memref<1x128xi32, #tpu.memory_space<vmem>>
    %dma_wait3A_77 = tpu.memref_squeeze %dma_wait3A_76 : memref<1x128xi32, #tpu.memory_space<vmem>> -> memref<128xi32, #tpu.memory_space<vmem>>
    %dma_wait3A_78 = arith.constant 0 : i32
    %dma_wait3A_79 = tpu.memref_slice %arg7[%dma_wait3A_78] : memref<10240xf32, #tpu.memory_space<vmem_shared>> -> memref<10240xf32, #tpu.memory_space<vmem_shared>>
    tpu.wait_indirect_dma semaphore(%arg9 : memref<!tpu.dma_semaphore, #tpu.memory_space<semaphore_mem>>) src(%arg6 : memref<128xf32, #tpu.memory_space<vmem>>) dst(%dma_wait3A_79 : memref<10240xf32, #tpu.memory_space<vmem_shared>>)
    %barrier3A_80 = arith.constant 0 : index
    tpu.barrier barrier_id(%barrier3A_80)
    %mul3A_81 = arith.constant 640 : i32
    %mul3A_82 = arith.muli %arg1, %mul3A_81 : i32
    %mul3A_83 = arith.constant 640 : i32
    %mul3A_84 = arith.muli %arg1, %mul3A_83 : i32
    "tpu.region"() ({
      %run_scoped3A = tpu.sem_alloc : memref<!tpu.dma_semaphore, #tpu.memory_space<semaphore_mem>>
      %dma_start3A_85 = tpu.memref_slice %arg4[%arg0, %mul3A_84] : memref<2x10240xf32, #tpu.memory_space<hbm>> -> memref<1x640xf32, #tpu.memory_space<hbm>>
      %dma_start3A_86 = tpu.memref_squeeze %dma_start3A_85 : memref<1x640xf32, #tpu.memory_space<hbm>> -> memref<640xf32, #tpu.memory_space<hbm>>
      %dma_start3A_87 = tpu.memref_slice %arg7[%mul3A_82] : memref<10240xf32, #tpu.memory_space<vmem_shared>> -> memref<640xf32, #tpu.memory_space<vmem_shared>>
      tpu.enqueue_dma source(%dma_start3A_87 : memref<640xf32, #tpu.memory_space<vmem_shared>>) target(%dma_start3A_86 : memref<640xf32, #tpu.memory_space<hbm>>) target_semaphore(%run_scoped3A : memref<!tpu.dma_semaphore, #tpu.memory_space<semaphore_mem>>)
      %dma_wait3A_88 = tpu.memref_slice %arg4[%arg0, %mul3A_84] : memref<2x10240xf32, #tpu.memory_space<hbm>> -> memref<1x640xf32, #tpu.memory_space<hbm>>
      %dma_wait3A_89 = tpu.memref_squeeze %dma_wait3A_88 : memref<1x640xf32, #tpu.memory_space<hbm>> -> memref<640xf32, #tpu.memory_space<hbm>>
      %dma_wait3A_90 = tpu.memref_slice %arg7[%mul3A_82] : memref<10240xf32, #tpu.memory_space<vmem_shared>> -> memref<640xf32, #tpu.memory_space<vmem_shared>>
      tpu.wait_dma2 semaphore(%run_scoped3A : memref<!tpu.dma_semaphore, #tpu.memory_space<semaphore_mem>>) src(%dma_wait3A_90 : memref<640xf32, #tpu.memory_space<vmem_shared>>) dst(%dma_wait3A_89 : memref<640xf32, #tpu.memory_space<hbm>>)
      tpu.yield
    }) : () -> ()
    return
  }
}

#map = affine_map<(d0, d1) -> (0, 0)>
#map1 = affine_map<(d0, d1) -> (0, 0, 0)>
module attributes {stable_mosaic.version = 14 : i64} {
  func.func @_edge_kernel(%arg0: i32, %arg1: i32, %arg2: memref<10112x128xf32, #tpu.memory_space<hbm>>, %arg3: memref<2560x128xi32, #tpu.memory_space<hbm>>, %arg4: memref<2560x128xi32, #tpu.memory_space<hbm>>, %arg5: memref<10112x128xf32, #tpu.memory_space<hbm>>, %arg6: memref<2x10112x128xf32, #tpu.memory_space<hbm>>, %arg7: memref<40x128xi32, #tpu.memory_space<vmem>>, %arg8: memref<40x128xi32, #tpu.memory_space<vmem>>, %arg9: memref<128x128xf32, #tpu.memory_space<vmem>>, %arg10: memref<128x128xf32, #tpu.memory_space<vmem>>, %arg11: memref<10112x128xf32, #tpu.memory_space<vmem_shared>>, %arg12: memref<!tpu.dma_semaphore, #tpu.memory_space<semaphore_mem>>, %arg13: memref<!tpu.dma_semaphore, #tpu.memory_space<semaphore_mem>>, %arg14: memref<!tpu.dma_semaphore, #tpu.memory_space<semaphore_mem>>, %arg15: memref<!tpu.dma_semaphore, #tpu.memory_space<semaphore_mem>>) attributes {dimension_semantics = [#tpu.dimension_semantics<core_parallel>, #tpu.dimension_semantics<subcore_parallel>], iteration_bounds = array<i64: 2, 16>, scalar_prefetch = 0 : i64, scratch_operands = 9 : i64, tpu.core_type = #tpu.core_type<sc_vector_subcore>, window_params = [{transform_indices = #map}, {transform_indices = #map}, {transform_indices = #map}, {transform_indices = #map}, {transform_indices = #map1}]} {
    %eq3A = arith.constant 0 : i32
    %eq3A_0 = arith.cmpi eq, %arg0, %eq3A : i32
    %convert_element_type3A = arith.extui %eq3A_0 : i1 to i32
    %cond3A = arith.constant 0 : i32
    %cond3A_1 = arith.cmpi ne, %convert_element_type3A, %cond3A : i32
    scf.if %cond3A_1 {
      %mul3A_21 = arith.constant 632 : i32
      %mul3A_22 = arith.muli %arg1, %mul3A_21 : i32
      %mul3A_23 = arith.constant 632 : i32
      %mul3A_24 = arith.muli %arg1, %mul3A_23 : i32
      "tpu.region"() ({
        %run_scoped3A = tpu.sem_alloc : memref<!tpu.dma_semaphore, #tpu.memory_space<semaphore_mem>>
        %dma_start3A = arith.constant 0 : i32
        %dma_start3A_25 = tpu.memref_slice %arg11[%mul3A_24, %dma_start3A] : memref<10112x128xf32, #tpu.memory_space<vmem_shared>> -> memref<632x128xf32, #tpu.memory_space<vmem_shared>>
        %dma_start3A_26 = arith.constant 0 : i32
        %dma_start3A_27 = tpu.memref_slice %arg2[%mul3A_22, %dma_start3A_26] : memref<10112x128xf32, #tpu.memory_space<hbm>> -> memref<632x128xf32, #tpu.memory_space<hbm>>
        tpu.enqueue_dma source(%dma_start3A_27 : memref<632x128xf32, #tpu.memory_space<hbm>>) target(%dma_start3A_25 : memref<632x128xf32, #tpu.memory_space<vmem_shared>>) target_semaphore(%run_scoped3A : memref<!tpu.dma_semaphore, #tpu.memory_space<semaphore_mem>>)
        %dma_wait3A = arith.constant 0 : i32
        %dma_wait3A_28 = tpu.memref_slice %arg11[%mul3A_24, %dma_wait3A] : memref<10112x128xf32, #tpu.memory_space<vmem_shared>> -> memref<632x128xf32, #tpu.memory_space<vmem_shared>>
        %dma_wait3A_29 = arith.constant 0 : i32
        %dma_wait3A_30 = tpu.memref_slice %arg2[%mul3A_22, %dma_wait3A_29] : memref<10112x128xf32, #tpu.memory_space<hbm>> -> memref<632x128xf32, #tpu.memory_space<hbm>>
        tpu.wait_dma2 semaphore(%run_scoped3A : memref<!tpu.dma_semaphore, #tpu.memory_space<semaphore_mem>>) src(%dma_wait3A_30 : memref<632x128xf32, #tpu.memory_space<hbm>>) dst(%dma_wait3A_28 : memref<632x128xf32, #tpu.memory_space<vmem_shared>>)
        tpu.yield
      }) : () -> ()
    } else {
    }
    %eq3A_2 = arith.constant 1 : i32
    %eq3A_3 = arith.cmpi eq, %arg0, %eq3A_2 : i32
    %convert_element_type3A_4 = arith.extui %eq3A_3 : i1 to i32
    %cond3A_5 = arith.constant 0 : i32
    %cond3A_6 = arith.cmpi ne, %convert_element_type3A_4, %cond3A_5 : i32
    scf.if %cond3A_6 {
      %mul3A_21 = arith.constant 632 : i32
      %mul3A_22 = arith.muli %arg1, %mul3A_21 : i32
      %mul3A_23 = arith.constant 632 : i32
      %mul3A_24 = arith.muli %arg1, %mul3A_23 : i32
      "tpu.region"() ({
        %run_scoped3A = tpu.sem_alloc : memref<!tpu.dma_semaphore, #tpu.memory_space<semaphore_mem>>
        %dma_start3A = arith.constant 0 : i32
        %dma_start3A_25 = tpu.memref_slice %arg11[%mul3A_24, %dma_start3A] : memref<10112x128xf32, #tpu.memory_space<vmem_shared>> -> memref<632x128xf32, #tpu.memory_space<vmem_shared>>
        %dma_start3A_26 = arith.constant 0 : i32
        %dma_start3A_27 = tpu.memref_slice %arg5[%mul3A_22, %dma_start3A_26] : memref<10112x128xf32, #tpu.memory_space<hbm>> -> memref<632x128xf32, #tpu.memory_space<hbm>>
        tpu.enqueue_dma source(%dma_start3A_27 : memref<632x128xf32, #tpu.memory_space<hbm>>) target(%dma_start3A_25 : memref<632x128xf32, #tpu.memory_space<vmem_shared>>) target_semaphore(%run_scoped3A : memref<!tpu.dma_semaphore, #tpu.memory_space<semaphore_mem>>)
        %dma_wait3A = arith.constant 0 : i32
        %dma_wait3A_28 = tpu.memref_slice %arg11[%mul3A_24, %dma_wait3A] : memref<10112x128xf32, #tpu.memory_space<vmem_shared>> -> memref<632x128xf32, #tpu.memory_space<vmem_shared>>
        %dma_wait3A_29 = arith.constant 0 : i32
        %dma_wait3A_30 = tpu.memref_slice %arg5[%mul3A_22, %dma_wait3A_29] : memref<10112x128xf32, #tpu.memory_space<hbm>> -> memref<632x128xf32, #tpu.memory_space<hbm>>
        tpu.wait_dma2 semaphore(%run_scoped3A : memref<!tpu.dma_semaphore, #tpu.memory_space<semaphore_mem>>) src(%dma_wait3A_30 : memref<632x128xf32, #tpu.memory_space<hbm>>) dst(%dma_wait3A_28 : memref<632x128xf32, #tpu.memory_space<vmem_shared>>)
        tpu.yield
      }) : () -> ()
    } else {
    }
    %barrier3A = arith.constant 0 : index
    tpu.barrier barrier_id(%barrier3A)
    %eq3A_7 = arith.constant 0 : i32
    %eq3A_8 = arith.cmpi eq, %arg0, %eq3A_7 : i32
    %convert_element_type3A_9 = arith.extui %eq3A_8 : i1 to i32
    %cond3A_10 = arith.constant 0 : i32
    %cond3A_11 = arith.cmpi ne, %convert_element_type3A_9, %cond3A_10 : i32
    scf.if %cond3A_11 {
      %mul3A_21 = arith.constant 80 : i32
      %mul3A_22 = arith.muli %arg1, %mul3A_21 : i32
      %add3A = arith.constant 0 : i32
      %add3A_23 = arith.addi %mul3A_22, %add3A : i32
      "tpu.region"() ({
        %run_scoped3A = tpu.sem_alloc : memref<!tpu.dma_semaphore, #tpu.memory_space<semaphore_mem>>
        %dma_start3A_147 = arith.constant 0 : i32
        %dma_start3A_148 = arith.constant 0 : i32
        %dma_start3A_149 = tpu.memref_slice %arg7[%dma_start3A_147, %dma_start3A_148] : memref<40x128xi32, #tpu.memory_space<vmem>> -> memref<40x128xi32, #tpu.memory_space<vmem>>
        %dma_start3A_150 = arith.constant 0 : i32
        %dma_start3A_151 = tpu.memref_slice %arg3[%add3A_23, %dma_start3A_150] : memref<2560x128xi32, #tpu.memory_space<hbm>> -> memref<40x128xi32, #tpu.memory_space<hbm>>
        %dma_start3A_152 = arith.constant 0 : i32
        %dma_start3A_153 = arith.constant 0 : i32
        %dma_start3A_154 = tpu.memref_slice %arg7[%dma_start3A_152, %dma_start3A_153] : memref<40x128xi32, #tpu.memory_space<vmem>> -> memref<40x128xi32, #tpu.memory_space<vmem>>
        %dma_start3A_155 = arith.constant 0 : i32
        %dma_start3A_156 = tpu.memref_slice %arg3[%add3A_23, %dma_start3A_155] : memref<2560x128xi32, #tpu.memory_space<hbm>> -> memref<40x128xi32, #tpu.memory_space<hbm>>
        tpu.enqueue_dma source(%dma_start3A_156 : memref<40x128xi32, #tpu.memory_space<hbm>>) target(%dma_start3A_154 : memref<40x128xi32, #tpu.memory_space<vmem>>) target_semaphore(%run_scoped3A : memref<!tpu.dma_semaphore, #tpu.memory_space<semaphore_mem>>)
        %dma_wait3A_157 = arith.constant 0 : i32
        %dma_wait3A_158 = arith.constant 0 : i32
        %dma_wait3A_159 = tpu.memref_slice %arg7[%dma_wait3A_157, %dma_wait3A_158] : memref<40x128xi32, #tpu.memory_space<vmem>> -> memref<40x128xi32, #tpu.memory_space<vmem>>
        %dma_wait3A_160 = arith.constant 0 : i32
        %dma_wait3A_161 = tpu.memref_slice %arg3[%add3A_23, %dma_wait3A_160] : memref<2560x128xi32, #tpu.memory_space<hbm>> -> memref<40x128xi32, #tpu.memory_space<hbm>>
        %dma_wait3A_162 = arith.constant 0 : i32
        %dma_wait3A_163 = arith.constant 0 : i32
        %dma_wait3A_164 = tpu.memref_slice %arg7[%dma_wait3A_162, %dma_wait3A_163] : memref<40x128xi32, #tpu.memory_space<vmem>> -> memref<40x128xi32, #tpu.memory_space<vmem>>
        %dma_wait3A_165 = arith.constant 0 : i32
        %dma_wait3A_166 = tpu.memref_slice %arg3[%add3A_23, %dma_wait3A_165] : memref<2560x128xi32, #tpu.memory_space<hbm>> -> memref<40x128xi32, #tpu.memory_space<hbm>>
        tpu.wait_dma2 semaphore(%run_scoped3A : memref<!tpu.dma_semaphore, #tpu.memory_space<semaphore_mem>>) src(%dma_wait3A_166 : memref<40x128xi32, #tpu.memory_space<hbm>>) dst(%dma_wait3A_164 : memref<40x128xi32, #tpu.memory_space<vmem>>)
        tpu.yield
      }) : () -> ()
      "tpu.region"() ({
        %run_scoped3A = tpu.sem_alloc : memref<!tpu.dma_semaphore, #tpu.memory_space<semaphore_mem>>
        %dma_start3A_147 = arith.constant 0 : i32
        %dma_start3A_148 = arith.constant 0 : i32
        %dma_start3A_149 = tpu.memref_slice %arg8[%dma_start3A_147, %dma_start3A_148] : memref<40x128xi32, #tpu.memory_space<vmem>> -> memref<40x128xi32, #tpu.memory_space<vmem>>
        %dma_start3A_150 = arith.constant 0 : i32
        %dma_start3A_151 = tpu.memref_slice %arg4[%add3A_23, %dma_start3A_150] : memref<2560x128xi32, #tpu.memory_space<hbm>> -> memref<40x128xi32, #tpu.memory_space<hbm>>
        %dma_start3A_152 = arith.constant 0 : i32
        %dma_start3A_153 = arith.constant 0 : i32
        %dma_start3A_154 = tpu.memref_slice %arg8[%dma_start3A_152, %dma_start3A_153] : memref<40x128xi32, #tpu.memory_space<vmem>> -> memref<40x128xi32, #tpu.memory_space<vmem>>
        %dma_start3A_155 = arith.constant 0 : i32
        %dma_start3A_156 = tpu.memref_slice %arg4[%add3A_23, %dma_start3A_155] : memref<2560x128xi32, #tpu.memory_space<hbm>> -> memref<40x128xi32, #tpu.memory_space<hbm>>
        tpu.enqueue_dma source(%dma_start3A_156 : memref<40x128xi32, #tpu.memory_space<hbm>>) target(%dma_start3A_154 : memref<40x128xi32, #tpu.memory_space<vmem>>) target_semaphore(%run_scoped3A : memref<!tpu.dma_semaphore, #tpu.memory_space<semaphore_mem>>)
        %dma_wait3A_157 = arith.constant 0 : i32
        %dma_wait3A_158 = arith.constant 0 : i32
        %dma_wait3A_159 = tpu.memref_slice %arg8[%dma_wait3A_157, %dma_wait3A_158] : memref<40x128xi32, #tpu.memory_space<vmem>> -> memref<40x128xi32, #tpu.memory_space<vmem>>
        %dma_wait3A_160 = arith.constant 0 : i32
        %dma_wait3A_161 = tpu.memref_slice %arg4[%add3A_23, %dma_wait3A_160] : memref<2560x128xi32, #tpu.memory_space<hbm>> -> memref<40x128xi32, #tpu.memory_space<hbm>>
        %dma_wait3A_162 = arith.constant 0 : i32
        %dma_wait3A_163 = arith.constant 0 : i32
        %dma_wait3A_164 = tpu.memref_slice %arg8[%dma_wait3A_162, %dma_wait3A_163] : memref<40x128xi32, #tpu.memory_space<vmem>> -> memref<40x128xi32, #tpu.memory_space<vmem>>
        %dma_wait3A_165 = arith.constant 0 : i32
        %dma_wait3A_166 = tpu.memref_slice %arg4[%add3A_23, %dma_wait3A_165] : memref<2560x128xi32, #tpu.memory_space<hbm>> -> memref<40x128xi32, #tpu.memory_space<hbm>>
        tpu.wait_dma2 semaphore(%run_scoped3A : memref<!tpu.dma_semaphore, #tpu.memory_space<semaphore_mem>>) src(%dma_wait3A_166 : memref<40x128xi32, #tpu.memory_space<hbm>>) dst(%dma_wait3A_164 : memref<40x128xi32, #tpu.memory_space<vmem>>)
        tpu.yield
      }) : () -> ()
      %dma_start3A = arith.constant 0 : i32
      %dma_start3A_24 = arith.constant 0 : i32
      %dma_start3A_25 = tpu.memref_slice %arg7[%dma_start3A, %dma_start3A_24] : memref<40x128xi32, #tpu.memory_space<vmem>> -> memref<1x128xi32, #tpu.memory_space<vmem>>
      %dma_start3A_26 = tpu.memref_squeeze %dma_start3A_25 : memref<1x128xi32, #tpu.memory_space<vmem>> -> memref<128xi32, #tpu.memory_space<vmem>>
      %dma_start3A_27 = arith.constant 0 : i32
      %dma_start3A_28 = arith.constant 0 : i32
      %dma_start3A_29 = tpu.memref_slice %arg2[%dma_start3A_27, %dma_start3A_28] : memref<10112x128xf32, #tpu.memory_space<hbm>> -> memref<10112x128xf32, #tpu.memory_space<hbm>>
      tpu.enqueue_indirect_dma source(%dma_start3A_29 : memref<10112x128xf32, #tpu.memory_space<hbm>>) target(%arg9 : memref<128x128xf32, #tpu.memory_space<vmem>>) offsets(%dma_start3A_26 : memref<128xi32, #tpu.memory_space<vmem>>) semaphore(%arg12 : memref<!tpu.dma_semaphore, #tpu.memory_space<semaphore_mem>>)
      %dma_start3A_30 = arith.constant 1 : i32
      %dma_start3A_31 = arith.constant 0 : i32
      %dma_start3A_32 = tpu.memref_slice %arg7[%dma_start3A_30, %dma_start3A_31] : memref<40x128xi32, #tpu.memory_space<vmem>> -> memref<1x128xi32, #tpu.memory_space<vmem>>
      %dma_start3A_33 = tpu.memref_squeeze %dma_start3A_32 : memref<1x128xi32, #tpu.memory_space<vmem>> -> memref<128xi32, #tpu.memory_space<vmem>>
      %dma_start3A_34 = arith.constant 0 : i32
      %dma_start3A_35 = arith.constant 0 : i32
      %dma_start3A_36 = tpu.memref_slice %arg2[%dma_start3A_34, %dma_start3A_35] : memref<10112x128xf32, #tpu.memory_space<hbm>> -> memref<10112x128xf32, #tpu.memory_space<hbm>>
      tpu.enqueue_indirect_dma source(%dma_start3A_36 : memref<10112x128xf32, #tpu.memory_space<hbm>>) target(%arg10 : memref<128x128xf32, #tpu.memory_space<vmem>>) offsets(%dma_start3A_33 : memref<128xi32, #tpu.memory_space<vmem>>) semaphore(%arg13 : memref<!tpu.dma_semaphore, #tpu.memory_space<semaphore_mem>>)
      %dma_wait3A = arith.constant 0 : i32
      %dma_wait3A_37 = arith.constant 0 : i32
      %dma_wait3A_38 = tpu.memref_slice %arg7[%dma_wait3A, %dma_wait3A_37] : memref<40x128xi32, #tpu.memory_space<vmem>> -> memref<1x128xi32, #tpu.memory_space<vmem>>
      %dma_wait3A_39 = tpu.memref_squeeze %dma_wait3A_38 : memref<1x128xi32, #tpu.memory_space<vmem>> -> memref<128xi32, #tpu.memory_space<vmem>>
      %dma_wait3A_40 = arith.constant 0 : i32
      %dma_wait3A_41 = arith.constant 0 : i32
      %dma_wait3A_42 = tpu.memref_slice %arg2[%dma_wait3A_40, %dma_wait3A_41] : memref<10112x128xf32, #tpu.memory_space<hbm>> -> memref<10112x128xf32, #tpu.memory_space<hbm>>
      tpu.wait_indirect_dma semaphore(%arg12 : memref<!tpu.dma_semaphore, #tpu.memory_space<semaphore_mem>>) src(%dma_wait3A_42 : memref<10112x128xf32, #tpu.memory_space<hbm>>) dst(%arg9 : memref<128x128xf32, #tpu.memory_space<vmem>>)
      %dma_start3A_43 = arith.constant 0 : i32
      %dma_start3A_44 = arith.constant 0 : i32
      %dma_start3A_45 = tpu.memref_slice %arg8[%dma_start3A_43, %dma_start3A_44] : memref<40x128xi32, #tpu.memory_space<vmem>> -> memref<1x128xi32, #tpu.memory_space<vmem>>
      %dma_start3A_46 = tpu.memref_squeeze %dma_start3A_45 : memref<1x128xi32, #tpu.memory_space<vmem>> -> memref<128xi32, #tpu.memory_space<vmem>>
      %dma_start3A_47 = arith.constant 0 : i32
      %dma_start3A_48 = arith.constant 0 : i32
      %dma_start3A_49 = tpu.memref_slice %arg11[%dma_start3A_47, %dma_start3A_48] : memref<10112x128xf32, #tpu.memory_space<vmem_shared>> -> memref<10112x128xf32, #tpu.memory_space<vmem_shared>>
      tpu.enqueue_indirect_dma source(%arg9 : memref<128x128xf32, #tpu.memory_space<vmem>>) target(%dma_start3A_49 : memref<10112x128xf32, #tpu.memory_space<vmem_shared>>) offsets(%dma_start3A_46 : memref<128xi32, #tpu.memory_space<vmem>>) semaphore(%arg14 : memref<!tpu.dma_semaphore, #tpu.memory_space<semaphore_mem>>) {add = true}
      %scan3A = arith.constant 0 : i32
      %scan3A_50 = arith.constant 0 : i32
      %scan3A_51 = arith.constant 19 : i32
      %scan3A_52 = arith.addi %scan3A_50, %scan3A_51 : i32
      %scan3A_53 = arith.constant 1 : i32
      scf.for %scan3A_147 = %scan3A_50 to %scan3A_52 step %scan3A_53  : i32 {
        %mul3A_148 = arith.constant 2 : i32
        %mul3A_149 = arith.muli %mul3A_148, %scan3A_147 : i32
        %add3A_150 = arith.constant 1 : i32
        %add3A_151 = arith.addi %mul3A_149, %add3A_150 : i32
        %dma_wait3A_152 = arith.constant 0 : i32
        %dma_wait3A_153 = arith.constant 0 : i32
        %dma_wait3A_154 = tpu.memref_slice %arg8[%dma_wait3A_152, %dma_wait3A_153] : memref<40x128xi32, #tpu.memory_space<vmem>> -> memref<1x128xi32, #tpu.memory_space<vmem>>
        %dma_wait3A_155 = tpu.memref_squeeze %dma_wait3A_154 : memref<1x128xi32, #tpu.memory_space<vmem>> -> memref<128xi32, #tpu.memory_space<vmem>>
        %dma_wait3A_156 = arith.constant 0 : i32
        %dma_wait3A_157 = arith.constant 0 : i32
        %dma_wait3A_158 = tpu.memref_slice %arg11[%dma_wait3A_156, %dma_wait3A_157] : memref<10112x128xf32, #tpu.memory_space<vmem_shared>> -> memref<10112x128xf32, #tpu.memory_space<vmem_shared>>
        tpu.wait_indirect_dma semaphore(%arg14 : memref<!tpu.dma_semaphore, #tpu.memory_space<semaphore_mem>>) src(%arg9 : memref<128x128xf32, #tpu.memory_space<vmem>>) dst(%dma_wait3A_158 : memref<10112x128xf32, #tpu.memory_space<vmem_shared>>)
        %add3A_159 = arith.constant 1 : i32
        %add3A_160 = arith.addi %add3A_151, %add3A_159 : i32
        %dma_start3A_161 = arith.constant 0 : i32
        %dma_start3A_162 = tpu.memref_slice %arg7[%add3A_160, %dma_start3A_161] : memref<40x128xi32, #tpu.memory_space<vmem>> -> memref<1x128xi32, #tpu.memory_space<vmem>>
        %dma_start3A_163 = tpu.memref_squeeze %dma_start3A_162 : memref<1x128xi32, #tpu.memory_space<vmem>> -> memref<128xi32, #tpu.memory_space<vmem>>
        %dma_start3A_164 = arith.constant 0 : i32
        %dma_start3A_165 = arith.constant 0 : i32
        %dma_start3A_166 = tpu.memref_slice %arg2[%dma_start3A_164, %dma_start3A_165] : memref<10112x128xf32, #tpu.memory_space<hbm>> -> memref<10112x128xf32, #tpu.memory_space<hbm>>
        tpu.enqueue_indirect_dma source(%dma_start3A_166 : memref<10112x128xf32, #tpu.memory_space<hbm>>) target(%arg9 : memref<128x128xf32, #tpu.memory_space<vmem>>) offsets(%dma_start3A_163 : memref<128xi32, #tpu.memory_space<vmem>>) semaphore(%arg12 : memref<!tpu.dma_semaphore, #tpu.memory_space<semaphore_mem>>)
        %dma_wait3A_167 = arith.constant 0 : i32
        %dma_wait3A_168 = arith.constant 0 : i32
        %dma_wait3A_169 = tpu.memref_slice %arg7[%dma_wait3A_167, %dma_wait3A_168] : memref<40x128xi32, #tpu.memory_space<vmem>> -> memref<1x128xi32, #tpu.memory_space<vmem>>
        %dma_wait3A_170 = tpu.memref_squeeze %dma_wait3A_169 : memref<1x128xi32, #tpu.memory_space<vmem>> -> memref<128xi32, #tpu.memory_space<vmem>>
        %dma_wait3A_171 = arith.constant 0 : i32
        %dma_wait3A_172 = arith.constant 0 : i32
        %dma_wait3A_173 = tpu.memref_slice %arg2[%dma_wait3A_171, %dma_wait3A_172] : memref<10112x128xf32, #tpu.memory_space<hbm>> -> memref<10112x128xf32, #tpu.memory_space<hbm>>
        tpu.wait_indirect_dma semaphore(%arg13 : memref<!tpu.dma_semaphore, #tpu.memory_space<semaphore_mem>>) src(%dma_wait3A_173 : memref<10112x128xf32, #tpu.memory_space<hbm>>) dst(%arg10 : memref<128x128xf32, #tpu.memory_space<vmem>>)
        %dma_start3A_174 = arith.constant 0 : i32
        %dma_start3A_175 = tpu.memref_slice %arg8[%add3A_151, %dma_start3A_174] : memref<40x128xi32, #tpu.memory_space<vmem>> -> memref<1x128xi32, #tpu.memory_space<vmem>>
        %dma_start3A_176 = tpu.memref_squeeze %dma_start3A_175 : memref<1x128xi32, #tpu.memory_space<vmem>> -> memref<128xi32, #tpu.memory_space<vmem>>
        %dma_start3A_177 = arith.constant 0 : i32
        %dma_start3A_178 = arith.constant 0 : i32
        %dma_start3A_179 = tpu.memref_slice %arg11[%dma_start3A_177, %dma_start3A_178] : memref<10112x128xf32, #tpu.memory_space<vmem_shared>> -> memref<10112x128xf32, #tpu.memory_space<vmem_shared>>
        tpu.enqueue_indirect_dma source(%arg10 : memref<128x128xf32, #tpu.memory_space<vmem>>) target(%dma_start3A_179 : memref<10112x128xf32, #tpu.memory_space<vmem_shared>>) offsets(%dma_start3A_176 : memref<128xi32, #tpu.memory_space<vmem>>) semaphore(%arg15 : memref<!tpu.dma_semaphore, #tpu.memory_space<semaphore_mem>>) {add = true}
        %dma_wait3A_180 = arith.constant 0 : i32
        %dma_wait3A_181 = arith.constant 0 : i32
        %dma_wait3A_182 = tpu.memref_slice %arg8[%dma_wait3A_180, %dma_wait3A_181] : memref<40x128xi32, #tpu.memory_space<vmem>> -> memref<1x128xi32, #tpu.memory_space<vmem>>
        %dma_wait3A_183 = tpu.memref_squeeze %dma_wait3A_182 : memref<1x128xi32, #tpu.memory_space<vmem>> -> memref<128xi32, #tpu.memory_space<vmem>>
        %dma_wait3A_184 = arith.constant 0 : i32
        %dma_wait3A_185 = arith.constant 0 : i32
        %dma_wait3A_186 = tpu.memref_slice %arg11[%dma_wait3A_184, %dma_wait3A_185] : memref<10112x128xf32, #tpu.memory_space<vmem_shared>> -> memref<10112x128xf32, #tpu.memory_space<vmem_shared>>
        tpu.wait_indirect_dma semaphore(%arg15 : memref<!tpu.dma_semaphore, #tpu.memory_space<semaphore_mem>>) src(%arg10 : memref<128x128xf32, #tpu.memory_space<vmem>>) dst(%dma_wait3A_186 : memref<10112x128xf32, #tpu.memory_space<vmem_shared>>)
        %add3A_187 = arith.constant 2 : i32
        %add3A_188 = arith.addi %add3A_151, %add3A_187 : i32
        %dma_start3A_189 = arith.constant 0 : i32
        %dma_start3A_190 = tpu.memref_slice %arg7[%add3A_188, %dma_start3A_189] : memref<40x128xi32, #tpu.memory_space<vmem>> -> memref<1x128xi32, #tpu.memory_space<vmem>>
        %dma_start3A_191 = tpu.memref_squeeze %dma_start3A_190 : memref<1x128xi32, #tpu.memory_space<vmem>> -> memref<128xi32, #tpu.memory_space<vmem>>
        %dma_start3A_192 = arith.constant 0 : i32
        %dma_start3A_193 = arith.constant 0 : i32
        %dma_start3A_194 = tpu.memref_slice %arg2[%dma_start3A_192, %dma_start3A_193] : memref<10112x128xf32, #tpu.memory_space<hbm>> -> memref<10112x128xf32, #tpu.memory_space<hbm>>
        tpu.enqueue_indirect_dma source(%dma_start3A_194 : memref<10112x128xf32, #tpu.memory_space<hbm>>) target(%arg10 : memref<128x128xf32, #tpu.memory_space<vmem>>) offsets(%dma_start3A_191 : memref<128xi32, #tpu.memory_space<vmem>>) semaphore(%arg13 : memref<!tpu.dma_semaphore, #tpu.memory_space<semaphore_mem>>)
        %dma_wait3A_195 = arith.constant 0 : i32
        %dma_wait3A_196 = arith.constant 0 : i32
        %dma_wait3A_197 = tpu.memref_slice %arg7[%dma_wait3A_195, %dma_wait3A_196] : memref<40x128xi32, #tpu.memory_space<vmem>> -> memref<1x128xi32, #tpu.memory_space<vmem>>
        %dma_wait3A_198 = tpu.memref_squeeze %dma_wait3A_197 : memref<1x128xi32, #tpu.memory_space<vmem>> -> memref<128xi32, #tpu.memory_space<vmem>>
        %dma_wait3A_199 = arith.constant 0 : i32
        %dma_wait3A_200 = arith.constant 0 : i32
        %dma_wait3A_201 = tpu.memref_slice %arg2[%dma_wait3A_199, %dma_wait3A_200] : memref<10112x128xf32, #tpu.memory_space<hbm>> -> memref<10112x128xf32, #tpu.memory_space<hbm>>
        tpu.wait_indirect_dma semaphore(%arg12 : memref<!tpu.dma_semaphore, #tpu.memory_space<semaphore_mem>>) src(%dma_wait3A_201 : memref<10112x128xf32, #tpu.memory_space<hbm>>) dst(%arg9 : memref<128x128xf32, #tpu.memory_space<vmem>>)
        %add3A_202 = arith.constant 1 : i32
        %add3A_203 = arith.addi %add3A_151, %add3A_202 : i32
        %dma_start3A_204 = arith.constant 0 : i32
        %dma_start3A_205 = tpu.memref_slice %arg8[%add3A_203, %dma_start3A_204] : memref<40x128xi32, #tpu.memory_space<vmem>> -> memref<1x128xi32, #tpu.memory_space<vmem>>
        %dma_start3A_206 = tpu.memref_squeeze %dma_start3A_205 : memref<1x128xi32, #tpu.memory_space<vmem>> -> memref<128xi32, #tpu.memory_space<vmem>>
        %dma_start3A_207 = arith.constant 0 : i32
        %dma_start3A_208 = arith.constant 0 : i32
        %dma_start3A_209 = tpu.memref_slice %arg11[%dma_start3A_207, %dma_start3A_208] : memref<10112x128xf32, #tpu.memory_space<vmem_shared>> -> memref<10112x128xf32, #tpu.memory_space<vmem_shared>>
        tpu.enqueue_indirect_dma source(%arg9 : memref<128x128xf32, #tpu.memory_space<vmem>>) target(%dma_start3A_209 : memref<10112x128xf32, #tpu.memory_space<vmem_shared>>) offsets(%dma_start3A_206 : memref<128xi32, #tpu.memory_space<vmem>>) semaphore(%arg14 : memref<!tpu.dma_semaphore, #tpu.memory_space<semaphore_mem>>) {add = true}
      }
      %scan3A_54 = arith.constant 19 : i32
      %dma_wait3A_55 = arith.constant 0 : i32
      %dma_wait3A_56 = arith.constant 0 : i32
      %dma_wait3A_57 = tpu.memref_slice %arg8[%dma_wait3A_55, %dma_wait3A_56] : memref<40x128xi32, #tpu.memory_space<vmem>> -> memref<1x128xi32, #tpu.memory_space<vmem>>
      %dma_wait3A_58 = tpu.memref_squeeze %dma_wait3A_57 : memref<1x128xi32, #tpu.memory_space<vmem>> -> memref<128xi32, #tpu.memory_space<vmem>>
      %dma_wait3A_59 = arith.constant 0 : i32
      %dma_wait3A_60 = arith.constant 0 : i32
      %dma_wait3A_61 = tpu.memref_slice %arg11[%dma_wait3A_59, %dma_wait3A_60] : memref<10112x128xf32, #tpu.memory_space<vmem_shared>> -> memref<10112x128xf32, #tpu.memory_space<vmem_shared>>
      tpu.wait_indirect_dma semaphore(%arg14 : memref<!tpu.dma_semaphore, #tpu.memory_space<semaphore_mem>>) src(%arg9 : memref<128x128xf32, #tpu.memory_space<vmem>>) dst(%dma_wait3A_61 : memref<10112x128xf32, #tpu.memory_space<vmem_shared>>)
      %dma_wait3A_62 = arith.constant 0 : i32
      %dma_wait3A_63 = arith.constant 0 : i32
      %dma_wait3A_64 = tpu.memref_slice %arg7[%dma_wait3A_62, %dma_wait3A_63] : memref<40x128xi32, #tpu.memory_space<vmem>> -> memref<1x128xi32, #tpu.memory_space<vmem>>
      %dma_wait3A_65 = tpu.memref_squeeze %dma_wait3A_64 : memref<1x128xi32, #tpu.memory_space<vmem>> -> memref<128xi32, #tpu.memory_space<vmem>>
      %dma_wait3A_66 = arith.constant 0 : i32
      %dma_wait3A_67 = arith.constant 0 : i32
      %dma_wait3A_68 = tpu.memref_slice %arg2[%dma_wait3A_66, %dma_wait3A_67] : memref<10112x128xf32, #tpu.memory_space<hbm>> -> memref<10112x128xf32, #tpu.memory_space<hbm>>
      tpu.wait_indirect_dma semaphore(%arg13 : memref<!tpu.dma_semaphore, #tpu.memory_space<semaphore_mem>>) src(%dma_wait3A_68 : memref<10112x128xf32, #tpu.memory_space<hbm>>) dst(%arg10 : memref<128x128xf32, #tpu.memory_space<vmem>>)
      %dma_start3A_69 = arith.constant 39 : i32
      %dma_start3A_70 = arith.constant 0 : i32
      %dma_start3A_71 = tpu.memref_slice %arg8[%dma_start3A_69, %dma_start3A_70] : memref<40x128xi32, #tpu.memory_space<vmem>> -> memref<1x128xi32, #tpu.memory_space<vmem>>
      %dma_start3A_72 = tpu.memref_squeeze %dma_start3A_71 : memref<1x128xi32, #tpu.memory_space<vmem>> -> memref<128xi32, #tpu.memory_space<vmem>>
      %dma_start3A_73 = arith.constant 0 : i32
      %dma_start3A_74 = arith.constant 0 : i32
      %dma_start3A_75 = tpu.memref_slice %arg11[%dma_start3A_73, %dma_start3A_74] : memref<10112x128xf32, #tpu.memory_space<vmem_shared>> -> memref<10112x128xf32, #tpu.memory_space<vmem_shared>>
      tpu.enqueue_indirect_dma source(%arg10 : memref<128x128xf32, #tpu.memory_space<vmem>>) target(%dma_start3A_75 : memref<10112x128xf32, #tpu.memory_space<vmem_shared>>) offsets(%dma_start3A_72 : memref<128xi32, #tpu.memory_space<vmem>>) semaphore(%arg15 : memref<!tpu.dma_semaphore, #tpu.memory_space<semaphore_mem>>) {add = true}
      %dma_wait3A_76 = arith.constant 39 : i32
      %dma_wait3A_77 = arith.constant 0 : i32
      %dma_wait3A_78 = tpu.memref_slice %arg8[%dma_wait3A_76, %dma_wait3A_77] : memref<40x128xi32, #tpu.memory_space<vmem>> -> memref<1x128xi32, #tpu.memory_space<vmem>>
      %dma_wait3A_79 = tpu.memref_squeeze %dma_wait3A_78 : memref<1x128xi32, #tpu.memory_space<vmem>> -> memref<128xi32, #tpu.memory_space<vmem>>
      %dma_wait3A_80 = arith.constant 0 : i32
      %dma_wait3A_81 = arith.constant 0 : i32
      %dma_wait3A_82 = tpu.memref_slice %arg11[%dma_wait3A_80, %dma_wait3A_81] : memref<10112x128xf32, #tpu.memory_space<vmem_shared>> -> memref<10112x128xf32, #tpu.memory_space<vmem_shared>>
      tpu.wait_indirect_dma semaphore(%arg15 : memref<!tpu.dma_semaphore, #tpu.memory_space<semaphore_mem>>) src(%arg10 : memref<128x128xf32, #tpu.memory_space<vmem>>) dst(%dma_wait3A_82 : memref<10112x128xf32, #tpu.memory_space<vmem_shared>>)
      %add3A_83 = arith.constant 40 : i32
      %add3A_84 = arith.addi %mul3A_22, %add3A_83 : i32
      "tpu.region"() ({
        %run_scoped3A = tpu.sem_alloc : memref<!tpu.dma_semaphore, #tpu.memory_space<semaphore_mem>>
        %dma_start3A_147 = arith.constant 0 : i32
        %dma_start3A_148 = arith.constant 0 : i32
        %dma_start3A_149 = tpu.memref_slice %arg7[%dma_start3A_147, %dma_start3A_148] : memref<40x128xi32, #tpu.memory_space<vmem>> -> memref<40x128xi32, #tpu.memory_space<vmem>>
        %dma_start3A_150 = arith.constant 0 : i32
        %dma_start3A_151 = tpu.memref_slice %arg3[%add3A_84, %dma_start3A_150] : memref<2560x128xi32, #tpu.memory_space<hbm>> -> memref<40x128xi32, #tpu.memory_space<hbm>>
        %dma_start3A_152 = arith.constant 0 : i32
        %dma_start3A_153 = arith.constant 0 : i32
        %dma_start3A_154 = tpu.memref_slice %arg7[%dma_start3A_152, %dma_start3A_153] : memref<40x128xi32, #tpu.memory_space<vmem>> -> memref<40x128xi32, #tpu.memory_space<vmem>>
        %dma_start3A_155 = arith.constant 0 : i32
        %dma_start3A_156 = tpu.memref_slice %arg3[%add3A_84, %dma_start3A_155] : memref<2560x128xi32, #tpu.memory_space<hbm>> -> memref<40x128xi32, #tpu.memory_space<hbm>>
        tpu.enqueue_dma source(%dma_start3A_156 : memref<40x128xi32, #tpu.memory_space<hbm>>) target(%dma_start3A_154 : memref<40x128xi32, #tpu.memory_space<vmem>>) target_semaphore(%run_scoped3A : memref<!tpu.dma_semaphore, #tpu.memory_space<semaphore_mem>>)
        %dma_wait3A_157 = arith.constant 0 : i32
        %dma_wait3A_158 = arith.constant 0 : i32
        %dma_wait3A_159 = tpu.memref_slice %arg7[%dma_wait3A_157, %dma_wait3A_158] : memref<40x128xi32, #tpu.memory_space<vmem>> -> memref<40x128xi32, #tpu.memory_space<vmem>>
        %dma_wait3A_160 = arith.constant 0 : i32
        %dma_wait3A_161 = tpu.memref_slice %arg3[%add3A_84, %dma_wait3A_160] : memref<2560x128xi32, #tpu.memory_space<hbm>> -> memref<40x128xi32, #tpu.memory_space<hbm>>
        %dma_wait3A_162 = arith.constant 0 : i32
        %dma_wait3A_163 = arith.constant 0 : i32
        %dma_wait3A_164 = tpu.memref_slice %arg7[%dma_wait3A_162, %dma_wait3A_163] : memref<40x128xi32, #tpu.memory_space<vmem>> -> memref<40x128xi32, #tpu.memory_space<vmem>>
        %dma_wait3A_165 = arith.constant 0 : i32
        %dma_wait3A_166 = tpu.memref_slice %arg3[%add3A_84, %dma_wait3A_165] : memref<2560x128xi32, #tpu.memory_space<hbm>> -> memref<40x128xi32, #tpu.memory_space<hbm>>
        tpu.wait_dma2 semaphore(%run_scoped3A : memref<!tpu.dma_semaphore, #tpu.memory_space<semaphore_mem>>) src(%dma_wait3A_166 : memref<40x128xi32, #tpu.memory_space<hbm>>) dst(%dma_wait3A_164 : memref<40x128xi32, #tpu.memory_space<vmem>>)
        tpu.yield
      }) : () -> ()
      "tpu.region"() ({
        %run_scoped3A = tpu.sem_alloc : memref<!tpu.dma_semaphore, #tpu.memory_space<semaphore_mem>>
        %dma_start3A_147 = arith.constant 0 : i32
        %dma_start3A_148 = arith.constant 0 : i32
        %dma_start3A_149 = tpu.memref_slice %arg8[%dma_start3A_147, %dma_start3A_148] : memref<40x128xi32, #tpu.memory_space<vmem>> -> memref<40x128xi32, #tpu.memory_space<vmem>>
        %dma_start3A_150 = arith.constant 0 : i32
        %dma_start3A_151 = tpu.memref_slice %arg4[%add3A_84, %dma_start3A_150] : memref<2560x128xi32, #tpu.memory_space<hbm>> -> memref<40x128xi32, #tpu.memory_space<hbm>>
        %dma_start3A_152 = arith.constant 0 : i32
        %dma_start3A_153 = arith.constant 0 : i32
        %dma_start3A_154 = tpu.memref_slice %arg8[%dma_start3A_152, %dma_start3A_153] : memref<40x128xi32, #tpu.memory_space<vmem>> -> memref<40x128xi32, #tpu.memory_space<vmem>>
        %dma_start3A_155 = arith.constant 0 : i32
        %dma_start3A_156 = tpu.memref_slice %arg4[%add3A_84, %dma_start3A_155] : memref<2560x128xi32, #tpu.memory_space<hbm>> -> memref<40x128xi32, #tpu.memory_space<hbm>>
        tpu.enqueue_dma source(%dma_start3A_156 : memref<40x128xi32, #tpu.memory_space<hbm>>) target(%dma_start3A_154 : memref<40x128xi32, #tpu.memory_space<vmem>>) target_semaphore(%run_scoped3A : memref<!tpu.dma_semaphore, #tpu.memory_space<semaphore_mem>>)
        %dma_wait3A_157 = arith.constant 0 : i32
        %dma_wait3A_158 = arith.constant 0 : i32
        %dma_wait3A_159 = tpu.memref_slice %arg8[%dma_wait3A_157, %dma_wait3A_158] : memref<40x128xi32, #tpu.memory_space<vmem>> -> memref<40x128xi32, #tpu.memory_space<vmem>>
        %dma_wait3A_160 = arith.constant 0 : i32
        %dma_wait3A_161 = tpu.memref_slice %arg4[%add3A_84, %dma_wait3A_160] : memref<2560x128xi32, #tpu.memory_space<hbm>> -> memref<40x128xi32, #tpu.memory_space<hbm>>
        %dma_wait3A_162 = arith.constant 0 : i32
        %dma_wait3A_163 = arith.constant 0 : i32
        %dma_wait3A_164 = tpu.memref_slice %arg8[%dma_wait3A_162, %dma_wait3A_163] : memref<40x128xi32, #tpu.memory_space<vmem>> -> memref<40x128xi32, #tpu.memory_space<vmem>>
        %dma_wait3A_165 = arith.constant 0 : i32
        %dma_wait3A_166 = tpu.memref_slice %arg4[%add3A_84, %dma_wait3A_165] : memref<2560x128xi32, #tpu.memory_space<hbm>> -> memref<40x128xi32, #tpu.memory_space<hbm>>
        tpu.wait_dma2 semaphore(%run_scoped3A : memref<!tpu.dma_semaphore, #tpu.memory_space<semaphore_mem>>) src(%dma_wait3A_166 : memref<40x128xi32, #tpu.memory_space<hbm>>) dst(%dma_wait3A_164 : memref<40x128xi32, #tpu.memory_space<vmem>>)
        tpu.yield
      }) : () -> ()
      %dma_start3A_85 = arith.constant 0 : i32
      %dma_start3A_86 = arith.constant 0 : i32
      %dma_start3A_87 = tpu.memref_slice %arg7[%dma_start3A_85, %dma_start3A_86] : memref<40x128xi32, #tpu.memory_space<vmem>> -> memref<1x128xi32, #tpu.memory_space<vmem>>
      %dma_start3A_88 = tpu.memref_squeeze %dma_start3A_87 : memref<1x128xi32, #tpu.memory_space<vmem>> -> memref<128xi32, #tpu.memory_space<vmem>>
      %dma_start3A_89 = arith.constant 0 : i32
      %dma_start3A_90 = arith.constant 0 : i32
      %dma_start3A_91 = tpu.memref_slice %arg2[%dma_start3A_89, %dma_start3A_90] : memref<10112x128xf32, #tpu.memory_space<hbm>> -> memref<10112x128xf32, #tpu.memory_space<hbm>>
      tpu.enqueue_indirect_dma source(%dma_start3A_91 : memref<10112x128xf32, #tpu.memory_space<hbm>>) target(%arg9 : memref<128x128xf32, #tpu.memory_space<vmem>>) offsets(%dma_start3A_88 : memref<128xi32, #tpu.memory_space<vmem>>) semaphore(%arg12 : memref<!tpu.dma_semaphore, #tpu.memory_space<semaphore_mem>>)
      %dma_start3A_92 = arith.constant 1 : i32
      %dma_start3A_93 = arith.constant 0 : i32
      %dma_start3A_94 = tpu.memref_slice %arg7[%dma_start3A_92, %dma_start3A_93] : memref<40x128xi32, #tpu.memory_space<vmem>> -> memref<1x128xi32, #tpu.memory_space<vmem>>
      %dma_start3A_95 = tpu.memref_squeeze %dma_start3A_94 : memref<1x128xi32, #tpu.memory_space<vmem>> -> memref<128xi32, #tpu.memory_space<vmem>>
      %dma_start3A_96 = arith.constant 0 : i32
      %dma_start3A_97 = arith.constant 0 : i32
      %dma_start3A_98 = tpu.memref_slice %arg2[%dma_start3A_96, %dma_start3A_97] : memref<10112x128xf32, #tpu.memory_space<hbm>> -> memref<10112x128xf32, #tpu.memory_space<hbm>>
      tpu.enqueue_indirect_dma source(%dma_start3A_98 : memref<10112x128xf32, #tpu.memory_space<hbm>>) target(%arg10 : memref<128x128xf32, #tpu.memory_space<vmem>>) offsets(%dma_start3A_95 : memref<128xi32, #tpu.memory_space<vmem>>) semaphore(%arg13 : memref<!tpu.dma_semaphore, #tpu.memory_space<semaphore_mem>>)
      %dma_wait3A_99 = arith.constant 0 : i32
      %dma_wait3A_100 = arith.constant 0 : i32
      %dma_wait3A_101 = tpu.memref_slice %arg7[%dma_wait3A_99, %dma_wait3A_100] : memref<40x128xi32, #tpu.memory_space<vmem>> -> memref<1x128xi32, #tpu.memory_space<vmem>>
      %dma_wait3A_102 = tpu.memref_squeeze %dma_wait3A_101 : memref<1x128xi32, #tpu.memory_space<vmem>> -> memref<128xi32, #tpu.memory_space<vmem>>
      %dma_wait3A_103 = arith.constant 0 : i32
      %dma_wait3A_104 = arith.constant 0 : i32
      %dma_wait3A_105 = tpu.memref_slice %arg2[%dma_wait3A_103, %dma_wait3A_104] : memref<10112x128xf32, #tpu.memory_space<hbm>> -> memref<10112x128xf32, #tpu.memory_space<hbm>>
      tpu.wait_indirect_dma semaphore(%arg12 : memref<!tpu.dma_semaphore, #tpu.memory_space<semaphore_mem>>) src(%dma_wait3A_105 : memref<10112x128xf32, #tpu.memory_space<hbm>>) dst(%arg9 : memref<128x128xf32, #tpu.memory_space<vmem>>)
      %dma_start3A_106 = arith.constant 0 : i32
      %dma_start3A_107 = arith.constant 0 : i32
      %dma_start3A_108 = tpu.memref_slice %arg8[%dma_start3A_106, %dma_start3A_107] : memref<40x128xi32, #tpu.memory_space<vmem>> -> memref<1x128xi32, #tpu.memory_space<vmem>>
      %dma_start3A_109 = tpu.memref_squeeze %dma_start3A_108 : memref<1x128xi32, #tpu.memory_space<vmem>> -> memref<128xi32, #tpu.memory_space<vmem>>
      %dma_start3A_110 = arith.constant 0 : i32
      %dma_start3A_111 = arith.constant 0 : i32
      %dma_start3A_112 = tpu.memref_slice %arg11[%dma_start3A_110, %dma_start3A_111] : memref<10112x128xf32, #tpu.memory_space<vmem_shared>> -> memref<10112x128xf32, #tpu.memory_space<vmem_shared>>
      tpu.enqueue_indirect_dma source(%arg9 : memref<128x128xf32, #tpu.memory_space<vmem>>) target(%dma_start3A_112 : memref<10112x128xf32, #tpu.memory_space<vmem_shared>>) offsets(%dma_start3A_109 : memref<128xi32, #tpu.memory_space<vmem>>) semaphore(%arg14 : memref<!tpu.dma_semaphore, #tpu.memory_space<semaphore_mem>>) {add = true}
      %scan3A_113 = arith.constant 0 : i32
      %scan3A_114 = arith.constant 0 : i32
      %scan3A_115 = arith.constant 19 : i32
      %scan3A_116 = arith.addi %scan3A_114, %scan3A_115 : i32
      %scan3A_117 = arith.constant 1 : i32
      scf.for %scan3A_147 = %scan3A_114 to %scan3A_116 step %scan3A_117  : i32 {
        %mul3A_148 = arith.constant 2 : i32
        %mul3A_149 = arith.muli %mul3A_148, %scan3A_147 : i32
        %add3A_150 = arith.constant 1 : i32
        %add3A_151 = arith.addi %mul3A_149, %add3A_150 : i32
        %dma_wait3A_152 = arith.constant 0 : i32
        %dma_wait3A_153 = arith.constant 0 : i32
        %dma_wait3A_154 = tpu.memref_slice %arg8[%dma_wait3A_152, %dma_wait3A_153] : memref<40x128xi32, #tpu.memory_space<vmem>> -> memref<1x128xi32, #tpu.memory_space<vmem>>
        %dma_wait3A_155 = tpu.memref_squeeze %dma_wait3A_154 : memref<1x128xi32, #tpu.memory_space<vmem>> -> memref<128xi32, #tpu.memory_space<vmem>>
        %dma_wait3A_156 = arith.constant 0 : i32
        %dma_wait3A_157 = arith.constant 0 : i32
        %dma_wait3A_158 = tpu.memref_slice %arg11[%dma_wait3A_156, %dma_wait3A_157] : memref<10112x128xf32, #tpu.memory_space<vmem_shared>> -> memref<10112x128xf32, #tpu.memory_space<vmem_shared>>
        tpu.wait_indirect_dma semaphore(%arg14 : memref<!tpu.dma_semaphore, #tpu.memory_space<semaphore_mem>>) src(%arg9 : memref<128x128xf32, #tpu.memory_space<vmem>>) dst(%dma_wait3A_158 : memref<10112x128xf32, #tpu.memory_space<vmem_shared>>)
        %add3A_159 = arith.constant 1 : i32
        %add3A_160 = arith.addi %add3A_151, %add3A_159 : i32
        %dma_start3A_161 = arith.constant 0 : i32
        %dma_start3A_162 = tpu.memref_slice %arg7[%add3A_160, %dma_start3A_161] : memref<40x128xi32, #tpu.memory_space<vmem>> -> memref<1x128xi32, #tpu.memory_space<vmem>>
        %dma_start3A_163 = tpu.memref_squeeze %dma_start3A_162 : memref<1x128xi32, #tpu.memory_space<vmem>> -> memref<128xi32, #tpu.memory_space<vmem>>
        %dma_start3A_164 = arith.constant 0 : i32
        %dma_start3A_165 = arith.constant 0 : i32
        %dma_start3A_166 = tpu.memref_slice %arg2[%dma_start3A_164, %dma_start3A_165] : memref<10112x128xf32, #tpu.memory_space<hbm>> -> memref<10112x128xf32, #tpu.memory_space<hbm>>
        tpu.enqueue_indirect_dma source(%dma_start3A_166 : memref<10112x128xf32, #tpu.memory_space<hbm>>) target(%arg9 : memref<128x128xf32, #tpu.memory_space<vmem>>) offsets(%dma_start3A_163 : memref<128xi32, #tpu.memory_space<vmem>>) semaphore(%arg12 : memref<!tpu.dma_semaphore, #tpu.memory_space<semaphore_mem>>)
        %dma_wait3A_167 = arith.constant 0 : i32
        %dma_wait3A_168 = arith.constant 0 : i32
        %dma_wait3A_169 = tpu.memref_slice %arg7[%dma_wait3A_167, %dma_wait3A_168] : memref<40x128xi32, #tpu.memory_space<vmem>> -> memref<1x128xi32, #tpu.memory_space<vmem>>
        %dma_wait3A_170 = tpu.memref_squeeze %dma_wait3A_169 : memref<1x128xi32, #tpu.memory_space<vmem>> -> memref<128xi32, #tpu.memory_space<vmem>>
        %dma_wait3A_171 = arith.constant 0 : i32
        %dma_wait3A_172 = arith.constant 0 : i32
        %dma_wait3A_173 = tpu.memref_slice %arg2[%dma_wait3A_171, %dma_wait3A_172] : memref<10112x128xf32, #tpu.memory_space<hbm>> -> memref<10112x128xf32, #tpu.memory_space<hbm>>
        tpu.wait_indirect_dma semaphore(%arg13 : memref<!tpu.dma_semaphore, #tpu.memory_space<semaphore_mem>>) src(%dma_wait3A_173 : memref<10112x128xf32, #tpu.memory_space<hbm>>) dst(%arg10 : memref<128x128xf32, #tpu.memory_space<vmem>>)
        %dma_start3A_174 = arith.constant 0 : i32
        %dma_start3A_175 = tpu.memref_slice %arg8[%add3A_151, %dma_start3A_174] : memref<40x128xi32, #tpu.memory_space<vmem>> -> memref<1x128xi32, #tpu.memory_space<vmem>>
        %dma_start3A_176 = tpu.memref_squeeze %dma_start3A_175 : memref<1x128xi32, #tpu.memory_space<vmem>> -> memref<128xi32, #tpu.memory_space<vmem>>
        %dma_start3A_177 = arith.constant 0 : i32
        %dma_start3A_178 = arith.constant 0 : i32
        %dma_start3A_179 = tpu.memref_slice %arg11[%dma_start3A_177, %dma_start3A_178] : memref<10112x128xf32, #tpu.memory_space<vmem_shared>> -> memref<10112x128xf32, #tpu.memory_space<vmem_shared>>
        tpu.enqueue_indirect_dma source(%arg10 : memref<128x128xf32, #tpu.memory_space<vmem>>) target(%dma_start3A_179 : memref<10112x128xf32, #tpu.memory_space<vmem_shared>>) offsets(%dma_start3A_176 : memref<128xi32, #tpu.memory_space<vmem>>) semaphore(%arg15 : memref<!tpu.dma_semaphore, #tpu.memory_space<semaphore_mem>>) {add = true}
        %dma_wait3A_180 = arith.constant 0 : i32
        %dma_wait3A_181 = arith.constant 0 : i32
        %dma_wait3A_182 = tpu.memref_slice %arg8[%dma_wait3A_180, %dma_wait3A_181] : memref<40x128xi32, #tpu.memory_space<vmem>> -> memref<1x128xi32, #tpu.memory_space<vmem>>
        %dma_wait3A_183 = tpu.memref_squeeze %dma_wait3A_182 : memref<1x128xi32, #tpu.memory_space<vmem>> -> memref<128xi32, #tpu.memory_space<vmem>>
        %dma_wait3A_184 = arith.constant 0 : i32
        %dma_wait3A_185 = arith.constant 0 : i32
        %dma_wait3A_186 = tpu.memref_slice %arg11[%dma_wait3A_184, %dma_wait3A_185] : memref<10112x128xf32, #tpu.memory_space<vmem_shared>> -> memref<10112x128xf32, #tpu.memory_space<vmem_shared>>
        tpu.wait_indirect_dma semaphore(%arg15 : memref<!tpu.dma_semaphore, #tpu.memory_space<semaphore_mem>>) src(%arg10 : memref<128x128xf32, #tpu.memory_space<vmem>>) dst(%dma_wait3A_186 : memref<10112x128xf32, #tpu.memory_space<vmem_shared>>)
        %add3A_187 = arith.constant 2 : i32
        %add3A_188 = arith.addi %add3A_151, %add3A_187 : i32
        %dma_start3A_189 = arith.constant 0 : i32
        %dma_start3A_190 = tpu.memref_slice %arg7[%add3A_188, %dma_start3A_189] : memref<40x128xi32, #tpu.memory_space<vmem>> -> memref<1x128xi32, #tpu.memory_space<vmem>>
        %dma_start3A_191 = tpu.memref_squeeze %dma_start3A_190 : memref<1x128xi32, #tpu.memory_space<vmem>> -> memref<128xi32, #tpu.memory_space<vmem>>
        %dma_start3A_192 = arith.constant 0 : i32
        %dma_start3A_193 = arith.constant 0 : i32
        %dma_start3A_194 = tpu.memref_slice %arg2[%dma_start3A_192, %dma_start3A_193] : memref<10112x128xf32, #tpu.memory_space<hbm>> -> memref<10112x128xf32, #tpu.memory_space<hbm>>
        tpu.enqueue_indirect_dma source(%dma_start3A_194 : memref<10112x128xf32, #tpu.memory_space<hbm>>) target(%arg10 : memref<128x128xf32, #tpu.memory_space<vmem>>) offsets(%dma_start3A_191 : memref<128xi32, #tpu.memory_space<vmem>>) semaphore(%arg13 : memref<!tpu.dma_semaphore, #tpu.memory_space<semaphore_mem>>)
        %dma_wait3A_195 = arith.constant 0 : i32
        %dma_wait3A_196 = arith.constant 0 : i32
        %dma_wait3A_197 = tpu.memref_slice %arg7[%dma_wait3A_195, %dma_wait3A_196] : memref<40x128xi32, #tpu.memory_space<vmem>> -> memref<1x128xi32, #tpu.memory_space<vmem>>
        %dma_wait3A_198 = tpu.memref_squeeze %dma_wait3A_197 : memref<1x128xi32, #tpu.memory_space<vmem>> -> memref<128xi32, #tpu.memory_space<vmem>>
        %dma_wait3A_199 = arith.constant 0 : i32
        %dma_wait3A_200 = arith.constant 0 : i32
        %dma_wait3A_201 = tpu.memref_slice %arg2[%dma_wait3A_199, %dma_wait3A_200] : memref<10112x128xf32, #tpu.memory_space<hbm>> -> memref<10112x128xf32, #tpu.memory_space<hbm>>
        tpu.wait_indirect_dma semaphore(%arg12 : memref<!tpu.dma_semaphore, #tpu.memory_space<semaphore_mem>>) src(%dma_wait3A_201 : memref<10112x128xf32, #tpu.memory_space<hbm>>) dst(%arg9 : memref<128x128xf32, #tpu.memory_space<vmem>>)
        %add3A_202 = arith.constant 1 : i32
        %add3A_203 = arith.addi %add3A_151, %add3A_202 : i32
        %dma_start3A_204 = arith.constant 0 : i32
        %dma_start3A_205 = tpu.memref_slice %arg8[%add3A_203, %dma_start3A_204] : memref<40x128xi32, #tpu.memory_space<vmem>> -> memref<1x128xi32, #tpu.memory_space<vmem>>
        %dma_start3A_206 = tpu.memref_squeeze %dma_start3A_205 : memref<1x128xi32, #tpu.memory_space<vmem>> -> memref<128xi32, #tpu.memory_space<vmem>>
        %dma_start3A_207 = arith.constant 0 : i32
        %dma_start3A_208 = arith.constant 0 : i32
        %dma_start3A_209 = tpu.memref_slice %arg11[%dma_start3A_207, %dma_start3A_208] : memref<10112x128xf32, #tpu.memory_space<vmem_shared>> -> memref<10112x128xf32, #tpu.memory_space<vmem_shared>>
        tpu.enqueue_indirect_dma source(%arg9 : memref<128x128xf32, #tpu.memory_space<vmem>>) target(%dma_start3A_209 : memref<10112x128xf32, #tpu.memory_space<vmem_shared>>) offsets(%dma_start3A_206 : memref<128xi32, #tpu.memory_space<vmem>>) semaphore(%arg14 : memref<!tpu.dma_semaphore, #tpu.memory_space<semaphore_mem>>) {add = true}
      }
      %scan3A_118 = arith.constant 19 : i32
      %dma_wait3A_119 = arith.constant 0 : i32
      %dma_wait3A_120 = arith.constant 0 : i32
      %dma_wait3A_121 = tpu.memref_slice %arg8[%dma_wait3A_119, %dma_wait3A_120] : memref<40x128xi32, #tpu.memory_space<vmem>> -> memref<1x128xi32, #tpu.memory_space<vmem>>
      %dma_wait3A_122 = tpu.memref_squeeze %dma_wait3A_121 : memref<1x128xi32, #tpu.memory_space<vmem>> -> memref<128xi32, #tpu.memory_space<vmem>>
      %dma_wait3A_123 = arith.constant 0 : i32
      %dma_wait3A_124 = arith.constant 0 : i32
      %dma_wait3A_125 = tpu.memref_slice %arg11[%dma_wait3A_123, %dma_wait3A_124] : memref<10112x128xf32, #tpu.memory_space<vmem_shared>> -> memref<10112x128xf32, #tpu.memory_space<vmem_shared>>
      tpu.wait_indirect_dma semaphore(%arg14 : memref<!tpu.dma_semaphore, #tpu.memory_space<semaphore_mem>>) src(%arg9 : memref<128x128xf32, #tpu.memory_space<vmem>>) dst(%dma_wait3A_125 : memref<10112x128xf32, #tpu.memory_space<vmem_shared>>)
      %dma_wait3A_126 = arith.constant 0 : i32
      %dma_wait3A_127 = arith.constant 0 : i32
      %dma_wait3A_128 = tpu.memref_slice %arg7[%dma_wait3A_126, %dma_wait3A_127] : memref<40x128xi32, #tpu.memory_space<vmem>> -> memref<1x128xi32, #tpu.memory_space<vmem>>
      %dma_wait3A_129 = tpu.memref_squeeze %dma_wait3A_128 : memref<1x128xi32, #tpu.memory_space<vmem>> -> memref<128xi32, #tpu.memory_space<vmem>>
      %dma_wait3A_130 = arith.constant 0 : i32
      %dma_wait3A_131 = arith.constant 0 : i32
      %dma_wait3A_132 = tpu.memref_slice %arg2[%dma_wait3A_130, %dma_wait3A_131] : memref<10112x128xf32, #tpu.memory_space<hbm>> -> memref<10112x128xf32, #tpu.memory_space<hbm>>
      tpu.wait_indirect_dma semaphore(%arg13 : memref<!tpu.dma_semaphore, #tpu.memory_space<semaphore_mem>>) src(%dma_wait3A_132 : memref<10112x128xf32, #tpu.memory_space<hbm>>) dst(%arg10 : memref<128x128xf32, #tpu.memory_space<vmem>>)
      %dma_start3A_133 = arith.constant 39 : i32
      %dma_start3A_134 = arith.constant 0 : i32
      %dma_start3A_135 = tpu.memref_slice %arg8[%dma_start3A_133, %dma_start3A_134] : memref<40x128xi32, #tpu.memory_space<vmem>> -> memref<1x128xi32, #tpu.memory_space<vmem>>
      %dma_start3A_136 = tpu.memref_squeeze %dma_start3A_135 : memref<1x128xi32, #tpu.memory_space<vmem>> -> memref<128xi32, #tpu.memory_space<vmem>>
      %dma_start3A_137 = arith.constant 0 : i32
      %dma_start3A_138 = arith.constant 0 : i32
      %dma_start3A_139 = tpu.memref_slice %arg11[%dma_start3A_137, %dma_start3A_138] : memref<10112x128xf32, #tpu.memory_space<vmem_shared>> -> memref<10112x128xf32, #tpu.memory_space<vmem_shared>>
      tpu.enqueue_indirect_dma source(%arg10 : memref<128x128xf32, #tpu.memory_space<vmem>>) target(%dma_start3A_139 : memref<10112x128xf32, #tpu.memory_space<vmem_shared>>) offsets(%dma_start3A_136 : memref<128xi32, #tpu.memory_space<vmem>>) semaphore(%arg15 : memref<!tpu.dma_semaphore, #tpu.memory_space<semaphore_mem>>) {add = true}
      %dma_wait3A_140 = arith.constant 39 : i32
      %dma_wait3A_141 = arith.constant 0 : i32
      %dma_wait3A_142 = tpu.memref_slice %arg8[%dma_wait3A_140, %dma_wait3A_141] : memref<40x128xi32, #tpu.memory_space<vmem>> -> memref<1x128xi32, #tpu.memory_space<vmem>>
      %dma_wait3A_143 = tpu.memref_squeeze %dma_wait3A_142 : memref<1x128xi32, #tpu.memory_space<vmem>> -> memref<128xi32, #tpu.memory_space<vmem>>
      %dma_wait3A_144 = arith.constant 0 : i32
      %dma_wait3A_145 = arith.constant 0 : i32
      %dma_wait3A_146 = tpu.memref_slice %arg11[%dma_wait3A_144, %dma_wait3A_145] : memref<10112x128xf32, #tpu.memory_space<vmem_shared>> -> memref<10112x128xf32, #tpu.memory_space<vmem_shared>>
      tpu.wait_indirect_dma semaphore(%arg15 : memref<!tpu.dma_semaphore, #tpu.memory_space<semaphore_mem>>) src(%arg10 : memref<128x128xf32, #tpu.memory_space<vmem>>) dst(%dma_wait3A_146 : memref<10112x128xf32, #tpu.memory_space<vmem_shared>>)
    } else {
    }
    %eq3A_12 = arith.constant 1 : i32
    %eq3A_13 = arith.cmpi eq, %arg0, %eq3A_12 : i32
    %convert_element_type3A_14 = arith.extui %eq3A_13 : i1 to i32
    %cond3A_15 = arith.constant 0 : i32
    %cond3A_16 = arith.cmpi ne, %convert_element_type3A_14, %cond3A_15 : i32
    scf.if %cond3A_16 {
      %mul3A_21 = arith.constant 80 : i32
      %mul3A_22 = arith.muli %arg1, %mul3A_21 : i32
      %add3A = arith.constant 1280 : i32
      %add3A_23 = arith.addi %add3A, %mul3A_22 : i32
      %add3A_24 = arith.constant 0 : i32
      %add3A_25 = arith.addi %add3A_23, %add3A_24 : i32
      "tpu.region"() ({
        %run_scoped3A = tpu.sem_alloc : memref<!tpu.dma_semaphore, #tpu.memory_space<semaphore_mem>>
        %dma_start3A_149 = arith.constant 0 : i32
        %dma_start3A_150 = arith.constant 0 : i32
        %dma_start3A_151 = tpu.memref_slice %arg7[%dma_start3A_149, %dma_start3A_150] : memref<40x128xi32, #tpu.memory_space<vmem>> -> memref<40x128xi32, #tpu.memory_space<vmem>>
        %dma_start3A_152 = arith.constant 0 : i32
        %dma_start3A_153 = tpu.memref_slice %arg3[%add3A_25, %dma_start3A_152] : memref<2560x128xi32, #tpu.memory_space<hbm>> -> memref<40x128xi32, #tpu.memory_space<hbm>>
        %dma_start3A_154 = arith.constant 0 : i32
        %dma_start3A_155 = arith.constant 0 : i32
        %dma_start3A_156 = tpu.memref_slice %arg7[%dma_start3A_154, %dma_start3A_155] : memref<40x128xi32, #tpu.memory_space<vmem>> -> memref<40x128xi32, #tpu.memory_space<vmem>>
        %dma_start3A_157 = arith.constant 0 : i32
        %dma_start3A_158 = tpu.memref_slice %arg3[%add3A_25, %dma_start3A_157] : memref<2560x128xi32, #tpu.memory_space<hbm>> -> memref<40x128xi32, #tpu.memory_space<hbm>>
        tpu.enqueue_dma source(%dma_start3A_158 : memref<40x128xi32, #tpu.memory_space<hbm>>) target(%dma_start3A_156 : memref<40x128xi32, #tpu.memory_space<vmem>>) target_semaphore(%run_scoped3A : memref<!tpu.dma_semaphore, #tpu.memory_space<semaphore_mem>>)
        %dma_wait3A_159 = arith.constant 0 : i32
        %dma_wait3A_160 = arith.constant 0 : i32
        %dma_wait3A_161 = tpu.memref_slice %arg7[%dma_wait3A_159, %dma_wait3A_160] : memref<40x128xi32, #tpu.memory_space<vmem>> -> memref<40x128xi32, #tpu.memory_space<vmem>>
        %dma_wait3A_162 = arith.constant 0 : i32
        %dma_wait3A_163 = tpu.memref_slice %arg3[%add3A_25, %dma_wait3A_162] : memref<2560x128xi32, #tpu.memory_space<hbm>> -> memref<40x128xi32, #tpu.memory_space<hbm>>
        %dma_wait3A_164 = arith.constant 0 : i32
        %dma_wait3A_165 = arith.constant 0 : i32
        %dma_wait3A_166 = tpu.memref_slice %arg7[%dma_wait3A_164, %dma_wait3A_165] : memref<40x128xi32, #tpu.memory_space<vmem>> -> memref<40x128xi32, #tpu.memory_space<vmem>>
        %dma_wait3A_167 = arith.constant 0 : i32
        %dma_wait3A_168 = tpu.memref_slice %arg3[%add3A_25, %dma_wait3A_167] : memref<2560x128xi32, #tpu.memory_space<hbm>> -> memref<40x128xi32, #tpu.memory_space<hbm>>
        tpu.wait_dma2 semaphore(%run_scoped3A : memref<!tpu.dma_semaphore, #tpu.memory_space<semaphore_mem>>) src(%dma_wait3A_168 : memref<40x128xi32, #tpu.memory_space<hbm>>) dst(%dma_wait3A_166 : memref<40x128xi32, #tpu.memory_space<vmem>>)
        tpu.yield
      }) : () -> ()
      "tpu.region"() ({
        %run_scoped3A = tpu.sem_alloc : memref<!tpu.dma_semaphore, #tpu.memory_space<semaphore_mem>>
        %dma_start3A_149 = arith.constant 0 : i32
        %dma_start3A_150 = arith.constant 0 : i32
        %dma_start3A_151 = tpu.memref_slice %arg8[%dma_start3A_149, %dma_start3A_150] : memref<40x128xi32, #tpu.memory_space<vmem>> -> memref<40x128xi32, #tpu.memory_space<vmem>>
        %dma_start3A_152 = arith.constant 0 : i32
        %dma_start3A_153 = tpu.memref_slice %arg4[%add3A_25, %dma_start3A_152] : memref<2560x128xi32, #tpu.memory_space<hbm>> -> memref<40x128xi32, #tpu.memory_space<hbm>>
        %dma_start3A_154 = arith.constant 0 : i32
        %dma_start3A_155 = arith.constant 0 : i32
        %dma_start3A_156 = tpu.memref_slice %arg8[%dma_start3A_154, %dma_start3A_155] : memref<40x128xi32, #tpu.memory_space<vmem>> -> memref<40x128xi32, #tpu.memory_space<vmem>>
        %dma_start3A_157 = arith.constant 0 : i32
        %dma_start3A_158 = tpu.memref_slice %arg4[%add3A_25, %dma_start3A_157] : memref<2560x128xi32, #tpu.memory_space<hbm>> -> memref<40x128xi32, #tpu.memory_space<hbm>>
        tpu.enqueue_dma source(%dma_start3A_158 : memref<40x128xi32, #tpu.memory_space<hbm>>) target(%dma_start3A_156 : memref<40x128xi32, #tpu.memory_space<vmem>>) target_semaphore(%run_scoped3A : memref<!tpu.dma_semaphore, #tpu.memory_space<semaphore_mem>>)
        %dma_wait3A_159 = arith.constant 0 : i32
        %dma_wait3A_160 = arith.constant 0 : i32
        %dma_wait3A_161 = tpu.memref_slice %arg8[%dma_wait3A_159, %dma_wait3A_160] : memref<40x128xi32, #tpu.memory_space<vmem>> -> memref<40x128xi32, #tpu.memory_space<vmem>>
        %dma_wait3A_162 = arith.constant 0 : i32
        %dma_wait3A_163 = tpu.memref_slice %arg4[%add3A_25, %dma_wait3A_162] : memref<2560x128xi32, #tpu.memory_space<hbm>> -> memref<40x128xi32, #tpu.memory_space<hbm>>
        %dma_wait3A_164 = arith.constant 0 : i32
        %dma_wait3A_165 = arith.constant 0 : i32
        %dma_wait3A_166 = tpu.memref_slice %arg8[%dma_wait3A_164, %dma_wait3A_165] : memref<40x128xi32, #tpu.memory_space<vmem>> -> memref<40x128xi32, #tpu.memory_space<vmem>>
        %dma_wait3A_167 = arith.constant 0 : i32
        %dma_wait3A_168 = tpu.memref_slice %arg4[%add3A_25, %dma_wait3A_167] : memref<2560x128xi32, #tpu.memory_space<hbm>> -> memref<40x128xi32, #tpu.memory_space<hbm>>
        tpu.wait_dma2 semaphore(%run_scoped3A : memref<!tpu.dma_semaphore, #tpu.memory_space<semaphore_mem>>) src(%dma_wait3A_168 : memref<40x128xi32, #tpu.memory_space<hbm>>) dst(%dma_wait3A_166 : memref<40x128xi32, #tpu.memory_space<vmem>>)
        tpu.yield
      }) : () -> ()
      %dma_start3A = arith.constant 0 : i32
      %dma_start3A_26 = arith.constant 0 : i32
      %dma_start3A_27 = tpu.memref_slice %arg7[%dma_start3A, %dma_start3A_26] : memref<40x128xi32, #tpu.memory_space<vmem>> -> memref<1x128xi32, #tpu.memory_space<vmem>>
      %dma_start3A_28 = tpu.memref_squeeze %dma_start3A_27 : memref<1x128xi32, #tpu.memory_space<vmem>> -> memref<128xi32, #tpu.memory_space<vmem>>
      %dma_start3A_29 = arith.constant 0 : i32
      %dma_start3A_30 = arith.constant 0 : i32
      %dma_start3A_31 = tpu.memref_slice %arg2[%dma_start3A_29, %dma_start3A_30] : memref<10112x128xf32, #tpu.memory_space<hbm>> -> memref<10112x128xf32, #tpu.memory_space<hbm>>
      tpu.enqueue_indirect_dma source(%dma_start3A_31 : memref<10112x128xf32, #tpu.memory_space<hbm>>) target(%arg9 : memref<128x128xf32, #tpu.memory_space<vmem>>) offsets(%dma_start3A_28 : memref<128xi32, #tpu.memory_space<vmem>>) semaphore(%arg12 : memref<!tpu.dma_semaphore, #tpu.memory_space<semaphore_mem>>)
      %dma_start3A_32 = arith.constant 1 : i32
      %dma_start3A_33 = arith.constant 0 : i32
      %dma_start3A_34 = tpu.memref_slice %arg7[%dma_start3A_32, %dma_start3A_33] : memref<40x128xi32, #tpu.memory_space<vmem>> -> memref<1x128xi32, #tpu.memory_space<vmem>>
      %dma_start3A_35 = tpu.memref_squeeze %dma_start3A_34 : memref<1x128xi32, #tpu.memory_space<vmem>> -> memref<128xi32, #tpu.memory_space<vmem>>
      %dma_start3A_36 = arith.constant 0 : i32
      %dma_start3A_37 = arith.constant 0 : i32
      %dma_start3A_38 = tpu.memref_slice %arg2[%dma_start3A_36, %dma_start3A_37] : memref<10112x128xf32, #tpu.memory_space<hbm>> -> memref<10112x128xf32, #tpu.memory_space<hbm>>
      tpu.enqueue_indirect_dma source(%dma_start3A_38 : memref<10112x128xf32, #tpu.memory_space<hbm>>) target(%arg10 : memref<128x128xf32, #tpu.memory_space<vmem>>) offsets(%dma_start3A_35 : memref<128xi32, #tpu.memory_space<vmem>>) semaphore(%arg13 : memref<!tpu.dma_semaphore, #tpu.memory_space<semaphore_mem>>)
      %dma_wait3A = arith.constant 0 : i32
      %dma_wait3A_39 = arith.constant 0 : i32
      %dma_wait3A_40 = tpu.memref_slice %arg7[%dma_wait3A, %dma_wait3A_39] : memref<40x128xi32, #tpu.memory_space<vmem>> -> memref<1x128xi32, #tpu.memory_space<vmem>>
      %dma_wait3A_41 = tpu.memref_squeeze %dma_wait3A_40 : memref<1x128xi32, #tpu.memory_space<vmem>> -> memref<128xi32, #tpu.memory_space<vmem>>
      %dma_wait3A_42 = arith.constant 0 : i32
      %dma_wait3A_43 = arith.constant 0 : i32
      %dma_wait3A_44 = tpu.memref_slice %arg2[%dma_wait3A_42, %dma_wait3A_43] : memref<10112x128xf32, #tpu.memory_space<hbm>> -> memref<10112x128xf32, #tpu.memory_space<hbm>>
      tpu.wait_indirect_dma semaphore(%arg12 : memref<!tpu.dma_semaphore, #tpu.memory_space<semaphore_mem>>) src(%dma_wait3A_44 : memref<10112x128xf32, #tpu.memory_space<hbm>>) dst(%arg9 : memref<128x128xf32, #tpu.memory_space<vmem>>)
      %dma_start3A_45 = arith.constant 0 : i32
      %dma_start3A_46 = arith.constant 0 : i32
      %dma_start3A_47 = tpu.memref_slice %arg8[%dma_start3A_45, %dma_start3A_46] : memref<40x128xi32, #tpu.memory_space<vmem>> -> memref<1x128xi32, #tpu.memory_space<vmem>>
      %dma_start3A_48 = tpu.memref_squeeze %dma_start3A_47 : memref<1x128xi32, #tpu.memory_space<vmem>> -> memref<128xi32, #tpu.memory_space<vmem>>
      %dma_start3A_49 = arith.constant 0 : i32
      %dma_start3A_50 = arith.constant 0 : i32
      %dma_start3A_51 = tpu.memref_slice %arg11[%dma_start3A_49, %dma_start3A_50] : memref<10112x128xf32, #tpu.memory_space<vmem_shared>> -> memref<10112x128xf32, #tpu.memory_space<vmem_shared>>
      tpu.enqueue_indirect_dma source(%arg9 : memref<128x128xf32, #tpu.memory_space<vmem>>) target(%dma_start3A_51 : memref<10112x128xf32, #tpu.memory_space<vmem_shared>>) offsets(%dma_start3A_48 : memref<128xi32, #tpu.memory_space<vmem>>) semaphore(%arg14 : memref<!tpu.dma_semaphore, #tpu.memory_space<semaphore_mem>>) {add = true}
      %scan3A = arith.constant 0 : i32
      %scan3A_52 = arith.constant 0 : i32
      %scan3A_53 = arith.constant 19 : i32
      %scan3A_54 = arith.addi %scan3A_52, %scan3A_53 : i32
      %scan3A_55 = arith.constant 1 : i32
      scf.for %scan3A_149 = %scan3A_52 to %scan3A_54 step %scan3A_55  : i32 {
        %mul3A_150 = arith.constant 2 : i32
        %mul3A_151 = arith.muli %mul3A_150, %scan3A_149 : i32
        %add3A_152 = arith.constant 1 : i32
        %add3A_153 = arith.addi %mul3A_151, %add3A_152 : i32
        %dma_wait3A_154 = arith.constant 0 : i32
        %dma_wait3A_155 = arith.constant 0 : i32
        %dma_wait3A_156 = tpu.memref_slice %arg8[%dma_wait3A_154, %dma_wait3A_155] : memref<40x128xi32, #tpu.memory_space<vmem>> -> memref<1x128xi32, #tpu.memory_space<vmem>>
        %dma_wait3A_157 = tpu.memref_squeeze %dma_wait3A_156 : memref<1x128xi32, #tpu.memory_space<vmem>> -> memref<128xi32, #tpu.memory_space<vmem>>
        %dma_wait3A_158 = arith.constant 0 : i32
        %dma_wait3A_159 = arith.constant 0 : i32
        %dma_wait3A_160 = tpu.memref_slice %arg11[%dma_wait3A_158, %dma_wait3A_159] : memref<10112x128xf32, #tpu.memory_space<vmem_shared>> -> memref<10112x128xf32, #tpu.memory_space<vmem_shared>>
        tpu.wait_indirect_dma semaphore(%arg14 : memref<!tpu.dma_semaphore, #tpu.memory_space<semaphore_mem>>) src(%arg9 : memref<128x128xf32, #tpu.memory_space<vmem>>) dst(%dma_wait3A_160 : memref<10112x128xf32, #tpu.memory_space<vmem_shared>>)
        %add3A_161 = arith.constant 1 : i32
        %add3A_162 = arith.addi %add3A_153, %add3A_161 : i32
        %dma_start3A_163 = arith.constant 0 : i32
        %dma_start3A_164 = tpu.memref_slice %arg7[%add3A_162, %dma_start3A_163] : memref<40x128xi32, #tpu.memory_space<vmem>> -> memref<1x128xi32, #tpu.memory_space<vmem>>
        %dma_start3A_165 = tpu.memref_squeeze %dma_start3A_164 : memref<1x128xi32, #tpu.memory_space<vmem>> -> memref<128xi32, #tpu.memory_space<vmem>>
        %dma_start3A_166 = arith.constant 0 : i32
        %dma_start3A_167 = arith.constant 0 : i32
        %dma_start3A_168 = tpu.memref_slice %arg2[%dma_start3A_166, %dma_start3A_167] : memref<10112x128xf32, #tpu.memory_space<hbm>> -> memref<10112x128xf32, #tpu.memory_space<hbm>>
        tpu.enqueue_indirect_dma source(%dma_start3A_168 : memref<10112x128xf32, #tpu.memory_space<hbm>>) target(%arg9 : memref<128x128xf32, #tpu.memory_space<vmem>>) offsets(%dma_start3A_165 : memref<128xi32, #tpu.memory_space<vmem>>) semaphore(%arg12 : memref<!tpu.dma_semaphore, #tpu.memory_space<semaphore_mem>>)
        %dma_wait3A_169 = arith.constant 0 : i32
        %dma_wait3A_170 = arith.constant 0 : i32
        %dma_wait3A_171 = tpu.memref_slice %arg7[%dma_wait3A_169, %dma_wait3A_170] : memref<40x128xi32, #tpu.memory_space<vmem>> -> memref<1x128xi32, #tpu.memory_space<vmem>>
        %dma_wait3A_172 = tpu.memref_squeeze %dma_wait3A_171 : memref<1x128xi32, #tpu.memory_space<vmem>> -> memref<128xi32, #tpu.memory_space<vmem>>
        %dma_wait3A_173 = arith.constant 0 : i32
        %dma_wait3A_174 = arith.constant 0 : i32
        %dma_wait3A_175 = tpu.memref_slice %arg2[%dma_wait3A_173, %dma_wait3A_174] : memref<10112x128xf32, #tpu.memory_space<hbm>> -> memref<10112x128xf32, #tpu.memory_space<hbm>>
        tpu.wait_indirect_dma semaphore(%arg13 : memref<!tpu.dma_semaphore, #tpu.memory_space<semaphore_mem>>) src(%dma_wait3A_175 : memref<10112x128xf32, #tpu.memory_space<hbm>>) dst(%arg10 : memref<128x128xf32, #tpu.memory_space<vmem>>)
        %dma_start3A_176 = arith.constant 0 : i32
        %dma_start3A_177 = tpu.memref_slice %arg8[%add3A_153, %dma_start3A_176] : memref<40x128xi32, #tpu.memory_space<vmem>> -> memref<1x128xi32, #tpu.memory_space<vmem>>
        %dma_start3A_178 = tpu.memref_squeeze %dma_start3A_177 : memref<1x128xi32, #tpu.memory_space<vmem>> -> memref<128xi32, #tpu.memory_space<vmem>>
        %dma_start3A_179 = arith.constant 0 : i32
        %dma_start3A_180 = arith.constant 0 : i32
        %dma_start3A_181 = tpu.memref_slice %arg11[%dma_start3A_179, %dma_start3A_180] : memref<10112x128xf32, #tpu.memory_space<vmem_shared>> -> memref<10112x128xf32, #tpu.memory_space<vmem_shared>>
        tpu.enqueue_indirect_dma source(%arg10 : memref<128x128xf32, #tpu.memory_space<vmem>>) target(%dma_start3A_181 : memref<10112x128xf32, #tpu.memory_space<vmem_shared>>) offsets(%dma_start3A_178 : memref<128xi32, #tpu.memory_space<vmem>>) semaphore(%arg15 : memref<!tpu.dma_semaphore, #tpu.memory_space<semaphore_mem>>) {add = true}
        %dma_wait3A_182 = arith.constant 0 : i32
        %dma_wait3A_183 = arith.constant 0 : i32
        %dma_wait3A_184 = tpu.memref_slice %arg8[%dma_wait3A_182, %dma_wait3A_183] : memref<40x128xi32, #tpu.memory_space<vmem>> -> memref<1x128xi32, #tpu.memory_space<vmem>>
        %dma_wait3A_185 = tpu.memref_squeeze %dma_wait3A_184 : memref<1x128xi32, #tpu.memory_space<vmem>> -> memref<128xi32, #tpu.memory_space<vmem>>
        %dma_wait3A_186 = arith.constant 0 : i32
        %dma_wait3A_187 = arith.constant 0 : i32
        %dma_wait3A_188 = tpu.memref_slice %arg11[%dma_wait3A_186, %dma_wait3A_187] : memref<10112x128xf32, #tpu.memory_space<vmem_shared>> -> memref<10112x128xf32, #tpu.memory_space<vmem_shared>>
        tpu.wait_indirect_dma semaphore(%arg15 : memref<!tpu.dma_semaphore, #tpu.memory_space<semaphore_mem>>) src(%arg10 : memref<128x128xf32, #tpu.memory_space<vmem>>) dst(%dma_wait3A_188 : memref<10112x128xf32, #tpu.memory_space<vmem_shared>>)
        %add3A_189 = arith.constant 2 : i32
        %add3A_190 = arith.addi %add3A_153, %add3A_189 : i32
        %dma_start3A_191 = arith.constant 0 : i32
        %dma_start3A_192 = tpu.memref_slice %arg7[%add3A_190, %dma_start3A_191] : memref<40x128xi32, #tpu.memory_space<vmem>> -> memref<1x128xi32, #tpu.memory_space<vmem>>
        %dma_start3A_193 = tpu.memref_squeeze %dma_start3A_192 : memref<1x128xi32, #tpu.memory_space<vmem>> -> memref<128xi32, #tpu.memory_space<vmem>>
        %dma_start3A_194 = arith.constant 0 : i32
        %dma_start3A_195 = arith.constant 0 : i32
        %dma_start3A_196 = tpu.memref_slice %arg2[%dma_start3A_194, %dma_start3A_195] : memref<10112x128xf32, #tpu.memory_space<hbm>> -> memref<10112x128xf32, #tpu.memory_space<hbm>>
        tpu.enqueue_indirect_dma source(%dma_start3A_196 : memref<10112x128xf32, #tpu.memory_space<hbm>>) target(%arg10 : memref<128x128xf32, #tpu.memory_space<vmem>>) offsets(%dma_start3A_193 : memref<128xi32, #tpu.memory_space<vmem>>) semaphore(%arg13 : memref<!tpu.dma_semaphore, #tpu.memory_space<semaphore_mem>>)
        %dma_wait3A_197 = arith.constant 0 : i32
        %dma_wait3A_198 = arith.constant 0 : i32
        %dma_wait3A_199 = tpu.memref_slice %arg7[%dma_wait3A_197, %dma_wait3A_198] : memref<40x128xi32, #tpu.memory_space<vmem>> -> memref<1x128xi32, #tpu.memory_space<vmem>>
        %dma_wait3A_200 = tpu.memref_squeeze %dma_wait3A_199 : memref<1x128xi32, #tpu.memory_space<vmem>> -> memref<128xi32, #tpu.memory_space<vmem>>
        %dma_wait3A_201 = arith.constant 0 : i32
        %dma_wait3A_202 = arith.constant 0 : i32
        %dma_wait3A_203 = tpu.memref_slice %arg2[%dma_wait3A_201, %dma_wait3A_202] : memref<10112x128xf32, #tpu.memory_space<hbm>> -> memref<10112x128xf32, #tpu.memory_space<hbm>>
        tpu.wait_indirect_dma semaphore(%arg12 : memref<!tpu.dma_semaphore, #tpu.memory_space<semaphore_mem>>) src(%dma_wait3A_203 : memref<10112x128xf32, #tpu.memory_space<hbm>>) dst(%arg9 : memref<128x128xf32, #tpu.memory_space<vmem>>)
        %add3A_204 = arith.constant 1 : i32
        %add3A_205 = arith.addi %add3A_153, %add3A_204 : i32
        %dma_start3A_206 = arith.constant 0 : i32
        %dma_start3A_207 = tpu.memref_slice %arg8[%add3A_205, %dma_start3A_206] : memref<40x128xi32, #tpu.memory_space<vmem>> -> memref<1x128xi32, #tpu.memory_space<vmem>>
        %dma_start3A_208 = tpu.memref_squeeze %dma_start3A_207 : memref<1x128xi32, #tpu.memory_space<vmem>> -> memref<128xi32, #tpu.memory_space<vmem>>
        %dma_start3A_209 = arith.constant 0 : i32
        %dma_start3A_210 = arith.constant 0 : i32
        %dma_start3A_211 = tpu.memref_slice %arg11[%dma_start3A_209, %dma_start3A_210] : memref<10112x128xf32, #tpu.memory_space<vmem_shared>> -> memref<10112x128xf32, #tpu.memory_space<vmem_shared>>
        tpu.enqueue_indirect_dma source(%arg9 : memref<128x128xf32, #tpu.memory_space<vmem>>) target(%dma_start3A_211 : memref<10112x128xf32, #tpu.memory_space<vmem_shared>>) offsets(%dma_start3A_208 : memref<128xi32, #tpu.memory_space<vmem>>) semaphore(%arg14 : memref<!tpu.dma_semaphore, #tpu.memory_space<semaphore_mem>>) {add = true}
      }
      %scan3A_56 = arith.constant 19 : i32
      %dma_wait3A_57 = arith.constant 0 : i32
      %dma_wait3A_58 = arith.constant 0 : i32
      %dma_wait3A_59 = tpu.memref_slice %arg8[%dma_wait3A_57, %dma_wait3A_58] : memref<40x128xi32, #tpu.memory_space<vmem>> -> memref<1x128xi32, #tpu.memory_space<vmem>>
      %dma_wait3A_60 = tpu.memref_squeeze %dma_wait3A_59 : memref<1x128xi32, #tpu.memory_space<vmem>> -> memref<128xi32, #tpu.memory_space<vmem>>
      %dma_wait3A_61 = arith.constant 0 : i32
      %dma_wait3A_62 = arith.constant 0 : i32
      %dma_wait3A_63 = tpu.memref_slice %arg11[%dma_wait3A_61, %dma_wait3A_62] : memref<10112x128xf32, #tpu.memory_space<vmem_shared>> -> memref<10112x128xf32, #tpu.memory_space<vmem_shared>>
      tpu.wait_indirect_dma semaphore(%arg14 : memref<!tpu.dma_semaphore, #tpu.memory_space<semaphore_mem>>) src(%arg9 : memref<128x128xf32, #tpu.memory_space<vmem>>) dst(%dma_wait3A_63 : memref<10112x128xf32, #tpu.memory_space<vmem_shared>>)
      %dma_wait3A_64 = arith.constant 0 : i32
      %dma_wait3A_65 = arith.constant 0 : i32
      %dma_wait3A_66 = tpu.memref_slice %arg7[%dma_wait3A_64, %dma_wait3A_65] : memref<40x128xi32, #tpu.memory_space<vmem>> -> memref<1x128xi32, #tpu.memory_space<vmem>>
      %dma_wait3A_67 = tpu.memref_squeeze %dma_wait3A_66 : memref<1x128xi32, #tpu.memory_space<vmem>> -> memref<128xi32, #tpu.memory_space<vmem>>
      %dma_wait3A_68 = arith.constant 0 : i32
      %dma_wait3A_69 = arith.constant 0 : i32
      %dma_wait3A_70 = tpu.memref_slice %arg2[%dma_wait3A_68, %dma_wait3A_69] : memref<10112x128xf32, #tpu.memory_space<hbm>> -> memref<10112x128xf32, #tpu.memory_space<hbm>>
      tpu.wait_indirect_dma semaphore(%arg13 : memref<!tpu.dma_semaphore, #tpu.memory_space<semaphore_mem>>) src(%dma_wait3A_70 : memref<10112x128xf32, #tpu.memory_space<hbm>>) dst(%arg10 : memref<128x128xf32, #tpu.memory_space<vmem>>)
      %dma_start3A_71 = arith.constant 39 : i32
      %dma_start3A_72 = arith.constant 0 : i32
      %dma_start3A_73 = tpu.memref_slice %arg8[%dma_start3A_71, %dma_start3A_72] : memref<40x128xi32, #tpu.memory_space<vmem>> -> memref<1x128xi32, #tpu.memory_space<vmem>>
      %dma_start3A_74 = tpu.memref_squeeze %dma_start3A_73 : memref<1x128xi32, #tpu.memory_space<vmem>> -> memref<128xi32, #tpu.memory_space<vmem>>
      %dma_start3A_75 = arith.constant 0 : i32
      %dma_start3A_76 = arith.constant 0 : i32
      %dma_start3A_77 = tpu.memref_slice %arg11[%dma_start3A_75, %dma_start3A_76] : memref<10112x128xf32, #tpu.memory_space<vmem_shared>> -> memref<10112x128xf32, #tpu.memory_space<vmem_shared>>
      tpu.enqueue_indirect_dma source(%arg10 : memref<128x128xf32, #tpu.memory_space<vmem>>) target(%dma_start3A_77 : memref<10112x128xf32, #tpu.memory_space<vmem_shared>>) offsets(%dma_start3A_74 : memref<128xi32, #tpu.memory_space<vmem>>) semaphore(%arg15 : memref<!tpu.dma_semaphore, #tpu.memory_space<semaphore_mem>>) {add = true}
      %dma_wait3A_78 = arith.constant 39 : i32
      %dma_wait3A_79 = arith.constant 0 : i32
      %dma_wait3A_80 = tpu.memref_slice %arg8[%dma_wait3A_78, %dma_wait3A_79] : memref<40x128xi32, #tpu.memory_space<vmem>> -> memref<1x128xi32, #tpu.memory_space<vmem>>
      %dma_wait3A_81 = tpu.memref_squeeze %dma_wait3A_80 : memref<1x128xi32, #tpu.memory_space<vmem>> -> memref<128xi32, #tpu.memory_space<vmem>>
      %dma_wait3A_82 = arith.constant 0 : i32
      %dma_wait3A_83 = arith.constant 0 : i32
      %dma_wait3A_84 = tpu.memref_slice %arg11[%dma_wait3A_82, %dma_wait3A_83] : memref<10112x128xf32, #tpu.memory_space<vmem_shared>> -> memref<10112x128xf32, #tpu.memory_space<vmem_shared>>
      tpu.wait_indirect_dma semaphore(%arg15 : memref<!tpu.dma_semaphore, #tpu.memory_space<semaphore_mem>>) src(%arg10 : memref<128x128xf32, #tpu.memory_space<vmem>>) dst(%dma_wait3A_84 : memref<10112x128xf32, #tpu.memory_space<vmem_shared>>)
      %add3A_85 = arith.constant 40 : i32
      %add3A_86 = arith.addi %add3A_23, %add3A_85 : i32
      "tpu.region"() ({
        %run_scoped3A = tpu.sem_alloc : memref<!tpu.dma_semaphore, #tpu.memory_space<semaphore_mem>>
        %dma_start3A_149 = arith.constant 0 : i32
        %dma_start3A_150 = arith.constant 0 : i32
        %dma_start3A_151 = tpu.memref_slice %arg7[%dma_start3A_149, %dma_start3A_150] : memref<40x128xi32, #tpu.memory_space<vmem>> -> memref<40x128xi32, #tpu.memory_space<vmem>>
        %dma_start3A_152 = arith.constant 0 : i32
        %dma_start3A_153 = tpu.memref_slice %arg3[%add3A_86, %dma_start3A_152] : memref<2560x128xi32, #tpu.memory_space<hbm>> -> memref<40x128xi32, #tpu.memory_space<hbm>>
        %dma_start3A_154 = arith.constant 0 : i32
        %dma_start3A_155 = arith.constant 0 : i32
        %dma_start3A_156 = tpu.memref_slice %arg7[%dma_start3A_154, %dma_start3A_155] : memref<40x128xi32, #tpu.memory_space<vmem>> -> memref<40x128xi32, #tpu.memory_space<vmem>>
        %dma_start3A_157 = arith.constant 0 : i32
        %dma_start3A_158 = tpu.memref_slice %arg3[%add3A_86, %dma_start3A_157] : memref<2560x128xi32, #tpu.memory_space<hbm>> -> memref<40x128xi32, #tpu.memory_space<hbm>>
        tpu.enqueue_dma source(%dma_start3A_158 : memref<40x128xi32, #tpu.memory_space<hbm>>) target(%dma_start3A_156 : memref<40x128xi32, #tpu.memory_space<vmem>>) target_semaphore(%run_scoped3A : memref<!tpu.dma_semaphore, #tpu.memory_space<semaphore_mem>>)
        %dma_wait3A_159 = arith.constant 0 : i32
        %dma_wait3A_160 = arith.constant 0 : i32
        %dma_wait3A_161 = tpu.memref_slice %arg7[%dma_wait3A_159, %dma_wait3A_160] : memref<40x128xi32, #tpu.memory_space<vmem>> -> memref<40x128xi32, #tpu.memory_space<vmem>>
        %dma_wait3A_162 = arith.constant 0 : i32
        %dma_wait3A_163 = tpu.memref_slice %arg3[%add3A_86, %dma_wait3A_162] : memref<2560x128xi32, #tpu.memory_space<hbm>> -> memref<40x128xi32, #tpu.memory_space<hbm>>
        %dma_wait3A_164 = arith.constant 0 : i32
        %dma_wait3A_165 = arith.constant 0 : i32
        %dma_wait3A_166 = tpu.memref_slice %arg7[%dma_wait3A_164, %dma_wait3A_165] : memref<40x128xi32, #tpu.memory_space<vmem>> -> memref<40x128xi32, #tpu.memory_space<vmem>>
        %dma_wait3A_167 = arith.constant 0 : i32
        %dma_wait3A_168 = tpu.memref_slice %arg3[%add3A_86, %dma_wait3A_167] : memref<2560x128xi32, #tpu.memory_space<hbm>> -> memref<40x128xi32, #tpu.memory_space<hbm>>
        tpu.wait_dma2 semaphore(%run_scoped3A : memref<!tpu.dma_semaphore, #tpu.memory_space<semaphore_mem>>) src(%dma_wait3A_168 : memref<40x128xi32, #tpu.memory_space<hbm>>) dst(%dma_wait3A_166 : memref<40x128xi32, #tpu.memory_space<vmem>>)
        tpu.yield
      }) : () -> ()
      "tpu.region"() ({
        %run_scoped3A = tpu.sem_alloc : memref<!tpu.dma_semaphore, #tpu.memory_space<semaphore_mem>>
        %dma_start3A_149 = arith.constant 0 : i32
        %dma_start3A_150 = arith.constant 0 : i32
        %dma_start3A_151 = tpu.memref_slice %arg8[%dma_start3A_149, %dma_start3A_150] : memref<40x128xi32, #tpu.memory_space<vmem>> -> memref<40x128xi32, #tpu.memory_space<vmem>>
        %dma_start3A_152 = arith.constant 0 : i32
        %dma_start3A_153 = tpu.memref_slice %arg4[%add3A_86, %dma_start3A_152] : memref<2560x128xi32, #tpu.memory_space<hbm>> -> memref<40x128xi32, #tpu.memory_space<hbm>>
        %dma_start3A_154 = arith.constant 0 : i32
        %dma_start3A_155 = arith.constant 0 : i32
        %dma_start3A_156 = tpu.memref_slice %arg8[%dma_start3A_154, %dma_start3A_155] : memref<40x128xi32, #tpu.memory_space<vmem>> -> memref<40x128xi32, #tpu.memory_space<vmem>>
        %dma_start3A_157 = arith.constant 0 : i32
        %dma_start3A_158 = tpu.memref_slice %arg4[%add3A_86, %dma_start3A_157] : memref<2560x128xi32, #tpu.memory_space<hbm>> -> memref<40x128xi32, #tpu.memory_space<hbm>>
        tpu.enqueue_dma source(%dma_start3A_158 : memref<40x128xi32, #tpu.memory_space<hbm>>) target(%dma_start3A_156 : memref<40x128xi32, #tpu.memory_space<vmem>>) target_semaphore(%run_scoped3A : memref<!tpu.dma_semaphore, #tpu.memory_space<semaphore_mem>>)
        %dma_wait3A_159 = arith.constant 0 : i32
        %dma_wait3A_160 = arith.constant 0 : i32
        %dma_wait3A_161 = tpu.memref_slice %arg8[%dma_wait3A_159, %dma_wait3A_160] : memref<40x128xi32, #tpu.memory_space<vmem>> -> memref<40x128xi32, #tpu.memory_space<vmem>>
        %dma_wait3A_162 = arith.constant 0 : i32
        %dma_wait3A_163 = tpu.memref_slice %arg4[%add3A_86, %dma_wait3A_162] : memref<2560x128xi32, #tpu.memory_space<hbm>> -> memref<40x128xi32, #tpu.memory_space<hbm>>
        %dma_wait3A_164 = arith.constant 0 : i32
        %dma_wait3A_165 = arith.constant 0 : i32
        %dma_wait3A_166 = tpu.memref_slice %arg8[%dma_wait3A_164, %dma_wait3A_165] : memref<40x128xi32, #tpu.memory_space<vmem>> -> memref<40x128xi32, #tpu.memory_space<vmem>>
        %dma_wait3A_167 = arith.constant 0 : i32
        %dma_wait3A_168 = tpu.memref_slice %arg4[%add3A_86, %dma_wait3A_167] : memref<2560x128xi32, #tpu.memory_space<hbm>> -> memref<40x128xi32, #tpu.memory_space<hbm>>
        tpu.wait_dma2 semaphore(%run_scoped3A : memref<!tpu.dma_semaphore, #tpu.memory_space<semaphore_mem>>) src(%dma_wait3A_168 : memref<40x128xi32, #tpu.memory_space<hbm>>) dst(%dma_wait3A_166 : memref<40x128xi32, #tpu.memory_space<vmem>>)
        tpu.yield
      }) : () -> ()
      %dma_start3A_87 = arith.constant 0 : i32
      %dma_start3A_88 = arith.constant 0 : i32
      %dma_start3A_89 = tpu.memref_slice %arg7[%dma_start3A_87, %dma_start3A_88] : memref<40x128xi32, #tpu.memory_space<vmem>> -> memref<1x128xi32, #tpu.memory_space<vmem>>
      %dma_start3A_90 = tpu.memref_squeeze %dma_start3A_89 : memref<1x128xi32, #tpu.memory_space<vmem>> -> memref<128xi32, #tpu.memory_space<vmem>>
      %dma_start3A_91 = arith.constant 0 : i32
      %dma_start3A_92 = arith.constant 0 : i32
      %dma_start3A_93 = tpu.memref_slice %arg2[%dma_start3A_91, %dma_start3A_92] : memref<10112x128xf32, #tpu.memory_space<hbm>> -> memref<10112x128xf32, #tpu.memory_space<hbm>>
      tpu.enqueue_indirect_dma source(%dma_start3A_93 : memref<10112x128xf32, #tpu.memory_space<hbm>>) target(%arg9 : memref<128x128xf32, #tpu.memory_space<vmem>>) offsets(%dma_start3A_90 : memref<128xi32, #tpu.memory_space<vmem>>) semaphore(%arg12 : memref<!tpu.dma_semaphore, #tpu.memory_space<semaphore_mem>>)
      %dma_start3A_94 = arith.constant 1 : i32
      %dma_start3A_95 = arith.constant 0 : i32
      %dma_start3A_96 = tpu.memref_slice %arg7[%dma_start3A_94, %dma_start3A_95] : memref<40x128xi32, #tpu.memory_space<vmem>> -> memref<1x128xi32, #tpu.memory_space<vmem>>
      %dma_start3A_97 = tpu.memref_squeeze %dma_start3A_96 : memref<1x128xi32, #tpu.memory_space<vmem>> -> memref<128xi32, #tpu.memory_space<vmem>>
      %dma_start3A_98 = arith.constant 0 : i32
      %dma_start3A_99 = arith.constant 0 : i32
      %dma_start3A_100 = tpu.memref_slice %arg2[%dma_start3A_98, %dma_start3A_99] : memref<10112x128xf32, #tpu.memory_space<hbm>> -> memref<10112x128xf32, #tpu.memory_space<hbm>>
      tpu.enqueue_indirect_dma source(%dma_start3A_100 : memref<10112x128xf32, #tpu.memory_space<hbm>>) target(%arg10 : memref<128x128xf32, #tpu.memory_space<vmem>>) offsets(%dma_start3A_97 : memref<128xi32, #tpu.memory_space<vmem>>) semaphore(%arg13 : memref<!tpu.dma_semaphore, #tpu.memory_space<semaphore_mem>>)
      %dma_wait3A_101 = arith.constant 0 : i32
      %dma_wait3A_102 = arith.constant 0 : i32
      %dma_wait3A_103 = tpu.memref_slice %arg7[%dma_wait3A_101, %dma_wait3A_102] : memref<40x128xi32, #tpu.memory_space<vmem>> -> memref<1x128xi32, #tpu.memory_space<vmem>>
      %dma_wait3A_104 = tpu.memref_squeeze %dma_wait3A_103 : memref<1x128xi32, #tpu.memory_space<vmem>> -> memref<128xi32, #tpu.memory_space<vmem>>
      %dma_wait3A_105 = arith.constant 0 : i32
      %dma_wait3A_106 = arith.constant 0 : i32
      %dma_wait3A_107 = tpu.memref_slice %arg2[%dma_wait3A_105, %dma_wait3A_106] : memref<10112x128xf32, #tpu.memory_space<hbm>> -> memref<10112x128xf32, #tpu.memory_space<hbm>>
      tpu.wait_indirect_dma semaphore(%arg12 : memref<!tpu.dma_semaphore, #tpu.memory_space<semaphore_mem>>) src(%dma_wait3A_107 : memref<10112x128xf32, #tpu.memory_space<hbm>>) dst(%arg9 : memref<128x128xf32, #tpu.memory_space<vmem>>)
      %dma_start3A_108 = arith.constant 0 : i32
      %dma_start3A_109 = arith.constant 0 : i32
      %dma_start3A_110 = tpu.memref_slice %arg8[%dma_start3A_108, %dma_start3A_109] : memref<40x128xi32, #tpu.memory_space<vmem>> -> memref<1x128xi32, #tpu.memory_space<vmem>>
      %dma_start3A_111 = tpu.memref_squeeze %dma_start3A_110 : memref<1x128xi32, #tpu.memory_space<vmem>> -> memref<128xi32, #tpu.memory_space<vmem>>
      %dma_start3A_112 = arith.constant 0 : i32
      %dma_start3A_113 = arith.constant 0 : i32
      %dma_start3A_114 = tpu.memref_slice %arg11[%dma_start3A_112, %dma_start3A_113] : memref<10112x128xf32, #tpu.memory_space<vmem_shared>> -> memref<10112x128xf32, #tpu.memory_space<vmem_shared>>
      tpu.enqueue_indirect_dma source(%arg9 : memref<128x128xf32, #tpu.memory_space<vmem>>) target(%dma_start3A_114 : memref<10112x128xf32, #tpu.memory_space<vmem_shared>>) offsets(%dma_start3A_111 : memref<128xi32, #tpu.memory_space<vmem>>) semaphore(%arg14 : memref<!tpu.dma_semaphore, #tpu.memory_space<semaphore_mem>>) {add = true}
      %scan3A_115 = arith.constant 0 : i32
      %scan3A_116 = arith.constant 0 : i32
      %scan3A_117 = arith.constant 19 : i32
      %scan3A_118 = arith.addi %scan3A_116, %scan3A_117 : i32
      %scan3A_119 = arith.constant 1 : i32
      scf.for %scan3A_149 = %scan3A_116 to %scan3A_118 step %scan3A_119  : i32 {
        %mul3A_150 = arith.constant 2 : i32
        %mul3A_151 = arith.muli %mul3A_150, %scan3A_149 : i32
        %add3A_152 = arith.constant 1 : i32
        %add3A_153 = arith.addi %mul3A_151, %add3A_152 : i32
        %dma_wait3A_154 = arith.constant 0 : i32
        %dma_wait3A_155 = arith.constant 0 : i32
        %dma_wait3A_156 = tpu.memref_slice %arg8[%dma_wait3A_154, %dma_wait3A_155] : memref<40x128xi32, #tpu.memory_space<vmem>> -> memref<1x128xi32, #tpu.memory_space<vmem>>
        %dma_wait3A_157 = tpu.memref_squeeze %dma_wait3A_156 : memref<1x128xi32, #tpu.memory_space<vmem>> -> memref<128xi32, #tpu.memory_space<vmem>>
        %dma_wait3A_158 = arith.constant 0 : i32
        %dma_wait3A_159 = arith.constant 0 : i32
        %dma_wait3A_160 = tpu.memref_slice %arg11[%dma_wait3A_158, %dma_wait3A_159] : memref<10112x128xf32, #tpu.memory_space<vmem_shared>> -> memref<10112x128xf32, #tpu.memory_space<vmem_shared>>
        tpu.wait_indirect_dma semaphore(%arg14 : memref<!tpu.dma_semaphore, #tpu.memory_space<semaphore_mem>>) src(%arg9 : memref<128x128xf32, #tpu.memory_space<vmem>>) dst(%dma_wait3A_160 : memref<10112x128xf32, #tpu.memory_space<vmem_shared>>)
        %add3A_161 = arith.constant 1 : i32
        %add3A_162 = arith.addi %add3A_153, %add3A_161 : i32
        %dma_start3A_163 = arith.constant 0 : i32
        %dma_start3A_164 = tpu.memref_slice %arg7[%add3A_162, %dma_start3A_163] : memref<40x128xi32, #tpu.memory_space<vmem>> -> memref<1x128xi32, #tpu.memory_space<vmem>>
        %dma_start3A_165 = tpu.memref_squeeze %dma_start3A_164 : memref<1x128xi32, #tpu.memory_space<vmem>> -> memref<128xi32, #tpu.memory_space<vmem>>
        %dma_start3A_166 = arith.constant 0 : i32
        %dma_start3A_167 = arith.constant 0 : i32
        %dma_start3A_168 = tpu.memref_slice %arg2[%dma_start3A_166, %dma_start3A_167] : memref<10112x128xf32, #tpu.memory_space<hbm>> -> memref<10112x128xf32, #tpu.memory_space<hbm>>
        tpu.enqueue_indirect_dma source(%dma_start3A_168 : memref<10112x128xf32, #tpu.memory_space<hbm>>) target(%arg9 : memref<128x128xf32, #tpu.memory_space<vmem>>) offsets(%dma_start3A_165 : memref<128xi32, #tpu.memory_space<vmem>>) semaphore(%arg12 : memref<!tpu.dma_semaphore, #tpu.memory_space<semaphore_mem>>)
        %dma_wait3A_169 = arith.constant 0 : i32
        %dma_wait3A_170 = arith.constant 0 : i32
        %dma_wait3A_171 = tpu.memref_slice %arg7[%dma_wait3A_169, %dma_wait3A_170] : memref<40x128xi32, #tpu.memory_space<vmem>> -> memref<1x128xi32, #tpu.memory_space<vmem>>
        %dma_wait3A_172 = tpu.memref_squeeze %dma_wait3A_171 : memref<1x128xi32, #tpu.memory_space<vmem>> -> memref<128xi32, #tpu.memory_space<vmem>>
        %dma_wait3A_173 = arith.constant 0 : i32
        %dma_wait3A_174 = arith.constant 0 : i32
        %dma_wait3A_175 = tpu.memref_slice %arg2[%dma_wait3A_173, %dma_wait3A_174] : memref<10112x128xf32, #tpu.memory_space<hbm>> -> memref<10112x128xf32, #tpu.memory_space<hbm>>
        tpu.wait_indirect_dma semaphore(%arg13 : memref<!tpu.dma_semaphore, #tpu.memory_space<semaphore_mem>>) src(%dma_wait3A_175 : memref<10112x128xf32, #tpu.memory_space<hbm>>) dst(%arg10 : memref<128x128xf32, #tpu.memory_space<vmem>>)
        %dma_start3A_176 = arith.constant 0 : i32
        %dma_start3A_177 = tpu.memref_slice %arg8[%add3A_153, %dma_start3A_176] : memref<40x128xi32, #tpu.memory_space<vmem>> -> memref<1x128xi32, #tpu.memory_space<vmem>>
        %dma_start3A_178 = tpu.memref_squeeze %dma_start3A_177 : memref<1x128xi32, #tpu.memory_space<vmem>> -> memref<128xi32, #tpu.memory_space<vmem>>
        %dma_start3A_179 = arith.constant 0 : i32
        %dma_start3A_180 = arith.constant 0 : i32
        %dma_start3A_181 = tpu.memref_slice %arg11[%dma_start3A_179, %dma_start3A_180] : memref<10112x128xf32, #tpu.memory_space<vmem_shared>> -> memref<10112x128xf32, #tpu.memory_space<vmem_shared>>
        tpu.enqueue_indirect_dma source(%arg10 : memref<128x128xf32, #tpu.memory_space<vmem>>) target(%dma_start3A_181 : memref<10112x128xf32, #tpu.memory_space<vmem_shared>>) offsets(%dma_start3A_178 : memref<128xi32, #tpu.memory_space<vmem>>) semaphore(%arg15 : memref<!tpu.dma_semaphore, #tpu.memory_space<semaphore_mem>>) {add = true}
        %dma_wait3A_182 = arith.constant 0 : i32
        %dma_wait3A_183 = arith.constant 0 : i32
        %dma_wait3A_184 = tpu.memref_slice %arg8[%dma_wait3A_182, %dma_wait3A_183] : memref<40x128xi32, #tpu.memory_space<vmem>> -> memref<1x128xi32, #tpu.memory_space<vmem>>
        %dma_wait3A_185 = tpu.memref_squeeze %dma_wait3A_184 : memref<1x128xi32, #tpu.memory_space<vmem>> -> memref<128xi32, #tpu.memory_space<vmem>>
        %dma_wait3A_186 = arith.constant 0 : i32
        %dma_wait3A_187 = arith.constant 0 : i32
        %dma_wait3A_188 = tpu.memref_slice %arg11[%dma_wait3A_186, %dma_wait3A_187] : memref<10112x128xf32, #tpu.memory_space<vmem_shared>> -> memref<10112x128xf32, #tpu.memory_space<vmem_shared>>
        tpu.wait_indirect_dma semaphore(%arg15 : memref<!tpu.dma_semaphore, #tpu.memory_space<semaphore_mem>>) src(%arg10 : memref<128x128xf32, #tpu.memory_space<vmem>>) dst(%dma_wait3A_188 : memref<10112x128xf32, #tpu.memory_space<vmem_shared>>)
        %add3A_189 = arith.constant 2 : i32
        %add3A_190 = arith.addi %add3A_153, %add3A_189 : i32
        %dma_start3A_191 = arith.constant 0 : i32
        %dma_start3A_192 = tpu.memref_slice %arg7[%add3A_190, %dma_start3A_191] : memref<40x128xi32, #tpu.memory_space<vmem>> -> memref<1x128xi32, #tpu.memory_space<vmem>>
        %dma_start3A_193 = tpu.memref_squeeze %dma_start3A_192 : memref<1x128xi32, #tpu.memory_space<vmem>> -> memref<128xi32, #tpu.memory_space<vmem>>
        %dma_start3A_194 = arith.constant 0 : i32
        %dma_start3A_195 = arith.constant 0 : i32
        %dma_start3A_196 = tpu.memref_slice %arg2[%dma_start3A_194, %dma_start3A_195] : memref<10112x128xf32, #tpu.memory_space<hbm>> -> memref<10112x128xf32, #tpu.memory_space<hbm>>
        tpu.enqueue_indirect_dma source(%dma_start3A_196 : memref<10112x128xf32, #tpu.memory_space<hbm>>) target(%arg10 : memref<128x128xf32, #tpu.memory_space<vmem>>) offsets(%dma_start3A_193 : memref<128xi32, #tpu.memory_space<vmem>>) semaphore(%arg13 : memref<!tpu.dma_semaphore, #tpu.memory_space<semaphore_mem>>)
        %dma_wait3A_197 = arith.constant 0 : i32
        %dma_wait3A_198 = arith.constant 0 : i32
        %dma_wait3A_199 = tpu.memref_slice %arg7[%dma_wait3A_197, %dma_wait3A_198] : memref<40x128xi32, #tpu.memory_space<vmem>> -> memref<1x128xi32, #tpu.memory_space<vmem>>
        %dma_wait3A_200 = tpu.memref_squeeze %dma_wait3A_199 : memref<1x128xi32, #tpu.memory_space<vmem>> -> memref<128xi32, #tpu.memory_space<vmem>>
        %dma_wait3A_201 = arith.constant 0 : i32
        %dma_wait3A_202 = arith.constant 0 : i32
        %dma_wait3A_203 = tpu.memref_slice %arg2[%dma_wait3A_201, %dma_wait3A_202] : memref<10112x128xf32, #tpu.memory_space<hbm>> -> memref<10112x128xf32, #tpu.memory_space<hbm>>
        tpu.wait_indirect_dma semaphore(%arg12 : memref<!tpu.dma_semaphore, #tpu.memory_space<semaphore_mem>>) src(%dma_wait3A_203 : memref<10112x128xf32, #tpu.memory_space<hbm>>) dst(%arg9 : memref<128x128xf32, #tpu.memory_space<vmem>>)
        %add3A_204 = arith.constant 1 : i32
        %add3A_205 = arith.addi %add3A_153, %add3A_204 : i32
        %dma_start3A_206 = arith.constant 0 : i32
        %dma_start3A_207 = tpu.memref_slice %arg8[%add3A_205, %dma_start3A_206] : memref<40x128xi32, #tpu.memory_space<vmem>> -> memref<1x128xi32, #tpu.memory_space<vmem>>
        %dma_start3A_208 = tpu.memref_squeeze %dma_start3A_207 : memref<1x128xi32, #tpu.memory_space<vmem>> -> memref<128xi32, #tpu.memory_space<vmem>>
        %dma_start3A_209 = arith.constant 0 : i32
        %dma_start3A_210 = arith.constant 0 : i32
        %dma_start3A_211 = tpu.memref_slice %arg11[%dma_start3A_209, %dma_start3A_210] : memref<10112x128xf32, #tpu.memory_space<vmem_shared>> -> memref<10112x128xf32, #tpu.memory_space<vmem_shared>>
        tpu.enqueue_indirect_dma source(%arg9 : memref<128x128xf32, #tpu.memory_space<vmem>>) target(%dma_start3A_211 : memref<10112x128xf32, #tpu.memory_space<vmem_shared>>) offsets(%dma_start3A_208 : memref<128xi32, #tpu.memory_space<vmem>>) semaphore(%arg14 : memref<!tpu.dma_semaphore, #tpu.memory_space<semaphore_mem>>) {add = true}
      }
      %scan3A_120 = arith.constant 19 : i32
      %dma_wait3A_121 = arith.constant 0 : i32
      %dma_wait3A_122 = arith.constant 0 : i32
      %dma_wait3A_123 = tpu.memref_slice %arg8[%dma_wait3A_121, %dma_wait3A_122] : memref<40x128xi32, #tpu.memory_space<vmem>> -> memref<1x128xi32, #tpu.memory_space<vmem>>
      %dma_wait3A_124 = tpu.memref_squeeze %dma_wait3A_123 : memref<1x128xi32, #tpu.memory_space<vmem>> -> memref<128xi32, #tpu.memory_space<vmem>>
      %dma_wait3A_125 = arith.constant 0 : i32
      %dma_wait3A_126 = arith.constant 0 : i32
      %dma_wait3A_127 = tpu.memref_slice %arg11[%dma_wait3A_125, %dma_wait3A_126] : memref<10112x128xf32, #tpu.memory_space<vmem_shared>> -> memref<10112x128xf32, #tpu.memory_space<vmem_shared>>
      tpu.wait_indirect_dma semaphore(%arg14 : memref<!tpu.dma_semaphore, #tpu.memory_space<semaphore_mem>>) src(%arg9 : memref<128x128xf32, #tpu.memory_space<vmem>>) dst(%dma_wait3A_127 : memref<10112x128xf32, #tpu.memory_space<vmem_shared>>)
      %dma_wait3A_128 = arith.constant 0 : i32
      %dma_wait3A_129 = arith.constant 0 : i32
      %dma_wait3A_130 = tpu.memref_slice %arg7[%dma_wait3A_128, %dma_wait3A_129] : memref<40x128xi32, #tpu.memory_space<vmem>> -> memref<1x128xi32, #tpu.memory_space<vmem>>
      %dma_wait3A_131 = tpu.memref_squeeze %dma_wait3A_130 : memref<1x128xi32, #tpu.memory_space<vmem>> -> memref<128xi32, #tpu.memory_space<vmem>>
      %dma_wait3A_132 = arith.constant 0 : i32
      %dma_wait3A_133 = arith.constant 0 : i32
      %dma_wait3A_134 = tpu.memref_slice %arg2[%dma_wait3A_132, %dma_wait3A_133] : memref<10112x128xf32, #tpu.memory_space<hbm>> -> memref<10112x128xf32, #tpu.memory_space<hbm>>
      tpu.wait_indirect_dma semaphore(%arg13 : memref<!tpu.dma_semaphore, #tpu.memory_space<semaphore_mem>>) src(%dma_wait3A_134 : memref<10112x128xf32, #tpu.memory_space<hbm>>) dst(%arg10 : memref<128x128xf32, #tpu.memory_space<vmem>>)
      %dma_start3A_135 = arith.constant 39 : i32
      %dma_start3A_136 = arith.constant 0 : i32
      %dma_start3A_137 = tpu.memref_slice %arg8[%dma_start3A_135, %dma_start3A_136] : memref<40x128xi32, #tpu.memory_space<vmem>> -> memref<1x128xi32, #tpu.memory_space<vmem>>
      %dma_start3A_138 = tpu.memref_squeeze %dma_start3A_137 : memref<1x128xi32, #tpu.memory_space<vmem>> -> memref<128xi32, #tpu.memory_space<vmem>>
      %dma_start3A_139 = arith.constant 0 : i32
      %dma_start3A_140 = arith.constant 0 : i32
      %dma_start3A_141 = tpu.memref_slice %arg11[%dma_start3A_139, %dma_start3A_140] : memref<10112x128xf32, #tpu.memory_space<vmem_shared>> -> memref<10112x128xf32, #tpu.memory_space<vmem_shared>>
      tpu.enqueue_indirect_dma source(%arg10 : memref<128x128xf32, #tpu.memory_space<vmem>>) target(%dma_start3A_141 : memref<10112x128xf32, #tpu.memory_space<vmem_shared>>) offsets(%dma_start3A_138 : memref<128xi32, #tpu.memory_space<vmem>>) semaphore(%arg15 : memref<!tpu.dma_semaphore, #tpu.memory_space<semaphore_mem>>) {add = true}
      %dma_wait3A_142 = arith.constant 39 : i32
      %dma_wait3A_143 = arith.constant 0 : i32
      %dma_wait3A_144 = tpu.memref_slice %arg8[%dma_wait3A_142, %dma_wait3A_143] : memref<40x128xi32, #tpu.memory_space<vmem>> -> memref<1x128xi32, #tpu.memory_space<vmem>>
      %dma_wait3A_145 = tpu.memref_squeeze %dma_wait3A_144 : memref<1x128xi32, #tpu.memory_space<vmem>> -> memref<128xi32, #tpu.memory_space<vmem>>
      %dma_wait3A_146 = arith.constant 0 : i32
      %dma_wait3A_147 = arith.constant 0 : i32
      %dma_wait3A_148 = tpu.memref_slice %arg11[%dma_wait3A_146, %dma_wait3A_147] : memref<10112x128xf32, #tpu.memory_space<vmem_shared>> -> memref<10112x128xf32, #tpu.memory_space<vmem_shared>>
      tpu.wait_indirect_dma semaphore(%arg15 : memref<!tpu.dma_semaphore, #tpu.memory_space<semaphore_mem>>) src(%arg10 : memref<128x128xf32, #tpu.memory_space<vmem>>) dst(%dma_wait3A_148 : memref<10112x128xf32, #tpu.memory_space<vmem_shared>>)
    } else {
    }
    %barrier3A_17 = arith.constant 0 : index
    tpu.barrier barrier_id(%barrier3A_17)
    %mul3A = arith.constant 632 : i32
    %mul3A_18 = arith.muli %arg1, %mul3A : i32
    %mul3A_19 = arith.constant 632 : i32
    %mul3A_20 = arith.muli %arg1, %mul3A_19 : i32
    "tpu.region"() ({
      %run_scoped3A = tpu.sem_alloc : memref<!tpu.dma_semaphore, #tpu.memory_space<semaphore_mem>>
      %dma_start3A = arith.constant 0 : i32
      %dma_start3A_21 = tpu.memref_slice %arg6[%arg0, %mul3A_20, %dma_start3A] : memref<2x10112x128xf32, #tpu.memory_space<hbm>> -> memref<1x632x128xf32, #tpu.memory_space<hbm>>
      %dma_start3A_22 = tpu.memref_squeeze %dma_start3A_21 : memref<1x632x128xf32, #tpu.memory_space<hbm>> -> memref<632x128xf32, #tpu.memory_space<hbm>>
      %dma_start3A_23 = arith.constant 0 : i32
      %dma_start3A_24 = tpu.memref_slice %arg11[%mul3A_18, %dma_start3A_23] : memref<10112x128xf32, #tpu.memory_space<vmem_shared>> -> memref<632x128xf32, #tpu.memory_space<vmem_shared>>
      tpu.enqueue_dma source(%dma_start3A_24 : memref<632x128xf32, #tpu.memory_space<vmem_shared>>) target(%dma_start3A_22 : memref<632x128xf32, #tpu.memory_space<hbm>>) target_semaphore(%run_scoped3A : memref<!tpu.dma_semaphore, #tpu.memory_space<semaphore_mem>>)
      %dma_wait3A = arith.constant 0 : i32
      %dma_wait3A_25 = tpu.memref_slice %arg6[%arg0, %mul3A_20, %dma_wait3A] : memref<2x10112x128xf32, #tpu.memory_space<hbm>> -> memref<1x632x128xf32, #tpu.memory_space<hbm>>
      %dma_wait3A_26 = tpu.memref_squeeze %dma_wait3A_25 : memref<1x632x128xf32, #tpu.memory_space<hbm>> -> memref<632x128xf32, #tpu.memory_space<hbm>>
      %dma_wait3A_27 = arith.constant 0 : i32
      %dma_wait3A_28 = tpu.memref_slice %arg11[%mul3A_18, %dma_wait3A_27] : memref<10112x128xf32, #tpu.memory_space<vmem_shared>> -> memref<632x128xf32, #tpu.memory_space<vmem_shared>>
      tpu.wait_dma2 semaphore(%run_scoped3A : memref<!tpu.dma_semaphore, #tpu.memory_space<semaphore_mem>>) src(%dma_wait3A_28 : memref<632x128xf32, #tpu.memory_space<vmem_shared>>) dst(%dma_wait3A_26 : memref<632x128xf32, #tpu.memory_space<hbm>>)
      tpu.yield
    }) : () -> ()
    return
  }
}

#map = affine_map<(d0, d1) -> (0, 0)>
#map1 = affine_map<(d0, d1) -> (0, 0, 0)>
module attributes {stable_mosaic.version = 14 : i64} {
  func.func @_edge_kernel(%arg0: i32, %arg1: i32, %arg2: memref<10112x128xf32, #tpu.memory_space<hbm>>, %arg3: memref<2560x128xi32, #tpu.memory_space<hbm>>, %arg4: memref<2560x128xi32, #tpu.memory_space<hbm>>, %arg5: memref<10112x128xf32, #tpu.memory_space<hbm>>, %arg6: memref<2x10112x128xf32, #tpu.memory_space<hbm>>, %arg7: memref<40x128xi32, #tpu.memory_space<vmem>>, %arg8: memref<40x128xi32, #tpu.memory_space<vmem>>, %arg9: memref<128x128xf32, #tpu.memory_space<vmem>>, %arg10: memref<128x128xf32, #tpu.memory_space<vmem>>, %arg11: memref<10112x128xf32, #tpu.memory_space<vmem_shared>>, %arg12: memref<!tpu.dma_semaphore, #tpu.memory_space<semaphore_mem>>, %arg13: memref<!tpu.dma_semaphore, #tpu.memory_space<semaphore_mem>>, %arg14: memref<!tpu.dma_semaphore, #tpu.memory_space<semaphore_mem>>, %arg15: memref<!tpu.dma_semaphore, #tpu.memory_space<semaphore_mem>>) attributes {dimension_semantics = [#tpu.dimension_semantics<core_parallel>, #tpu.dimension_semantics<subcore_parallel>], iteration_bounds = array<i64: 2, 16>, scalar_prefetch = 0 : i64, scratch_operands = 9 : i64, tpu.core_type = #tpu.core_type<sc_vector_subcore>, window_params = [{transform_indices = #map}, {transform_indices = #map}, {transform_indices = #map}, {transform_indices = #map}, {transform_indices = #map1}]} {
    %eq3A = arith.constant 0 : i32
    %eq3A_0 = arith.cmpi eq, %arg0, %eq3A : i32
    %convert_element_type3A = arith.extui %eq3A_0 : i1 to i32
    %cond3A = arith.constant 0 : i32
    %cond3A_1 = arith.cmpi ne, %convert_element_type3A, %cond3A : i32
    scf.if %cond3A_1 {
      %mul3A_21 = arith.constant 632 : i32
      %mul3A_22 = arith.muli %arg1, %mul3A_21 : i32
      %mul3A_23 = arith.constant 632 : i32
      %mul3A_24 = arith.muli %arg1, %mul3A_23 : i32
      "tpu.region"() ({
        %run_scoped3A = tpu.sem_alloc : memref<!tpu.dma_semaphore, #tpu.memory_space<semaphore_mem>>
        %dma_start3A = arith.constant 0 : i32
        %dma_start3A_25 = tpu.memref_slice %arg11[%mul3A_24, %dma_start3A] : memref<10112x128xf32, #tpu.memory_space<vmem_shared>> -> memref<632x128xf32, #tpu.memory_space<vmem_shared>>
        %dma_start3A_26 = arith.constant 0 : i32
        %dma_start3A_27 = tpu.memref_slice %arg2[%mul3A_22, %dma_start3A_26] : memref<10112x128xf32, #tpu.memory_space<hbm>> -> memref<632x128xf32, #tpu.memory_space<hbm>>
        tpu.enqueue_dma source(%dma_start3A_27 : memref<632x128xf32, #tpu.memory_space<hbm>>) target(%dma_start3A_25 : memref<632x128xf32, #tpu.memory_space<vmem_shared>>) target_semaphore(%run_scoped3A : memref<!tpu.dma_semaphore, #tpu.memory_space<semaphore_mem>>)
        %dma_wait3A = arith.constant 0 : i32
        %dma_wait3A_28 = tpu.memref_slice %arg11[%mul3A_24, %dma_wait3A] : memref<10112x128xf32, #tpu.memory_space<vmem_shared>> -> memref<632x128xf32, #tpu.memory_space<vmem_shared>>
        %dma_wait3A_29 = arith.constant 0 : i32
        %dma_wait3A_30 = tpu.memref_slice %arg2[%mul3A_22, %dma_wait3A_29] : memref<10112x128xf32, #tpu.memory_space<hbm>> -> memref<632x128xf32, #tpu.memory_space<hbm>>
        tpu.wait_dma2 semaphore(%run_scoped3A : memref<!tpu.dma_semaphore, #tpu.memory_space<semaphore_mem>>) src(%dma_wait3A_30 : memref<632x128xf32, #tpu.memory_space<hbm>>) dst(%dma_wait3A_28 : memref<632x128xf32, #tpu.memory_space<vmem_shared>>)
        tpu.yield
      }) : () -> ()
    } else {
    }
    %eq3A_2 = arith.constant 1 : i32
    %eq3A_3 = arith.cmpi eq, %arg0, %eq3A_2 : i32
    %convert_element_type3A_4 = arith.extui %eq3A_3 : i1 to i32
    %cond3A_5 = arith.constant 0 : i32
    %cond3A_6 = arith.cmpi ne, %convert_element_type3A_4, %cond3A_5 : i32
    scf.if %cond3A_6 {
      %mul3A_21 = arith.constant 632 : i32
      %mul3A_22 = arith.muli %arg1, %mul3A_21 : i32
      %mul3A_23 = arith.constant 632 : i32
      %mul3A_24 = arith.muli %arg1, %mul3A_23 : i32
      "tpu.region"() ({
        %run_scoped3A = tpu.sem_alloc : memref<!tpu.dma_semaphore, #tpu.memory_space<semaphore_mem>>
        %dma_start3A = arith.constant 0 : i32
        %dma_start3A_25 = tpu.memref_slice %arg11[%mul3A_24, %dma_start3A] : memref<10112x128xf32, #tpu.memory_space<vmem_shared>> -> memref<632x128xf32, #tpu.memory_space<vmem_shared>>
        %dma_start3A_26 = arith.constant 0 : i32
        %dma_start3A_27 = tpu.memref_slice %arg5[%mul3A_22, %dma_start3A_26] : memref<10112x128xf32, #tpu.memory_space<hbm>> -> memref<632x128xf32, #tpu.memory_space<hbm>>
        tpu.enqueue_dma source(%dma_start3A_27 : memref<632x128xf32, #tpu.memory_space<hbm>>) target(%dma_start3A_25 : memref<632x128xf32, #tpu.memory_space<vmem_shared>>) target_semaphore(%run_scoped3A : memref<!tpu.dma_semaphore, #tpu.memory_space<semaphore_mem>>)
        %dma_wait3A = arith.constant 0 : i32
        %dma_wait3A_28 = tpu.memref_slice %arg11[%mul3A_24, %dma_wait3A] : memref<10112x128xf32, #tpu.memory_space<vmem_shared>> -> memref<632x128xf32, #tpu.memory_space<vmem_shared>>
        %dma_wait3A_29 = arith.constant 0 : i32
        %dma_wait3A_30 = tpu.memref_slice %arg5[%mul3A_22, %dma_wait3A_29] : memref<10112x128xf32, #tpu.memory_space<hbm>> -> memref<632x128xf32, #tpu.memory_space<hbm>>
        tpu.wait_dma2 semaphore(%run_scoped3A : memref<!tpu.dma_semaphore, #tpu.memory_space<semaphore_mem>>) src(%dma_wait3A_30 : memref<632x128xf32, #tpu.memory_space<hbm>>) dst(%dma_wait3A_28 : memref<632x128xf32, #tpu.memory_space<vmem_shared>>)
        tpu.yield
      }) : () -> ()
    } else {
    }
    %barrier3A = arith.constant 0 : index
    tpu.barrier barrier_id(%barrier3A)
    %eq3A_7 = arith.constant 0 : i32
    %eq3A_8 = arith.cmpi eq, %arg0, %eq3A_7 : i32
    %convert_element_type3A_9 = arith.extui %eq3A_8 : i1 to i32
    %cond3A_10 = arith.constant 0 : i32
    %cond3A_11 = arith.cmpi ne, %convert_element_type3A_9, %cond3A_10 : i32
    scf.if %cond3A_11 {
      %mul3A_21 = arith.constant 80 : i32
      %mul3A_22 = arith.muli %arg1, %mul3A_21 : i32
      %add3A = arith.constant 0 : i32
      %add3A_23 = arith.addi %mul3A_22, %add3A : i32
      "tpu.region"() ({
        %run_scoped3A = tpu.sem_alloc : memref<!tpu.dma_semaphore, #tpu.memory_space<semaphore_mem>>
        %dma_start3A_147 = arith.constant 0 : i32
        %dma_start3A_148 = arith.constant 0 : i32
        %dma_start3A_149 = tpu.memref_slice %arg7[%dma_start3A_147, %dma_start3A_148] : memref<40x128xi32, #tpu.memory_space<vmem>> -> memref<40x128xi32, #tpu.memory_space<vmem>>
        %dma_start3A_150 = arith.constant 0 : i32
        %dma_start3A_151 = tpu.memref_slice %arg3[%add3A_23, %dma_start3A_150] : memref<2560x128xi32, #tpu.memory_space<hbm>> -> memref<40x128xi32, #tpu.memory_space<hbm>>
        %dma_start3A_152 = arith.constant 0 : i32
        %dma_start3A_153 = arith.constant 0 : i32
        %dma_start3A_154 = tpu.memref_slice %arg7[%dma_start3A_152, %dma_start3A_153] : memref<40x128xi32, #tpu.memory_space<vmem>> -> memref<40x128xi32, #tpu.memory_space<vmem>>
        %dma_start3A_155 = arith.constant 0 : i32
        %dma_start3A_156 = tpu.memref_slice %arg3[%add3A_23, %dma_start3A_155] : memref<2560x128xi32, #tpu.memory_space<hbm>> -> memref<40x128xi32, #tpu.memory_space<hbm>>
        tpu.enqueue_dma source(%dma_start3A_156 : memref<40x128xi32, #tpu.memory_space<hbm>>) target(%dma_start3A_154 : memref<40x128xi32, #tpu.memory_space<vmem>>) target_semaphore(%run_scoped3A : memref<!tpu.dma_semaphore, #tpu.memory_space<semaphore_mem>>)
        %dma_wait3A_157 = arith.constant 0 : i32
        %dma_wait3A_158 = arith.constant 0 : i32
        %dma_wait3A_159 = tpu.memref_slice %arg7[%dma_wait3A_157, %dma_wait3A_158] : memref<40x128xi32, #tpu.memory_space<vmem>> -> memref<40x128xi32, #tpu.memory_space<vmem>>
        %dma_wait3A_160 = arith.constant 0 : i32
        %dma_wait3A_161 = tpu.memref_slice %arg3[%add3A_23, %dma_wait3A_160] : memref<2560x128xi32, #tpu.memory_space<hbm>> -> memref<40x128xi32, #tpu.memory_space<hbm>>
        %dma_wait3A_162 = arith.constant 0 : i32
        %dma_wait3A_163 = arith.constant 0 : i32
        %dma_wait3A_164 = tpu.memref_slice %arg7[%dma_wait3A_162, %dma_wait3A_163] : memref<40x128xi32, #tpu.memory_space<vmem>> -> memref<40x128xi32, #tpu.memory_space<vmem>>
        %dma_wait3A_165 = arith.constant 0 : i32
        %dma_wait3A_166 = tpu.memref_slice %arg3[%add3A_23, %dma_wait3A_165] : memref<2560x128xi32, #tpu.memory_space<hbm>> -> memref<40x128xi32, #tpu.memory_space<hbm>>
        tpu.wait_dma2 semaphore(%run_scoped3A : memref<!tpu.dma_semaphore, #tpu.memory_space<semaphore_mem>>) src(%dma_wait3A_166 : memref<40x128xi32, #tpu.memory_space<hbm>>) dst(%dma_wait3A_164 : memref<40x128xi32, #tpu.memory_space<vmem>>)
        tpu.yield
      }) : () -> ()
      "tpu.region"() ({
        %run_scoped3A = tpu.sem_alloc : memref<!tpu.dma_semaphore, #tpu.memory_space<semaphore_mem>>
        %dma_start3A_147 = arith.constant 0 : i32
        %dma_start3A_148 = arith.constant 0 : i32
        %dma_start3A_149 = tpu.memref_slice %arg8[%dma_start3A_147, %dma_start3A_148] : memref<40x128xi32, #tpu.memory_space<vmem>> -> memref<40x128xi32, #tpu.memory_space<vmem>>
        %dma_start3A_150 = arith.constant 0 : i32
        %dma_start3A_151 = tpu.memref_slice %arg4[%add3A_23, %dma_start3A_150] : memref<2560x128xi32, #tpu.memory_space<hbm>> -> memref<40x128xi32, #tpu.memory_space<hbm>>
        %dma_start3A_152 = arith.constant 0 : i32
        %dma_start3A_153 = arith.constant 0 : i32
        %dma_start3A_154 = tpu.memref_slice %arg8[%dma_start3A_152, %dma_start3A_153] : memref<40x128xi32, #tpu.memory_space<vmem>> -> memref<40x128xi32, #tpu.memory_space<vmem>>
        %dma_start3A_155 = arith.constant 0 : i32
        %dma_start3A_156 = tpu.memref_slice %arg4[%add3A_23, %dma_start3A_155] : memref<2560x128xi32, #tpu.memory_space<hbm>> -> memref<40x128xi32, #tpu.memory_space<hbm>>
        tpu.enqueue_dma source(%dma_start3A_156 : memref<40x128xi32, #tpu.memory_space<hbm>>) target(%dma_start3A_154 : memref<40x128xi32, #tpu.memory_space<vmem>>) target_semaphore(%run_scoped3A : memref<!tpu.dma_semaphore, #tpu.memory_space<semaphore_mem>>)
        %dma_wait3A_157 = arith.constant 0 : i32
        %dma_wait3A_158 = arith.constant 0 : i32
        %dma_wait3A_159 = tpu.memref_slice %arg8[%dma_wait3A_157, %dma_wait3A_158] : memref<40x128xi32, #tpu.memory_space<vmem>> -> memref<40x128xi32, #tpu.memory_space<vmem>>
        %dma_wait3A_160 = arith.constant 0 : i32
        %dma_wait3A_161 = tpu.memref_slice %arg4[%add3A_23, %dma_wait3A_160] : memref<2560x128xi32, #tpu.memory_space<hbm>> -> memref<40x128xi32, #tpu.memory_space<hbm>>
        %dma_wait3A_162 = arith.constant 0 : i32
        %dma_wait3A_163 = arith.constant 0 : i32
        %dma_wait3A_164 = tpu.memref_slice %arg8[%dma_wait3A_162, %dma_wait3A_163] : memref<40x128xi32, #tpu.memory_space<vmem>> -> memref<40x128xi32, #tpu.memory_space<vmem>>
        %dma_wait3A_165 = arith.constant 0 : i32
        %dma_wait3A_166 = tpu.memref_slice %arg4[%add3A_23, %dma_wait3A_165] : memref<2560x128xi32, #tpu.memory_space<hbm>> -> memref<40x128xi32, #tpu.memory_space<hbm>>
        tpu.wait_dma2 semaphore(%run_scoped3A : memref<!tpu.dma_semaphore, #tpu.memory_space<semaphore_mem>>) src(%dma_wait3A_166 : memref<40x128xi32, #tpu.memory_space<hbm>>) dst(%dma_wait3A_164 : memref<40x128xi32, #tpu.memory_space<vmem>>)
        tpu.yield
      }) : () -> ()
      %dma_start3A = arith.constant 0 : i32
      %dma_start3A_24 = arith.constant 0 : i32
      %dma_start3A_25 = tpu.memref_slice %arg7[%dma_start3A, %dma_start3A_24] : memref<40x128xi32, #tpu.memory_space<vmem>> -> memref<1x128xi32, #tpu.memory_space<vmem>>
      %dma_start3A_26 = tpu.memref_squeeze %dma_start3A_25 : memref<1x128xi32, #tpu.memory_space<vmem>> -> memref<128xi32, #tpu.memory_space<vmem>>
      %dma_start3A_27 = arith.constant 0 : i32
      %dma_start3A_28 = arith.constant 0 : i32
      %dma_start3A_29 = tpu.memref_slice %arg2[%dma_start3A_27, %dma_start3A_28] : memref<10112x128xf32, #tpu.memory_space<hbm>> -> memref<10112x128xf32, #tpu.memory_space<hbm>>
      tpu.enqueue_indirect_dma source(%dma_start3A_29 : memref<10112x128xf32, #tpu.memory_space<hbm>>) target(%arg9 : memref<128x128xf32, #tpu.memory_space<vmem>>) offsets(%dma_start3A_26 : memref<128xi32, #tpu.memory_space<vmem>>) semaphore(%arg12 : memref<!tpu.dma_semaphore, #tpu.memory_space<semaphore_mem>>)
      %dma_start3A_30 = arith.constant 1 : i32
      %dma_start3A_31 = arith.constant 0 : i32
      %dma_start3A_32 = tpu.memref_slice %arg7[%dma_start3A_30, %dma_start3A_31] : memref<40x128xi32, #tpu.memory_space<vmem>> -> memref<1x128xi32, #tpu.memory_space<vmem>>
      %dma_start3A_33 = tpu.memref_squeeze %dma_start3A_32 : memref<1x128xi32, #tpu.memory_space<vmem>> -> memref<128xi32, #tpu.memory_space<vmem>>
      %dma_start3A_34 = arith.constant 0 : i32
      %dma_start3A_35 = arith.constant 0 : i32
      %dma_start3A_36 = tpu.memref_slice %arg2[%dma_start3A_34, %dma_start3A_35] : memref<10112x128xf32, #tpu.memory_space<hbm>> -> memref<10112x128xf32, #tpu.memory_space<hbm>>
      tpu.enqueue_indirect_dma source(%dma_start3A_36 : memref<10112x128xf32, #tpu.memory_space<hbm>>) target(%arg10 : memref<128x128xf32, #tpu.memory_space<vmem>>) offsets(%dma_start3A_33 : memref<128xi32, #tpu.memory_space<vmem>>) semaphore(%arg13 : memref<!tpu.dma_semaphore, #tpu.memory_space<semaphore_mem>>)
      %dma_wait3A = arith.constant 0 : i32
      %dma_wait3A_37 = arith.constant 0 : i32
      %dma_wait3A_38 = tpu.memref_slice %arg7[%dma_wait3A, %dma_wait3A_37] : memref<40x128xi32, #tpu.memory_space<vmem>> -> memref<1x128xi32, #tpu.memory_space<vmem>>
      %dma_wait3A_39 = tpu.memref_squeeze %dma_wait3A_38 : memref<1x128xi32, #tpu.memory_space<vmem>> -> memref<128xi32, #tpu.memory_space<vmem>>
      %dma_wait3A_40 = arith.constant 0 : i32
      %dma_wait3A_41 = arith.constant 0 : i32
      %dma_wait3A_42 = tpu.memref_slice %arg2[%dma_wait3A_40, %dma_wait3A_41] : memref<10112x128xf32, #tpu.memory_space<hbm>> -> memref<10112x128xf32, #tpu.memory_space<hbm>>
      tpu.wait_indirect_dma semaphore(%arg12 : memref<!tpu.dma_semaphore, #tpu.memory_space<semaphore_mem>>) src(%dma_wait3A_42 : memref<10112x128xf32, #tpu.memory_space<hbm>>) dst(%arg9 : memref<128x128xf32, #tpu.memory_space<vmem>>)
      %dma_start3A_43 = arith.constant 0 : i32
      %dma_start3A_44 = arith.constant 0 : i32
      %dma_start3A_45 = tpu.memref_slice %arg8[%dma_start3A_43, %dma_start3A_44] : memref<40x128xi32, #tpu.memory_space<vmem>> -> memref<1x128xi32, #tpu.memory_space<vmem>>
      %dma_start3A_46 = tpu.memref_squeeze %dma_start3A_45 : memref<1x128xi32, #tpu.memory_space<vmem>> -> memref<128xi32, #tpu.memory_space<vmem>>
      %dma_start3A_47 = arith.constant 0 : i32
      %dma_start3A_48 = arith.constant 0 : i32
      %dma_start3A_49 = tpu.memref_slice %arg11[%dma_start3A_47, %dma_start3A_48] : memref<10112x128xf32, #tpu.memory_space<vmem_shared>> -> memref<10112x128xf32, #tpu.memory_space<vmem_shared>>
      tpu.enqueue_indirect_dma source(%arg9 : memref<128x128xf32, #tpu.memory_space<vmem>>) target(%dma_start3A_49 : memref<10112x128xf32, #tpu.memory_space<vmem_shared>>) offsets(%dma_start3A_46 : memref<128xi32, #tpu.memory_space<vmem>>) semaphore(%arg14 : memref<!tpu.dma_semaphore, #tpu.memory_space<semaphore_mem>>) {add = true}
      %scan3A = arith.constant 0 : i32
      %scan3A_50 = arith.constant 0 : i32
      %scan3A_51 = arith.constant 19 : i32
      %scan3A_52 = arith.addi %scan3A_50, %scan3A_51 : i32
      %scan3A_53 = arith.constant 1 : i32
      scf.for %scan3A_147 = %scan3A_50 to %scan3A_52 step %scan3A_53  : i32 {
        %mul3A_148 = arith.constant 2 : i32
        %mul3A_149 = arith.muli %mul3A_148, %scan3A_147 : i32
        %add3A_150 = arith.constant 1 : i32
        %add3A_151 = arith.addi %mul3A_149, %add3A_150 : i32
        %dma_wait3A_152 = arith.constant 0 : i32
        %dma_wait3A_153 = arith.constant 0 : i32
        %dma_wait3A_154 = tpu.memref_slice %arg8[%dma_wait3A_152, %dma_wait3A_153] : memref<40x128xi32, #tpu.memory_space<vmem>> -> memref<1x128xi32, #tpu.memory_space<vmem>>
        %dma_wait3A_155 = tpu.memref_squeeze %dma_wait3A_154 : memref<1x128xi32, #tpu.memory_space<vmem>> -> memref<128xi32, #tpu.memory_space<vmem>>
        %dma_wait3A_156 = arith.constant 0 : i32
        %dma_wait3A_157 = arith.constant 0 : i32
        %dma_wait3A_158 = tpu.memref_slice %arg11[%dma_wait3A_156, %dma_wait3A_157] : memref<10112x128xf32, #tpu.memory_space<vmem_shared>> -> memref<10112x128xf32, #tpu.memory_space<vmem_shared>>
        tpu.wait_indirect_dma semaphore(%arg14 : memref<!tpu.dma_semaphore, #tpu.memory_space<semaphore_mem>>) src(%arg9 : memref<128x128xf32, #tpu.memory_space<vmem>>) dst(%dma_wait3A_158 : memref<10112x128xf32, #tpu.memory_space<vmem_shared>>)
        %add3A_159 = arith.constant 1 : i32
        %add3A_160 = arith.addi %add3A_151, %add3A_159 : i32
        %dma_start3A_161 = arith.constant 0 : i32
        %dma_start3A_162 = tpu.memref_slice %arg7[%add3A_160, %dma_start3A_161] : memref<40x128xi32, #tpu.memory_space<vmem>> -> memref<1x128xi32, #tpu.memory_space<vmem>>
        %dma_start3A_163 = tpu.memref_squeeze %dma_start3A_162 : memref<1x128xi32, #tpu.memory_space<vmem>> -> memref<128xi32, #tpu.memory_space<vmem>>
        %dma_start3A_164 = arith.constant 0 : i32
        %dma_start3A_165 = arith.constant 0 : i32
        %dma_start3A_166 = tpu.memref_slice %arg2[%dma_start3A_164, %dma_start3A_165] : memref<10112x128xf32, #tpu.memory_space<hbm>> -> memref<10112x128xf32, #tpu.memory_space<hbm>>
        tpu.enqueue_indirect_dma source(%dma_start3A_166 : memref<10112x128xf32, #tpu.memory_space<hbm>>) target(%arg9 : memref<128x128xf32, #tpu.memory_space<vmem>>) offsets(%dma_start3A_163 : memref<128xi32, #tpu.memory_space<vmem>>) semaphore(%arg12 : memref<!tpu.dma_semaphore, #tpu.memory_space<semaphore_mem>>)
        %dma_wait3A_167 = arith.constant 0 : i32
        %dma_wait3A_168 = arith.constant 0 : i32
        %dma_wait3A_169 = tpu.memref_slice %arg7[%dma_wait3A_167, %dma_wait3A_168] : memref<40x128xi32, #tpu.memory_space<vmem>> -> memref<1x128xi32, #tpu.memory_space<vmem>>
        %dma_wait3A_170 = tpu.memref_squeeze %dma_wait3A_169 : memref<1x128xi32, #tpu.memory_space<vmem>> -> memref<128xi32, #tpu.memory_space<vmem>>
        %dma_wait3A_171 = arith.constant 0 : i32
        %dma_wait3A_172 = arith.constant 0 : i32
        %dma_wait3A_173 = tpu.memref_slice %arg2[%dma_wait3A_171, %dma_wait3A_172] : memref<10112x128xf32, #tpu.memory_space<hbm>> -> memref<10112x128xf32, #tpu.memory_space<hbm>>
        tpu.wait_indirect_dma semaphore(%arg13 : memref<!tpu.dma_semaphore, #tpu.memory_space<semaphore_mem>>) src(%dma_wait3A_173 : memref<10112x128xf32, #tpu.memory_space<hbm>>) dst(%arg10 : memref<128x128xf32, #tpu.memory_space<vmem>>)
        %dma_start3A_174 = arith.constant 0 : i32
        %dma_start3A_175 = tpu.memref_slice %arg8[%add3A_151, %dma_start3A_174] : memref<40x128xi32, #tpu.memory_space<vmem>> -> memref<1x128xi32, #tpu.memory_space<vmem>>
        %dma_start3A_176 = tpu.memref_squeeze %dma_start3A_175 : memref<1x128xi32, #tpu.memory_space<vmem>> -> memref<128xi32, #tpu.memory_space<vmem>>
        %dma_start3A_177 = arith.constant 0 : i32
        %dma_start3A_178 = arith.constant 0 : i32
        %dma_start3A_179 = tpu.memref_slice %arg11[%dma_start3A_177, %dma_start3A_178] : memref<10112x128xf32, #tpu.memory_space<vmem_shared>> -> memref<10112x128xf32, #tpu.memory_space<vmem_shared>>
        tpu.enqueue_indirect_dma source(%arg10 : memref<128x128xf32, #tpu.memory_space<vmem>>) target(%dma_start3A_179 : memref<10112x128xf32, #tpu.memory_space<vmem_shared>>) offsets(%dma_start3A_176 : memref<128xi32, #tpu.memory_space<vmem>>) semaphore(%arg15 : memref<!tpu.dma_semaphore, #tpu.memory_space<semaphore_mem>>) {add = true}
        %dma_wait3A_180 = arith.constant 0 : i32
        %dma_wait3A_181 = arith.constant 0 : i32
        %dma_wait3A_182 = tpu.memref_slice %arg8[%dma_wait3A_180, %dma_wait3A_181] : memref<40x128xi32, #tpu.memory_space<vmem>> -> memref<1x128xi32, #tpu.memory_space<vmem>>
        %dma_wait3A_183 = tpu.memref_squeeze %dma_wait3A_182 : memref<1x128xi32, #tpu.memory_space<vmem>> -> memref<128xi32, #tpu.memory_space<vmem>>
        %dma_wait3A_184 = arith.constant 0 : i32
        %dma_wait3A_185 = arith.constant 0 : i32
        %dma_wait3A_186 = tpu.memref_slice %arg11[%dma_wait3A_184, %dma_wait3A_185] : memref<10112x128xf32, #tpu.memory_space<vmem_shared>> -> memref<10112x128xf32, #tpu.memory_space<vmem_shared>>
        tpu.wait_indirect_dma semaphore(%arg15 : memref<!tpu.dma_semaphore, #tpu.memory_space<semaphore_mem>>) src(%arg10 : memref<128x128xf32, #tpu.memory_space<vmem>>) dst(%dma_wait3A_186 : memref<10112x128xf32, #tpu.memory_space<vmem_shared>>)
        %add3A_187 = arith.constant 2 : i32
        %add3A_188 = arith.addi %add3A_151, %add3A_187 : i32
        %dma_start3A_189 = arith.constant 0 : i32
        %dma_start3A_190 = tpu.memref_slice %arg7[%add3A_188, %dma_start3A_189] : memref<40x128xi32, #tpu.memory_space<vmem>> -> memref<1x128xi32, #tpu.memory_space<vmem>>
        %dma_start3A_191 = tpu.memref_squeeze %dma_start3A_190 : memref<1x128xi32, #tpu.memory_space<vmem>> -> memref<128xi32, #tpu.memory_space<vmem>>
        %dma_start3A_192 = arith.constant 0 : i32
        %dma_start3A_193 = arith.constant 0 : i32
        %dma_start3A_194 = tpu.memref_slice %arg2[%dma_start3A_192, %dma_start3A_193] : memref<10112x128xf32, #tpu.memory_space<hbm>> -> memref<10112x128xf32, #tpu.memory_space<hbm>>
        tpu.enqueue_indirect_dma source(%dma_start3A_194 : memref<10112x128xf32, #tpu.memory_space<hbm>>) target(%arg10 : memref<128x128xf32, #tpu.memory_space<vmem>>) offsets(%dma_start3A_191 : memref<128xi32, #tpu.memory_space<vmem>>) semaphore(%arg13 : memref<!tpu.dma_semaphore, #tpu.memory_space<semaphore_mem>>)
        %dma_wait3A_195 = arith.constant 0 : i32
        %dma_wait3A_196 = arith.constant 0 : i32
        %dma_wait3A_197 = tpu.memref_slice %arg7[%dma_wait3A_195, %dma_wait3A_196] : memref<40x128xi32, #tpu.memory_space<vmem>> -> memref<1x128xi32, #tpu.memory_space<vmem>>
        %dma_wait3A_198 = tpu.memref_squeeze %dma_wait3A_197 : memref<1x128xi32, #tpu.memory_space<vmem>> -> memref<128xi32, #tpu.memory_space<vmem>>
        %dma_wait3A_199 = arith.constant 0 : i32
        %dma_wait3A_200 = arith.constant 0 : i32
        %dma_wait3A_201 = tpu.memref_slice %arg2[%dma_wait3A_199, %dma_wait3A_200] : memref<10112x128xf32, #tpu.memory_space<hbm>> -> memref<10112x128xf32, #tpu.memory_space<hbm>>
        tpu.wait_indirect_dma semaphore(%arg12 : memref<!tpu.dma_semaphore, #tpu.memory_space<semaphore_mem>>) src(%dma_wait3A_201 : memref<10112x128xf32, #tpu.memory_space<hbm>>) dst(%arg9 : memref<128x128xf32, #tpu.memory_space<vmem>>)
        %add3A_202 = arith.constant 1 : i32
        %add3A_203 = arith.addi %add3A_151, %add3A_202 : i32
        %dma_start3A_204 = arith.constant 0 : i32
        %dma_start3A_205 = tpu.memref_slice %arg8[%add3A_203, %dma_start3A_204] : memref<40x128xi32, #tpu.memory_space<vmem>> -> memref<1x128xi32, #tpu.memory_space<vmem>>
        %dma_start3A_206 = tpu.memref_squeeze %dma_start3A_205 : memref<1x128xi32, #tpu.memory_space<vmem>> -> memref<128xi32, #tpu.memory_space<vmem>>
        %dma_start3A_207 = arith.constant 0 : i32
        %dma_start3A_208 = arith.constant 0 : i32
        %dma_start3A_209 = tpu.memref_slice %arg11[%dma_start3A_207, %dma_start3A_208] : memref<10112x128xf32, #tpu.memory_space<vmem_shared>> -> memref<10112x128xf32, #tpu.memory_space<vmem_shared>>
        tpu.enqueue_indirect_dma source(%arg9 : memref<128x128xf32, #tpu.memory_space<vmem>>) target(%dma_start3A_209 : memref<10112x128xf32, #tpu.memory_space<vmem_shared>>) offsets(%dma_start3A_206 : memref<128xi32, #tpu.memory_space<vmem>>) semaphore(%arg14 : memref<!tpu.dma_semaphore, #tpu.memory_space<semaphore_mem>>) {add = true}
      }
      %scan3A_54 = arith.constant 19 : i32
      %dma_wait3A_55 = arith.constant 0 : i32
      %dma_wait3A_56 = arith.constant 0 : i32
      %dma_wait3A_57 = tpu.memref_slice %arg8[%dma_wait3A_55, %dma_wait3A_56] : memref<40x128xi32, #tpu.memory_space<vmem>> -> memref<1x128xi32, #tpu.memory_space<vmem>>
      %dma_wait3A_58 = tpu.memref_squeeze %dma_wait3A_57 : memref<1x128xi32, #tpu.memory_space<vmem>> -> memref<128xi32, #tpu.memory_space<vmem>>
      %dma_wait3A_59 = arith.constant 0 : i32
      %dma_wait3A_60 = arith.constant 0 : i32
      %dma_wait3A_61 = tpu.memref_slice %arg11[%dma_wait3A_59, %dma_wait3A_60] : memref<10112x128xf32, #tpu.memory_space<vmem_shared>> -> memref<10112x128xf32, #tpu.memory_space<vmem_shared>>
      tpu.wait_indirect_dma semaphore(%arg14 : memref<!tpu.dma_semaphore, #tpu.memory_space<semaphore_mem>>) src(%arg9 : memref<128x128xf32, #tpu.memory_space<vmem>>) dst(%dma_wait3A_61 : memref<10112x128xf32, #tpu.memory_space<vmem_shared>>)
      %dma_wait3A_62 = arith.constant 0 : i32
      %dma_wait3A_63 = arith.constant 0 : i32
      %dma_wait3A_64 = tpu.memref_slice %arg7[%dma_wait3A_62, %dma_wait3A_63] : memref<40x128xi32, #tpu.memory_space<vmem>> -> memref<1x128xi32, #tpu.memory_space<vmem>>
      %dma_wait3A_65 = tpu.memref_squeeze %dma_wait3A_64 : memref<1x128xi32, #tpu.memory_space<vmem>> -> memref<128xi32, #tpu.memory_space<vmem>>
      %dma_wait3A_66 = arith.constant 0 : i32
      %dma_wait3A_67 = arith.constant 0 : i32
      %dma_wait3A_68 = tpu.memref_slice %arg2[%dma_wait3A_66, %dma_wait3A_67] : memref<10112x128xf32, #tpu.memory_space<hbm>> -> memref<10112x128xf32, #tpu.memory_space<hbm>>
      tpu.wait_indirect_dma semaphore(%arg13 : memref<!tpu.dma_semaphore, #tpu.memory_space<semaphore_mem>>) src(%dma_wait3A_68 : memref<10112x128xf32, #tpu.memory_space<hbm>>) dst(%arg10 : memref<128x128xf32, #tpu.memory_space<vmem>>)
      %dma_start3A_69 = arith.constant 39 : i32
      %dma_start3A_70 = arith.constant 0 : i32
      %dma_start3A_71 = tpu.memref_slice %arg8[%dma_start3A_69, %dma_start3A_70] : memref<40x128xi32, #tpu.memory_space<vmem>> -> memref<1x128xi32, #tpu.memory_space<vmem>>
      %dma_start3A_72 = tpu.memref_squeeze %dma_start3A_71 : memref<1x128xi32, #tpu.memory_space<vmem>> -> memref<128xi32, #tpu.memory_space<vmem>>
      %dma_start3A_73 = arith.constant 0 : i32
      %dma_start3A_74 = arith.constant 0 : i32
      %dma_start3A_75 = tpu.memref_slice %arg11[%dma_start3A_73, %dma_start3A_74] : memref<10112x128xf32, #tpu.memory_space<vmem_shared>> -> memref<10112x128xf32, #tpu.memory_space<vmem_shared>>
      tpu.enqueue_indirect_dma source(%arg10 : memref<128x128xf32, #tpu.memory_space<vmem>>) target(%dma_start3A_75 : memref<10112x128xf32, #tpu.memory_space<vmem_shared>>) offsets(%dma_start3A_72 : memref<128xi32, #tpu.memory_space<vmem>>) semaphore(%arg15 : memref<!tpu.dma_semaphore, #tpu.memory_space<semaphore_mem>>) {add = true}
      %dma_wait3A_76 = arith.constant 39 : i32
      %dma_wait3A_77 = arith.constant 0 : i32
      %dma_wait3A_78 = tpu.memref_slice %arg8[%dma_wait3A_76, %dma_wait3A_77] : memref<40x128xi32, #tpu.memory_space<vmem>> -> memref<1x128xi32, #tpu.memory_space<vmem>>
      %dma_wait3A_79 = tpu.memref_squeeze %dma_wait3A_78 : memref<1x128xi32, #tpu.memory_space<vmem>> -> memref<128xi32, #tpu.memory_space<vmem>>
      %dma_wait3A_80 = arith.constant 0 : i32
      %dma_wait3A_81 = arith.constant 0 : i32
      %dma_wait3A_82 = tpu.memref_slice %arg11[%dma_wait3A_80, %dma_wait3A_81] : memref<10112x128xf32, #tpu.memory_space<vmem_shared>> -> memref<10112x128xf32, #tpu.memory_space<vmem_shared>>
      tpu.wait_indirect_dma semaphore(%arg15 : memref<!tpu.dma_semaphore, #tpu.memory_space<semaphore_mem>>) src(%arg10 : memref<128x128xf32, #tpu.memory_space<vmem>>) dst(%dma_wait3A_82 : memref<10112x128xf32, #tpu.memory_space<vmem_shared>>)
      %add3A_83 = arith.constant 40 : i32
      %add3A_84 = arith.addi %mul3A_22, %add3A_83 : i32
      "tpu.region"() ({
        %run_scoped3A = tpu.sem_alloc : memref<!tpu.dma_semaphore, #tpu.memory_space<semaphore_mem>>
        %dma_start3A_147 = arith.constant 0 : i32
        %dma_start3A_148 = arith.constant 0 : i32
        %dma_start3A_149 = tpu.memref_slice %arg7[%dma_start3A_147, %dma_start3A_148] : memref<40x128xi32, #tpu.memory_space<vmem>> -> memref<40x128xi32, #tpu.memory_space<vmem>>
        %dma_start3A_150 = arith.constant 0 : i32
        %dma_start3A_151 = tpu.memref_slice %arg3[%add3A_84, %dma_start3A_150] : memref<2560x128xi32, #tpu.memory_space<hbm>> -> memref<40x128xi32, #tpu.memory_space<hbm>>
        %dma_start3A_152 = arith.constant 0 : i32
        %dma_start3A_153 = arith.constant 0 : i32
        %dma_start3A_154 = tpu.memref_slice %arg7[%dma_start3A_152, %dma_start3A_153] : memref<40x128xi32, #tpu.memory_space<vmem>> -> memref<40x128xi32, #tpu.memory_space<vmem>>
        %dma_start3A_155 = arith.constant 0 : i32
        %dma_start3A_156 = tpu.memref_slice %arg3[%add3A_84, %dma_start3A_155] : memref<2560x128xi32, #tpu.memory_space<hbm>> -> memref<40x128xi32, #tpu.memory_space<hbm>>
        tpu.enqueue_dma source(%dma_start3A_156 : memref<40x128xi32, #tpu.memory_space<hbm>>) target(%dma_start3A_154 : memref<40x128xi32, #tpu.memory_space<vmem>>) target_semaphore(%run_scoped3A : memref<!tpu.dma_semaphore, #tpu.memory_space<semaphore_mem>>)
        %dma_wait3A_157 = arith.constant 0 : i32
        %dma_wait3A_158 = arith.constant 0 : i32
        %dma_wait3A_159 = tpu.memref_slice %arg7[%dma_wait3A_157, %dma_wait3A_158] : memref<40x128xi32, #tpu.memory_space<vmem>> -> memref<40x128xi32, #tpu.memory_space<vmem>>
        %dma_wait3A_160 = arith.constant 0 : i32
        %dma_wait3A_161 = tpu.memref_slice %arg3[%add3A_84, %dma_wait3A_160] : memref<2560x128xi32, #tpu.memory_space<hbm>> -> memref<40x128xi32, #tpu.memory_space<hbm>>
        %dma_wait3A_162 = arith.constant 0 : i32
        %dma_wait3A_163 = arith.constant 0 : i32
        %dma_wait3A_164 = tpu.memref_slice %arg7[%dma_wait3A_162, %dma_wait3A_163] : memref<40x128xi32, #tpu.memory_space<vmem>> -> memref<40x128xi32, #tpu.memory_space<vmem>>
        %dma_wait3A_165 = arith.constant 0 : i32
        %dma_wait3A_166 = tpu.memref_slice %arg3[%add3A_84, %dma_wait3A_165] : memref<2560x128xi32, #tpu.memory_space<hbm>> -> memref<40x128xi32, #tpu.memory_space<hbm>>
        tpu.wait_dma2 semaphore(%run_scoped3A : memref<!tpu.dma_semaphore, #tpu.memory_space<semaphore_mem>>) src(%dma_wait3A_166 : memref<40x128xi32, #tpu.memory_space<hbm>>) dst(%dma_wait3A_164 : memref<40x128xi32, #tpu.memory_space<vmem>>)
        tpu.yield
      }) : () -> ()
      "tpu.region"() ({
        %run_scoped3A = tpu.sem_alloc : memref<!tpu.dma_semaphore, #tpu.memory_space<semaphore_mem>>
        %dma_start3A_147 = arith.constant 0 : i32
        %dma_start3A_148 = arith.constant 0 : i32
        %dma_start3A_149 = tpu.memref_slice %arg8[%dma_start3A_147, %dma_start3A_148] : memref<40x128xi32, #tpu.memory_space<vmem>> -> memref<40x128xi32, #tpu.memory_space<vmem>>
        %dma_start3A_150 = arith.constant 0 : i32
        %dma_start3A_151 = tpu.memref_slice %arg4[%add3A_84, %dma_start3A_150] : memref<2560x128xi32, #tpu.memory_space<hbm>> -> memref<40x128xi32, #tpu.memory_space<hbm>>
        %dma_start3A_152 = arith.constant 0 : i32
        %dma_start3A_153 = arith.constant 0 : i32
        %dma_start3A_154 = tpu.memref_slice %arg8[%dma_start3A_152, %dma_start3A_153] : memref<40x128xi32, #tpu.memory_space<vmem>> -> memref<40x128xi32, #tpu.memory_space<vmem>>
        %dma_start3A_155 = arith.constant 0 : i32
        %dma_start3A_156 = tpu.memref_slice %arg4[%add3A_84, %dma_start3A_155] : memref<2560x128xi32, #tpu.memory_space<hbm>> -> memref<40x128xi32, #tpu.memory_space<hbm>>
        tpu.enqueue_dma source(%dma_start3A_156 : memref<40x128xi32, #tpu.memory_space<hbm>>) target(%dma_start3A_154 : memref<40x128xi32, #tpu.memory_space<vmem>>) target_semaphore(%run_scoped3A : memref<!tpu.dma_semaphore, #tpu.memory_space<semaphore_mem>>)
        %dma_wait3A_157 = arith.constant 0 : i32
        %dma_wait3A_158 = arith.constant 0 : i32
        %dma_wait3A_159 = tpu.memref_slice %arg8[%dma_wait3A_157, %dma_wait3A_158] : memref<40x128xi32, #tpu.memory_space<vmem>> -> memref<40x128xi32, #tpu.memory_space<vmem>>
        %dma_wait3A_160 = arith.constant 0 : i32
        %dma_wait3A_161 = tpu.memref_slice %arg4[%add3A_84, %dma_wait3A_160] : memref<2560x128xi32, #tpu.memory_space<hbm>> -> memref<40x128xi32, #tpu.memory_space<hbm>>
        %dma_wait3A_162 = arith.constant 0 : i32
        %dma_wait3A_163 = arith.constant 0 : i32
        %dma_wait3A_164 = tpu.memref_slice %arg8[%dma_wait3A_162, %dma_wait3A_163] : memref<40x128xi32, #tpu.memory_space<vmem>> -> memref<40x128xi32, #tpu.memory_space<vmem>>
        %dma_wait3A_165 = arith.constant 0 : i32
        %dma_wait3A_166 = tpu.memref_slice %arg4[%add3A_84, %dma_wait3A_165] : memref<2560x128xi32, #tpu.memory_space<hbm>> -> memref<40x128xi32, #tpu.memory_space<hbm>>
        tpu.wait_dma2 semaphore(%run_scoped3A : memref<!tpu.dma_semaphore, #tpu.memory_space<semaphore_mem>>) src(%dma_wait3A_166 : memref<40x128xi32, #tpu.memory_space<hbm>>) dst(%dma_wait3A_164 : memref<40x128xi32, #tpu.memory_space<vmem>>)
        tpu.yield
      }) : () -> ()
      %dma_start3A_85 = arith.constant 0 : i32
      %dma_start3A_86 = arith.constant 0 : i32
      %dma_start3A_87 = tpu.memref_slice %arg7[%dma_start3A_85, %dma_start3A_86] : memref<40x128xi32, #tpu.memory_space<vmem>> -> memref<1x128xi32, #tpu.memory_space<vmem>>
      %dma_start3A_88 = tpu.memref_squeeze %dma_start3A_87 : memref<1x128xi32, #tpu.memory_space<vmem>> -> memref<128xi32, #tpu.memory_space<vmem>>
      %dma_start3A_89 = arith.constant 0 : i32
      %dma_start3A_90 = arith.constant 0 : i32
      %dma_start3A_91 = tpu.memref_slice %arg2[%dma_start3A_89, %dma_start3A_90] : memref<10112x128xf32, #tpu.memory_space<hbm>> -> memref<10112x128xf32, #tpu.memory_space<hbm>>
      tpu.enqueue_indirect_dma source(%dma_start3A_91 : memref<10112x128xf32, #tpu.memory_space<hbm>>) target(%arg9 : memref<128x128xf32, #tpu.memory_space<vmem>>) offsets(%dma_start3A_88 : memref<128xi32, #tpu.memory_space<vmem>>) semaphore(%arg12 : memref<!tpu.dma_semaphore, #tpu.memory_space<semaphore_mem>>)
      %dma_start3A_92 = arith.constant 1 : i32
      %dma_start3A_93 = arith.constant 0 : i32
      %dma_start3A_94 = tpu.memref_slice %arg7[%dma_start3A_92, %dma_start3A_93] : memref<40x128xi32, #tpu.memory_space<vmem>> -> memref<1x128xi32, #tpu.memory_space<vmem>>
      %dma_start3A_95 = tpu.memref_squeeze %dma_start3A_94 : memref<1x128xi32, #tpu.memory_space<vmem>> -> memref<128xi32, #tpu.memory_space<vmem>>
      %dma_start3A_96 = arith.constant 0 : i32
      %dma_start3A_97 = arith.constant 0 : i32
      %dma_start3A_98 = tpu.memref_slice %arg2[%dma_start3A_96, %dma_start3A_97] : memref<10112x128xf32, #tpu.memory_space<hbm>> -> memref<10112x128xf32, #tpu.memory_space<hbm>>
      tpu.enqueue_indirect_dma source(%dma_start3A_98 : memref<10112x128xf32, #tpu.memory_space<hbm>>) target(%arg10 : memref<128x128xf32, #tpu.memory_space<vmem>>) offsets(%dma_start3A_95 : memref<128xi32, #tpu.memory_space<vmem>>) semaphore(%arg13 : memref<!tpu.dma_semaphore, #tpu.memory_space<semaphore_mem>>)
      %dma_wait3A_99 = arith.constant 0 : i32
      %dma_wait3A_100 = arith.constant 0 : i32
      %dma_wait3A_101 = tpu.memref_slice %arg7[%dma_wait3A_99, %dma_wait3A_100] : memref<40x128xi32, #tpu.memory_space<vmem>> -> memref<1x128xi32, #tpu.memory_space<vmem>>
      %dma_wait3A_102 = tpu.memref_squeeze %dma_wait3A_101 : memref<1x128xi32, #tpu.memory_space<vmem>> -> memref<128xi32, #tpu.memory_space<vmem>>
      %dma_wait3A_103 = arith.constant 0 : i32
      %dma_wait3A_104 = arith.constant 0 : i32
      %dma_wait3A_105 = tpu.memref_slice %arg2[%dma_wait3A_103, %dma_wait3A_104] : memref<10112x128xf32, #tpu.memory_space<hbm>> -> memref<10112x128xf32, #tpu.memory_space<hbm>>
      tpu.wait_indirect_dma semaphore(%arg12 : memref<!tpu.dma_semaphore, #tpu.memory_space<semaphore_mem>>) src(%dma_wait3A_105 : memref<10112x128xf32, #tpu.memory_space<hbm>>) dst(%arg9 : memref<128x128xf32, #tpu.memory_space<vmem>>)
      %dma_start3A_106 = arith.constant 0 : i32
      %dma_start3A_107 = arith.constant 0 : i32
      %dma_start3A_108 = tpu.memref_slice %arg8[%dma_start3A_106, %dma_start3A_107] : memref<40x128xi32, #tpu.memory_space<vmem>> -> memref<1x128xi32, #tpu.memory_space<vmem>>
      %dma_start3A_109 = tpu.memref_squeeze %dma_start3A_108 : memref<1x128xi32, #tpu.memory_space<vmem>> -> memref<128xi32, #tpu.memory_space<vmem>>
      %dma_start3A_110 = arith.constant 0 : i32
      %dma_start3A_111 = arith.constant 0 : i32
      %dma_start3A_112 = tpu.memref_slice %arg11[%dma_start3A_110, %dma_start3A_111] : memref<10112x128xf32, #tpu.memory_space<vmem_shared>> -> memref<10112x128xf32, #tpu.memory_space<vmem_shared>>
      tpu.enqueue_indirect_dma source(%arg9 : memref<128x128xf32, #tpu.memory_space<vmem>>) target(%dma_start3A_112 : memref<10112x128xf32, #tpu.memory_space<vmem_shared>>) offsets(%dma_start3A_109 : memref<128xi32, #tpu.memory_space<vmem>>) semaphore(%arg14 : memref<!tpu.dma_semaphore, #tpu.memory_space<semaphore_mem>>) {add = true}
      %scan3A_113 = arith.constant 0 : i32
      %scan3A_114 = arith.constant 0 : i32
      %scan3A_115 = arith.constant 19 : i32
      %scan3A_116 = arith.addi %scan3A_114, %scan3A_115 : i32
      %scan3A_117 = arith.constant 1 : i32
      scf.for %scan3A_147 = %scan3A_114 to %scan3A_116 step %scan3A_117  : i32 {
        %mul3A_148 = arith.constant 2 : i32
        %mul3A_149 = arith.muli %mul3A_148, %scan3A_147 : i32
        %add3A_150 = arith.constant 1 : i32
        %add3A_151 = arith.addi %mul3A_149, %add3A_150 : i32
        %dma_wait3A_152 = arith.constant 0 : i32
        %dma_wait3A_153 = arith.constant 0 : i32
        %dma_wait3A_154 = tpu.memref_slice %arg8[%dma_wait3A_152, %dma_wait3A_153] : memref<40x128xi32, #tpu.memory_space<vmem>> -> memref<1x128xi32, #tpu.memory_space<vmem>>
        %dma_wait3A_155 = tpu.memref_squeeze %dma_wait3A_154 : memref<1x128xi32, #tpu.memory_space<vmem>> -> memref<128xi32, #tpu.memory_space<vmem>>
        %dma_wait3A_156 = arith.constant 0 : i32
        %dma_wait3A_157 = arith.constant 0 : i32
        %dma_wait3A_158 = tpu.memref_slice %arg11[%dma_wait3A_156, %dma_wait3A_157] : memref<10112x128xf32, #tpu.memory_space<vmem_shared>> -> memref<10112x128xf32, #tpu.memory_space<vmem_shared>>
        tpu.wait_indirect_dma semaphore(%arg14 : memref<!tpu.dma_semaphore, #tpu.memory_space<semaphore_mem>>) src(%arg9 : memref<128x128xf32, #tpu.memory_space<vmem>>) dst(%dma_wait3A_158 : memref<10112x128xf32, #tpu.memory_space<vmem_shared>>)
        %add3A_159 = arith.constant 1 : i32
        %add3A_160 = arith.addi %add3A_151, %add3A_159 : i32
        %dma_start3A_161 = arith.constant 0 : i32
        %dma_start3A_162 = tpu.memref_slice %arg7[%add3A_160, %dma_start3A_161] : memref<40x128xi32, #tpu.memory_space<vmem>> -> memref<1x128xi32, #tpu.memory_space<vmem>>
        %dma_start3A_163 = tpu.memref_squeeze %dma_start3A_162 : memref<1x128xi32, #tpu.memory_space<vmem>> -> memref<128xi32, #tpu.memory_space<vmem>>
        %dma_start3A_164 = arith.constant 0 : i32
        %dma_start3A_165 = arith.constant 0 : i32
        %dma_start3A_166 = tpu.memref_slice %arg2[%dma_start3A_164, %dma_start3A_165] : memref<10112x128xf32, #tpu.memory_space<hbm>> -> memref<10112x128xf32, #tpu.memory_space<hbm>>
        tpu.enqueue_indirect_dma source(%dma_start3A_166 : memref<10112x128xf32, #tpu.memory_space<hbm>>) target(%arg9 : memref<128x128xf32, #tpu.memory_space<vmem>>) offsets(%dma_start3A_163 : memref<128xi32, #tpu.memory_space<vmem>>) semaphore(%arg12 : memref<!tpu.dma_semaphore, #tpu.memory_space<semaphore_mem>>)
        %dma_wait3A_167 = arith.constant 0 : i32
        %dma_wait3A_168 = arith.constant 0 : i32
        %dma_wait3A_169 = tpu.memref_slice %arg7[%dma_wait3A_167, %dma_wait3A_168] : memref<40x128xi32, #tpu.memory_space<vmem>> -> memref<1x128xi32, #tpu.memory_space<vmem>>
        %dma_wait3A_170 = tpu.memref_squeeze %dma_wait3A_169 : memref<1x128xi32, #tpu.memory_space<vmem>> -> memref<128xi32, #tpu.memory_space<vmem>>
        %dma_wait3A_171 = arith.constant 0 : i32
        %dma_wait3A_172 = arith.constant 0 : i32
        %dma_wait3A_173 = tpu.memref_slice %arg2[%dma_wait3A_171, %dma_wait3A_172] : memref<10112x128xf32, #tpu.memory_space<hbm>> -> memref<10112x128xf32, #tpu.memory_space<hbm>>
        tpu.wait_indirect_dma semaphore(%arg13 : memref<!tpu.dma_semaphore, #tpu.memory_space<semaphore_mem>>) src(%dma_wait3A_173 : memref<10112x128xf32, #tpu.memory_space<hbm>>) dst(%arg10 : memref<128x128xf32, #tpu.memory_space<vmem>>)
        %dma_start3A_174 = arith.constant 0 : i32
        %dma_start3A_175 = tpu.memref_slice %arg8[%add3A_151, %dma_start3A_174] : memref<40x128xi32, #tpu.memory_space<vmem>> -> memref<1x128xi32, #tpu.memory_space<vmem>>
        %dma_start3A_176 = tpu.memref_squeeze %dma_start3A_175 : memref<1x128xi32, #tpu.memory_space<vmem>> -> memref<128xi32, #tpu.memory_space<vmem>>
        %dma_start3A_177 = arith.constant 0 : i32
        %dma_start3A_178 = arith.constant 0 : i32
        %dma_start3A_179 = tpu.memref_slice %arg11[%dma_start3A_177, %dma_start3A_178] : memref<10112x128xf32, #tpu.memory_space<vmem_shared>> -> memref<10112x128xf32, #tpu.memory_space<vmem_shared>>
        tpu.enqueue_indirect_dma source(%arg10 : memref<128x128xf32, #tpu.memory_space<vmem>>) target(%dma_start3A_179 : memref<10112x128xf32, #tpu.memory_space<vmem_shared>>) offsets(%dma_start3A_176 : memref<128xi32, #tpu.memory_space<vmem>>) semaphore(%arg15 : memref<!tpu.dma_semaphore, #tpu.memory_space<semaphore_mem>>) {add = true}
        %dma_wait3A_180 = arith.constant 0 : i32
        %dma_wait3A_181 = arith.constant 0 : i32
        %dma_wait3A_182 = tpu.memref_slice %arg8[%dma_wait3A_180, %dma_wait3A_181] : memref<40x128xi32, #tpu.memory_space<vmem>> -> memref<1x128xi32, #tpu.memory_space<vmem>>
        %dma_wait3A_183 = tpu.memref_squeeze %dma_wait3A_182 : memref<1x128xi32, #tpu.memory_space<vmem>> -> memref<128xi32, #tpu.memory_space<vmem>>
        %dma_wait3A_184 = arith.constant 0 : i32
        %dma_wait3A_185 = arith.constant 0 : i32
        %dma_wait3A_186 = tpu.memref_slice %arg11[%dma_wait3A_184, %dma_wait3A_185] : memref<10112x128xf32, #tpu.memory_space<vmem_shared>> -> memref<10112x128xf32, #tpu.memory_space<vmem_shared>>
        tpu.wait_indirect_dma semaphore(%arg15 : memref<!tpu.dma_semaphore, #tpu.memory_space<semaphore_mem>>) src(%arg10 : memref<128x128xf32, #tpu.memory_space<vmem>>) dst(%dma_wait3A_186 : memref<10112x128xf32, #tpu.memory_space<vmem_shared>>)
        %add3A_187 = arith.constant 2 : i32
        %add3A_188 = arith.addi %add3A_151, %add3A_187 : i32
        %dma_start3A_189 = arith.constant 0 : i32
        %dma_start3A_190 = tpu.memref_slice %arg7[%add3A_188, %dma_start3A_189] : memref<40x128xi32, #tpu.memory_space<vmem>> -> memref<1x128xi32, #tpu.memory_space<vmem>>
        %dma_start3A_191 = tpu.memref_squeeze %dma_start3A_190 : memref<1x128xi32, #tpu.memory_space<vmem>> -> memref<128xi32, #tpu.memory_space<vmem>>
        %dma_start3A_192 = arith.constant 0 : i32
        %dma_start3A_193 = arith.constant 0 : i32
        %dma_start3A_194 = tpu.memref_slice %arg2[%dma_start3A_192, %dma_start3A_193] : memref<10112x128xf32, #tpu.memory_space<hbm>> -> memref<10112x128xf32, #tpu.memory_space<hbm>>
        tpu.enqueue_indirect_dma source(%dma_start3A_194 : memref<10112x128xf32, #tpu.memory_space<hbm>>) target(%arg10 : memref<128x128xf32, #tpu.memory_space<vmem>>) offsets(%dma_start3A_191 : memref<128xi32, #tpu.memory_space<vmem>>) semaphore(%arg13 : memref<!tpu.dma_semaphore, #tpu.memory_space<semaphore_mem>>)
        %dma_wait3A_195 = arith.constant 0 : i32
        %dma_wait3A_196 = arith.constant 0 : i32
        %dma_wait3A_197 = tpu.memref_slice %arg7[%dma_wait3A_195, %dma_wait3A_196] : memref<40x128xi32, #tpu.memory_space<vmem>> -> memref<1x128xi32, #tpu.memory_space<vmem>>
        %dma_wait3A_198 = tpu.memref_squeeze %dma_wait3A_197 : memref<1x128xi32, #tpu.memory_space<vmem>> -> memref<128xi32, #tpu.memory_space<vmem>>
        %dma_wait3A_199 = arith.constant 0 : i32
        %dma_wait3A_200 = arith.constant 0 : i32
        %dma_wait3A_201 = tpu.memref_slice %arg2[%dma_wait3A_199, %dma_wait3A_200] : memref<10112x128xf32, #tpu.memory_space<hbm>> -> memref<10112x128xf32, #tpu.memory_space<hbm>>
        tpu.wait_indirect_dma semaphore(%arg12 : memref<!tpu.dma_semaphore, #tpu.memory_space<semaphore_mem>>) src(%dma_wait3A_201 : memref<10112x128xf32, #tpu.memory_space<hbm>>) dst(%arg9 : memref<128x128xf32, #tpu.memory_space<vmem>>)
        %add3A_202 = arith.constant 1 : i32
        %add3A_203 = arith.addi %add3A_151, %add3A_202 : i32
        %dma_start3A_204 = arith.constant 0 : i32
        %dma_start3A_205 = tpu.memref_slice %arg8[%add3A_203, %dma_start3A_204] : memref<40x128xi32, #tpu.memory_space<vmem>> -> memref<1x128xi32, #tpu.memory_space<vmem>>
        %dma_start3A_206 = tpu.memref_squeeze %dma_start3A_205 : memref<1x128xi32, #tpu.memory_space<vmem>> -> memref<128xi32, #tpu.memory_space<vmem>>
        %dma_start3A_207 = arith.constant 0 : i32
        %dma_start3A_208 = arith.constant 0 : i32
        %dma_start3A_209 = tpu.memref_slice %arg11[%dma_start3A_207, %dma_start3A_208] : memref<10112x128xf32, #tpu.memory_space<vmem_shared>> -> memref<10112x128xf32, #tpu.memory_space<vmem_shared>>
        tpu.enqueue_indirect_dma source(%arg9 : memref<128x128xf32, #tpu.memory_space<vmem>>) target(%dma_start3A_209 : memref<10112x128xf32, #tpu.memory_space<vmem_shared>>) offsets(%dma_start3A_206 : memref<128xi32, #tpu.memory_space<vmem>>) semaphore(%arg14 : memref<!tpu.dma_semaphore, #tpu.memory_space<semaphore_mem>>) {add = true}
      }
      %scan3A_118 = arith.constant 19 : i32
      %dma_wait3A_119 = arith.constant 0 : i32
      %dma_wait3A_120 = arith.constant 0 : i32
      %dma_wait3A_121 = tpu.memref_slice %arg8[%dma_wait3A_119, %dma_wait3A_120] : memref<40x128xi32, #tpu.memory_space<vmem>> -> memref<1x128xi32, #tpu.memory_space<vmem>>
      %dma_wait3A_122 = tpu.memref_squeeze %dma_wait3A_121 : memref<1x128xi32, #tpu.memory_space<vmem>> -> memref<128xi32, #tpu.memory_space<vmem>>
      %dma_wait3A_123 = arith.constant 0 : i32
      %dma_wait3A_124 = arith.constant 0 : i32
      %dma_wait3A_125 = tpu.memref_slice %arg11[%dma_wait3A_123, %dma_wait3A_124] : memref<10112x128xf32, #tpu.memory_space<vmem_shared>> -> memref<10112x128xf32, #tpu.memory_space<vmem_shared>>
      tpu.wait_indirect_dma semaphore(%arg14 : memref<!tpu.dma_semaphore, #tpu.memory_space<semaphore_mem>>) src(%arg9 : memref<128x128xf32, #tpu.memory_space<vmem>>) dst(%dma_wait3A_125 : memref<10112x128xf32, #tpu.memory_space<vmem_shared>>)
      %dma_wait3A_126 = arith.constant 0 : i32
      %dma_wait3A_127 = arith.constant 0 : i32
      %dma_wait3A_128 = tpu.memref_slice %arg7[%dma_wait3A_126, %dma_wait3A_127] : memref<40x128xi32, #tpu.memory_space<vmem>> -> memref<1x128xi32, #tpu.memory_space<vmem>>
      %dma_wait3A_129 = tpu.memref_squeeze %dma_wait3A_128 : memref<1x128xi32, #tpu.memory_space<vmem>> -> memref<128xi32, #tpu.memory_space<vmem>>
      %dma_wait3A_130 = arith.constant 0 : i32
      %dma_wait3A_131 = arith.constant 0 : i32
      %dma_wait3A_132 = tpu.memref_slice %arg2[%dma_wait3A_130, %dma_wait3A_131] : memref<10112x128xf32, #tpu.memory_space<hbm>> -> memref<10112x128xf32, #tpu.memory_space<hbm>>
      tpu.wait_indirect_dma semaphore(%arg13 : memref<!tpu.dma_semaphore, #tpu.memory_space<semaphore_mem>>) src(%dma_wait3A_132 : memref<10112x128xf32, #tpu.memory_space<hbm>>) dst(%arg10 : memref<128x128xf32, #tpu.memory_space<vmem>>)
      %dma_start3A_133 = arith.constant 39 : i32
      %dma_start3A_134 = arith.constant 0 : i32
      %dma_start3A_135 = tpu.memref_slice %arg8[%dma_start3A_133, %dma_start3A_134] : memref<40x128xi32, #tpu.memory_space<vmem>> -> memref<1x128xi32, #tpu.memory_space<vmem>>
      %dma_start3A_136 = tpu.memref_squeeze %dma_start3A_135 : memref<1x128xi32, #tpu.memory_space<vmem>> -> memref<128xi32, #tpu.memory_space<vmem>>
      %dma_start3A_137 = arith.constant 0 : i32
      %dma_start3A_138 = arith.constant 0 : i32
      %dma_start3A_139 = tpu.memref_slice %arg11[%dma_start3A_137, %dma_start3A_138] : memref<10112x128xf32, #tpu.memory_space<vmem_shared>> -> memref<10112x128xf32, #tpu.memory_space<vmem_shared>>
      tpu.enqueue_indirect_dma source(%arg10 : memref<128x128xf32, #tpu.memory_space<vmem>>) target(%dma_start3A_139 : memref<10112x128xf32, #tpu.memory_space<vmem_shared>>) offsets(%dma_start3A_136 : memref<128xi32, #tpu.memory_space<vmem>>) semaphore(%arg15 : memref<!tpu.dma_semaphore, #tpu.memory_space<semaphore_mem>>) {add = true}
      %dma_wait3A_140 = arith.constant 39 : i32
      %dma_wait3A_141 = arith.constant 0 : i32
      %dma_wait3A_142 = tpu.memref_slice %arg8[%dma_wait3A_140, %dma_wait3A_141] : memref<40x128xi32, #tpu.memory_space<vmem>> -> memref<1x128xi32, #tpu.memory_space<vmem>>
      %dma_wait3A_143 = tpu.memref_squeeze %dma_wait3A_142 : memref<1x128xi32, #tpu.memory_space<vmem>> -> memref<128xi32, #tpu.memory_space<vmem>>
      %dma_wait3A_144 = arith.constant 0 : i32
      %dma_wait3A_145 = arith.constant 0 : i32
      %dma_wait3A_146 = tpu.memref_slice %arg11[%dma_wait3A_144, %dma_wait3A_145] : memref<10112x128xf32, #tpu.memory_space<vmem_shared>> -> memref<10112x128xf32, #tpu.memory_space<vmem_shared>>
      tpu.wait_indirect_dma semaphore(%arg15 : memref<!tpu.dma_semaphore, #tpu.memory_space<semaphore_mem>>) src(%arg10 : memref<128x128xf32, #tpu.memory_space<vmem>>) dst(%dma_wait3A_146 : memref<10112x128xf32, #tpu.memory_space<vmem_shared>>)
    } else {
    }
    %eq3A_12 = arith.constant 1 : i32
    %eq3A_13 = arith.cmpi eq, %arg0, %eq3A_12 : i32
    %convert_element_type3A_14 = arith.extui %eq3A_13 : i1 to i32
    %cond3A_15 = arith.constant 0 : i32
    %cond3A_16 = arith.cmpi ne, %convert_element_type3A_14, %cond3A_15 : i32
    scf.if %cond3A_16 {
      %mul3A_21 = arith.constant 80 : i32
      %mul3A_22 = arith.muli %arg1, %mul3A_21 : i32
      %add3A = arith.constant 1280 : i32
      %add3A_23 = arith.addi %add3A, %mul3A_22 : i32
      %add3A_24 = arith.constant 0 : i32
      %add3A_25 = arith.addi %add3A_23, %add3A_24 : i32
      "tpu.region"() ({
        %run_scoped3A = tpu.sem_alloc : memref<!tpu.dma_semaphore, #tpu.memory_space<semaphore_mem>>
        %dma_start3A_149 = arith.constant 0 : i32
        %dma_start3A_150 = arith.constant 0 : i32
        %dma_start3A_151 = tpu.memref_slice %arg7[%dma_start3A_149, %dma_start3A_150] : memref<40x128xi32, #tpu.memory_space<vmem>> -> memref<40x128xi32, #tpu.memory_space<vmem>>
        %dma_start3A_152 = arith.constant 0 : i32
        %dma_start3A_153 = tpu.memref_slice %arg3[%add3A_25, %dma_start3A_152] : memref<2560x128xi32, #tpu.memory_space<hbm>> -> memref<40x128xi32, #tpu.memory_space<hbm>>
        %dma_start3A_154 = arith.constant 0 : i32
        %dma_start3A_155 = arith.constant 0 : i32
        %dma_start3A_156 = tpu.memref_slice %arg7[%dma_start3A_154, %dma_start3A_155] : memref<40x128xi32, #tpu.memory_space<vmem>> -> memref<40x128xi32, #tpu.memory_space<vmem>>
        %dma_start3A_157 = arith.constant 0 : i32
        %dma_start3A_158 = tpu.memref_slice %arg3[%add3A_25, %dma_start3A_157] : memref<2560x128xi32, #tpu.memory_space<hbm>> -> memref<40x128xi32, #tpu.memory_space<hbm>>
        tpu.enqueue_dma source(%dma_start3A_158 : memref<40x128xi32, #tpu.memory_space<hbm>>) target(%dma_start3A_156 : memref<40x128xi32, #tpu.memory_space<vmem>>) target_semaphore(%run_scoped3A : memref<!tpu.dma_semaphore, #tpu.memory_space<semaphore_mem>>)
        %dma_wait3A_159 = arith.constant 0 : i32
        %dma_wait3A_160 = arith.constant 0 : i32
        %dma_wait3A_161 = tpu.memref_slice %arg7[%dma_wait3A_159, %dma_wait3A_160] : memref<40x128xi32, #tpu.memory_space<vmem>> -> memref<40x128xi32, #tpu.memory_space<vmem>>
        %dma_wait3A_162 = arith.constant 0 : i32
        %dma_wait3A_163 = tpu.memref_slice %arg3[%add3A_25, %dma_wait3A_162] : memref<2560x128xi32, #tpu.memory_space<hbm>> -> memref<40x128xi32, #tpu.memory_space<hbm>>
        %dma_wait3A_164 = arith.constant 0 : i32
        %dma_wait3A_165 = arith.constant 0 : i32
        %dma_wait3A_166 = tpu.memref_slice %arg7[%dma_wait3A_164, %dma_wait3A_165] : memref<40x128xi32, #tpu.memory_space<vmem>> -> memref<40x128xi32, #tpu.memory_space<vmem>>
        %dma_wait3A_167 = arith.constant 0 : i32
        %dma_wait3A_168 = tpu.memref_slice %arg3[%add3A_25, %dma_wait3A_167] : memref<2560x128xi32, #tpu.memory_space<hbm>> -> memref<40x128xi32, #tpu.memory_space<hbm>>
        tpu.wait_dma2 semaphore(%run_scoped3A : memref<!tpu.dma_semaphore, #tpu.memory_space<semaphore_mem>>) src(%dma_wait3A_168 : memref<40x128xi32, #tpu.memory_space<hbm>>) dst(%dma_wait3A_166 : memref<40x128xi32, #tpu.memory_space<vmem>>)
        tpu.yield
      }) : () -> ()
      "tpu.region"() ({
        %run_scoped3A = tpu.sem_alloc : memref<!tpu.dma_semaphore, #tpu.memory_space<semaphore_mem>>
        %dma_start3A_149 = arith.constant 0 : i32
        %dma_start3A_150 = arith.constant 0 : i32
        %dma_start3A_151 = tpu.memref_slice %arg8[%dma_start3A_149, %dma_start3A_150] : memref<40x128xi32, #tpu.memory_space<vmem>> -> memref<40x128xi32, #tpu.memory_space<vmem>>
        %dma_start3A_152 = arith.constant 0 : i32
        %dma_start3A_153 = tpu.memref_slice %arg4[%add3A_25, %dma_start3A_152] : memref<2560x128xi32, #tpu.memory_space<hbm>> -> memref<40x128xi32, #tpu.memory_space<hbm>>
        %dma_start3A_154 = arith.constant 0 : i32
        %dma_start3A_155 = arith.constant 0 : i32
        %dma_start3A_156 = tpu.memref_slice %arg8[%dma_start3A_154, %dma_start3A_155] : memref<40x128xi32, #tpu.memory_space<vmem>> -> memref<40x128xi32, #tpu.memory_space<vmem>>
        %dma_start3A_157 = arith.constant 0 : i32
        %dma_start3A_158 = tpu.memref_slice %arg4[%add3A_25, %dma_start3A_157] : memref<2560x128xi32, #tpu.memory_space<hbm>> -> memref<40x128xi32, #tpu.memory_space<hbm>>
        tpu.enqueue_dma source(%dma_start3A_158 : memref<40x128xi32, #tpu.memory_space<hbm>>) target(%dma_start3A_156 : memref<40x128xi32, #tpu.memory_space<vmem>>) target_semaphore(%run_scoped3A : memref<!tpu.dma_semaphore, #tpu.memory_space<semaphore_mem>>)
        %dma_wait3A_159 = arith.constant 0 : i32
        %dma_wait3A_160 = arith.constant 0 : i32
        %dma_wait3A_161 = tpu.memref_slice %arg8[%dma_wait3A_159, %dma_wait3A_160] : memref<40x128xi32, #tpu.memory_space<vmem>> -> memref<40x128xi32, #tpu.memory_space<vmem>>
        %dma_wait3A_162 = arith.constant 0 : i32
        %dma_wait3A_163 = tpu.memref_slice %arg4[%add3A_25, %dma_wait3A_162] : memref<2560x128xi32, #tpu.memory_space<hbm>> -> memref<40x128xi32, #tpu.memory_space<hbm>>
        %dma_wait3A_164 = arith.constant 0 : i32
        %dma_wait3A_165 = arith.constant 0 : i32
        %dma_wait3A_166 = tpu.memref_slice %arg8[%dma_wait3A_164, %dma_wait3A_165] : memref<40x128xi32, #tpu.memory_space<vmem>> -> memref<40x128xi32, #tpu.memory_space<vmem>>
        %dma_wait3A_167 = arith.constant 0 : i32
        %dma_wait3A_168 = tpu.memref_slice %arg4[%add3A_25, %dma_wait3A_167] : memref<2560x128xi32, #tpu.memory_space<hbm>> -> memref<40x128xi32, #tpu.memory_space<hbm>>
        tpu.wait_dma2 semaphore(%run_scoped3A : memref<!tpu.dma_semaphore, #tpu.memory_space<semaphore_mem>>) src(%dma_wait3A_168 : memref<40x128xi32, #tpu.memory_space<hbm>>) dst(%dma_wait3A_166 : memref<40x128xi32, #tpu.memory_space<vmem>>)
        tpu.yield
      }) : () -> ()
      %dma_start3A = arith.constant 0 : i32
      %dma_start3A_26 = arith.constant 0 : i32
      %dma_start3A_27 = tpu.memref_slice %arg7[%dma_start3A, %dma_start3A_26] : memref<40x128xi32, #tpu.memory_space<vmem>> -> memref<1x128xi32, #tpu.memory_space<vmem>>
      %dma_start3A_28 = tpu.memref_squeeze %dma_start3A_27 : memref<1x128xi32, #tpu.memory_space<vmem>> -> memref<128xi32, #tpu.memory_space<vmem>>
      %dma_start3A_29 = arith.constant 0 : i32
      %dma_start3A_30 = arith.constant 0 : i32
      %dma_start3A_31 = tpu.memref_slice %arg2[%dma_start3A_29, %dma_start3A_30] : memref<10112x128xf32, #tpu.memory_space<hbm>> -> memref<10112x128xf32, #tpu.memory_space<hbm>>
      tpu.enqueue_indirect_dma source(%dma_start3A_31 : memref<10112x128xf32, #tpu.memory_space<hbm>>) target(%arg9 : memref<128x128xf32, #tpu.memory_space<vmem>>) offsets(%dma_start3A_28 : memref<128xi32, #tpu.memory_space<vmem>>) semaphore(%arg12 : memref<!tpu.dma_semaphore, #tpu.memory_space<semaphore_mem>>)
      %dma_start3A_32 = arith.constant 1 : i32
      %dma_start3A_33 = arith.constant 0 : i32
      %dma_start3A_34 = tpu.memref_slice %arg7[%dma_start3A_32, %dma_start3A_33] : memref<40x128xi32, #tpu.memory_space<vmem>> -> memref<1x128xi32, #tpu.memory_space<vmem>>
      %dma_start3A_35 = tpu.memref_squeeze %dma_start3A_34 : memref<1x128xi32, #tpu.memory_space<vmem>> -> memref<128xi32, #tpu.memory_space<vmem>>
      %dma_start3A_36 = arith.constant 0 : i32
      %dma_start3A_37 = arith.constant 0 : i32
      %dma_start3A_38 = tpu.memref_slice %arg2[%dma_start3A_36, %dma_start3A_37] : memref<10112x128xf32, #tpu.memory_space<hbm>> -> memref<10112x128xf32, #tpu.memory_space<hbm>>
      tpu.enqueue_indirect_dma source(%dma_start3A_38 : memref<10112x128xf32, #tpu.memory_space<hbm>>) target(%arg10 : memref<128x128xf32, #tpu.memory_space<vmem>>) offsets(%dma_start3A_35 : memref<128xi32, #tpu.memory_space<vmem>>) semaphore(%arg13 : memref<!tpu.dma_semaphore, #tpu.memory_space<semaphore_mem>>)
      %dma_wait3A = arith.constant 0 : i32
      %dma_wait3A_39 = arith.constant 0 : i32
      %dma_wait3A_40 = tpu.memref_slice %arg7[%dma_wait3A, %dma_wait3A_39] : memref<40x128xi32, #tpu.memory_space<vmem>> -> memref<1x128xi32, #tpu.memory_space<vmem>>
      %dma_wait3A_41 = tpu.memref_squeeze %dma_wait3A_40 : memref<1x128xi32, #tpu.memory_space<vmem>> -> memref<128xi32, #tpu.memory_space<vmem>>
      %dma_wait3A_42 = arith.constant 0 : i32
      %dma_wait3A_43 = arith.constant 0 : i32
      %dma_wait3A_44 = tpu.memref_slice %arg2[%dma_wait3A_42, %dma_wait3A_43] : memref<10112x128xf32, #tpu.memory_space<hbm>> -> memref<10112x128xf32, #tpu.memory_space<hbm>>
      tpu.wait_indirect_dma semaphore(%arg12 : memref<!tpu.dma_semaphore, #tpu.memory_space<semaphore_mem>>) src(%dma_wait3A_44 : memref<10112x128xf32, #tpu.memory_space<hbm>>) dst(%arg9 : memref<128x128xf32, #tpu.memory_space<vmem>>)
      %dma_start3A_45 = arith.constant 0 : i32
      %dma_start3A_46 = arith.constant 0 : i32
      %dma_start3A_47 = tpu.memref_slice %arg8[%dma_start3A_45, %dma_start3A_46] : memref<40x128xi32, #tpu.memory_space<vmem>> -> memref<1x128xi32, #tpu.memory_space<vmem>>
      %dma_start3A_48 = tpu.memref_squeeze %dma_start3A_47 : memref<1x128xi32, #tpu.memory_space<vmem>> -> memref<128xi32, #tpu.memory_space<vmem>>
      %dma_start3A_49 = arith.constant 0 : i32
      %dma_start3A_50 = arith.constant 0 : i32
      %dma_start3A_51 = tpu.memref_slice %arg11[%dma_start3A_49, %dma_start3A_50] : memref<10112x128xf32, #tpu.memory_space<vmem_shared>> -> memref<10112x128xf32, #tpu.memory_space<vmem_shared>>
      tpu.enqueue_indirect_dma source(%arg9 : memref<128x128xf32, #tpu.memory_space<vmem>>) target(%dma_start3A_51 : memref<10112x128xf32, #tpu.memory_space<vmem_shared>>) offsets(%dma_start3A_48 : memref<128xi32, #tpu.memory_space<vmem>>) semaphore(%arg14 : memref<!tpu.dma_semaphore, #tpu.memory_space<semaphore_mem>>) {add = true}
      %scan3A = arith.constant 0 : i32
      %scan3A_52 = arith.constant 0 : i32
      %scan3A_53 = arith.constant 19 : i32
      %scan3A_54 = arith.addi %scan3A_52, %scan3A_53 : i32
      %scan3A_55 = arith.constant 1 : i32
      scf.for %scan3A_149 = %scan3A_52 to %scan3A_54 step %scan3A_55  : i32 {
        %mul3A_150 = arith.constant 2 : i32
        %mul3A_151 = arith.muli %mul3A_150, %scan3A_149 : i32
        %add3A_152 = arith.constant 1 : i32
        %add3A_153 = arith.addi %mul3A_151, %add3A_152 : i32
        %dma_wait3A_154 = arith.constant 0 : i32
        %dma_wait3A_155 = arith.constant 0 : i32
        %dma_wait3A_156 = tpu.memref_slice %arg8[%dma_wait3A_154, %dma_wait3A_155] : memref<40x128xi32, #tpu.memory_space<vmem>> -> memref<1x128xi32, #tpu.memory_space<vmem>>
        %dma_wait3A_157 = tpu.memref_squeeze %dma_wait3A_156 : memref<1x128xi32, #tpu.memory_space<vmem>> -> memref<128xi32, #tpu.memory_space<vmem>>
        %dma_wait3A_158 = arith.constant 0 : i32
        %dma_wait3A_159 = arith.constant 0 : i32
        %dma_wait3A_160 = tpu.memref_slice %arg11[%dma_wait3A_158, %dma_wait3A_159] : memref<10112x128xf32, #tpu.memory_space<vmem_shared>> -> memref<10112x128xf32, #tpu.memory_space<vmem_shared>>
        tpu.wait_indirect_dma semaphore(%arg14 : memref<!tpu.dma_semaphore, #tpu.memory_space<semaphore_mem>>) src(%arg9 : memref<128x128xf32, #tpu.memory_space<vmem>>) dst(%dma_wait3A_160 : memref<10112x128xf32, #tpu.memory_space<vmem_shared>>)
        %add3A_161 = arith.constant 1 : i32
        %add3A_162 = arith.addi %add3A_153, %add3A_161 : i32
        %dma_start3A_163 = arith.constant 0 : i32
        %dma_start3A_164 = tpu.memref_slice %arg7[%add3A_162, %dma_start3A_163] : memref<40x128xi32, #tpu.memory_space<vmem>> -> memref<1x128xi32, #tpu.memory_space<vmem>>
        %dma_start3A_165 = tpu.memref_squeeze %dma_start3A_164 : memref<1x128xi32, #tpu.memory_space<vmem>> -> memref<128xi32, #tpu.memory_space<vmem>>
        %dma_start3A_166 = arith.constant 0 : i32
        %dma_start3A_167 = arith.constant 0 : i32
        %dma_start3A_168 = tpu.memref_slice %arg2[%dma_start3A_166, %dma_start3A_167] : memref<10112x128xf32, #tpu.memory_space<hbm>> -> memref<10112x128xf32, #tpu.memory_space<hbm>>
        tpu.enqueue_indirect_dma source(%dma_start3A_168 : memref<10112x128xf32, #tpu.memory_space<hbm>>) target(%arg9 : memref<128x128xf32, #tpu.memory_space<vmem>>) offsets(%dma_start3A_165 : memref<128xi32, #tpu.memory_space<vmem>>) semaphore(%arg12 : memref<!tpu.dma_semaphore, #tpu.memory_space<semaphore_mem>>)
        %dma_wait3A_169 = arith.constant 0 : i32
        %dma_wait3A_170 = arith.constant 0 : i32
        %dma_wait3A_171 = tpu.memref_slice %arg7[%dma_wait3A_169, %dma_wait3A_170] : memref<40x128xi32, #tpu.memory_space<vmem>> -> memref<1x128xi32, #tpu.memory_space<vmem>>
        %dma_wait3A_172 = tpu.memref_squeeze %dma_wait3A_171 : memref<1x128xi32, #tpu.memory_space<vmem>> -> memref<128xi32, #tpu.memory_space<vmem>>
        %dma_wait3A_173 = arith.constant 0 : i32
        %dma_wait3A_174 = arith.constant 0 : i32
        %dma_wait3A_175 = tpu.memref_slice %arg2[%dma_wait3A_173, %dma_wait3A_174] : memref<10112x128xf32, #tpu.memory_space<hbm>> -> memref<10112x128xf32, #tpu.memory_space<hbm>>
        tpu.wait_indirect_dma semaphore(%arg13 : memref<!tpu.dma_semaphore, #tpu.memory_space<semaphore_mem>>) src(%dma_wait3A_175 : memref<10112x128xf32, #tpu.memory_space<hbm>>) dst(%arg10 : memref<128x128xf32, #tpu.memory_space<vmem>>)
        %dma_start3A_176 = arith.constant 0 : i32
        %dma_start3A_177 = tpu.memref_slice %arg8[%add3A_153, %dma_start3A_176] : memref<40x128xi32, #tpu.memory_space<vmem>> -> memref<1x128xi32, #tpu.memory_space<vmem>>
        %dma_start3A_178 = tpu.memref_squeeze %dma_start3A_177 : memref<1x128xi32, #tpu.memory_space<vmem>> -> memref<128xi32, #tpu.memory_space<vmem>>
        %dma_start3A_179 = arith.constant 0 : i32
        %dma_start3A_180 = arith.constant 0 : i32
        %dma_start3A_181 = tpu.memref_slice %arg11[%dma_start3A_179, %dma_start3A_180] : memref<10112x128xf32, #tpu.memory_space<vmem_shared>> -> memref<10112x128xf32, #tpu.memory_space<vmem_shared>>
        tpu.enqueue_indirect_dma source(%arg10 : memref<128x128xf32, #tpu.memory_space<vmem>>) target(%dma_start3A_181 : memref<10112x128xf32, #tpu.memory_space<vmem_shared>>) offsets(%dma_start3A_178 : memref<128xi32, #tpu.memory_space<vmem>>) semaphore(%arg15 : memref<!tpu.dma_semaphore, #tpu.memory_space<semaphore_mem>>) {add = true}
        %dma_wait3A_182 = arith.constant 0 : i32
        %dma_wait3A_183 = arith.constant 0 : i32
        %dma_wait3A_184 = tpu.memref_slice %arg8[%dma_wait3A_182, %dma_wait3A_183] : memref<40x128xi32, #tpu.memory_space<vmem>> -> memref<1x128xi32, #tpu.memory_space<vmem>>
        %dma_wait3A_185 = tpu.memref_squeeze %dma_wait3A_184 : memref<1x128xi32, #tpu.memory_space<vmem>> -> memref<128xi32, #tpu.memory_space<vmem>>
        %dma_wait3A_186 = arith.constant 0 : i32
        %dma_wait3A_187 = arith.constant 0 : i32
        %dma_wait3A_188 = tpu.memref_slice %arg11[%dma_wait3A_186, %dma_wait3A_187] : memref<10112x128xf32, #tpu.memory_space<vmem_shared>> -> memref<10112x128xf32, #tpu.memory_space<vmem_shared>>
        tpu.wait_indirect_dma semaphore(%arg15 : memref<!tpu.dma_semaphore, #tpu.memory_space<semaphore_mem>>) src(%arg10 : memref<128x128xf32, #tpu.memory_space<vmem>>) dst(%dma_wait3A_188 : memref<10112x128xf32, #tpu.memory_space<vmem_shared>>)
        %add3A_189 = arith.constant 2 : i32
        %add3A_190 = arith.addi %add3A_153, %add3A_189 : i32
        %dma_start3A_191 = arith.constant 0 : i32
        %dma_start3A_192 = tpu.memref_slice %arg7[%add3A_190, %dma_start3A_191] : memref<40x128xi32, #tpu.memory_space<vmem>> -> memref<1x128xi32, #tpu.memory_space<vmem>>
        %dma_start3A_193 = tpu.memref_squeeze %dma_start3A_192 : memref<1x128xi32, #tpu.memory_space<vmem>> -> memref<128xi32, #tpu.memory_space<vmem>>
        %dma_start3A_194 = arith.constant 0 : i32
        %dma_start3A_195 = arith.constant 0 : i32
        %dma_start3A_196 = tpu.memref_slice %arg2[%dma_start3A_194, %dma_start3A_195] : memref<10112x128xf32, #tpu.memory_space<hbm>> -> memref<10112x128xf32, #tpu.memory_space<hbm>>
        tpu.enqueue_indirect_dma source(%dma_start3A_196 : memref<10112x128xf32, #tpu.memory_space<hbm>>) target(%arg10 : memref<128x128xf32, #tpu.memory_space<vmem>>) offsets(%dma_start3A_193 : memref<128xi32, #tpu.memory_space<vmem>>) semaphore(%arg13 : memref<!tpu.dma_semaphore, #tpu.memory_space<semaphore_mem>>)
        %dma_wait3A_197 = arith.constant 0 : i32
        %dma_wait3A_198 = arith.constant 0 : i32
        %dma_wait3A_199 = tpu.memref_slice %arg7[%dma_wait3A_197, %dma_wait3A_198] : memref<40x128xi32, #tpu.memory_space<vmem>> -> memref<1x128xi32, #tpu.memory_space<vmem>>
        %dma_wait3A_200 = tpu.memref_squeeze %dma_wait3A_199 : memref<1x128xi32, #tpu.memory_space<vmem>> -> memref<128xi32, #tpu.memory_space<vmem>>
        %dma_wait3A_201 = arith.constant 0 : i32
        %dma_wait3A_202 = arith.constant 0 : i32
        %dma_wait3A_203 = tpu.memref_slice %arg2[%dma_wait3A_201, %dma_wait3A_202] : memref<10112x128xf32, #tpu.memory_space<hbm>> -> memref<10112x128xf32, #tpu.memory_space<hbm>>
        tpu.wait_indirect_dma semaphore(%arg12 : memref<!tpu.dma_semaphore, #tpu.memory_space<semaphore_mem>>) src(%dma_wait3A_203 : memref<10112x128xf32, #tpu.memory_space<hbm>>) dst(%arg9 : memref<128x128xf32, #tpu.memory_space<vmem>>)
        %add3A_204 = arith.constant 1 : i32
        %add3A_205 = arith.addi %add3A_153, %add3A_204 : i32
        %dma_start3A_206 = arith.constant 0 : i32
        %dma_start3A_207 = tpu.memref_slice %arg8[%add3A_205, %dma_start3A_206] : memref<40x128xi32, #tpu.memory_space<vmem>> -> memref<1x128xi32, #tpu.memory_space<vmem>>
        %dma_start3A_208 = tpu.memref_squeeze %dma_start3A_207 : memref<1x128xi32, #tpu.memory_space<vmem>> -> memref<128xi32, #tpu.memory_space<vmem>>
        %dma_start3A_209 = arith.constant 0 : i32
        %dma_start3A_210 = arith.constant 0 : i32
        %dma_start3A_211 = tpu.memref_slice %arg11[%dma_start3A_209, %dma_start3A_210] : memref<10112x128xf32, #tpu.memory_space<vmem_shared>> -> memref<10112x128xf32, #tpu.memory_space<vmem_shared>>
        tpu.enqueue_indirect_dma source(%arg9 : memref<128x128xf32, #tpu.memory_space<vmem>>) target(%dma_start3A_211 : memref<10112x128xf32, #tpu.memory_space<vmem_shared>>) offsets(%dma_start3A_208 : memref<128xi32, #tpu.memory_space<vmem>>) semaphore(%arg14 : memref<!tpu.dma_semaphore, #tpu.memory_space<semaphore_mem>>) {add = true}
      }
      %scan3A_56 = arith.constant 19 : i32
      %dma_wait3A_57 = arith.constant 0 : i32
      %dma_wait3A_58 = arith.constant 0 : i32
      %dma_wait3A_59 = tpu.memref_slice %arg8[%dma_wait3A_57, %dma_wait3A_58] : memref<40x128xi32, #tpu.memory_space<vmem>> -> memref<1x128xi32, #tpu.memory_space<vmem>>
      %dma_wait3A_60 = tpu.memref_squeeze %dma_wait3A_59 : memref<1x128xi32, #tpu.memory_space<vmem>> -> memref<128xi32, #tpu.memory_space<vmem>>
      %dma_wait3A_61 = arith.constant 0 : i32
      %dma_wait3A_62 = arith.constant 0 : i32
      %dma_wait3A_63 = tpu.memref_slice %arg11[%dma_wait3A_61, %dma_wait3A_62] : memref<10112x128xf32, #tpu.memory_space<vmem_shared>> -> memref<10112x128xf32, #tpu.memory_space<vmem_shared>>
      tpu.wait_indirect_dma semaphore(%arg14 : memref<!tpu.dma_semaphore, #tpu.memory_space<semaphore_mem>>) src(%arg9 : memref<128x128xf32, #tpu.memory_space<vmem>>) dst(%dma_wait3A_63 : memref<10112x128xf32, #tpu.memory_space<vmem_shared>>)
      %dma_wait3A_64 = arith.constant 0 : i32
      %dma_wait3A_65 = arith.constant 0 : i32
      %dma_wait3A_66 = tpu.memref_slice %arg7[%dma_wait3A_64, %dma_wait3A_65] : memref<40x128xi32, #tpu.memory_space<vmem>> -> memref<1x128xi32, #tpu.memory_space<vmem>>
      %dma_wait3A_67 = tpu.memref_squeeze %dma_wait3A_66 : memref<1x128xi32, #tpu.memory_space<vmem>> -> memref<128xi32, #tpu.memory_space<vmem>>
      %dma_wait3A_68 = arith.constant 0 : i32
      %dma_wait3A_69 = arith.constant 0 : i32
      %dma_wait3A_70 = tpu.memref_slice %arg2[%dma_wait3A_68, %dma_wait3A_69] : memref<10112x128xf32, #tpu.memory_space<hbm>> -> memref<10112x128xf32, #tpu.memory_space<hbm>>
      tpu.wait_indirect_dma semaphore(%arg13 : memref<!tpu.dma_semaphore, #tpu.memory_space<semaphore_mem>>) src(%dma_wait3A_70 : memref<10112x128xf32, #tpu.memory_space<hbm>>) dst(%arg10 : memref<128x128xf32, #tpu.memory_space<vmem>>)
      %dma_start3A_71 = arith.constant 39 : i32
      %dma_start3A_72 = arith.constant 0 : i32
      %dma_start3A_73 = tpu.memref_slice %arg8[%dma_start3A_71, %dma_start3A_72] : memref<40x128xi32, #tpu.memory_space<vmem>> -> memref<1x128xi32, #tpu.memory_space<vmem>>
      %dma_start3A_74 = tpu.memref_squeeze %dma_start3A_73 : memref<1x128xi32, #tpu.memory_space<vmem>> -> memref<128xi32, #tpu.memory_space<vmem>>
      %dma_start3A_75 = arith.constant 0 : i32
      %dma_start3A_76 = arith.constant 0 : i32
      %dma_start3A_77 = tpu.memref_slice %arg11[%dma_start3A_75, %dma_start3A_76] : memref<10112x128xf32, #tpu.memory_space<vmem_shared>> -> memref<10112x128xf32, #tpu.memory_space<vmem_shared>>
      tpu.enqueue_indirect_dma source(%arg10 : memref<128x128xf32, #tpu.memory_space<vmem>>) target(%dma_start3A_77 : memref<10112x128xf32, #tpu.memory_space<vmem_shared>>) offsets(%dma_start3A_74 : memref<128xi32, #tpu.memory_space<vmem>>) semaphore(%arg15 : memref<!tpu.dma_semaphore, #tpu.memory_space<semaphore_mem>>) {add = true}
      %dma_wait3A_78 = arith.constant 39 : i32
      %dma_wait3A_79 = arith.constant 0 : i32
      %dma_wait3A_80 = tpu.memref_slice %arg8[%dma_wait3A_78, %dma_wait3A_79] : memref<40x128xi32, #tpu.memory_space<vmem>> -> memref<1x128xi32, #tpu.memory_space<vmem>>
      %dma_wait3A_81 = tpu.memref_squeeze %dma_wait3A_80 : memref<1x128xi32, #tpu.memory_space<vmem>> -> memref<128xi32, #tpu.memory_space<vmem>>
      %dma_wait3A_82 = arith.constant 0 : i32
      %dma_wait3A_83 = arith.constant 0 : i32
      %dma_wait3A_84 = tpu.memref_slice %arg11[%dma_wait3A_82, %dma_wait3A_83] : memref<10112x128xf32, #tpu.memory_space<vmem_shared>> -> memref<10112x128xf32, #tpu.memory_space<vmem_shared>>
      tpu.wait_indirect_dma semaphore(%arg15 : memref<!tpu.dma_semaphore, #tpu.memory_space<semaphore_mem>>) src(%arg10 : memref<128x128xf32, #tpu.memory_space<vmem>>) dst(%dma_wait3A_84 : memref<10112x128xf32, #tpu.memory_space<vmem_shared>>)
      %add3A_85 = arith.constant 40 : i32
      %add3A_86 = arith.addi %add3A_23, %add3A_85 : i32
      "tpu.region"() ({
        %run_scoped3A = tpu.sem_alloc : memref<!tpu.dma_semaphore, #tpu.memory_space<semaphore_mem>>
        %dma_start3A_149 = arith.constant 0 : i32
        %dma_start3A_150 = arith.constant 0 : i32
        %dma_start3A_151 = tpu.memref_slice %arg7[%dma_start3A_149, %dma_start3A_150] : memref<40x128xi32, #tpu.memory_space<vmem>> -> memref<40x128xi32, #tpu.memory_space<vmem>>
        %dma_start3A_152 = arith.constant 0 : i32
        %dma_start3A_153 = tpu.memref_slice %arg3[%add3A_86, %dma_start3A_152] : memref<2560x128xi32, #tpu.memory_space<hbm>> -> memref<40x128xi32, #tpu.memory_space<hbm>>
        %dma_start3A_154 = arith.constant 0 : i32
        %dma_start3A_155 = arith.constant 0 : i32
        %dma_start3A_156 = tpu.memref_slice %arg7[%dma_start3A_154, %dma_start3A_155] : memref<40x128xi32, #tpu.memory_space<vmem>> -> memref<40x128xi32, #tpu.memory_space<vmem>>
        %dma_start3A_157 = arith.constant 0 : i32
        %dma_start3A_158 = tpu.memref_slice %arg3[%add3A_86, %dma_start3A_157] : memref<2560x128xi32, #tpu.memory_space<hbm>> -> memref<40x128xi32, #tpu.memory_space<hbm>>
        tpu.enqueue_dma source(%dma_start3A_158 : memref<40x128xi32, #tpu.memory_space<hbm>>) target(%dma_start3A_156 : memref<40x128xi32, #tpu.memory_space<vmem>>) target_semaphore(%run_scoped3A : memref<!tpu.dma_semaphore, #tpu.memory_space<semaphore_mem>>)
        %dma_wait3A_159 = arith.constant 0 : i32
        %dma_wait3A_160 = arith.constant 0 : i32
        %dma_wait3A_161 = tpu.memref_slice %arg7[%dma_wait3A_159, %dma_wait3A_160] : memref<40x128xi32, #tpu.memory_space<vmem>> -> memref<40x128xi32, #tpu.memory_space<vmem>>
        %dma_wait3A_162 = arith.constant 0 : i32
        %dma_wait3A_163 = tpu.memref_slice %arg3[%add3A_86, %dma_wait3A_162] : memref<2560x128xi32, #tpu.memory_space<hbm>> -> memref<40x128xi32, #tpu.memory_space<hbm>>
        %dma_wait3A_164 = arith.constant 0 : i32
        %dma_wait3A_165 = arith.constant 0 : i32
        %dma_wait3A_166 = tpu.memref_slice %arg7[%dma_wait3A_164, %dma_wait3A_165] : memref<40x128xi32, #tpu.memory_space<vmem>> -> memref<40x128xi32, #tpu.memory_space<vmem>>
        %dma_wait3A_167 = arith.constant 0 : i32
        %dma_wait3A_168 = tpu.memref_slice %arg3[%add3A_86, %dma_wait3A_167] : memref<2560x128xi32, #tpu.memory_space<hbm>> -> memref<40x128xi32, #tpu.memory_space<hbm>>
        tpu.wait_dma2 semaphore(%run_scoped3A : memref<!tpu.dma_semaphore, #tpu.memory_space<semaphore_mem>>) src(%dma_wait3A_168 : memref<40x128xi32, #tpu.memory_space<hbm>>) dst(%dma_wait3A_166 : memref<40x128xi32, #tpu.memory_space<vmem>>)
        tpu.yield
      }) : () -> ()
      "tpu.region"() ({
        %run_scoped3A = tpu.sem_alloc : memref<!tpu.dma_semaphore, #tpu.memory_space<semaphore_mem>>
        %dma_start3A_149 = arith.constant 0 : i32
        %dma_start3A_150 = arith.constant 0 : i32
        %dma_start3A_151 = tpu.memref_slice %arg8[%dma_start3A_149, %dma_start3A_150] : memref<40x128xi32, #tpu.memory_space<vmem>> -> memref<40x128xi32, #tpu.memory_space<vmem>>
        %dma_start3A_152 = arith.constant 0 : i32
        %dma_start3A_153 = tpu.memref_slice %arg4[%add3A_86, %dma_start3A_152] : memref<2560x128xi32, #tpu.memory_space<hbm>> -> memref<40x128xi32, #tpu.memory_space<hbm>>
        %dma_start3A_154 = arith.constant 0 : i32
        %dma_start3A_155 = arith.constant 0 : i32
        %dma_start3A_156 = tpu.memref_slice %arg8[%dma_start3A_154, %dma_start3A_155] : memref<40x128xi32, #tpu.memory_space<vmem>> -> memref<40x128xi32, #tpu.memory_space<vmem>>
        %dma_start3A_157 = arith.constant 0 : i32
        %dma_start3A_158 = tpu.memref_slice %arg4[%add3A_86, %dma_start3A_157] : memref<2560x128xi32, #tpu.memory_space<hbm>> -> memref<40x128xi32, #tpu.memory_space<hbm>>
        tpu.enqueue_dma source(%dma_start3A_158 : memref<40x128xi32, #tpu.memory_space<hbm>>) target(%dma_start3A_156 : memref<40x128xi32, #tpu.memory_space<vmem>>) target_semaphore(%run_scoped3A : memref<!tpu.dma_semaphore, #tpu.memory_space<semaphore_mem>>)
        %dma_wait3A_159 = arith.constant 0 : i32
        %dma_wait3A_160 = arith.constant 0 : i32
        %dma_wait3A_161 = tpu.memref_slice %arg8[%dma_wait3A_159, %dma_wait3A_160] : memref<40x128xi32, #tpu.memory_space<vmem>> -> memref<40x128xi32, #tpu.memory_space<vmem>>
        %dma_wait3A_162 = arith.constant 0 : i32
        %dma_wait3A_163 = tpu.memref_slice %arg4[%add3A_86, %dma_wait3A_162] : memref<2560x128xi32, #tpu.memory_space<hbm>> -> memref<40x128xi32, #tpu.memory_space<hbm>>
        %dma_wait3A_164 = arith.constant 0 : i32
        %dma_wait3A_165 = arith.constant 0 : i32
        %dma_wait3A_166 = tpu.memref_slice %arg8[%dma_wait3A_164, %dma_wait3A_165] : memref<40x128xi32, #tpu.memory_space<vmem>> -> memref<40x128xi32, #tpu.memory_space<vmem>>
        %dma_wait3A_167 = arith.constant 0 : i32
        %dma_wait3A_168 = tpu.memref_slice %arg4[%add3A_86, %dma_wait3A_167] : memref<2560x128xi32, #tpu.memory_space<hbm>> -> memref<40x128xi32, #tpu.memory_space<hbm>>
        tpu.wait_dma2 semaphore(%run_scoped3A : memref<!tpu.dma_semaphore, #tpu.memory_space<semaphore_mem>>) src(%dma_wait3A_168 : memref<40x128xi32, #tpu.memory_space<hbm>>) dst(%dma_wait3A_166 : memref<40x128xi32, #tpu.memory_space<vmem>>)
        tpu.yield
      }) : () -> ()
      %dma_start3A_87 = arith.constant 0 : i32
      %dma_start3A_88 = arith.constant 0 : i32
      %dma_start3A_89 = tpu.memref_slice %arg7[%dma_start3A_87, %dma_start3A_88] : memref<40x128xi32, #tpu.memory_space<vmem>> -> memref<1x128xi32, #tpu.memory_space<vmem>>
      %dma_start3A_90 = tpu.memref_squeeze %dma_start3A_89 : memref<1x128xi32, #tpu.memory_space<vmem>> -> memref<128xi32, #tpu.memory_space<vmem>>
      %dma_start3A_91 = arith.constant 0 : i32
      %dma_start3A_92 = arith.constant 0 : i32
      %dma_start3A_93 = tpu.memref_slice %arg2[%dma_start3A_91, %dma_start3A_92] : memref<10112x128xf32, #tpu.memory_space<hbm>> -> memref<10112x128xf32, #tpu.memory_space<hbm>>
      tpu.enqueue_indirect_dma source(%dma_start3A_93 : memref<10112x128xf32, #tpu.memory_space<hbm>>) target(%arg9 : memref<128x128xf32, #tpu.memory_space<vmem>>) offsets(%dma_start3A_90 : memref<128xi32, #tpu.memory_space<vmem>>) semaphore(%arg12 : memref<!tpu.dma_semaphore, #tpu.memory_space<semaphore_mem>>)
      %dma_start3A_94 = arith.constant 1 : i32
      %dma_start3A_95 = arith.constant 0 : i32
      %dma_start3A_96 = tpu.memref_slice %arg7[%dma_start3A_94, %dma_start3A_95] : memref<40x128xi32, #tpu.memory_space<vmem>> -> memref<1x128xi32, #tpu.memory_space<vmem>>
      %dma_start3A_97 = tpu.memref_squeeze %dma_start3A_96 : memref<1x128xi32, #tpu.memory_space<vmem>> -> memref<128xi32, #tpu.memory_space<vmem>>
      %dma_start3A_98 = arith.constant 0 : i32
      %dma_start3A_99 = arith.constant 0 : i32
      %dma_start3A_100 = tpu.memref_slice %arg2[%dma_start3A_98, %dma_start3A_99] : memref<10112x128xf32, #tpu.memory_space<hbm>> -> memref<10112x128xf32, #tpu.memory_space<hbm>>
      tpu.enqueue_indirect_dma source(%dma_start3A_100 : memref<10112x128xf32, #tpu.memory_space<hbm>>) target(%arg10 : memref<128x128xf32, #tpu.memory_space<vmem>>) offsets(%dma_start3A_97 : memref<128xi32, #tpu.memory_space<vmem>>) semaphore(%arg13 : memref<!tpu.dma_semaphore, #tpu.memory_space<semaphore_mem>>)
      %dma_wait3A_101 = arith.constant 0 : i32
      %dma_wait3A_102 = arith.constant 0 : i32
      %dma_wait3A_103 = tpu.memref_slice %arg7[%dma_wait3A_101, %dma_wait3A_102] : memref<40x128xi32, #tpu.memory_space<vmem>> -> memref<1x128xi32, #tpu.memory_space<vmem>>
      %dma_wait3A_104 = tpu.memref_squeeze %dma_wait3A_103 : memref<1x128xi32, #tpu.memory_space<vmem>> -> memref<128xi32, #tpu.memory_space<vmem>>
      %dma_wait3A_105 = arith.constant 0 : i32
      %dma_wait3A_106 = arith.constant 0 : i32
      %dma_wait3A_107 = tpu.memref_slice %arg2[%dma_wait3A_105, %dma_wait3A_106] : memref<10112x128xf32, #tpu.memory_space<hbm>> -> memref<10112x128xf32, #tpu.memory_space<hbm>>
      tpu.wait_indirect_dma semaphore(%arg12 : memref<!tpu.dma_semaphore, #tpu.memory_space<semaphore_mem>>) src(%dma_wait3A_107 : memref<10112x128xf32, #tpu.memory_space<hbm>>) dst(%arg9 : memref<128x128xf32, #tpu.memory_space<vmem>>)
      %dma_start3A_108 = arith.constant 0 : i32
      %dma_start3A_109 = arith.constant 0 : i32
      %dma_start3A_110 = tpu.memref_slice %arg8[%dma_start3A_108, %dma_start3A_109] : memref<40x128xi32, #tpu.memory_space<vmem>> -> memref<1x128xi32, #tpu.memory_space<vmem>>
      %dma_start3A_111 = tpu.memref_squeeze %dma_start3A_110 : memref<1x128xi32, #tpu.memory_space<vmem>> -> memref<128xi32, #tpu.memory_space<vmem>>
      %dma_start3A_112 = arith.constant 0 : i32
      %dma_start3A_113 = arith.constant 0 : i32
      %dma_start3A_114 = tpu.memref_slice %arg11[%dma_start3A_112, %dma_start3A_113] : memref<10112x128xf32, #tpu.memory_space<vmem_shared>> -> memref<10112x128xf32, #tpu.memory_space<vmem_shared>>
      tpu.enqueue_indirect_dma source(%arg9 : memref<128x128xf32, #tpu.memory_space<vmem>>) target(%dma_start3A_114 : memref<10112x128xf32, #tpu.memory_space<vmem_shared>>) offsets(%dma_start3A_111 : memref<128xi32, #tpu.memory_space<vmem>>) semaphore(%arg14 : memref<!tpu.dma_semaphore, #tpu.memory_space<semaphore_mem>>) {add = true}
      %scan3A_115 = arith.constant 0 : i32
      %scan3A_116 = arith.constant 0 : i32
      %scan3A_117 = arith.constant 19 : i32
      %scan3A_118 = arith.addi %scan3A_116, %scan3A_117 : i32
      %scan3A_119 = arith.constant 1 : i32
      scf.for %scan3A_149 = %scan3A_116 to %scan3A_118 step %scan3A_119  : i32 {
        %mul3A_150 = arith.constant 2 : i32
        %mul3A_151 = arith.muli %mul3A_150, %scan3A_149 : i32
        %add3A_152 = arith.constant 1 : i32
        %add3A_153 = arith.addi %mul3A_151, %add3A_152 : i32
        %dma_wait3A_154 = arith.constant 0 : i32
        %dma_wait3A_155 = arith.constant 0 : i32
        %dma_wait3A_156 = tpu.memref_slice %arg8[%dma_wait3A_154, %dma_wait3A_155] : memref<40x128xi32, #tpu.memory_space<vmem>> -> memref<1x128xi32, #tpu.memory_space<vmem>>
        %dma_wait3A_157 = tpu.memref_squeeze %dma_wait3A_156 : memref<1x128xi32, #tpu.memory_space<vmem>> -> memref<128xi32, #tpu.memory_space<vmem>>
        %dma_wait3A_158 = arith.constant 0 : i32
        %dma_wait3A_159 = arith.constant 0 : i32
        %dma_wait3A_160 = tpu.memref_slice %arg11[%dma_wait3A_158, %dma_wait3A_159] : memref<10112x128xf32, #tpu.memory_space<vmem_shared>> -> memref<10112x128xf32, #tpu.memory_space<vmem_shared>>
        tpu.wait_indirect_dma semaphore(%arg14 : memref<!tpu.dma_semaphore, #tpu.memory_space<semaphore_mem>>) src(%arg9 : memref<128x128xf32, #tpu.memory_space<vmem>>) dst(%dma_wait3A_160 : memref<10112x128xf32, #tpu.memory_space<vmem_shared>>)
        %add3A_161 = arith.constant 1 : i32
        %add3A_162 = arith.addi %add3A_153, %add3A_161 : i32
        %dma_start3A_163 = arith.constant 0 : i32
        %dma_start3A_164 = tpu.memref_slice %arg7[%add3A_162, %dma_start3A_163] : memref<40x128xi32, #tpu.memory_space<vmem>> -> memref<1x128xi32, #tpu.memory_space<vmem>>
        %dma_start3A_165 = tpu.memref_squeeze %dma_start3A_164 : memref<1x128xi32, #tpu.memory_space<vmem>> -> memref<128xi32, #tpu.memory_space<vmem>>
        %dma_start3A_166 = arith.constant 0 : i32
        %dma_start3A_167 = arith.constant 0 : i32
        %dma_start3A_168 = tpu.memref_slice %arg2[%dma_start3A_166, %dma_start3A_167] : memref<10112x128xf32, #tpu.memory_space<hbm>> -> memref<10112x128xf32, #tpu.memory_space<hbm>>
        tpu.enqueue_indirect_dma source(%dma_start3A_168 : memref<10112x128xf32, #tpu.memory_space<hbm>>) target(%arg9 : memref<128x128xf32, #tpu.memory_space<vmem>>) offsets(%dma_start3A_165 : memref<128xi32, #tpu.memory_space<vmem>>) semaphore(%arg12 : memref<!tpu.dma_semaphore, #tpu.memory_space<semaphore_mem>>)
        %dma_wait3A_169 = arith.constant 0 : i32
        %dma_wait3A_170 = arith.constant 0 : i32
        %dma_wait3A_171 = tpu.memref_slice %arg7[%dma_wait3A_169, %dma_wait3A_170] : memref<40x128xi32, #tpu.memory_space<vmem>> -> memref<1x128xi32, #tpu.memory_space<vmem>>
        %dma_wait3A_172 = tpu.memref_squeeze %dma_wait3A_171 : memref<1x128xi32, #tpu.memory_space<vmem>> -> memref<128xi32, #tpu.memory_space<vmem>>
        %dma_wait3A_173 = arith.constant 0 : i32
        %dma_wait3A_174 = arith.constant 0 : i32
        %dma_wait3A_175 = tpu.memref_slice %arg2[%dma_wait3A_173, %dma_wait3A_174] : memref<10112x128xf32, #tpu.memory_space<hbm>> -> memref<10112x128xf32, #tpu.memory_space<hbm>>
        tpu.wait_indirect_dma semaphore(%arg13 : memref<!tpu.dma_semaphore, #tpu.memory_space<semaphore_mem>>) src(%dma_wait3A_175 : memref<10112x128xf32, #tpu.memory_space<hbm>>) dst(%arg10 : memref<128x128xf32, #tpu.memory_space<vmem>>)
        %dma_start3A_176 = arith.constant 0 : i32
        %dma_start3A_177 = tpu.memref_slice %arg8[%add3A_153, %dma_start3A_176] : memref<40x128xi32, #tpu.memory_space<vmem>> -> memref<1x128xi32, #tpu.memory_space<vmem>>
        %dma_start3A_178 = tpu.memref_squeeze %dma_start3A_177 : memref<1x128xi32, #tpu.memory_space<vmem>> -> memref<128xi32, #tpu.memory_space<vmem>>
        %dma_start3A_179 = arith.constant 0 : i32
        %dma_start3A_180 = arith.constant 0 : i32
        %dma_start3A_181 = tpu.memref_slice %arg11[%dma_start3A_179, %dma_start3A_180] : memref<10112x128xf32, #tpu.memory_space<vmem_shared>> -> memref<10112x128xf32, #tpu.memory_space<vmem_shared>>
        tpu.enqueue_indirect_dma source(%arg10 : memref<128x128xf32, #tpu.memory_space<vmem>>) target(%dma_start3A_181 : memref<10112x128xf32, #tpu.memory_space<vmem_shared>>) offsets(%dma_start3A_178 : memref<128xi32, #tpu.memory_space<vmem>>) semaphore(%arg15 : memref<!tpu.dma_semaphore, #tpu.memory_space<semaphore_mem>>) {add = true}
        %dma_wait3A_182 = arith.constant 0 : i32
        %dma_wait3A_183 = arith.constant 0 : i32
        %dma_wait3A_184 = tpu.memref_slice %arg8[%dma_wait3A_182, %dma_wait3A_183] : memref<40x128xi32, #tpu.memory_space<vmem>> -> memref<1x128xi32, #tpu.memory_space<vmem>>
        %dma_wait3A_185 = tpu.memref_squeeze %dma_wait3A_184 : memref<1x128xi32, #tpu.memory_space<vmem>> -> memref<128xi32, #tpu.memory_space<vmem>>
        %dma_wait3A_186 = arith.constant 0 : i32
        %dma_wait3A_187 = arith.constant 0 : i32
        %dma_wait3A_188 = tpu.memref_slice %arg11[%dma_wait3A_186, %dma_wait3A_187] : memref<10112x128xf32, #tpu.memory_space<vmem_shared>> -> memref<10112x128xf32, #tpu.memory_space<vmem_shared>>
        tpu.wait_indirect_dma semaphore(%arg15 : memref<!tpu.dma_semaphore, #tpu.memory_space<semaphore_mem>>) src(%arg10 : memref<128x128xf32, #tpu.memory_space<vmem>>) dst(%dma_wait3A_188 : memref<10112x128xf32, #tpu.memory_space<vmem_shared>>)
        %add3A_189 = arith.constant 2 : i32
        %add3A_190 = arith.addi %add3A_153, %add3A_189 : i32
        %dma_start3A_191 = arith.constant 0 : i32
        %dma_start3A_192 = tpu.memref_slice %arg7[%add3A_190, %dma_start3A_191] : memref<40x128xi32, #tpu.memory_space<vmem>> -> memref<1x128xi32, #tpu.memory_space<vmem>>
        %dma_start3A_193 = tpu.memref_squeeze %dma_start3A_192 : memref<1x128xi32, #tpu.memory_space<vmem>> -> memref<128xi32, #tpu.memory_space<vmem>>
        %dma_start3A_194 = arith.constant 0 : i32
        %dma_start3A_195 = arith.constant 0 : i32
        %dma_start3A_196 = tpu.memref_slice %arg2[%dma_start3A_194, %dma_start3A_195] : memref<10112x128xf32, #tpu.memory_space<hbm>> -> memref<10112x128xf32, #tpu.memory_space<hbm>>
        tpu.enqueue_indirect_dma source(%dma_start3A_196 : memref<10112x128xf32, #tpu.memory_space<hbm>>) target(%arg10 : memref<128x128xf32, #tpu.memory_space<vmem>>) offsets(%dma_start3A_193 : memref<128xi32, #tpu.memory_space<vmem>>) semaphore(%arg13 : memref<!tpu.dma_semaphore, #tpu.memory_space<semaphore_mem>>)
        %dma_wait3A_197 = arith.constant 0 : i32
        %dma_wait3A_198 = arith.constant 0 : i32
        %dma_wait3A_199 = tpu.memref_slice %arg7[%dma_wait3A_197, %dma_wait3A_198] : memref<40x128xi32, #tpu.memory_space<vmem>> -> memref<1x128xi32, #tpu.memory_space<vmem>>
        %dma_wait3A_200 = tpu.memref_squeeze %dma_wait3A_199 : memref<1x128xi32, #tpu.memory_space<vmem>> -> memref<128xi32, #tpu.memory_space<vmem>>
        %dma_wait3A_201 = arith.constant 0 : i32
        %dma_wait3A_202 = arith.constant 0 : i32
        %dma_wait3A_203 = tpu.memref_slice %arg2[%dma_wait3A_201, %dma_wait3A_202] : memref<10112x128xf32, #tpu.memory_space<hbm>> -> memref<10112x128xf32, #tpu.memory_space<hbm>>
        tpu.wait_indirect_dma semaphore(%arg12 : memref<!tpu.dma_semaphore, #tpu.memory_space<semaphore_mem>>) src(%dma_wait3A_203 : memref<10112x128xf32, #tpu.memory_space<hbm>>) dst(%arg9 : memref<128x128xf32, #tpu.memory_space<vmem>>)
        %add3A_204 = arith.constant 1 : i32
        %add3A_205 = arith.addi %add3A_153, %add3A_204 : i32
        %dma_start3A_206 = arith.constant 0 : i32
        %dma_start3A_207 = tpu.memref_slice %arg8[%add3A_205, %dma_start3A_206] : memref<40x128xi32, #tpu.memory_space<vmem>> -> memref<1x128xi32, #tpu.memory_space<vmem>>
        %dma_start3A_208 = tpu.memref_squeeze %dma_start3A_207 : memref<1x128xi32, #tpu.memory_space<vmem>> -> memref<128xi32, #tpu.memory_space<vmem>>
        %dma_start3A_209 = arith.constant 0 : i32
        %dma_start3A_210 = arith.constant 0 : i32
        %dma_start3A_211 = tpu.memref_slice %arg11[%dma_start3A_209, %dma_start3A_210] : memref<10112x128xf32, #tpu.memory_space<vmem_shared>> -> memref<10112x128xf32, #tpu.memory_space<vmem_shared>>
        tpu.enqueue_indirect_dma source(%arg9 : memref<128x128xf32, #tpu.memory_space<vmem>>) target(%dma_start3A_211 : memref<10112x128xf32, #tpu.memory_space<vmem_shared>>) offsets(%dma_start3A_208 : memref<128xi32, #tpu.memory_space<vmem>>) semaphore(%arg14 : memref<!tpu.dma_semaphore, #tpu.memory_space<semaphore_mem>>) {add = true}
      }
      %scan3A_120 = arith.constant 19 : i32
      %dma_wait3A_121 = arith.constant 0 : i32
      %dma_wait3A_122 = arith.constant 0 : i32
      %dma_wait3A_123 = tpu.memref_slice %arg8[%dma_wait3A_121, %dma_wait3A_122] : memref<40x128xi32, #tpu.memory_space<vmem>> -> memref<1x128xi32, #tpu.memory_space<vmem>>
      %dma_wait3A_124 = tpu.memref_squeeze %dma_wait3A_123 : memref<1x128xi32, #tpu.memory_space<vmem>> -> memref<128xi32, #tpu.memory_space<vmem>>
      %dma_wait3A_125 = arith.constant 0 : i32
      %dma_wait3A_126 = arith.constant 0 : i32
      %dma_wait3A_127 = tpu.memref_slice %arg11[%dma_wait3A_125, %dma_wait3A_126] : memref<10112x128xf32, #tpu.memory_space<vmem_shared>> -> memref<10112x128xf32, #tpu.memory_space<vmem_shared>>
      tpu.wait_indirect_dma semaphore(%arg14 : memref<!tpu.dma_semaphore, #tpu.memory_space<semaphore_mem>>) src(%arg9 : memref<128x128xf32, #tpu.memory_space<vmem>>) dst(%dma_wait3A_127 : memref<10112x128xf32, #tpu.memory_space<vmem_shared>>)
      %dma_wait3A_128 = arith.constant 0 : i32
      %dma_wait3A_129 = arith.constant 0 : i32
      %dma_wait3A_130 = tpu.memref_slice %arg7[%dma_wait3A_128, %dma_wait3A_129] : memref<40x128xi32, #tpu.memory_space<vmem>> -> memref<1x128xi32, #tpu.memory_space<vmem>>
      %dma_wait3A_131 = tpu.memref_squeeze %dma_wait3A_130 : memref<1x128xi32, #tpu.memory_space<vmem>> -> memref<128xi32, #tpu.memory_space<vmem>>
      %dma_wait3A_132 = arith.constant 0 : i32
      %dma_wait3A_133 = arith.constant 0 : i32
      %dma_wait3A_134 = tpu.memref_slice %arg2[%dma_wait3A_132, %dma_wait3A_133] : memref<10112x128xf32, #tpu.memory_space<hbm>> -> memref<10112x128xf32, #tpu.memory_space<hbm>>
      tpu.wait_indirect_dma semaphore(%arg13 : memref<!tpu.dma_semaphore, #tpu.memory_space<semaphore_mem>>) src(%dma_wait3A_134 : memref<10112x128xf32, #tpu.memory_space<hbm>>) dst(%arg10 : memref<128x128xf32, #tpu.memory_space<vmem>>)
      %dma_start3A_135 = arith.constant 39 : i32
      %dma_start3A_136 = arith.constant 0 : i32
      %dma_start3A_137 = tpu.memref_slice %arg8[%dma_start3A_135, %dma_start3A_136] : memref<40x128xi32, #tpu.memory_space<vmem>> -> memref<1x128xi32, #tpu.memory_space<vmem>>
      %dma_start3A_138 = tpu.memref_squeeze %dma_start3A_137 : memref<1x128xi32, #tpu.memory_space<vmem>> -> memref<128xi32, #tpu.memory_space<vmem>>
      %dma_start3A_139 = arith.constant 0 : i32
      %dma_start3A_140 = arith.constant 0 : i32
      %dma_start3A_141 = tpu.memref_slice %arg11[%dma_start3A_139, %dma_start3A_140] : memref<10112x128xf32, #tpu.memory_space<vmem_shared>> -> memref<10112x128xf32, #tpu.memory_space<vmem_shared>>
      tpu.enqueue_indirect_dma source(%arg10 : memref<128x128xf32, #tpu.memory_space<vmem>>) target(%dma_start3A_141 : memref<10112x128xf32, #tpu.memory_space<vmem_shared>>) offsets(%dma_start3A_138 : memref<128xi32, #tpu.memory_space<vmem>>) semaphore(%arg15 : memref<!tpu.dma_semaphore, #tpu.memory_space<semaphore_mem>>) {add = true}
      %dma_wait3A_142 = arith.constant 39 : i32
      %dma_wait3A_143 = arith.constant 0 : i32
      %dma_wait3A_144 = tpu.memref_slice %arg8[%dma_wait3A_142, %dma_wait3A_143] : memref<40x128xi32, #tpu.memory_space<vmem>> -> memref<1x128xi32, #tpu.memory_space<vmem>>
      %dma_wait3A_145 = tpu.memref_squeeze %dma_wait3A_144 : memref<1x128xi32, #tpu.memory_space<vmem>> -> memref<128xi32, #tpu.memory_space<vmem>>
      %dma_wait3A_146 = arith.constant 0 : i32
      %dma_wait3A_147 = arith.constant 0 : i32
      %dma_wait3A_148 = tpu.memref_slice %arg11[%dma_wait3A_146, %dma_wait3A_147] : memref<10112x128xf32, #tpu.memory_space<vmem_shared>> -> memref<10112x128xf32, #tpu.memory_space<vmem_shared>>
      tpu.wait_indirect_dma semaphore(%arg15 : memref<!tpu.dma_semaphore, #tpu.memory_space<semaphore_mem>>) src(%arg10 : memref<128x128xf32, #tpu.memory_space<vmem>>) dst(%dma_wait3A_148 : memref<10112x128xf32, #tpu.memory_space<vmem_shared>>)
    } else {
    }
    %barrier3A_17 = arith.constant 0 : index
    tpu.barrier barrier_id(%barrier3A_17)
    %mul3A = arith.constant 632 : i32
    %mul3A_18 = arith.muli %arg1, %mul3A : i32
    %mul3A_19 = arith.constant 632 : i32
    %mul3A_20 = arith.muli %arg1, %mul3A_19 : i32
    "tpu.region"() ({
      %run_scoped3A = tpu.sem_alloc : memref<!tpu.dma_semaphore, #tpu.memory_space<semaphore_mem>>
      %dma_start3A = arith.constant 0 : i32
      %dma_start3A_21 = tpu.memref_slice %arg6[%arg0, %mul3A_20, %dma_start3A] : memref<2x10112x128xf32, #tpu.memory_space<hbm>> -> memref<1x632x128xf32, #tpu.memory_space<hbm>>
      %dma_start3A_22 = tpu.memref_squeeze %dma_start3A_21 : memref<1x632x128xf32, #tpu.memory_space<hbm>> -> memref<632x128xf32, #tpu.memory_space<hbm>>
      %dma_start3A_23 = arith.constant 0 : i32
      %dma_start3A_24 = tpu.memref_slice %arg11[%mul3A_18, %dma_start3A_23] : memref<10112x128xf32, #tpu.memory_space<vmem_shared>> -> memref<632x128xf32, #tpu.memory_space<vmem_shared>>
      tpu.enqueue_dma source(%dma_start3A_24 : memref<632x128xf32, #tpu.memory_space<vmem_shared>>) target(%dma_start3A_22 : memref<632x128xf32, #tpu.memory_space<hbm>>) target_semaphore(%run_scoped3A : memref<!tpu.dma_semaphore, #tpu.memory_space<semaphore_mem>>)
      %dma_wait3A = arith.constant 0 : i32
      %dma_wait3A_25 = tpu.memref_slice %arg6[%arg0, %mul3A_20, %dma_wait3A] : memref<2x10112x128xf32, #tpu.memory_space<hbm>> -> memref<1x632x128xf32, #tpu.memory_space<hbm>>
      %dma_wait3A_26 = tpu.memref_squeeze %dma_wait3A_25 : memref<1x632x128xf32, #tpu.memory_space<hbm>> -> memref<632x128xf32, #tpu.memory_space<hbm>>
      %dma_wait3A_27 = arith.constant 0 : i32
      %dma_wait3A_28 = tpu.memref_slice %arg11[%mul3A_18, %dma_wait3A_27] : memref<10112x128xf32, #tpu.memory_space<vmem_shared>> -> memref<632x128xf32, #tpu.memory_space<vmem_shared>>
      tpu.wait_dma2 semaphore(%run_scoped3A : memref<!tpu.dma_semaphore, #tpu.memory_space<semaphore_mem>>) src(%dma_wait3A_28 : memref<632x128xf32, #tpu.memory_space<vmem_shared>>) dst(%dma_wait3A_26 : memref<632x128xf32, #tpu.memory_space<hbm>>)
      tpu.yield
    }) : () -> ()
    return
  }
}

module attributes {stable_mosaic.version = 14 : i64} {
  func.func @_tc0_body(%arg0: i32, %arg1: memref<1000x2xf32, #tpu.memory_space<vmem>>, %arg2: memref<1000x128xf32, #tpu.memory_space<vmem>>, %arg3: memref<128x128xf32, #tpu.memory_space<vmem>>, %arg4: memref<1000x128xf32, #tpu.memory_space<vmem>>, %arg5: memref<1000x1xf32, #tpu.memory_space<vmem>>) attributes {dimension_semantics = [#tpu.dimension_semantics<arbitrary>], iteration_bounds = array<i64: 10>, scalar_prefetch = 0 : i64, scratch_operands = 0 : i64, tpu.core_type = #tpu.core_type<tc>, window_params = [{transform_indices = @transform_0, window_bounds = array<i64: 1000, 2>}, {transform_indices = @transform_1, window_bounds = array<i64: 1000, 128>}, {pipeline_mode = #tpu.pipeline_mode<synchronous>, transform_indices = @transform_2, window_bounds = array<i64: 128, 128>}, {transform_indices = @transform_3, window_bounds = array<i64: 1000, 128>}, {transform_indices = @transform_4, window_bounds = array<i64: 1000, 1>}]} {
    %get3A = arith.constant 0 : index
    %get3A_0 = arith.constant 0 : index
    %get3A_1 = vector.load %arg1[%get3A, %get3A_0] : memref<1000x2xf32, #tpu.memory_space<vmem>>, vector<1000x1xf32>
    %get3A_2 = arith.constant 0 : index
    %get3A_3 = arith.constant 1 : index
    %get3A_4 = vector.load %arg1[%get3A_2, %get3A_3] : memref<1000x2xf32, #tpu.memory_space<vmem>>, vector<1000x1xf32>
    %add3A = arith.addf %get3A_1, %get3A_4 : vector<1000x1xf32>
    %add3A_5 = arith.constant 1.000000e+00 : f32
    %add3A_6 = vector.broadcast %add3A_5 : f32 to vector<1000x1xf32>
    %add3A_7 = arith.addf %add3A, %add3A_6 : vector<1000x1xf32>
    %rsqrt3A = math.rsqrt %add3A_7 : vector<1000x1xf32>
    %swap3A = arith.constant 0 : index
    %swap3A_8 = arith.constant 0 : index
    %swap3A_9 = vector.load %arg5[%swap3A, %swap3A_8] : memref<1000x1xf32, #tpu.memory_space<vmem>>, vector<1000x1xf32>
    tpu.vector_store %arg5[%swap3A, %swap3A_8], %rsqrt3A {strides = array<i32>} : memref<1000x1xf32, #tpu.memory_space<vmem>>, vector<1000x1xf32>,
    %get3A_10 = arith.constant 0 : index
    %get3A_11 = arith.constant 0 : index
    %get3A_12 = vector.load %arg2[%get3A_10, %get3A_11] : memref<1000x128xf32, #tpu.memory_space<vmem>>, vector<1000x128xf32>
    %get3A_13 = arith.constant 0 : index
    %get3A_14 = arith.constant 0 : index
    %get3A_15 = vector.load %arg3[%get3A_13, %get3A_14] : memref<128x128xf32, #tpu.memory_space<vmem>>, vector<128x128xf32>
    %dot_general3A = arith.constant dense<0.000000e+00> : vector<1000x128xf32>
    %dot_general3A_16 = tpu.matmul %get3A_12, %get3A_15, %dot_general3A {dimension_numbers = #tpu.dot_dimension_numbers<[1], [0], [0], [1], [0, 0, 1, 1], [], []>, transpose_lhs_hint = false} : vector<1000x128xf32>, vector<128x128xf32>, vector<1000x128xf32> -> vector<1000x128xf32>
    %mul3A = vector.broadcast %rsqrt3A : vector<1000x1xf32> to vector<1000x128xf32>
    %mul3A_17 = arith.mulf %mul3A, %dot_general3A_16 : vector<1000x128xf32>
    %swap3A_18 = arith.constant 0 : index
    %swap3A_19 = arith.constant 0 : index
    %swap3A_20 = vector.load %arg4[%swap3A_18, %swap3A_19] : memref<1000x128xf32, #tpu.memory_space<vmem>>, vector<1000x128xf32>
    tpu.vector_store %arg4[%swap3A_18, %swap3A_19], %mul3A_17 {strides = array<i32>} : memref<1000x128xf32, #tpu.memory_space<vmem>>, vector<1000x128xf32>,
    return
  }
  func.func @transform_0(%arg0: i32) -> (i32, i32) {
    %c0_i32 = arith.constant 0 : i32
    %c0_i32_0 = arith.constant 0 : i32
    return %arg0, %c0_i32 : i32, i32
  }
  func.func @transform_1(%arg0: i32) -> (i32, i32) {
    %c0_i32 = arith.constant 0 : i32
    %c0_i32_0 = arith.constant 0 : i32
    return %arg0, %c0_i32 : i32, i32
  }
  func.func @transform_2(%arg0: i32) -> (i32, i32) {
    %c0_i32 = arith.constant 0 : i32
    %c0_i32_0 = arith.constant 0 : i32
    %c0_i32_1 = arith.constant 0 : i32
    return %c0_i32, %c0_i32_0 : i32, i32
  }
  func.func @transform_3(%arg0: i32) -> (i32, i32) {
    %c0_i32 = arith.constant 0 : i32
    %c0_i32_0 = arith.constant 0 : i32
    return %arg0, %c0_i32 : i32, i32
  }
  func.func @transform_4(%arg0: i32) -> (i32, i32) {
    %c0_i32 = arith.constant 0 : i32
    %c0_i32_0 = arith.constant 0 : i32
    return %arg0, %c0_i32 : i32, i32
  }
}

module attributes {stable_mosaic.version = 14 : i64} {
  func.func @_tcl_body(%arg0: i32, %arg1: memref<2x1000x128xf32, #tpu.memory_space<vmem>>, %arg2: memref<1000x1xf32, #tpu.memory_space<vmem>>, %arg3: memref<1x128xf32, #tpu.memory_space<vmem>>, %arg4: memref<128x128xf32, #tpu.memory_space<vmem>>, %arg5: memref<1000x128xf32, #tpu.memory_space<vmem>>) attributes {dimension_semantics = [#tpu.dimension_semantics<arbitrary>], iteration_bounds = array<i64: 10>, scalar_prefetch = 0 : i64, scratch_operands = 0 : i64, tpu.core_type = #tpu.core_type<tc>, window_params = [{transform_indices = @transform_0, window_bounds = array<i64: 2, 1000, 128>}, {transform_indices = @transform_1, window_bounds = array<i64: 1000, 1>}, {pipeline_mode = #tpu.pipeline_mode<synchronous>, transform_indices = @transform_2, window_bounds = array<i64: 1, 128>}, {pipeline_mode = #tpu.pipeline_mode<synchronous>, transform_indices = @transform_3, window_bounds = array<i64: 128, 128>}, {transform_indices = @transform_4, window_bounds = array<i64: 1000, 128>}]} {
    %get3A = arith.constant 0 : index
    %get3A_0 = arith.constant 0 : index
    %get3A_1 = vector.load %arg2[%get3A, %get3A_0] : memref<1000x1xf32, #tpu.memory_space<vmem>>, vector<1000x1xf32>
    %get3A_2 = arith.constant 0 : index
    %get3A_3 = arith.constant 0 : index
    %get3A_4 = arith.constant 0 : index
    %get3A_5 = vector.load %arg1[%get3A_2, %get3A_3, %get3A_4] : memref<2x1000x128xf32, #tpu.memory_space<vmem>>, vector<1x1000x128xf32>
    %get3A_6 = vector.shape_cast %get3A_5 : vector<1x1000x128xf32> to vector<1000x128xf32>
    %get3A_7 = arith.constant 1 : index
    %get3A_8 = arith.constant 0 : index
    %get3A_9 = arith.constant 0 : index
    %get3A_10 = vector.load %arg1[%get3A_7, %get3A_8, %get3A_9] : memref<2x1000x128xf32, #tpu.memory_space<vmem>>, vector<1x1000x128xf32>
    %get3A_11 = vector.shape_cast %get3A_10 : vector<1x1000x128xf32> to vector<1000x128xf32>
    %add3A = arith.addf %get3A_6, %get3A_11 : vector<1000x128xf32>
    %mul3A = vector.broadcast %get3A_1 : vector<1000x1xf32> to vector<1000x128xf32>
    %mul3A_12 = arith.mulf %mul3A, %add3A : vector<1000x128xf32>
    %get3A_13 = arith.constant 0 : index
    %get3A_14 = arith.constant 0 : index
    %get3A_15 = vector.load %arg3[%get3A_13, %get3A_14] : memref<1x128xf32, #tpu.memory_space<vmem>>, vector<1x128xf32>
    %add3A_16 = vector.broadcast %get3A_15 : vector<1x128xf32> to vector<1000x128xf32>
    %add3A_17 = arith.addf %mul3A_12, %add3A_16 : vector<1000x128xf32>
    %max3A = arith.constant 0.000000e+00 : f32
    %max3A_18 = vector.broadcast %max3A : f32 to vector<1000x128xf32>
    %max3A_19 = arith.maximumf %add3A_17, %max3A_18 : vector<1000x128xf32>
    %get3A_20 = arith.constant 0 : index
    %get3A_21 = arith.constant 0 : index
    %get3A_22 = vector.load %arg4[%get3A_20, %get3A_21] : memref<128x128xf32, #tpu.memory_space<vmem>>, vector<128x128xf32>
    %dot_general3A = arith.constant dense<0.000000e+00> : vector<1000x128xf32>
    %dot_general3A_23 = tpu.matmul %max3A_19, %get3A_22, %dot_general3A {dimension_numbers = #tpu.dot_dimension_numbers<[1], [0], [0], [1], [0, 0, 1, 1], [], []>, transpose_lhs_hint = false} : vector<1000x128xf32>, vector<128x128xf32>, vector<1000x128xf32> -> vector<1000x128xf32>
    %mul3A_24 = vector.broadcast %get3A_1 : vector<1000x1xf32> to vector<1000x128xf32>
    %mul3A_25 = arith.mulf %mul3A_24, %dot_general3A_23 : vector<1000x128xf32>
    %swap3A = arith.constant 0 : index
    %swap3A_26 = arith.constant 0 : index
    %swap3A_27 = vector.load %arg5[%swap3A, %swap3A_26] : memref<1000x128xf32, #tpu.memory_space<vmem>>, vector<1000x128xf32>
    tpu.vector_store %arg5[%swap3A, %swap3A_26], %mul3A_25 {strides = array<i32>} : memref<1000x128xf32, #tpu.memory_space<vmem>>, vector<1000x128xf32>,
    return
  }
  func.func @transform_0(%arg0: i32) -> (i32, i32, i32) {
    %c0_i32 = arith.constant 0 : i32
    %c0_i32_0 = arith.constant 0 : i32
    %c0_i32_1 = arith.constant 0 : i32
    return %c0_i32, %arg0, %c0_i32_0 : i32, i32, i32
  }
  func.func @transform_1(%arg0: i32) -> (i32, i32) {
    %c0_i32 = arith.constant 0 : i32
    %c0_i32_0 = arith.constant 0 : i32
    return %arg0, %c0_i32 : i32, i32
  }
  func.func @transform_2(%arg0: i32) -> (i32, i32) {
    %c0_i32 = arith.constant 0 : i32
    %c0_i32_0 = arith.constant 0 : i32
    %c0_i32_1 = arith.constant 0 : i32
    return %c0_i32, %c0_i32_0 : i32, i32
  }
  func.func @transform_3(%arg0: i32) -> (i32, i32) {
    %c0_i32 = arith.constant 0 : i32
    %c0_i32_0 = arith.constant 0 : i32
    %c0_i32_1 = arith.constant 0 : i32
    return %c0_i32, %c0_i32_0 : i32, i32
  }
  func.func @transform_4(%arg0: i32) -> (i32, i32) {
    %c0_i32 = arith.constant 0 : i32
    %c0_i32_0 = arith.constant 0 : i32
    return %arg0, %c0_i32 : i32, i32
  }
}

module attributes {stable_mosaic.version = 14 : i64} {
  func.func @_tcf_body(%arg0: i32, %arg1: memref<2x1000x128xf32, #tpu.memory_space<vmem>>, %arg2: memref<1000x1xf32, #tpu.memory_space<vmem>>, %arg3: memref<1x128xf32, #tpu.memory_space<vmem>>, %arg4: memref<128x1xf32, #tpu.memory_space<vmem>>, %arg5: memref<1x1xf32, #tpu.memory_space<vmem>>, %arg6: memref<1000x1xi32, #tpu.memory_space<vmem>>, %arg7: memref<128x256xf32, #tpu.memory_space<vmem>>, %arg8: memref<1x256xf32, #tpu.memory_space<vmem>>, %arg9: memref<256x128xf32, #tpu.memory_space<vmem>>, %arg10: memref<1x128xf32, #tpu.memory_space<vmem>>, %arg11: memref<1000x1xf32, #tpu.memory_space<vmem>>, %arg12: memref<64x128xf32, #tpu.memory_space<vmem>>, %arg13: memref<64x1xf32, #tpu.memory_space<vmem>>, %arg14: memref<64x128xf32, #tpu.memory_space<vmem>>) attributes {dimension_semantics = [#tpu.dimension_semantics<arbitrary>], iteration_bounds = array<i64: 10>, scalar_prefetch = 0 : i64, scratch_operands = 0 : i64, tpu.core_type = #tpu.core_type<tc>, window_params = [{transform_indices = @transform_0, window_bounds = array<i64: 2, 1000, 128>}, {transform_indices = @transform_1, window_bounds = array<i64: 1000, 1>}, {pipeline_mode = #tpu.pipeline_mode<synchronous>, transform_indices = @transform_2, window_bounds = array<i64: 1, 128>}, {pipeline_mode = #tpu.pipeline_mode<synchronous>, transform_indices = @transform_3, window_bounds = array<i64: 128, 1>}, {pipeline_mode = #tpu.pipeline_mode<synchronous>, transform_indices = @transform_4, window_bounds = array<i64: 1, 1>}, {transform_indices = @transform_5, window_bounds = array<i64: 1000, 1>}, {pipeline_mode = #tpu.pipeline_mode<synchronous>, transform_indices = @transform_6, window_bounds = array<i64: 128, 256>}, {pipeline_mode = #tpu.pipeline_mode<synchronous>, transform_indices = @transform_7, window_bounds = array<i64: 1, 256>}, {pipeline_mode = #tpu.pipeline_mode<synchronous>, transform_indices = @transform_8, window_bounds = array<i64: 256, 128>}, {pipeline_mode = #tpu.pipeline_mode<synchronous>, transform_indices = @transform_9, window_bounds = array<i64: 1, 128>}, {transform_indices = @transform_10, window_bounds = array<i64: 1000, 1>}, {pipeline_mode = #tpu.pipeline_mode<synchronous>, transform_indices = @transform_11, window_bounds = array<i64: 64, 128>}, {pipeline_mode = #tpu.pipeline_mode<synchronous>, transform_indices = @transform_12, window_bounds = array<i64: 64, 1>}, {pipeline_mode = #tpu.pipeline_mode<synchronous>, transform_indices = @transform_13, window_bounds = array<i64: 64, 128>}]} {
    %get3A = arith.constant 0 : index
    %get3A_0 = arith.constant 0 : index
    %get3A_1 = vector.load %arg2[%get3A, %get3A_0] : memref<1000x1xf32, #tpu.memory_space<vmem>>, vector<1000x1xf32>
    %get3A_2 = arith.constant 0 : index
    %get3A_3 = arith.constant 0 : index
    %get3A_4 = arith.constant 0 : index
    %get3A_5 = vector.load %arg1[%get3A_2, %get3A_3, %get3A_4] : memref<2x1000x128xf32, #tpu.memory_space<vmem>>, vector<1x1000x128xf32>
    %get3A_6 = vector.shape_cast %get3A_5 : vector<1x1000x128xf32> to vector<1000x128xf32>
    %get3A_7 = arith.constant 1 : index
    %get3A_8 = arith.constant 0 : index
    %get3A_9 = arith.constant 0 : index
    %get3A_10 = vector.load %arg1[%get3A_7, %get3A_8, %get3A_9] : memref<2x1000x128xf32, #tpu.memory_space<vmem>>, vector<1x1000x128xf32>
    %get3A_11 = vector.shape_cast %get3A_10 : vector<1x1000x128xf32> to vector<1000x128xf32>
    %add3A = arith.addf %get3A_6, %get3A_11 : vector<1000x128xf32>
    %mul3A = vector.broadcast %get3A_1 : vector<1000x1xf32> to vector<1000x128xf32>
    %mul3A_12 = arith.mulf %mul3A, %add3A : vector<1000x128xf32>
    %get3A_13 = arith.constant 0 : index
    %get3A_14 = arith.constant 0 : index
    %get3A_15 = vector.load %arg3[%get3A_13, %get3A_14] : memref<1x128xf32, #tpu.memory_space<vmem>>, vector<1x128xf32>
    %add3A_16 = vector.broadcast %get3A_15 : vector<1x128xf32> to vector<1000x128xf32>
    %add3A_17 = arith.addf %mul3A_12, %add3A_16 : vector<1000x128xf32>
    %max3A = arith.constant 0.000000e+00 : f32
    %max3A_18 = vector.broadcast %max3A : f32 to vector<1000x128xf32>
    %max3A_19 = arith.maximumf %add3A_17, %max3A_18 : vector<1000x128xf32>
    %get3A_20 = arith.constant 0 : index
    %get3A_21 = arith.constant 0 : index
    %get3A_22 = vector.load %arg4[%get3A_20, %get3A_21] : memref<128x1xf32, #tpu.memory_space<vmem>>, vector<128x1xf32>
    %dot_general3A = arith.constant dense<0.000000e+00> : vector<1000x1xf32>
    %dot_general3A_23 = tpu.matmul %max3A_19, %get3A_22, %dot_general3A {dimension_numbers = #tpu.dot_dimension_numbers<[1], [0], [0], [1], [0, 0, 1, 1], [], []>, transpose_lhs_hint = false} : vector<1000x128xf32>, vector<128x1xf32>, vector<1000x1xf32> -> vector<1000x1xf32>
    %get3A_24 = arith.constant 0 : index
    %get3A_25 = arith.constant 0 : index
    %get3A_26 = vector.load %arg5[%get3A_24, %get3A_25] : memref<1x1xf32, #tpu.memory_space<vmem>>, vector<1x1xf32>
    %get3A_27 = vector.extract %get3A_26[0, 0] : f32 from vector<1x1xf32>
    %add3A_28 = vector.broadcast %get3A_27 : f32 to vector<1000x1xf32>
    %add3A_29 = arith.addf %dot_general3A_23, %add3A_28 : vector<1000x1xf32>
    %swap3A = arith.constant 0 : index
    %swap3A_30 = arith.constant 0 : index
    %swap3A_31 = vector.load %arg11[%swap3A, %swap3A_30] : memref<1000x1xf32, #tpu.memory_space<vmem>>, vector<1000x1xf32>
    tpu.vector_store %arg11[%swap3A, %swap3A_30], %add3A_29 {strides = array<i32>} : memref<1000x1xf32, #tpu.memory_space<vmem>>, vector<1000x1xf32>,
    %iota3A = tpu.iota {dimensions = array<i32: 1>} : vector<1000x64xi32>
    %get3A_32 = arith.constant 0 : index
    %get3A_33 = arith.constant 0 : index
    %get3A_34 = vector.load %arg6[%get3A_32, %get3A_33] : memref<1000x1xi32, #tpu.memory_space<vmem>>, vector<1000x1xi32>
    %eq3A = vector.broadcast %get3A_34 : vector<1000x1xi32> to vector<1000x64xi32>
    %eq3A_35 = arith.cmpi eq, %eq3A, %iota3A : vector<1000x64xi32>
    %convert_element_type3A = arith.extui %eq3A_35 : vector<1000x64xi1> to vector<1000x64xi32>
    %convert_element_type3A_36 = arith.sitofp %convert_element_type3A : vector<1000x64xi32> to vector<1000x64xf32>
    %dot_general3A_37 = arith.constant dense<0.000000e+00> : vector<64x128xf32>
    %dot_general3A_38 = tpu.matmul %convert_element_type3A_36, %max3A_19, %dot_general3A_37 {dimension_numbers = #tpu.dot_dimension_numbers<[0], [0], [1], [1], [0, 1, 1, 1], [], []>, transpose_lhs_hint = false} : vector<1000x64xf32>, vector<1000x128xf32>, vector<64x128xf32> -> vector<64x128xf32>
    %broadcast_in_dim3A = arith.constant 1.000000e+00 : f32
    %broadcast_in_dim3A_39 = vector.broadcast %broadcast_in_dim3A : f32 to vector<1000x1xf32>
    %dot_general3A_40 = arith.constant dense<0.000000e+00> : vector<64x1xf32>
    %dot_general3A_41 = tpu.matmul %convert_element_type3A_36, %broadcast_in_dim3A_39, %dot_general3A_40 {dimension_numbers = #tpu.dot_dimension_numbers<[0], [0], [1], [1], [0, 1, 1, 1], [], []>, transpose_lhs_hint = false} : vector<1000x64xf32>, vector<1000x1xf32>, vector<64x1xf32> -> vector<64x1xf32>
    %eq3A_42 = arith.constant 0 : i32
    %eq3A_43 = arith.cmpi eq, %arg0, %eq3A_42 : i32
    %convert_element_type3A_44 = arith.extui %eq3A_43 : i1 to i32
    %cond3A = arith.constant 0 : i32
    %cond3A_45 = arith.cmpi ne, %convert_element_type3A_44, %cond3A : i32
    scf.if %cond3A_45 {
      %swap3A_55 = arith.constant 0 : index
      %swap3A_56 = arith.constant 0 : index
      %swap3A_57 = vector.load %arg12[%swap3A_55, %swap3A_56] : memref<64x128xf32, #tpu.memory_space<vmem>>, vector<64x128xf32>
      tpu.vector_store %arg12[%swap3A_55, %swap3A_56], %dot_general3A_38 {strides = array<i32>} : memref<64x128xf32, #tpu.memory_space<vmem>>, vector<64x128xf32>,
      %swap3A_58 = arith.constant 0 : index
      %swap3A_59 = arith.constant 0 : index
      %swap3A_60 = vector.load %arg13[%swap3A_58, %swap3A_59] : memref<64x1xf32, #tpu.memory_space<vmem>>, vector<64x1xf32>
      tpu.vector_store %arg13[%swap3A_58, %swap3A_59], %dot_general3A_41 {strides = array<i32>} : memref<64x1xf32, #tpu.memory_space<vmem>>, vector<64x1xf32>,
    } else {
    }
    %gt3A = arith.constant 0 : i32
    %gt3A_46 = arith.cmpi sgt, %arg0, %gt3A : i32
    %convert_element_type3A_47 = arith.extui %gt3A_46 : i1 to i32
    %cond3A_48 = arith.constant 0 : i32
    %cond3A_49 = arith.cmpi ne, %convert_element_type3A_47, %cond3A_48 : i32
    scf.if %cond3A_49 {
      %get3A_55 = arith.constant 0 : index
      %get3A_56 = arith.constant 0 : index
      %get3A_57 = vector.load %arg12[%get3A_55, %get3A_56] : memref<64x128xf32, #tpu.memory_space<vmem>>, vector<64x128xf32>
      %add3A_58 = arith.addf %get3A_57, %dot_general3A_38 : vector<64x128xf32>
      %swap3A_59 = arith.constant 0 : index
      %swap3A_60 = arith.constant 0 : index
      %swap3A_61 = vector.load %arg12[%swap3A_59, %swap3A_60] : memref<64x128xf32, #tpu.memory_space<vmem>>, vector<64x128xf32>
      tpu.vector_store %arg12[%swap3A_59, %swap3A_60], %add3A_58 {strides = array<i32>} : memref<64x128xf32, #tpu.memory_space<vmem>>, vector<64x128xf32>,
      %get3A_62 = arith.constant 0 : index
      %get3A_63 = arith.constant 0 : index
      %get3A_64 = vector.load %arg13[%get3A_62, %get3A_63] : memref<64x1xf32, #tpu.memory_space<vmem>>, vector<64x1xf32>
      %add3A_65 = arith.addf %get3A_64, %dot_general3A_41 : vector<64x1xf32>
      %swap3A_66 = arith.constant 0 : index
      %swap3A_67 = arith.constant 0 : index
      %swap3A_68 = vector.load %arg13[%swap3A_66, %swap3A_67] : memref<64x1xf32, #tpu.memory_space<vmem>>, vector<64x1xf32>
      tpu.vector_store %arg13[%swap3A_66, %swap3A_67], %add3A_65 {strides = array<i32>} : memref<64x1xf32, #tpu.memory_space<vmem>>, vector<64x1xf32>,
    } else {
    }
    %eq3A_50 = arith.constant 9 : i32
    %eq3A_51 = arith.cmpi eq, %arg0, %eq3A_50 : i32
    %convert_element_type3A_52 = arith.extui %eq3A_51 : i1 to i32
    %cond3A_53 = arith.constant 0 : i32
    %cond3A_54 = arith.cmpi ne, %convert_element_type3A_52, %cond3A_53 : i32
    scf.if %cond3A_54 {
      %get3A_55 = arith.constant 0 : index
      %get3A_56 = arith.constant 0 : index
      %get3A_57 = vector.load %arg12[%get3A_55, %get3A_56] : memref<64x128xf32, #tpu.memory_space<vmem>>, vector<64x128xf32>
      %get3A_58 = arith.constant 0 : index
      %get3A_59 = arith.constant 0 : index
      %get3A_60 = vector.load %arg13[%get3A_58, %get3A_59] : memref<64x1xf32, #tpu.memory_space<vmem>>, vector<64x1xf32>
      %max3A_61 = arith.constant 1.000000e+00 : f32
      %max3A_62 = vector.broadcast %max3A_61 : f32 to vector<64x1xf32>
      %max3A_63 = arith.maximumf %get3A_60, %max3A_62 : vector<64x1xf32>
      %div3A = vector.broadcast %max3A_63 : vector<64x1xf32> to vector<64x128xf32>
      %div3A_64 = arith.divf %get3A_57, %div3A : vector<64x128xf32>
      %get3A_65 = arith.constant 0 : index
      %get3A_66 = arith.constant 0 : index
      %get3A_67 = vector.load %arg7[%get3A_65, %get3A_66] : memref<128x256xf32, #tpu.memory_space<vmem>>, vector<128x256xf32>
      %dot_general3A_68 = arith.constant dense<0.000000e+00> : vector<64x256xf32>
      %dot_general3A_69 = tpu.matmul %div3A_64, %get3A_67, %dot_general3A_68 {dimension_numbers = #tpu.dot_dimension_numbers<[1], [0], [0], [1], [0, 0, 1, 1], [], []>, transpose_lhs_hint = false} : vector<64x128xf32>, vector<128x256xf32>, vector<64x256xf32> -> vector<64x256xf32>
      %get3A_70 = arith.constant 0 : index
      %get3A_71 = arith.constant 0 : index
      %get3A_72 = vector.load %arg8[%get3A_70, %get3A_71] : memref<1x256xf32, #tpu.memory_space<vmem>>, vector<1x256xf32>
      %add3A_73 = vector.broadcast %get3A_72 : vector<1x256xf32> to vector<64x256xf32>
      %add3A_74 = arith.addf %dot_general3A_69, %add3A_73 : vector<64x256xf32>
      %max3A_75 = arith.constant 0.000000e+00 : f32
      %max3A_76 = vector.broadcast %max3A_75 : f32 to vector<64x256xf32>
      %max3A_77 = arith.maximumf %add3A_74, %max3A_76 : vector<64x256xf32>
      %get3A_78 = arith.constant 0 : index
      %get3A_79 = arith.constant 0 : index
      %get3A_80 = vector.load %arg9[%get3A_78, %get3A_79] : memref<256x128xf32, #tpu.memory_space<vmem>>, vector<256x128xf32>
      %dot_general3A_81 = arith.constant dense<0.000000e+00> : vector<64x128xf32>
      %dot_general3A_82 = tpu.matmul %max3A_77, %get3A_80, %dot_general3A_81 {dimension_numbers = #tpu.dot_dimension_numbers<[1], [0], [0], [1], [0, 0, 1, 1], [], []>, transpose_lhs_hint = false} : vector<64x256xf32>, vector<256x128xf32>, vector<64x128xf32> -> vector<64x128xf32>
      %get3A_83 = arith.constant 0 : index
      %get3A_84 = arith.constant 0 : index
      %get3A_85 = vector.load %arg10[%get3A_83, %get3A_84] : memref<1x128xf32, #tpu.memory_space<vmem>>, vector<1x128xf32>
      %add3A_86 = vector.broadcast %get3A_85 : vector<1x128xf32> to vector<64x128xf32>
      %add3A_87 = arith.addf %dot_general3A_82, %add3A_86 : vector<64x128xf32>
      %swap3A_88 = arith.constant 0 : index
      %swap3A_89 = arith.constant 0 : index
      %swap3A_90 = vector.load %arg14[%swap3A_88, %swap3A_89] : memref<64x128xf32, #tpu.memory_space<vmem>>, vector<64x128xf32>
      tpu.vector_store %arg14[%swap3A_88, %swap3A_89], %add3A_87 {strides = array<i32>} : memref<64x128xf32, #tpu.memory_space<vmem>>, vector<64x128xf32>,
    } else {
    }
    return
  }
  func.func @transform_0(%arg0: i32) -> (i32, i32, i32) {
    %c0_i32 = arith.constant 0 : i32
    %c0_i32_0 = arith.constant 0 : i32
    %c0_i32_1 = arith.constant 0 : i32
    return %c0_i32, %arg0, %c0_i32_0 : i32, i32, i32
  }
  func.func @transform_1(%arg0: i32) -> (i32, i32) {
    %c0_i32 = arith.constant 0 : i32
    %c0_i32_0 = arith.constant 0 : i32
    return %arg0, %c0_i32 : i32, i32
  }
  func.func @transform_2(%arg0: i32) -> (i32, i32) {
    %c0_i32 = arith.constant 0 : i32
    %c0_i32_0 = arith.constant 0 : i32
    %c0_i32_1 = arith.constant 0 : i32
    return %c0_i32, %c0_i32_0 : i32, i32
  }
  func.func @transform_3(%arg0: i32) -> (i32, i32) {
    %c0_i32 = arith.constant 0 : i32
    %c0_i32_0 = arith.constant 0 : i32
    %c0_i32_1 = arith.constant 0 : i32
    return %c0_i32, %c0_i32_0 : i32, i32
  }
  func.func @transform_4(%arg0: i32) -> (i32, i32) {
    %c0_i32 = arith.constant 0 : i32
    %c0_i32_0 = arith.constant 0 : i32
    %c0_i32_1 = arith.constant 0 : i32
    return %c0_i32, %c0_i32_0 : i32, i32
  }
  func.func @transform_5(%arg0: i32) -> (i32, i32) {
    %c0_i32 = arith.constant 0 : i32
    %c0_i32_0 = arith.constant 0 : i32
    return %arg0, %c0_i32 : i32, i32
  }
  func.func @transform_6(%arg0: i32) -> (i32, i32) {
    %c0_i32 = arith.constant 0 : i32
    %c0_i32_0 = arith.constant 0 : i32
    %c0_i32_1 = arith.constant 0 : i32
    return %c0_i32, %c0_i32_0 : i32, i32
  }
  func.func @transform_7(%arg0: i32) -> (i32, i32) {
    %c0_i32 = arith.constant 0 : i32
    %c0_i32_0 = arith.constant 0 : i32
    %c0_i32_1 = arith.constant 0 : i32
    return %c0_i32, %c0_i32_0 : i32, i32
  }
  func.func @transform_8(%arg0: i32) -> (i32, i32) {
    %c0_i32 = arith.constant 0 : i32
    %c0_i32_0 = arith.constant 0 : i32
    %c0_i32_1 = arith.constant 0 : i32
    return %c0_i32, %c0_i32_0 : i32, i32
  }
  func.func @transform_9(%arg0: i32) -> (i32, i32) {
    %c0_i32 = arith.constant 0 : i32
    %c0_i32_0 = arith.constant 0 : i32
    %c0_i32_1 = arith.constant 0 : i32
    return %c0_i32, %c0_i32_0 : i32, i32
  }
  func.func @transform_10(%arg0: i32) -> (i32, i32) {
    %c0_i32 = arith.constant 0 : i32
    %c0_i32_0 = arith.constant 0 : i32
    return %arg0, %c0_i32 : i32, i32
  }
  func.func @transform_11(%arg0: i32) -> (i32, i32) {
    %c0_i32 = arith.constant 0 : i32
    %c0_i32_0 = arith.constant 0 : i32
    %c0_i32_1 = arith.constant 0 : i32
    return %c0_i32, %c0_i32_0 : i32, i32
  }
  func.func @transform_12(%arg0: i32) -> (i32, i32) {
    %c0_i32 = arith.constant 0 : i32
    %c0_i32_0 = arith.constant 0 : i32
    %c0_i32_1 = arith.constant 0 : i32
    return %c0_i32, %c0_i32_0 : i32, i32
  }
  func.func @transform_13(%arg0: i32) -> (i32, i32) {
    %c0_i32 = arith.constant 0 : i32
    %c0_i32_0 = arith.constant 0 : i32
    %c0_i32_1 = arith.constant 0 : i32
    return %c0_i32, %c0_i32_0 : i32, i32
  }
}

</mosaic_0001>

<sc_bundles>
// kernel: kernel.10.cloned.1.call-start
scs
__scs_entry_jumppad:
0x0: {  	(pc) =	sbr.rel $0x88, $3  }
0x1: {  	(tag) =	ssettag $0x0;
	lr =	simm.s32 $0x1  }
0x2: {  	[smem:$0x3F92] =	sst lr;
	_ =	strace $0xD0000000  }
0x3: {  	_ = 	snop  }
0x4: {  	_ = 	snop  }
0x5: {  	_ = 	snop  }
0x6: {  	_ = 	snop  }
0x7: {  	_ = 	snop  }
__scs_overlays_trampoline_lowered:
0x8: {  	[smem:$0x3FA1] =	sst s0  }
0x9: {  	[smem:$0x3FA2] =	sst s1  }
0xa: {  	[smem:$0x3FA3] =	sst s2  }
0xb: {  	[smem:$0x3FA4] =	sst s3  }
0xc: {  	[smem:$0x3FA5] =	sst s4  }
0xd: {  	[smem:$0x3FA6] =	sst s5  }
0xe: {  	[smem:$0x3FA7] =	sst s6  }
0xf: {  	[smem:$0x3FA8] =	sst s7  }
0x10: {  	[smem:$0x3FA9] =	sst s8  }
0x11: {  	[smem:$0x3FAA] =	sst s9;
	s0 =	simm.s32 @!p0 $0x0  }
0x12: {  	s1 =	sld [smem:$0x3F90];
	s0 =	simm.s32 @p0 $0x1  }
0x13: {  	[smem:$0x3FAB] =	sst s0;
	s0 =	simm.s32 @!p1 $0x0  }
0x14: {  	s2 =	sld [smem:$0x3F8F];
	s0 =	simm.s32 @p1 $0x1  }
0x15: {  	[smem:$0x3FAC] =	sst s0;
	s0 =	simm.s32 @!p2 $0x0  }
0x16: {  	s3 =	sld [smem:$0x3FDB];
	s0 =	simm.s32 @p2 $0x1  }
0x17: {  	s4 =	simm.s32 $0x1BF5;
	[smem:$0x3FAE] =	sst s0  }
0x18: {  	s0 =	sld [smem:$0x3F91];
	_ =	swait.ge [sflag:s4], $0x0  }
0x19: {  	s7 =	sld [smem:$0x3F92]  }
0x1a: {  	s8 =	sadd.s32 $0xFFFFE003, lr  }
0x1b: {  	s9 =	sadd.s32 $0xFFFFFEF7, lr;
	s5 =	simm.s32 $0xFFFFFFFF;
	p2 =	slt.u32 s8, $0xFFFFF086  }
0x1c: {  	p1 =	slt.u32 s9, $0xF7A;
	s5 =	simm.s32 @!p2 $0x0  }
0x1d: {  	s5 =	simm.s32 @p1 $0x1;
	p0 =	seq.s32 s7, s2  }
0x1e: {  	s7 =	smul.u32 @!p0 $0xF7A, s2;
	p2 =	seq.s32 @!p0 s5, $0x0  }
0x1f: {  	s9 =	smul.u32 $0xF7A, s1;
	s8 =	simm.s32 @!p0 $0x1BF5;
	p2 =	por !p2, p0  }
0x20: {  	[sflag:s8] =	ssyncset.s32 @!p0 $0xFFFFF086;
	s6 =	sadd.s32 @!p0 s3, s7;
	s7 =	simm.s32 @!p0 $0x108  }
0x21: {  	s3 =	sadd.s32 s3, s9;
	s6 =	sadd.s32 @!p0 $0x88, s6;
	s7 =	simm.s32 @p2 $0x1082  }
0x22: {  	[simem:s7], [sflag:s8] =	dma.local @!p0 [hbm:s6], $0xF7A  }
0x23: {  	s9 =	sor.u32 $0xD0000000, s2;
	s6 =	simm.s32 $0x108;
	_ =	swait.ge @!p0 [sflag:s8], $0x0  }
0x24: {  	s3 =	sadd.s32 $0x88, s3;
	s6 =	simm.s32 @!p1 $0x1082;
	[sflag:s4] =	ssyncset.s32 $0xFFFFF086  }
0x25: {  	[simem:s6], [sflag:s4] =	dma.local [hbm:s3], $0xF7A  }
0x26: {  	[smem:$0x3F92] =	sst s1;
	(tag) =	ssettag s2;
	_ =	strace s9  }
0x27: {  	s1 =	sld [smem:$0x3FA2]  }
0x28: {  	s2 =	sld [smem:$0x3FA3]  }
0x29: {  	s4 =	sld [smem:$0x3FA5]  }
0x2a: {  	p0 =	seq.s32 s5, $0x0;
	s5 =	sld [smem:$0x3FA6]  }
0x2b: {  	s6 =	sld [smem:$0x3FA7]  }
0x2c: {  	s7 =	sld [smem:$0x3FA8]  }
0x2d: {  	s3 =	simm.s32 $0x108;
	s8 =	sld [smem:$0x3FA9]  }
0x2e: {  	s3 =	simm.s32 @!p0 $0x1082;
	s9 =	sld [smem:$0x3FAA]  }
0x2f: {  	lr =	sadd.s32 s0, s3;
	s0 =	sld [smem:$0x3FA1]  }
0x30: {  	s3 =	sld [smem:$0x3FA4]  }
0x31: {  	[smem:$0x3FAD] =	sst s10  }
0x32: {  	s10 =	sld [smem:$0x3FAB];
	_ =	sdelay $0x3  }
0x33: {  	p0 =	seq.s32 s10, $0x1;
	s10 =	sld [smem:$0x3FAD];
	_ =	sdelay $0x3  }
0x34: {  	[smem:$0x3FAD] =	sst s10  }
0x35: {  	s10 =	sld [smem:$0x3FAC];
	_ =	sdelay $0x3  }
0x36: {  	p1 =	seq.s32 s10, $0x1;
	s10 =	sld [smem:$0x3FAD];
	_ =	sdelay $0x3  }
0x37: {  	[smem:$0x3FAD] =	sst s10  }
0x38: {  	s10 =	sld [smem:$0x3FAE]  }
0x39: {  	_ = 	snop;
	(pc) =	sbr.ind lr, $3  }
0x3a: {  	_ = 	snop  }
0x3b: {  	_ = 	snop  }
0x3c: {  	p2 =	seq.s32 s10, $0x1;
	s10 =	sld [smem:$0x3FAD]  }
0x3d: {  	_ =	shalt  }
0x3e: {  	_ =	shalt  }
0x3f: {  	_ =	shalt  }
0x40: {  	_ =	shalt  }
0x41: {  	_ =	shalt  }
0x42: {  	_ =	shalt  }
0x43: {  	_ =	shalt  }
0x44: {  	_ =	shalt  }
0x45: {  	_ =	shalt  }
0x46: {  	_ =	shalt  }
0x47: {  	_ =	shalt  }
0x48: {  	_ =	shalt  }
0x49: {  	_ =	shalt  }
0x4a: {  	_ =	shalt  }
0x4b: {  	_ =	shalt  }
0x4c: {  	_ =	shalt  }
0x4d: {  	_ =	shalt  }
0x4e: {  	_ =	shalt  }
0x4f: {  	_ =	shalt  }
0x50: {  	_ =	shalt  }
0x51: {  	_ =	shalt  }
0x52: {  	_ =	shalt  }
0x53: {  	_ =	shalt  }
0x54: {  	_ =	shalt  }
0x55: {  	_ =	shalt  }
0x56: {  	_ =	shalt  }
0x57: {  	_ =	shalt  }
0x58: {  	_ =	shalt  }
0x59: {  	_ =	shalt  }
0x5a: {  	_ =	shalt  }
0x5b: {  	_ =	shalt  }
0x5c: {  	_ =	shalt  }
0x5d: {  	_ =	shalt  }
0x5e: {  	_ =	shalt  }
0x5f: {  	_ =	shalt  }
0x60: {  	_ =	shalt  }
0x61: {  	_ =	shalt  }
0x62: {  	_ =	shalt  }
0x63: {  	_ =	shalt  }
0x64: {  	_ =	shalt  }
0x65: {  	_ =	shalt  }
0x66: {  	_ =	shalt  }
0x67: {  	_ =	shalt  }
0x68: {  	_ =	shalt  }
0x69: {  	_ =	shalt  }
0x6a: {  	_ =	shalt  }
0x6b: {  	_ =	shalt  }
0x6c: {  	_ =	shalt  }
0x6d: {  	_ =	shalt  }
0x6e: {  	_ =	shalt  }
0x6f: {  	_ =	shalt  }
0x70: {  	_ =	shalt  }
0x71: {  	_ =	shalt  }
0x72: {  	_ =	shalt  }
0x73: {  	_ =	shalt  }
0x74: {  	_ =	shalt  }
0x75: {  	_ =	shalt  }
0x76: {  	_ =	shalt  }
0x77: {  	_ =	shalt  }
0x78: {  	_ =	shalt  }
0x79: {  	_ =	shalt  }
0x7a: {  	_ =	shalt  }
0x7b: {  	_ =	shalt  }
0x7c: {  	_ =	shalt  }
0x7d: {  	_ =	shalt  }
0x7e: {  	_ =	shalt  }
0x7f: {  	_ =	shalt  }
0x80: {  	_ =	shalt  }
0x81: {  	_ =	shalt  }
0x82: {  	_ =	shalt  }
0x83: {  	_ =	shalt  }
0x84: {  	_ =	shalt  }
0x85: {  	_ =	shalt  }
0x86: {  	_ =	shalt  }
0x87: {  	_ =	shalt  }
.Lfunc_end0:
.L_simem_size_0:
called_computation_lowered:
.L_overlay_start_0:
0x88: {  	s2 =	sld [smem:$0x3FD9]  }
0x89: {  	s3 =	sld [smem:$0x3FFE];
	_ =	sdelay $0x1  }
0x8a: {  	s1 =	srdreg.scid  }
0x8b: {  	s0 =	sand.u32 $0x1, s1  }
0x8c: {  	s14 =	sshll.u32 s0, $0xA;
	s2 =	sadd.s32 s3, s2  }
0x8d: {  	s2 =	sadd.s32 s2, s14  }
0x8e: {  	[smem:$0x3FB9] =	sst s2  }
0x8f: {  	_ = 	snop  }
0x90: {  	s2 =	sld [smem:$0x3FD0];
	_ =	sdelay $0x2  }
0x91: {  	s15 =	simm.s32 $0xA;
	s4 =	simm.s32 $0x10  }
0x92: {  	[smem:s4], [sflag:s15] =	dma.local [hbm:s2], $0x1  }
0x93: {  	_ =	swait.eq [sflag:s15], $0x1  }
0x94: {  	[sflag:s15] =	ssyncset.done $0x0  }
0x95: {  	[sflag:s15] =	ssyncadd.s32 $0xFFFFFFFF  }
0x96: {  	s16 =	sld [smem:$0x10];
	(tm) =	ssettm $0x1  }
0x97: {  	s17 =	sld [smem:$0x3FFB];
	_ =	sdelay $0x3  }
0x98: {  	_ =	strace s17  }
0x99: {  	s3 =	sld [smem:$0x3FFC];
	_ =	sdelay $0x3  }
0x9a: {  	_ =	strace s3  }
0x9b: {  	s3 =	sld [smem:$0x3FFD];
	_ =	sdelay $0x3  }
0x9c: {  	_ =	strace s3  }
0x9d: {  	_ =	strace $0x8FFFFFFF  }
0x9e: {  	s18 =	sld [smem:$0x3FDB];
	_ =	sdelay $0x1  }
0x9f: {  	s19 =	simm.s32 $_scs_section_size  }
0xa0: {  	s5 =	simm.s32 $_size__tile_overlayer_lowered;
	s6 =	simm.s32 $_tile_overlayer_lowered  }
0xa1: {  	s22 =	simm.s32 $0x1BFF;
	s21 =	sshll.u32 s6, $0x1;
	s3 =	sadd.s32 s19, s18  }
0xa2: {  	s7 =	simm.s32 $0x0;
	s20 =	sshll.u32 s5, $0x1;
	s5 =	sadd.s32 s21, s3  }
0xa3: {  	[timem:s7], [sflag:s22] =	dma.local [hbm:s5], s20  }
0xa4: {  	_ =	swait.ge [sflag:s22], s20  }
0xa5: {  	s4 =	ssub.s32 $0x0, s20;
	[sflag:s22] =	ssyncset.done $0x0  }
0xa6: {  	[sflag:s22] =	ssyncadd.s32 s4;
	_ =	sdelay $0x1  }
0xa7: {  	s23 =	simm.s32 $0x1B8B  }
0xa8: {  	_ =	swait.ge [sflag:s23], $0x1  }
0xa9: {  	[sflag:s23] =	ssyncset.done $0x0  }
0xaa: {  	s25 =	simm.s32 $0x1B8E;
	s24 =	sld [smem:$0x3FFE];
	[sflag:s23] =	ssyncadd.s32 $0xFFFFFFFF  }
0xab: {  	s26 =	simm.s32 $execute0_lowered;
	[smem:$0x3FD2] =	sst s25  }
0xac: {  	s5 =	sshll.u32 s26, $0x1;
	_ =	strace $0x80000046;
	[dreg:$0x1] =	wrdreg $0xFFFFFFFF  }
0xad: {  	s28 =	simm.s32 $_size_execute0_lowered;
	s3 =	sadd.s32 s3, s5;
	[dreg:$0x0] =	wrdreg $0x0  }
0xae: {  	s5 =	sshll.u32 s28, $0x1;
	[dreg:$0x2] =	wrdreg s3  }
0xaf: {  	[dreg:$0x3] =	wrdreg s5  }
0xb0: {  	[dreg:$0x4] =	wrdreg $0xC0  }
0xb1: {  	_ =	task [dreg:s7], $0x5FFFF  }
0xb2: {  	[dreg:$0x1] =	wrdreg $0xFFFFFFFF  }
0xb3: {  	[dreg:$0x0] =	wrdreg $0x60  }
0xb4: {  	[dreg:$0x2] =	wrdreg s24  }
0xb5: {  	[dreg:$0x3] =	wrdreg s16  }
0xb6: {  	[dreg:$0x4] =	wrdreg $0x28800  }
0xb7: {  	[dreg:$0x5] =	wrdreg $0x9  }
0xb8: {  	_ =	task.clear_ibuf [dreg:s7], $0x6FFFF;
	_ =	strace $0x90000046  }
0xb9: {  	s29 =	simm.s32 $0x9;
	_ =	strace $0x80000048  }
0xba: {  	_ =	swait.ge [sflag:s29], $0x1  }
0xbb: {  	[sflag:s29] =	ssyncadd.s32 $0xFFFFFFFF  }
0xbc: {  	_ =	strace $0x90000048  }
0xbd: {  	_ =	sfence  }
0xbe: {  	s30 =	sld [smem:$0x0];
	_ =	sdelay $0x2  }
0xbf: {  	s31 =	sshll.u32 s1, $0xD;
	s1 =	sshrl.u32 s1, $0x2  }
0xc0: {  	s3 =	sand.u32 $0x4000, s31;
	s1 =	sadd.s32 s1, s30  }
0xc1: {  	s0 =	sor.u32 s3, s0;
	s1 =	sshll.u32 s1, $0x11  }
0xc2: {  	s0 =	sor.u32 s1, s0  }
0xc3: {  	s0 =	sadd.s32 $0x8F2B, s0  }
0xc4: {  	[sflag:s0] =	ssyncadd.remote.s32 $0x1  }
0xc5: {  	_ =	sfence.sel $0xFFFF  }
0xc6: {  	[dreg:$0x0] =	wrdreg $0xFFFFFFFF;
	(pc) =	sbr.abs _section_cstart, $3  }
0xc7: {  	[dreg:$0x1] =	wrdreg $0xFFFFFFFF  }
0xc8: {  	_ =	task.clear_ibuf [dreg:s7], $0x2FFFF;
	_ =	strace $0x9FFFFFFF  }
0xc9: {  	(tm) =	ssettm $0x7FFFFFFF  }
tec
execute0_lowered:
.L_overlay_start_1:
0x0: {  	(tag) =	ssettag $0x1  }
0x1: {  	s4 =	rddreg [dreg:$0x0]  }
0x2: {  	s5 =	rddreg [dreg:$0x1]  }
0x3: {  	s2 =	rddreg [dreg:$0x2];
	s3 =	srdreg.scid  }
0x4: {  	s0 =	rddreg [dreg:$0x3];
	s1 =	stileid.u32;
	s11 =	simm.s32 $0x80  }
0x5: {  	s12 =	simm.s32 $0x2800;
	s13 =	simm.s32 $0x1;
	s14 =	simm.s32 $0x2  }
0x6: {  	s15 =	simm.s32 $0x20;
	s16 =	simm.s32 $0x10;
	s17 =	simm.s32 $0x0  }
0x7: {  	s6 =	sand.u32 $0x1, s3;
	s3 =	simm.s32 $0x0;
	s8 =	smul.u32 $0x500, s1  }
0x8: {  	s28 =	smul.u32 $0x280, s1;
	s31 =	sshll.u32 s1, $0x6;
	s7 =	sshll.u32 s6, $0x4  }
0x9: {  	[smem:$0x7FF] =	sst s3;
	s9 =	sshll.u32 s6, $0x7;
	s6 =	ssub.s32 $0x2, s6  }
0xa: {  	s7 =	sor.u32 s1, s7;
	_ =	strace $0x80000047;
	s8 =	sor.u32 s9, s8  }
0xb: {  	s29 =	sshrl.u32 s6, $0x1;
	s30 =	sshrl.u32 s28, $0x3;
	s7 =	smul.u32 $0x500, s7  }
0xc: {  	s9 =	sadd.s32 s28, s2;
	s8 =	sshrl.u32 s8, $0x3;
	s10 =	ssub.s32 s6, s29  }
0xd: {  	s9 =	sshrl.u32 s9, $0x3;
	s8 =	sadd.s32 s8, s4;
	s7 =	sadd.s32 s7, s4  }
0xe: {  	s4 =	sadd.s32 s5, s30;
	s5 =	sor.u32 $0x1C03, s31;
	s6 =	sadd.s32 $0x3200, s7  }
0xf: {  	v0 =	vimm.f32 $1.000000000e+00;
	s7 =	sadd.s32 $0x17200, s8;
	s8 =	smax.u32 s10, $0x1;
	s10 =	simm.s32 $0x3  }
.LBB2_1:
0x10: {  	[tilespmem:$0x2800] =	vst v0  }
0x11: {  	[tilespmem:$0x2810] =	vst v0  }
0x12: {  	[tilespmem:$0x2820] =	vst v0  }
0x13: {  	[tilespmem:$0x2830] =	vst v0  }
0x14: {  	[tilespmem:$0x2840] =	vst v0  }
0x15: {  	[tilespmem:$0x2850] =	vst v0  }
0x16: {  	[tilespmem:$0x2860] =	vst v0  }
0x17: {  	[tilespmem:$0x2870] =	vst v0  }
0x18: {  	[spmem:s9], [sflag:s5] =	dma.local [hbm:s4], $0x50  }
0x19: {  	_ =	swait.ge [sflag:s10], $0x50  }
0x1a: {  	[sflag:s10] =	ssyncset.done $0x0  }
0x1b: {  	[sflag:s10] =	ssyncadd.s32 $0xFFFFFFB0  }
0x1c: {  	[tilespmem:s3], [sflag:$0x3] =	stream.linear.gather [hbm4b:s6+s3], $0x2800, $0x38;
	[tilespmem:$0x2B00] =	vst v63  }
0x1d: {  	_ =	swait.ge [sflag:s10], $0x2800  }
0x1e: {  	[sflag:s10] =	ssyncset.done $0x0  }
0x1f: {  	[sflag:s10] =	ssyncadd.s32 $0xFFFFD800  }
0x20: {  	[bflag:$0x0] =	sbarrier.arrive $0xFFFF  }
0x21: {  	[spmem:s2] =	stream.indirect.scatter.add.f32 [tilespmem:s12], [sflag:$0x1], $0x1, s3, s11, $0xb8;
	[tilespmem:$0x2B00] =	vst v63  }
0x22: {  	_ = 	snop  }
0x23: {  	[spmem:s2] =	stream.indirect.scatter.add.f32 [tilespmem:s12], [sflag:$0x2], $0x1, s11, s11, $0xb8;
	[tilespmem:$0x2B00] =	vst v63  }
0x24: {  	_ =	swait.ge [sflag:s13], $0x80  }
0x25: {  	[sflag:s13] =	ssyncset.done $0x0  }
0x26: {  	s18 =	simm.s32 $0x100;
	[sflag:s13] =	ssyncadd.s32 $0xFFFFFF80  }
0x27: {  	[spmem:s2] =	stream.indirect.scatter.add.f32 [tilespmem:s12], [sflag:$0x1], $0x1, s18, s11, $0xb8;
	[tilespmem:$0x2B00] =	vst v63  }
0x28: {  	_ =	swait.ge [sflag:s14], $0x80  }
0x29: {  	[sflag:s14] =	ssyncset.done $0x0  }
0x2a: {  	s19 =	simm.s32 $0x180;
	s18 =	simm.s32 $0xFFFF6800;
	[sflag:s14] =	ssyncadd.s32 $0xFFFFFF80  }
.LBB2_2:
0x2b: {  	[spmem:s2] =	stream.indirect.scatter.add.f32 [tilespmem:s12], [sflag:$0x2], $0x1, s19, s11, $0xb8;
	[tilespmem:$0x2B00] =	vst v63  }
0x2c: {  	s19 =	smov.u32 s18  }
0x2d: {  	p0 =	sne.s32 s18, $0xFFFFFC00;
	s18 =	sadd.s32 $0x400, s18;
	_ =	swait.ge [sflag:s13], $0x80  }
0x2e: {  	s19 =	sshra.s32 s19, $0x2;
	[sflag:s13] =	ssyncset.done $0x0  }
.Ltmp0:
0x2f: {  	s20 =	sadd.s32 $0x2800, s19;
	[sflag:s13] =	ssyncadd.s32 $0xFFFFFF80;
	(pc) =	sbr.rel @p0 .LBB2_2-.Ltmp0, $4  }
0x30: {  	[spmem:s2] =	stream.indirect.scatter.add.f32 [tilespmem:s12], [sflag:$0x1], $0x1, s20, s11, $0xb8;
	[tilespmem:$0x2B00] =	vst v63  }
0x31: {  	_ =	swait.ge [sflag:s14], $0x80  }
0x32: {  	[sflag:s14] =	ssyncset.done $0x0  }
0x33: {  	s19 =	sadd.s32 $0x2880, s19;
	[sflag:s14] =	ssyncadd.s32 $0xFFFFFF80  }
0x34: {  	[spmem:s2] =	stream.indirect.scatter.add.f32 [tilespmem:s12], [sflag:$0x2], $0x1, s19, s11, $0xb8;
	[tilespmem:$0x2B00] =	vst v63  }
0x35: {  	_ =	swait.ge [sflag:s13], $0x80  }
0x36: {  	[sflag:s13] =	ssyncset.done $0x0  }
0x37: {  	[sflag:s13] =	ssyncadd.s32 $0xFFFFFF80  }
0x38: {  	_ =	swait.ge [sflag:s14], $0x80  }
0x39: {  	s17 =	sadd.s32 $0x1, s17;
	[sflag:s14] =	ssyncset.done $0x0  }
0x3a: {  	p0 =	sne.s32 s17, s8;
	[sflag:s14] =	ssyncadd.s32 $0xFFFFFF80  }
.Ltmp1:
0x3b: {  	[bflag:$0x0] =	sbarrier.arrive $0xFFFF;
	(pc) =	sbr.rel @p0 .LBB2_1-.Ltmp1, $4  }
0x3c: {  	[hbm:s7@s15], [sflag:s5] =	dma.strided [spmem:s9@s16], $0x50, s13, $0x10   }
0x3d: {  	_ =	swait.ge [sflag:s10], $0x50  }
0x3e: {  	[sflag:s10] =	ssyncset.done $0x0  }
0x3f: {  	[sflag:s10] =	ssyncadd.s32 $0xFFFFFFB0  }
0x40: {  	_ =	sfence.sel $0x180000  }
0x41: {  	[bflag:$0x0] =	sbarrier.arrive $0xFFFF  }
0x42: {  	p0 =	sne.s32 s1, $0x0;
	_ =	strace $0x90000047  }
0x43: {  	s0 =	sadd.s32 @!p0 $0x100000, s0;
	[bflag:$0x2] =	sbarrier.arrive $0xFFFF  }
0x44: {  	[sflag:s0] =	ssyncadd.tile.s32 @!p0 $0x1;
	_ =	shalt  }
.Lfunc_end2:
_tile_overlayer_lowered:
.L_overlay_start_2:
0x45: {  	(tag) =	ssettag $0x2  }
0x46: {  	s0 =	rddreg [dreg:$0x0];
	s2 =	stileid.u32  }
0x47: {  	s1 =	rddreg [dreg:$0x1];
	p0 =	sne.s32 s2, $0x0  }
0x48: {  	s3 =	rddreg [dreg:$0x2];
	[bflag:$0x3] =	sbarrier.arrive $0xFFFF;
	s2 =	simm.s32 @!p0 $0x1C03  }
0x49: {  	[timem:s3], [sflag:s2] =	dma.local @!p0 [hbm:s0], s1  }
0x4a: {  	s0 =	simm.s32 @!p0 $0x3  }
0x4b: {  	_ =	swait.ge @!p0 [sflag:s0], s1  }
0x4c: {  	s1 =	ssub.s32 @!p0 $0x0, s1;
	[sflag:s0] =	ssyncset.done @!p0 $0x0  }
0x4d: {  	[sflag:s0] =	ssyncadd.s32 @!p0 s1  }
0x4e: {  	[bflag:$0x3] =	sbarrier.arrive $0xFFFF  }
0x4f: {  	_ =	shalt  }

// kernel: kernel.13.cloned.1.call-start
scs
__scs_entry_jumppad:
0x0: {  	(pc) =	sbr.rel $0x88, $3  }
0x1: {  	(tag) =	ssettag $0x0;
	lr =	simm.s32 $0x1  }
0x2: {  	[smem:$0x3F92] =	sst lr;
	_ =	strace $0xD0000000  }
0x3: {  	_ = 	snop  }
0x4: {  	_ = 	snop  }
0x5: {  	_ = 	snop  }
0x6: {  	_ = 	snop  }
0x7: {  	_ = 	snop  }
__scs_overlays_trampoline_lowered:
0x8: {  	[smem:$0x3FA1] =	sst s0  }
0x9: {  	[smem:$0x3FA2] =	sst s1  }
0xa: {  	[smem:$0x3FA3] =	sst s2  }
0xb: {  	[smem:$0x3FA4] =	sst s3  }
0xc: {  	[smem:$0x3FA5] =	sst s4  }
0xd: {  	[smem:$0x3FA6] =	sst s5  }
0xe: {  	[smem:$0x3FA7] =	sst s6  }
0xf: {  	[smem:$0x3FA8] =	sst s7  }
0x10: {  	[smem:$0x3FA9] =	sst s8  }
0x11: {  	[smem:$0x3FAA] =	sst s9;
	s0 =	simm.s32 @!p0 $0x0  }
0x12: {  	s1 =	sld [smem:$0x3F90];
	s0 =	simm.s32 @p0 $0x1  }
0x13: {  	[smem:$0x3FAB] =	sst s0;
	s0 =	simm.s32 @!p1 $0x0  }
0x14: {  	s2 =	sld [smem:$0x3F8F];
	s0 =	simm.s32 @p1 $0x1  }
0x15: {  	[smem:$0x3FAC] =	sst s0;
	s0 =	simm.s32 @!p2 $0x0  }
0x16: {  	s3 =	sld [smem:$0x3FDB];
	s0 =	simm.s32 @p2 $0x1  }
0x17: {  	s4 =	simm.s32 $0x1BF5;
	[smem:$0x3FAE] =	sst s0  }
0x18: {  	s0 =	sld [smem:$0x3F91];
	_ =	swait.ge [sflag:s4], $0x0  }
0x19: {  	s7 =	sld [smem:$0x3F92]  }
0x1a: {  	s8 =	sadd.s32 $0xFFFFE003, lr  }
0x1b: {  	s9 =	sadd.s32 $0xFFFFFEF7, lr;
	s5 =	simm.s32 $0xFFFFFFFF;
	p2 =	slt.u32 s8, $0xFFFFF086  }
0x1c: {  	p1 =	slt.u32 s9, $0xF7A;
	s5 =	simm.s32 @!p2 $0x0  }
0x1d: {  	s5 =	simm.s32 @p1 $0x1;
	p0 =	seq.s32 s7, s2  }
0x1e: {  	s7 =	smul.u32 @!p0 $0xF7A, s2;
	p2 =	seq.s32 @!p0 s5, $0x0  }
0x1f: {  	s9 =	smul.u32 $0xF7A, s1;
	s8 =	simm.s32 @!p0 $0x1BF5;
	p2 =	por !p2, p0  }
0x20: {  	[sflag:s8] =	ssyncset.s32 @!p0 $0xFFFFF086;
	s6 =	sadd.s32 @!p0 s3, s7;
	s7 =	simm.s32 @!p0 $0x108  }
0x21: {  	s3 =	sadd.s32 s3, s9;
	s6 =	sadd.s32 @!p0 $0x88, s6;
	s7 =	simm.s32 @p2 $0x1082  }
0x22: {  	[simem:s7], [sflag:s8] =	dma.local @!p0 [hbm:s6], $0xF7A  }
0x23: {  	s9 =	sor.u32 $0xD0000000, s2;
	s6 =	simm.s32 $0x108;
	_ =	swait.ge @!p0 [sflag:s8], $0x0  }
0x24: {  	s3 =	sadd.s32 $0x88, s3;
	s6 =	simm.s32 @!p1 $0x1082;
	[sflag:s4] =	ssyncset.s32 $0xFFFFF086  }
0x25: {  	[simem:s6], [sflag:s4] =	dma.local [hbm:s3], $0xF7A  }
0x26: {  	[smem:$0x3F92] =	sst s1;
	(tag) =	ssettag s2;
	_ =	strace s9  }
0x27: {  	s1 =	sld [smem:$0x3FA2]  }
0x28: {  	s2 =	sld [smem:$0x3FA3]  }
0x29: {  	s4 =	sld [smem:$0x3FA5]  }
0x2a: {  	p0 =	seq.s32 s5, $0x0;
	s5 =	sld [smem:$0x3FA6]  }
0x2b: {  	s6 =	sld [smem:$0x3FA7]  }
0x2c: {  	s7 =	sld [smem:$0x3FA8]  }
0x2d: {  	s3 =	simm.s32 $0x108;
	s8 =	sld [smem:$0x3FA9]  }
0x2e: {  	s3 =	simm.s32 @!p0 $0x1082;
	s9 =	sld [smem:$0x3FAA]  }
0x2f: {  	lr =	sadd.s32 s0, s3;
	s0 =	sld [smem:$0x3FA1]  }
0x30: {  	s3 =	sld [smem:$0x3FA4]  }
0x31: {  	[smem:$0x3FAD] =	sst s10  }
0x32: {  	s10 =	sld [smem:$0x3FAB];
	_ =	sdelay $0x3  }
0x33: {  	p0 =	seq.s32 s10, $0x1;
	s10 =	sld [smem:$0x3FAD];
	_ =	sdelay $0x3  }
0x34: {  	[smem:$0x3FAD] =	sst s10  }
0x35: {  	s10 =	sld [smem:$0x3FAC];
	_ =	sdelay $0x3  }
0x36: {  	p1 =	seq.s32 s10, $0x1;
	s10 =	sld [smem:$0x3FAD];
	_ =	sdelay $0x3  }
0x37: {  	[smem:$0x3FAD] =	sst s10  }
0x38: {  	s10 =	sld [smem:$0x3FAE]  }
0x39: {  	_ = 	snop;
	(pc) =	sbr.ind lr, $3  }
0x3a: {  	_ = 	snop  }
0x3b: {  	_ = 	snop  }
0x3c: {  	p2 =	seq.s32 s10, $0x1;
	s10 =	sld [smem:$0x3FAD]  }
0x3d: {  	_ =	shalt  }
0x3e: {  	_ =	shalt  }
0x3f: {  	_ =	shalt  }
0x40: {  	_ =	shalt  }
0x41: {  	_ =	shalt  }
0x42: {  	_ =	shalt  }
0x43: {  	_ =	shalt  }
0x44: {  	_ =	shalt  }
0x45: {  	_ =	shalt  }
0x46: {  	_ =	shalt  }
0x47: {  	_ =	shalt  }
0x48: {  	_ =	shalt  }
0x49: {  	_ =	shalt  }
0x4a: {  	_ =	shalt  }
0x4b: {  	_ =	shalt  }
0x4c: {  	_ =	shalt  }
0x4d: {  	_ =	shalt  }
0x4e: {  	_ =	shalt  }
0x4f: {  	_ =	shalt  }
0x50: {  	_ =	shalt  }
0x51: {  	_ =	shalt  }
0x52: {  	_ =	shalt  }
0x53: {  	_ =	shalt  }
0x54: {  	_ =	shalt  }
0x55: {  	_ =	shalt  }
0x56: {  	_ =	shalt  }
0x57: {  	_ =	shalt  }
0x58: {  	_ =	shalt  }
0x59: {  	_ =	shalt  }
0x5a: {  	_ =	shalt  }
0x5b: {  	_ =	shalt  }
0x5c: {  	_ =	shalt  }
0x5d: {  	_ =	shalt  }
0x5e: {  	_ =	shalt  }
0x5f: {  	_ =	shalt  }
0x60: {  	_ =	shalt  }
0x61: {  	_ =	shalt  }
0x62: {  	_ =	shalt  }
0x63: {  	_ =	shalt  }
0x64: {  	_ =	shalt  }
0x65: {  	_ =	shalt  }
0x66: {  	_ =	shalt  }
0x67: {  	_ =	shalt  }
0x68: {  	_ =	shalt  }
0x69: {  	_ =	shalt  }
0x6a: {  	_ =	shalt  }
0x6b: {  	_ =	shalt  }
0x6c: {  	_ =	shalt  }
0x6d: {  	_ =	shalt  }
0x6e: {  	_ =	shalt  }
0x6f: {  	_ =	shalt  }
0x70: {  	_ =	shalt  }
0x71: {  	_ =	shalt  }
0x72: {  	_ =	shalt  }
0x73: {  	_ =	shalt  }
0x74: {  	_ =	shalt  }
0x75: {  	_ =	shalt  }
0x76: {  	_ =	shalt  }
0x77: {  	_ =	shalt  }
0x78: {  	_ =	shalt  }
0x79: {  	_ =	shalt  }
0x7a: {  	_ =	shalt  }
0x7b: {  	_ =	shalt  }
0x7c: {  	_ =	shalt  }
0x7d: {  	_ =	shalt  }
0x7e: {  	_ =	shalt  }
0x7f: {  	_ =	shalt  }
0x80: {  	_ =	shalt  }
0x81: {  	_ =	shalt  }
0x82: {  	_ =	shalt  }
0x83: {  	_ =	shalt  }
0x84: {  	_ =	shalt  }
0x85: {  	_ =	shalt  }
0x86: {  	_ =	shalt  }
0x87: {  	_ =	shalt  }
.Lfunc_end0:
.L_simem_size_0:
called_computation.1_lowered:
.L_overlay_start_0:
0x88: {  	s2 =	sld [smem:$0x3FD9]  }
0x89: {  	s3 =	sld [smem:$0x3FFE];
	_ =	sdelay $0x1  }
0x8a: {  	s1 =	srdreg.scid  }
0x8b: {  	s0 =	sand.u32 $0x1, s1  }
0x8c: {  	s16 =	sshll.u32 s0, $0xA;
	s2 =	sadd.s32 s3, s2  }
0x8d: {  	s2 =	sadd.s32 s2, s16  }
0x8e: {  	[smem:$0x3FB9] =	sst s2  }
0x8f: {  	_ = 	snop  }
0x90: {  	(tm) =	ssettm $0x1  }
0x91: {  	s17 =	sld [smem:$0x3FFB];
	_ =	sdelay $0x3  }
0x92: {  	_ =	strace s17  }
0x93: {  	s2 =	sld [smem:$0x3FFC];
	_ =	sdelay $0x3  }
0x94: {  	_ =	strace s2  }
0x95: {  	s2 =	sld [smem:$0x3FFD];
	_ =	sdelay $0x3  }
0x96: {  	_ =	strace s2  }
0x97: {  	_ =	strace $0x8FFFFFFF  }
0x98: {  	s18 =	sld [smem:$0x3FDB];
	_ =	sdelay $0x1  }
0x99: {  	s19 =	simm.s32 $_scs_section_size  }
0x9a: {  	s4 =	simm.s32 $_size__tile_overlayer_lowered;
	s5 =	simm.s32 $_tile_overlayer_lowered  }
0x9b: {  	s22 =	simm.s32 $0x1BFF;
	s21 =	sshll.u32 s5, $0x1;
	s2 =	sadd.s32 s19, s18  }
0x9c: {  	s6 =	simm.s32 $0x0;
	s20 =	sshll.u32 s4, $0x1;
	s4 =	sadd.s32 s21, s2  }
0x9d: {  	[timem:s6], [sflag:s22] =	dma.local [hbm:s4], s20  }
0x9e: {  	_ =	swait.ge [sflag:s22], s20  }
0x9f: {  	s3 =	ssub.s32 $0x0, s20;
	[sflag:s22] =	ssyncset.done $0x0  }
0xa0: {  	[sflag:s22] =	ssyncadd.s32 s3;
	_ =	sdelay $0x1  }
0xa1: {  	s23 =	simm.s32 $0x1B8B  }
0xa2: {  	_ =	swait.ge [sflag:s23], $0x1  }
0xa3: {  	[sflag:s23] =	ssyncset.done $0x0  }
0xa4: {  	s25 =	simm.s32 $0x1B8E;
	s24 =	sld [smem:$0x3FFE];
	[sflag:s23] =	ssyncadd.s32 $0xFFFFFFFF  }
0xa5: {  	s26 =	simm.s32 $execute0_lowered;
	[smem:$0x3FD2] =	sst s25  }
0xa6: {  	s4 =	sshll.u32 s26, $0x1;
	_ =	strace $0x80000049;
	[dreg:$0x1] =	wrdreg $0xFFFFFFFF  }
0xa7: {  	s28 =	simm.s32 $_size_execute0_lowered;
	s2 =	sadd.s32 s2, s4;
	[dreg:$0x0] =	wrdreg $0x0  }
0xa8: {  	s4 =	sshll.u32 s28, $0x1;
	[dreg:$0x2] =	wrdreg s2  }
0xa9: {  	[dreg:$0x3] =	wrdreg s4  }
0xaa: {  	[dreg:$0x4] =	wrdreg $0xC0  }
0xab: {  	_ =	task [dreg:s6], $0x5FFFF  }
0xac: {  	[dreg:$0x1] =	wrdreg $0xFFFFFFFF  }
0xad: {  	[dreg:$0x0] =	wrdreg $0x60  }
0xae: {  	[dreg:$0x2] =	wrdreg s24  }
0xaf: {  	[dreg:$0x3] =	wrdreg $0xA8000  }
0xb0: {  	[dreg:$0x4] =	wrdreg $0x9  }
0xb1: {  	_ =	task.clear_ibuf [dreg:s6], $0x5FFFF;
	_ =	strace $0x90000049  }
0xb2: {  	s29 =	simm.s32 $0x9;
	_ =	strace $0x8000004B  }
0xb3: {  	_ =	swait.ge [sflag:s29], $0x1  }
0xb4: {  	[sflag:s29] =	ssyncadd.s32 $0xFFFFFFFF  }
0xb5: {  	_ =	strace $0x9000004B  }
0xb6: {  	_ =	sfence  }
0xb7: {  	s30 =	sld [smem:$0x0];
	_ =	sdelay $0x2  }
0xb8: {  	s31 =	sshll.u32 s1, $0xD;
	s1 =	sshrl.u32 s1, $0x2  }
0xb9: {  	s3 =	sand.u32 $0x4000, s31;
	s1 =	sadd.s32 s1, s30  }
0xba: {  	s0 =	sor.u32 s3, s0;
	s1 =	sshll.u32 s1, $0x11  }
0xbb: {  	s0 =	sor.u32 s1, s0  }
0xbc: {  	s0 =	sadd.s32 $0x8F2B, s0  }
0xbd: {  	[sflag:s0] =	ssyncadd.remote.s32 $0x1  }
0xbe: {  	_ =	sfence.sel $0xFFFF  }
0xbf: {  	[dreg:$0x0] =	wrdreg $0xFFFFFFFF;
	(pc) =	sbr.abs _section_cstart, $3  }
0xc0: {  	[dreg:$0x1] =	wrdreg $0xFFFFFFFF  }
0xc1: {  	_ =	task.clear_ibuf [dreg:s6], $0x2FFFF;
	_ =	strace $0x9FFFFFFF  }
0xc2: {  	(tm) =	ssettm $0x7FFFFFFF  }
0xc3: {  	_ =	shalt  }
tec
execute0_lowered:
.L_overlay_start_1:
0x0: {  	(tag) =	ssettag $0x1  }
0x1: {  	s0 =	rddreg [dreg:$0x0]  }
0x2: {  	s2 =	rddreg [dreg:$0x1]  }
0x3: {  	s18 =	stileid.u32;
	s1 =	srdreg.scid  }
0x4: {  	s3 =	simm.s32 $0x0;
	s19 =	simm.s32 $0x5;
	s20 =	simm.s32 $0x1400  }
0x5: {  	s21 =	simm.s32 $0x80;
	s28 =	simm.s32 $0x4;
	s11 =	smul.u32 $0x2780, s18  }
0x6: {  	s29 =	simm.s32 $0x2780;
	s30 =	simm.s32 $0x0;
	s6 =	smul.u32 $0x13C00, s18  }
0x7: {  	s1 =	sand.u32 $0x1, s1;
	[smem:$0x7FF] =	sst s3;
	s22 =	smul.u32 $0x2800, s18  }
0x8: {  	s4 =	sadd.s32 $0x17200, s0;
	s14 =	sadd.s32 $0xD200, s0;
	s9 =	smul.u32 $0x4F000, s18  }
0x9: {  	s15 =	sadd.s32 $0x3200, s0;
	s13 =	smul.u32 $0x500, s18;
	s31 =	sshll.u32 s18, $0x6  }
0xa: {  	s5 =	smul.u32 $0x13C000, s1;
	_ =	strace $0x8000004A;
	s8 =	ssub.s32 $0x2, s1  }
0xb: {  	p0 =	seq.s32 s1, $0x0;
	s18 =	sor.u32 $0x1C05, s31;
	s7 =	sadd.s32 s11, s0  }
0xc: {  	s23 =	sshrl.u32 s8, $0x1;
	s16 =	sshrl.u32 s22, $0x3;
	s24 =	sshrl.u32 s9, $0x2  }
0xd: {  	s11 =	sadd.s32 s4, s11;
	s12 =	sadd.s32 s14, s13;
	s13 =	sadd.s32 s15, s13  }
0xe: {  	s22 =	simm.s32 $0x2800;
	s5 =	sadd.s32 s6, s5;
	s17 =	ssub.s32 s8, s23  }
0xf: {  	s25 =	sadd.s32 $0x5000, s16;
	s26 =	sadd.s32 $0x3EA00, s7;
	s10 =	sadd.s32 $0x5280, s16  }
0x10: {  	s16 =	sadd.s32 $0x280, s16;
	s23 =	simm.s32 $0x6800;
	s5 =	sshrl.u32 s5, $0x3  }
.Ltmp0:
0x11: {  	[dreg:$0x3] =	wrdreg s26;
	s7 =	sadd.s32 s14, s25;
	(pc) =	sbr.rel .LBB2_1-.Ltmp0, $4  }
0x12: {  	s8 =	sadd.s32 s15, s25;
	s9 =	sadd.s32 s14, s10;
	s10 =	sadd.s32 s15, s10  }
0x13: {  	s14 =	sadd.s32 s14, s16;
	s15 =	sadd.s32 s15, s16;
	s17 =	smax.u32 s17, $0x1  }
0x14: {  	s25 =	simm.s32 $0x3;
	s26 =	simm.s32 $0x2;
	s0 =	sadd.s32 s5, s0  }
0x15: {  	s5 =	sadd.s32 s24, s2;
	s24 =	simm.s32 $0x1;
	s16 =	sadd.s32 $0x66200, s0  }
.LBB2_11:
0x16: {  	[spmem:s2] =	stream.indirect.scatter.add.f32 [tilespmem:s22], [sflag:$0x3], $0x80, s1, s21, $0xb8;
	[tilespmem:$0x1E400] =	vst v63  }
.LBB2_12:
0x17: {  	_ =	swait.ge [sflag:s25], $0x4000  }
0x18: {  	[sflag:s25] =	ssyncset.done $0x0  }
0x19: {  	[sflag:s25] =	ssyncadd.s32 $0xFFFFC000  }
0x1a: {  	_ =	swait.ge [sflag:s26], $0x4000  }
0x1b: {  	[sflag:s26] =	ssyncset.done $0x0  }
0x1c: {  	[sflag:s26] =	ssyncadd.s32 $0xFFFFC000  }
0x1d: {  	[spmem:s2] =	stream.indirect.scatter.add.f32 [tilespmem:s23], [sflag:$0x4], $0x80, s29, s21, $0xb8;
	[tilespmem:$0x1E400] =	vst v63  }
0x1e: {  	_ =	swait.ge [sflag:s28], $0x4000  }
0x1f: {  	s30 =	sadd.s32 $0x1, s30;
	[sflag:s28] =	ssyncset.done $0x0  }
0x20: {  	p1 =	sne.s32 s30, s17;
	[sflag:s28] =	ssyncadd.s32 $0xFFFFC000  }
.Ltmp1:
0x21: {  	[bflag:$0x0] =	sbarrier.arrive $0xFFFF;
	(pc) =	sbr.rel @!p1 .LBB2_13-.Ltmp1, $4  }
0x22: {  	[hbm:s16], [sflag:s18] =	dma.local [spmem:s31], $0x2780  }
0x23: {  	_ =	swait.ge [sflag:s19], $0x2780  }
0x24: {  	[sflag:s19] =	ssyncset.done $0x0  }
0x25: {  	[sflag:s19] =	ssyncadd.s32 $0xFFFFD880  }
.LBB2_1:
.Ltmp2:
0x26: {  	(pc) =	sbr.rel @!p0 .LBB2_2-.Ltmp2, $2  }
0x27: {  	_ =	sdelay $0x2  }
0x28: {  	s31 =	sshrl.u32 s5, $0x3  }
0x29: {  	[spmem:s31], [sflag:s18] =	dma.local [hbm:s11], $0x2780  }
0x2a: {  	_ =	swait.ge [sflag:s19], $0x2780  }
0x2b: {  	[sflag:s19] =	ssyncset.done $0x0  }
0x2c: {  	[sflag:s19] =	ssyncadd.s32 $0xFFFFD880  }
0x2d: {  	[bflag:$0x0] =	sbarrier.arrive $0xFFFF  }
0x2e: {  	[tilespmem:s3], [sflag:$0x5] =	stream.linear.gather [hbm4b:s12+s3], $0x1400, $0x38;
	[tilespmem:$0x1E400] =	vst v63  }
0x2f: {  	_ =	swait.ge [sflag:s19], $0x1400  }
0x30: {  	[sflag:s19] =	ssyncset.done $0x0  }
0x31: {  	[sflag:s19] =	ssyncadd.s32 $0xFFFFEC00  }
0x32: {  	[tilespmem:s20], [sflag:$0x5] =	stream.linear.gather [hbm4b:s13+s3], $0x1400, $0x38;
	[tilespmem:$0x1E400] =	vst v63  }
0x33: {  	_ =	swait.ge [sflag:s19], $0x1400  }
0x34: {  	[sflag:s19] =	ssyncset.done $0x0  }
0x35: {  	[sflag:s19] =	ssyncadd.s32 $0xFFFFEC00  }
0x36: {  	[tilespmem:s22], [sflag:$0x1] =	stream.indirect.gather [hbm4b:s4+s21], $0x80, s3, s21, $0xb8;
	[tilespmem:$0x1E400] =	vst v63  }
0x37: {  	_ = 	snop  }
0x38: {  	[tilespmem:s23], [sflag:$0x2] =	stream.indirect.gather [hbm4b:s4+s21], $0x80, s21, s21, $0xb8;
	[tilespmem:$0x1E400] =	vst v63  }
0x39: {  	_ =	swait.ge [sflag:s24], $0x4000  }
0x3a: {  	[sflag:s24] =	ssyncset.done $0x0  }
0x3b: {  	[sflag:s24] =	ssyncadd.s32 $0xFFFFC000  }
0x3c: {  	[spmem:s2] =	stream.indirect.scatter.add.f32 [tilespmem:s22], [sflag:$0x3], $0x80, s20, s21, $0xb8;
	[tilespmem:$0x1E400] =	vst v63  }
0x3d: {  	_ =	swait.ge [sflag:s25], $0x4000  }
0x3e: {  	[sflag:s25] =	ssyncset.done $0x0  }
0x3f: {  	s0 =	simm.s32 $0x100;
	[sflag:s25] =	ssyncadd.s32 $0xFFFFC000  }
0x40: {  	[tilespmem:s22], [sflag:$0x1] =	stream.indirect.gather [hbm4b:s4+s21], $0x80, s0, s21, $0xb8;
	[tilespmem:$0x1E400] =	vst v63  }
0x41: {  	_ =	swait.ge [sflag:s26], $0x4000  }
0x42: {  	[sflag:s26] =	ssyncset.done $0x0  }
0x43: {  	s1 =	simm.s32 $0x1480;
	[sflag:s26] =	ssyncadd.s32 $0xFFFFC000  }
0x44: {  	[spmem:s2] =	stream.indirect.scatter.add.f32 [tilespmem:s23], [sflag:$0x4], $0x80, s1, s21, $0xb8;
	[tilespmem:$0x1E400] =	vst v63  }
0x45: {  	_ =	swait.ge [sflag:s28], $0x4000  }
0x46: {  	[sflag:s28] =	ssyncset.done $0x0  }
0x47: {  	s6 =	simm.s32 $0x180;
	[sflag:s28] =	ssyncadd.s32 $0xFFFFC000  }
0x48: {  	[tilespmem:s23], [sflag:$0x2] =	stream.indirect.gather [hbm4b:s4+s21], $0x80, s6, s21, $0xb8;
	[tilespmem:$0x1E400] =	vst v63  }
0x49: {  	_ =	swait.ge [sflag:s24], $0x4000  }
0x4a: {  	[sflag:s24] =	ssyncset.done $0x0  }
0x4b: {  	s0 =	simm.s32 $0xFFFFB800;
	s1 =	simm.s32 $0x1500;
	[sflag:s24] =	ssyncadd.s32 $0xFFFFC000  }
.LBB2_8:
0x4c: {  	[spmem:s2] =	stream.indirect.scatter.add.f32 [tilespmem:s22], [sflag:$0x3], $0x80, s1, s21, $0xb8;
	[tilespmem:$0x1E400] =	vst v63  }
0x4d: {  	s1 =	smov.u32 s0  }
0x4e: {  	p1 =	sne.s32 s0, $0xFFFFFC00;
	s0 =	sadd.s32 $0x400, s0;
	_ =	swait.ge [sflag:s25], $0x4000  }
0x4f: {  	s1 =	sshra.s32 s1, $0x2;
	[sflag:s25] =	ssyncset.done $0x0  }
0x50: {  	s6 =	sadd.s32 $0x1400, s1;
	[sflag:s25] =	ssyncadd.s32 $0xFFFFC000  }
0x51: {  	[tilespmem:s22], [sflag:$0x1] =	stream.indirect.gather [hbm4b:s4+s21], $0x80, s6, s21, $0xb8;
	[tilespmem:$0x1E400] =	vst v63  }
0x52: {  	_ =	swait.ge [sflag:s26], $0x4000  }
0x53: {  	[sflag:s26] =	ssyncset.done $0x0  }
0x54: {  	s6 =	sadd.s32 $0x2780, s1;
	[sflag:s26] =	ssyncadd.s32 $0xFFFFC000  }
0x55: {  	[spmem:s2] =	stream.indirect.scatter.add.f32 [tilespmem:s23], [sflag:$0x4], $0x80, s6, s21, $0xb8;
	[tilespmem:$0x1E400] =	vst v63  }
0x56: {  	_ =	swait.ge [sflag:s28], $0x4000  }
0x57: {  	[sflag:s28] =	ssyncset.done $0x0  }
.Ltmp3:
0x58: {  	s6 =	sadd.s32 $0x1480, s1;
	[sflag:s28] =	ssyncadd.s32 $0xFFFFC000;
	(pc) =	sbr.rel @p1 .LBB2_8-.Ltmp3, $4  }
0x59: {  	[tilespmem:s23], [sflag:$0x2] =	stream.indirect.gather [hbm4b:s4+s21], $0x80, s6, s21, $0xb8;
	[tilespmem:$0x1E400] =	vst v63  }
0x5a: {  	_ =	swait.ge [sflag:s24], $0x4000  }
0x5b: {  	[sflag:s24] =	ssyncset.done $0x0  }
0x5c: {  	s1 =	sadd.s32 $0x2800, s1;
	[sflag:s24] =	ssyncadd.s32 $0xFFFFC000  }
0x5d: {  	[spmem:s2] =	stream.indirect.scatter.add.f32 [tilespmem:s22], [sflag:$0x3], $0x80, s1, s21, $0xb8;
	[tilespmem:$0x1E400] =	vst v63  }
0x5e: {  	_ =	swait.ge [sflag:s25], $0x4000  }
0x5f: {  	[sflag:s25] =	ssyncset.done $0x0  }
0x60: {  	[sflag:s25] =	ssyncadd.s32 $0xFFFFC000  }
0x61: {  	_ =	swait.ge [sflag:s26], $0x4000  }
0x62: {  	[sflag:s26] =	ssyncset.done $0x0  }
0x63: {  	[sflag:s26] =	ssyncadd.s32 $0xFFFFC000  }
0x64: {  	[spmem:s2] =	stream.indirect.scatter.add.f32 [tilespmem:s23], [sflag:$0x4], $0x80, s29, s21, $0xb8;
	[tilespmem:$0x1E400] =	vst v63  }
0x65: {  	_ =	swait.ge [sflag:s28], $0x4000  }
0x66: {  	[sflag:s28] =	ssyncset.done $0x0  }
0x67: {  	[sflag:s28] =	ssyncadd.s32 $0xFFFFC000  }
0x68: {  	[tilespmem:s3], [sflag:$0x5] =	stream.linear.gather [hbm4b:s14+s3], $0x1400, $0x38;
	[tilespmem:$0x1E400] =	vst v63  }
0x69: {  	_ =	swait.ge [sflag:s19], $0x1400  }
0x6a: {  	[sflag:s19] =	ssyncset.done $0x0  }
0x6b: {  	[sflag:s19] =	ssyncadd.s32 $0xFFFFEC00  }
0x6c: {  	[tilespmem:s20], [sflag:$0x5] =	stream.linear.gather [hbm4b:s15+s3], $0x1400, $0x38;
	[tilespmem:$0x1E400] =	vst v63  }
0x6d: {  	_ =	swait.ge [sflag:s19], $0x1400  }
0x6e: {  	[sflag:s19] =	ssyncset.done $0x0  }
0x6f: {  	[sflag:s19] =	ssyncadd.s32 $0xFFFFEC00  }
0x70: {  	[tilespmem:s22], [sflag:$0x1] =	stream.indirect.gather [hbm4b:s4+s21], $0x80, s3, s21, $0xb8;
	[tilespmem:$0x1E400] =	vst v63  }
0x71: {  	_ = 	snop  }
0x72: {  	[tilespmem:s23], [sflag:$0x2] =	stream.indirect.gather [hbm4b:s4+s21], $0x80, s21, s21, $0xb8;
	[tilespmem:$0x1E400] =	vst v63  }
0x73: {  	_ =	swait.ge [sflag:s24], $0x4000  }
0x74: {  	[sflag:s24] =	ssyncset.done $0x0  }
0x75: {  	[sflag:s24] =	ssyncadd.s32 $0xFFFFC000  }
0x76: {  	[spmem:s2] =	stream.indirect.scatter.add.f32 [tilespmem:s22], [sflag:$0x3], $0x80, s20, s21, $0xb8;
	[tilespmem:$0x1E400] =	vst v63  }
0x77: {  	_ =	swait.ge [sflag:s25], $0x4000  }
0x78: {  	[sflag:s25] =	ssyncset.done $0x0  }
0x79: {  	s0 =	simm.s32 $0x100;
	[sflag:s25] =	ssyncadd.s32 $0xFFFFC000  }
0x7a: {  	[tilespmem:s22], [sflag:$0x1] =	stream.indirect.gather [hbm4b:s4+s21], $0x80, s0, s21, $0xb8;
	[tilespmem:$0x1E400] =	vst v63  }
0x7b: {  	_ =	swait.ge [sflag:s26], $0x4000  }
0x7c: {  	[sflag:s26] =	ssyncset.done $0x0  }
0x7d: {  	s1 =	simm.s32 $0x1480;
	[sflag:s26] =	ssyncadd.s32 $0xFFFFC000  }
0x7e: {  	[spmem:s2] =	stream.indirect.scatter.add.f32 [tilespmem:s23], [sflag:$0x4], $0x80, s1, s21, $0xb8;
	[tilespmem:$0x1E400] =	vst v63  }
0x7f: {  	_ =	swait.ge [sflag:s28], $0x4000  }
0x80: {  	[sflag:s28] =	ssyncset.done $0x0  }
0x81: {  	s6 =	simm.s32 $0x180;
	[sflag:s28] =	ssyncadd.s32 $0xFFFFC000  }
0x82: {  	[tilespmem:s23], [sflag:$0x2] =	stream.indirect.gather [hbm4b:s4+s21], $0x80, s6, s21, $0xb8;
	[tilespmem:$0x1E400] =	vst v63  }
0x83: {  	_ =	swait.ge [sflag:s24], $0x4000  }
0x84: {  	[sflag:s24] =	ssyncset.done $0x0  }
0x85: {  	s0 =	simm.s32 $0xFFFFB800;
	s1 =	simm.s32 $0x1500;
	[sflag:s24] =	ssyncadd.s32 $0xFFFFC000  }
.LBB2_10:
0x86: {  	[spmem:s2] =	stream.indirect.scatter.add.f32 [tilespmem:s22], [sflag:$0x3], $0x80, s1, s21, $0xb8;
	[tilespmem:$0x1E400] =	vst v63  }
0x87: {  	s1 =	smov.u32 s0  }
0x88: {  	p1 =	seq.s32 s0, $0xFFFFFC00;
	s0 =	sadd.s32 $0x400, s0;
	_ =	swait.ge [sflag:s25], $0x4000  }
0x89: {  	s1 =	sshra.s32 s1, $0x2;
	[sflag:s25] =	ssyncset.done $0x0  }
0x8a: {  	s6 =	sadd.s32 $0x1400, s1;
	[sflag:s25] =	ssyncadd.s32 $0xFFFFC000  }
0x8b: {  	[tilespmem:s22], [sflag:$0x1] =	stream.indirect.gather [hbm4b:s4+s21], $0x80, s6, s21, $0xb8;
	[tilespmem:$0x1E400] =	vst v63  }
0x8c: {  	_ =	swait.ge [sflag:s26], $0x4000  }
0x8d: {  	[sflag:s26] =	ssyncset.done $0x0  }
0x8e: {  	s6 =	sadd.s32 $0x2780, s1;
	[sflag:s26] =	ssyncadd.s32 $0xFFFFC000  }
0x8f: {  	[spmem:s2] =	stream.indirect.scatter.add.f32 [tilespmem:s23], [sflag:$0x4], $0x80, s6, s21, $0xb8;
	[tilespmem:$0x1E400] =	vst v63  }
0x90: {  	_ =	swait.ge [sflag:s28], $0x4000  }
0x91: {  	[sflag:s28] =	ssyncset.done $0x0  }
.Ltmp4:
0x92: {  	s6 =	sadd.s32 $0x1480, s1;
	[sflag:s28] =	ssyncadd.s32 $0xFFFFC000;
	(pc) =	sbr.rel @!p1 .LBB2_10-.Ltmp4, $4  }
0x93: {  	[tilespmem:s23], [sflag:$0x2] =	stream.indirect.gather [hbm4b:s4+s21], $0x80, s6, s21, $0xb8;
	[tilespmem:$0x1E400] =	vst v63  }
0x94: {  	_ =	swait.ge [sflag:s24], $0x4000  }
0x95: {  	[sflag:s24] =	ssyncset.done $0x0  }
0x96: {  	s1 =	sadd.s32 $0x2800, s1;
	[sflag:s24] =	ssyncadd.s32 $0xFFFFC000  }
.Ltmp5:
0x97: {  	_ = 	snop;
	(pc) =	sbr.rel .LBB2_11-.Ltmp5, $1  }
0x98: {  	_ =	sdelay $0x3  }
.LBB2_2:
0x99: {  	s0 =	rddreg [dreg:$0x3]  }
0x9a: {  	[spmem:s31], [sflag:s18] =	dma.local [hbm:s0], $0x2780  }
0x9b: {  	_ =	swait.ge [sflag:s19], $0x2780  }
0x9c: {  	[sflag:s19] =	ssyncset.done $0x0  }
0x9d: {  	[sflag:s19] =	ssyncadd.s32 $0xFFFFD880  }
0x9e: {  	[bflag:$0x0] =	sbarrier.arrive $0xFFFF  }
0x9f: {  	[tilespmem:s3], [sflag:$0x5] =	stream.linear.gather [hbm4b:s7+s3], $0x1400, $0x38;
	[tilespmem:$0x1E400] =	vst v63  }
0xa0: {  	_ =	swait.ge [sflag:s19], $0x1400  }
0xa1: {  	[sflag:s19] =	ssyncset.done $0x0  }
0xa2: {  	[sflag:s19] =	ssyncadd.s32 $0xFFFFEC00  }
0xa3: {  	[tilespmem:s20], [sflag:$0x5] =	stream.linear.gather [hbm4b:s8+s3], $0x1400, $0x38;
	[tilespmem:$0x1E400] =	vst v63  }
0xa4: {  	_ =	swait.ge [sflag:s19], $0x1400  }
0xa5: {  	[sflag:s19] =	ssyncset.done $0x0  }
0xa6: {  	[sflag:s19] =	ssyncadd.s32 $0xFFFFEC00  }
0xa7: {  	[tilespmem:s22], [sflag:$0x1] =	stream.indirect.gather [hbm4b:s4+s21], $0x80, s3, s21, $0xb8;
	[tilespmem:$0x1E400] =	vst v63  }
0xa8: {  	_ = 	snop  }
0xa9: {  	[tilespmem:s23], [sflag:$0x2] =	stream.indirect.gather [hbm4b:s4+s21], $0x80, s21, s21, $0xb8;
	[tilespmem:$0x1E400] =	vst v63  }
0xaa: {  	_ =	swait.ge [sflag:s24], $0x4000  }
0xab: {  	[sflag:s24] =	ssyncset.done $0x0  }
0xac: {  	[sflag:s24] =	ssyncadd.s32 $0xFFFFC000  }
0xad: {  	[spmem:s2] =	stream.indirect.scatter.add.f32 [tilespmem:s22], [sflag:$0x3], $0x80, s20, s21, $0xb8;
	[tilespmem:$0x1E400] =	vst v63  }
0xae: {  	_ =	swait.ge [sflag:s25], $0x4000  }
0xaf: {  	[sflag:s25] =	ssyncset.done $0x0  }
0xb0: {  	s6 =	simm.s32 $0x100;
	[sflag:s25] =	ssyncadd.s32 $0xFFFFC000  }
0xb1: {  	[tilespmem:s22], [sflag:$0x1] =	stream.indirect.gather [hbm4b:s4+s21], $0x80, s6, s21, $0xb8;
	[tilespmem:$0x1E400] =	vst v63  }
0xb2: {  	_ =	swait.ge [sflag:s26], $0x4000  }
0xb3: {  	[sflag:s26] =	ssyncset.done $0x0  }
0xb4: {  	s1 =	simm.s32 $0x1480;
	[sflag:s26] =	ssyncadd.s32 $0xFFFFC000  }
0xb5: {  	[spmem:s2] =	stream.indirect.scatter.add.f32 [tilespmem:s23], [sflag:$0x4], $0x80, s1, s21, $0xb8;
	[tilespmem:$0x1E400] =	vst v63  }
0xb6: {  	_ =	swait.ge [sflag:s28], $0x4000  }
0xb7: {  	[sflag:s28] =	ssyncset.done $0x0  }
0xb8: {  	s6 =	simm.s32 $0x180;
	[sflag:s28] =	ssyncadd.s32 $0xFFFFC000  }
0xb9: {  	[tilespmem:s23], [sflag:$0x2] =	stream.indirect.gather [hbm4b:s4+s21], $0x80, s6, s21, $0xb8;
	[tilespmem:$0x1E400] =	vst v63  }
0xba: {  	_ =	swait.ge [sflag:s24], $0x4000  }
0xbb: {  	[sflag:s24] =	ssyncset.done $0x0  }
0xbc: {  	s0 =	simm.s32 $0xFFFFB800;
	s1 =	simm.s32 $0x1500;
	[sflag:s24] =	ssyncadd.s32 $0xFFFFC000  }
.LBB2_3:
0xbd: {  	[spmem:s2] =	stream.indirect.scatter.add.f32 [tilespmem:s22], [sflag:$0x3], $0x80, s1, s21, $0xb8;
	[tilespmem:$0x1E400] =	vst v63  }
0xbe: {  	s1 =	smov.u32 s0  }
0xbf: {  	p1 =	sne.s32 s0, $0xFFFFFC00;
	s0 =	sadd.s32 $0x400, s0;
	_ =	swait.ge [sflag:s25], $0x4000  }
0xc0: {  	s1 =	sshra.s32 s1, $0x2;
	[sflag:s25] =	ssyncset.done $0x0  }
0xc1: {  	s6 =	sadd.s32 $0x1400, s1;
	[sflag:s25] =	ssyncadd.s32 $0xFFFFC000  }
0xc2: {  	[tilespmem:s22], [sflag:$0x1] =	stream.indirect.gather [hbm4b:s4+s21], $0x80, s6, s21, $0xb8;
	[tilespmem:$0x1E400] =	vst v63  }
0xc3: {  	_ =	swait.ge [sflag:s26], $0x4000  }
0xc4: {  	[sflag:s26] =	ssyncset.done $0x0  }
0xc5: {  	s6 =	sadd.s32 $0x2780, s1;
	[sflag:s26] =	ssyncadd.s32 $0xFFFFC000  }
0xc6: {  	[spmem:s2] =	stream.indirect.scatter.add.f32 [tilespmem:s23], [sflag:$0x4], $0x80, s6, s21, $0xb8;
	[tilespmem:$0x1E400] =	vst v63  }
0xc7: {  	_ =	swait.ge [sflag:s28], $0x4000  }
0xc8: {  	[sflag:s28] =	ssyncset.done $0x0  }
.Ltmp6:
0xc9: {  	s6 =	sadd.s32 $0x1480, s1;
	[sflag:s28] =	ssyncadd.s32 $0xFFFFC000;
	(pc) =	sbr.rel @p1 .LBB2_3-.Ltmp6, $4  }
0xca: {  	[tilespmem:s23], [sflag:$0x2] =	stream.indirect.gather [hbm4b:s4+s21], $0x80, s6, s21, $0xb8;
	[tilespmem:$0x1E400] =	vst v63  }
0xcb: {  	_ =	swait.ge [sflag:s24], $0x4000  }
0xcc: {  	[sflag:s24] =	ssyncset.done $0x0  }
0xcd: {  	s1 =	sadd.s32 $0x2800, s1;
	[sflag:s24] =	ssyncadd.s32 $0xFFFFC000  }
0xce: {  	[spmem:s2] =	stream.indirect.scatter.add.f32 [tilespmem:s22], [sflag:$0x3], $0x80, s1, s21, $0xb8;
	[tilespmem:$0x1E400] =	vst v63  }
0xcf: {  	_ =	swait.ge [sflag:s25], $0x4000  }
0xd0: {  	[sflag:s25] =	ssyncset.done $0x0  }
0xd1: {  	[sflag:s25] =	ssyncadd.s32 $0xFFFFC000  }
0xd2: {  	_ =	swait.ge [sflag:s26], $0x4000  }
0xd3: {  	[sflag:s26] =	ssyncset.done $0x0  }
0xd4: {  	[sflag:s26] =	ssyncadd.s32 $0xFFFFC000  }
0xd5: {  	[spmem:s2] =	stream.indirect.scatter.add.f32 [tilespmem:s23], [sflag:$0x4], $0x80, s29, s21, $0xb8;
	[tilespmem:$0x1E400] =	vst v63  }
0xd6: {  	_ =	swait.ge [sflag:s28], $0x4000  }
0xd7: {  	[sflag:s28] =	ssyncset.done $0x0  }
0xd8: {  	[sflag:s28] =	ssyncadd.s32 $0xFFFFC000  }
0xd9: {  	[tilespmem:s3], [sflag:$0x5] =	stream.linear.gather [hbm4b:s9+s3], $0x1400, $0x38;
	[tilespmem:$0x1E400] =	vst v63  }
0xda: {  	_ =	swait.ge [sflag:s19], $0x1400  }
0xdb: {  	[sflag:s19] =	ssyncset.done $0x0  }
0xdc: {  	[sflag:s19] =	ssyncadd.s32 $0xFFFFEC00  }
0xdd: {  	[tilespmem:s20], [sflag:$0x5] =	stream.linear.gather [hbm4b:s10+s3], $0x1400, $0x38;
	[tilespmem:$0x1E400] =	vst v63  }
0xde: {  	_ =	swait.ge [sflag:s19], $0x1400  }
0xdf: {  	[sflag:s19] =	ssyncset.done $0x0  }
0xe0: {  	[sflag:s19] =	ssyncadd.s32 $0xFFFFEC00  }
0xe1: {  	[tilespmem:s22], [sflag:$0x1] =	stream.indirect.gather [hbm4b:s4+s21], $0x80, s3, s21, $0xb8;
	[tilespmem:$0x1E400] =	vst v63  }
0xe2: {  	_ = 	snop  }
0xe3: {  	[tilespmem:s23], [sflag:$0x2] =	stream.indirect.gather [hbm4b:s4+s21], $0x80, s21, s21, $0xb8;
	[tilespmem:$0x1E400] =	vst v63  }
0xe4: {  	_ =	swait.ge [sflag:s24], $0x4000  }
0xe5: {  	[sflag:s24] =	ssyncset.done $0x0  }
0xe6: {  	[sflag:s24] =	ssyncadd.s32 $0xFFFFC000  }
0xe7: {  	[spmem:s2] =	stream.indirect.scatter.add.f32 [tilespmem:s22], [sflag:$0x3], $0x80, s20, s21, $0xb8;
	[tilespmem:$0x1E400] =	vst v63  }
0xe8: {  	_ =	swait.ge [sflag:s25], $0x4000  }
0xe9: {  	[sflag:s25] =	ssyncset.done $0x0  }
0xea: {  	s0 =	simm.s32 $0x100;
	[sflag:s25] =	ssyncadd.s32 $0xFFFFC000  }
0xeb: {  	[tilespmem:s22], [sflag:$0x1] =	stream.indirect.gather [hbm4b:s4+s21], $0x80, s0, s21, $0xb8;
	[tilespmem:$0x1E400] =	vst v63  }
0xec: {  	_ =	swait.ge [sflag:s26], $0x4000  }
0xed: {  	[sflag:s26] =	ssyncset.done $0x0  }
0xee: {  	s1 =	simm.s32 $0x1480;
	[sflag:s26] =	ssyncadd.s32 $0xFFFFC000  }
0xef: {  	[spmem:s2] =	stream.indirect.scatter.add.f32 [tilespmem:s23], [sflag:$0x4], $0x80, s1, s21, $0xb8;
	[tilespmem:$0x1E400] =	vst v63  }
0xf0: {  	_ =	swait.ge [sflag:s28], $0x4000  }
0xf1: {  	[sflag:s28] =	ssyncset.done $0x0  }
0xf2: {  	s6 =	simm.s32 $0x180;
	[sflag:s28] =	ssyncadd.s32 $0xFFFFC000  }
0xf3: {  	[tilespmem:s23], [sflag:$0x2] =	stream.indirect.gather [hbm4b:s4+s21], $0x80, s6, s21, $0xb8;
	[tilespmem:$0x1E400] =	vst v63  }
0xf4: {  	_ =	swait.ge [sflag:s24], $0x4000  }
0xf5: {  	[sflag:s24] =	ssyncset.done $0x0  }
0xf6: {  	s0 =	simm.s32 $0xFFFFB800;
	s1 =	simm.s32 $0x1500;
	[sflag:s24] =	ssyncadd.s32 $0xFFFFC000  }
.LBB2_5:
0xf7: {  	[spmem:s2] =	stream.indirect.scatter.add.f32 [tilespmem:s22], [sflag:$0x3], $0x80, s1, s21, $0xb8;
	[tilespmem:$0x1E400] =	vst v63  }
0xf8: {  	s1 =	smov.u32 s0  }
0xf9: {  	p1 =	sne.s32 s0, $0xFFFFFC00;
	s0 =	sadd.s32 $0x400, s0;
	_ =	swait.ge [sflag:s25], $0x4000  }
0xfa: {  	s1 =	sshra.s32 s1, $0x2;
	[sflag:s25] =	ssyncset.done $0x0  }
0xfb: {  	s6 =	sadd.s32 $0x1400, s1;
	[sflag:s25] =	ssyncadd.s32 $0xFFFFC000  }
0xfc: {  	[tilespmem:s22], [sflag:$0x1] =	stream.indirect.gather [hbm4b:s4+s21], $0x80, s6, s21, $0xb8;
	[tilespmem:$0x1E400] =	vst v63  }
0xfd: {  	_ =	swait.ge [sflag:s26], $0x4000  }
0xfe: {  	[sflag:s26] =	ssyncset.done $0x0  }
0xff: {  	s6 =	sadd.s32 $0x2780, s1;
	[sflag:s26] =	ssyncadd.s32 $0xFFFFC000  }
0x100: {  	[spmem:s2] =	stream.indirect.scatter.add.f32 [tilespmem:s23], [sflag:$0x4], $0x80, s6, s21, $0xb8;
	[tilespmem:$0x1E400] =	vst v63  }
0x101: {  	_ =	swait.ge [sflag:s28], $0x4000  }
0x102: {  	[sflag:s28] =	ssyncset.done $0x0  }
.Ltmp7:
0x103: {  	s6 =	sadd.s32 $0x1480, s1;
	[sflag:s28] =	ssyncadd.s32 $0xFFFFC000;
	(pc) =	sbr.rel @p1 .LBB2_5-.Ltmp7, $4  }
0x104: {  	[tilespmem:s23], [sflag:$0x2] =	stream.indirect.gather [hbm4b:s4+s21], $0x80, s6, s21, $0xb8;
	[tilespmem:$0x1E400] =	vst v63  }
0x105: {  	_ =	swait.ge [sflag:s24], $0x4000  }
0x106: {  	[sflag:s24] =	ssyncset.done $0x0  }
0x107: {  	s1 =	sadd.s32 $0x2800, s1;
	[sflag:s24] =	ssyncadd.s32 $0xFFFFC000  }
.Ltmp8:
0x108: {  	(pc) =	sbr.rel .LBB2_12-.Ltmp8, $2  }
0x109: {  	_ =	sdelay $0x2  }
0x10a: {  	[spmem:s2] =	stream.indirect.scatter.add.f32 [tilespmem:s22], [sflag:$0x3], $0x80, s1, s21, $0xb8;
	[tilespmem:$0x1E400] =	vst v63  }
.LBB2_13:
0x10b: {  	_ =	sfence.sel $0x180000  }
0x10c: {  	[bflag:$0x0] =	sbarrier.arrive $0xFFFF  }
0x10d: {  	_ =	strace $0x9000004A  }
0x10e: {  	s0 =	stileid.u32;
	[bflag:$0x2] =	sbarrier.arrive $0xFFFF  }
0x10f: {  	p0 =	sne.s32 s0, $0x0;
	s0 =	rddreg [dreg:$0x2]  }
0x110: {  	s0 =	sadd.s32 @!p0 $0x100000, s0  }
0x111: {  	[sflag:s0] =	ssyncadd.tile.s32 @!p0 $0x1;
	_ =	shalt  }
.Lfunc_end2:
_tile_overlayer_lowered:
.L_overlay_start_2:
0x112: {  	(tag) =	ssettag $0x2  }
0x113: {  	s0 =	rddreg [dreg:$0x0];
	s2 =	stileid.u32  }
0x114: {  	s1 =	rddreg [dreg:$0x1];
	p0 =	sne.s32 s2, $0x0  }
0x115: {  	s3 =	rddreg [dreg:$0x2];
	[bflag:$0x3] =	sbarrier.arrive $0xFFFF;
	s2 =	simm.s32 @!p0 $0x1C05  }
0x116: {  	[timem:s3], [sflag:s2] =	dma.local @!p0 [hbm:s0], s1  }
0x117: {  	s0 =	simm.s32 @!p0 $0x5  }
0x118: {  	_ =	swait.ge @!p0 [sflag:s0], s1  }
0x119: {  	s1 =	ssub.s32 @!p0 $0x0, s1;
	[sflag:s0] =	ssyncset.done @!p0 $0x0  }
0x11a: {  	[sflag:s0] =	ssyncadd.s32 @!p0 s1  }
0x11b: {  	[bflag:$0x3] =	sbarrier.arrive $0xFFFF  }
0x11c: {  	_ =	shalt  }

// kernel: kernel.16.cloned.1.call-start
scs
__scs_entry_jumppad:
0x0: {  	(pc) =	sbr.rel $0x88, $3  }
0x1: {  	(tag) =	ssettag $0x0;
	lr =	simm.s32 $0x1  }
0x2: {  	[smem:$0x3F92] =	sst lr;
	_ =	strace $0xD0000000  }
0x3: {  	_ = 	snop  }
0x4: {  	_ = 	snop  }
0x5: {  	_ = 	snop  }
0x6: {  	_ = 	snop  }
0x7: {  	_ = 	snop  }
__scs_overlays_trampoline_lowered:
0x8: {  	[smem:$0x3FA1] =	sst s0  }
0x9: {  	[smem:$0x3FA2] =	sst s1  }
0xa: {  	[smem:$0x3FA3] =	sst s2  }
0xb: {  	[smem:$0x3FA4] =	sst s3  }
0xc: {  	[smem:$0x3FA5] =	sst s4  }
0xd: {  	[smem:$0x3FA6] =	sst s5  }
0xe: {  	[smem:$0x3FA7] =	sst s6  }
0xf: {  	[smem:$0x3FA8] =	sst s7  }
0x10: {  	[smem:$0x3FA9] =	sst s8  }
0x11: {  	[smem:$0x3FAA] =	sst s9;
	s0 =	simm.s32 @!p0 $0x0  }
0x12: {  	s1 =	sld [smem:$0x3F90];
	s0 =	simm.s32 @p0 $0x1  }
0x13: {  	[smem:$0x3FAB] =	sst s0;
	s0 =	simm.s32 @!p1 $0x0  }
0x14: {  	s2 =	sld [smem:$0x3F8F];
	s0 =	simm.s32 @p1 $0x1  }
0x15: {  	[smem:$0x3FAC] =	sst s0;
	s0 =	simm.s32 @!p2 $0x0  }
0x16: {  	s3 =	sld [smem:$0x3FDB];
	s0 =	simm.s32 @p2 $0x1  }
0x17: {  	s4 =	simm.s32 $0x1BF5;
	[smem:$0x3FAE] =	sst s0  }
0x18: {  	s0 =	sld [smem:$0x3F91];
	_ =	swait.ge [sflag:s4], $0x0  }
0x19: {  	s7 =	sld [smem:$0x3F92]  }
0x1a: {  	s8 =	sadd.s32 $0xFFFFE003, lr  }
0x1b: {  	s9 =	sadd.s32 $0xFFFFFEF7, lr;
	s5 =	simm.s32 $0xFFFFFFFF;
	p2 =	slt.u32 s8, $0xFFFFF086  }
0x1c: {  	p1 =	slt.u32 s9, $0xF7A;
	s5 =	simm.s32 @!p2 $0x0  }
0x1d: {  	s5 =	simm.s32 @p1 $0x1;
	p0 =	seq.s32 s7, s2  }
0x1e: {  	s7 =	smul.u32 @!p0 $0xF7A, s2;
	p2 =	seq.s32 @!p0 s5, $0x0  }
0x1f: {  	s9 =	smul.u32 $0xF7A, s1;
	s8 =	simm.s32 @!p0 $0x1BF5;
	p2 =	por !p2, p0  }
0x20: {  	[sflag:s8] =	ssyncset.s32 @!p0 $0xFFFFF086;
	s6 =	sadd.s32 @!p0 s3, s7;
	s7 =	simm.s32 @!p0 $0x108  }
0x21: {  	s3 =	sadd.s32 s3, s9;
	s6 =	sadd.s32 @!p0 $0x88, s6;
	s7 =	simm.s32 @p2 $0x1082  }
0x22: {  	[simem:s7], [sflag:s8] =	dma.local @!p0 [hbm:s6], $0xF7A  }
0x23: {  	s9 =	sor.u32 $0xD0000000, s2;
	s6 =	simm.s32 $0x108;
	_ =	swait.ge @!p0 [sflag:s8], $0x0  }
0x24: {  	s3 =	sadd.s32 $0x88, s3;
	s6 =	simm.s32 @!p1 $0x1082;
	[sflag:s4] =	ssyncset.s32 $0xFFFFF086  }
0x25: {  	[simem:s6], [sflag:s4] =	dma.local [hbm:s3], $0xF7A  }
0x26: {  	[smem:$0x3F92] =	sst s1;
	(tag) =	ssettag s2;
	_ =	strace s9  }
0x27: {  	s1 =	sld [smem:$0x3FA2]  }
0x28: {  	s2 =	sld [smem:$0x3FA3]  }
0x29: {  	s4 =	sld [smem:$0x3FA5]  }
0x2a: {  	p0 =	seq.s32 s5, $0x0;
	s5 =	sld [smem:$0x3FA6]  }
0x2b: {  	s6 =	sld [smem:$0x3FA7]  }
0x2c: {  	s7 =	sld [smem:$0x3FA8]  }
0x2d: {  	s3 =	simm.s32 $0x108;
	s8 =	sld [smem:$0x3FA9]  }
0x2e: {  	s3 =	simm.s32 @!p0 $0x1082;
	s9 =	sld [smem:$0x3FAA]  }
0x2f: {  	lr =	sadd.s32 s0, s3;
	s0 =	sld [smem:$0x3FA1]  }
0x30: {  	s3 =	sld [smem:$0x3FA4]  }
0x31: {  	[smem:$0x3FAD] =	sst s10  }
0x32: {  	s10 =	sld [smem:$0x3FAB];
	_ =	sdelay $0x3  }
0x33: {  	p0 =	seq.s32 s10, $0x1;
	s10 =	sld [smem:$0x3FAD];
	_ =	sdelay $0x3  }
0x34: {  	[smem:$0x3FAD] =	sst s10  }
0x35: {  	s10 =	sld [smem:$0x3FAC];
	_ =	sdelay $0x3  }
0x36: {  	p1 =	seq.s32 s10, $0x1;
	s10 =	sld [smem:$0x3FAD];
	_ =	sdelay $0x3  }
0x37: {  	[smem:$0x3FAD] =	sst s10  }
0x38: {  	s10 =	sld [smem:$0x3FAE]  }
0x39: {  	_ = 	snop;
	(pc) =	sbr.ind lr, $3  }
0x3a: {  	_ = 	snop  }
0x3b: {  	_ = 	snop  }
0x3c: {  	p2 =	seq.s32 s10, $0x1;
	s10 =	sld [smem:$0x3FAD]  }
0x3d: {  	_ =	shalt  }
0x3e: {  	_ =	shalt  }
0x3f: {  	_ =	shalt  }
0x40: {  	_ =	shalt  }
0x41: {  	_ =	shalt  }
0x42: {  	_ =	shalt  }
0x43: {  	_ =	shalt  }
0x44: {  	_ =	shalt  }
0x45: {  	_ =	shalt  }
0x46: {  	_ =	shalt  }
0x47: {  	_ =	shalt  }
0x48: {  	_ =	shalt  }
0x49: {  	_ =	shalt  }
0x4a: {  	_ =	shalt  }
0x4b: {  	_ =	shalt  }
0x4c: {  	_ =	shalt  }
0x4d: {  	_ =	shalt  }
0x4e: {  	_ =	shalt  }
0x4f: {  	_ =	shalt  }
0x50: {  	_ =	shalt  }
0x51: {  	_ =	shalt  }
0x52: {  	_ =	shalt  }
0x53: {  	_ =	shalt  }
0x54: {  	_ =	shalt  }
0x55: {  	_ =	shalt  }
0x56: {  	_ =	shalt  }
0x57: {  	_ =	shalt  }
0x58: {  	_ =	shalt  }
0x59: {  	_ =	shalt  }
0x5a: {  	_ =	shalt  }
0x5b: {  	_ =	shalt  }
0x5c: {  	_ =	shalt  }
0x5d: {  	_ =	shalt  }
0x5e: {  	_ =	shalt  }
0x5f: {  	_ =	shalt  }
0x60: {  	_ =	shalt  }
0x61: {  	_ =	shalt  }
0x62: {  	_ =	shalt  }
0x63: {  	_ =	shalt  }
0x64: {  	_ =	shalt  }
0x65: {  	_ =	shalt  }
0x66: {  	_ =	shalt  }
0x67: {  	_ =	shalt  }
0x68: {  	_ =	shalt  }
0x69: {  	_ =	shalt  }
0x6a: {  	_ =	shalt  }
0x6b: {  	_ =	shalt  }
0x6c: {  	_ =	shalt  }
0x6d: {  	_ =	shalt  }
0x6e: {  	_ =	shalt  }
0x6f: {  	_ =	shalt  }
0x70: {  	_ =	shalt  }
0x71: {  	_ =	shalt  }
0x72: {  	_ =	shalt  }
0x73: {  	_ =	shalt  }
0x74: {  	_ =	shalt  }
0x75: {  	_ =	shalt  }
0x76: {  	_ =	shalt  }
0x77: {  	_ =	shalt  }
0x78: {  	_ =	shalt  }
0x79: {  	_ =	shalt  }
0x7a: {  	_ =	shalt  }
0x7b: {  	_ =	shalt  }
0x7c: {  	_ =	shalt  }
0x7d: {  	_ =	shalt  }
0x7e: {  	_ =	shalt  }
0x7f: {  	_ =	shalt  }
0x80: {  	_ =	shalt  }
0x81: {  	_ =	shalt  }
0x82: {  	_ =	shalt  }
0x83: {  	_ =	shalt  }
0x84: {  	_ =	shalt  }
0x85: {  	_ =	shalt  }
0x86: {  	_ =	shalt  }
0x87: {  	_ =	shalt  }
.Lfunc_end0:
.L_simem_size_0:
called_computation.2_lowered:
.L_overlay_start_0:
0x88: {  	s2 =	sld [smem:$0x3FD9]  }
0x89: {  	s3 =	sld [smem:$0x3FFE];
	_ =	sdelay $0x1  }
0x8a: {  	s1 =	srdreg.scid  }
0x8b: {  	s0 =	sand.u32 $0x1, s1  }
0x8c: {  	s16 =	sshll.u32 s0, $0xA;
	s2 =	sadd.s32 s3, s2  }
0x8d: {  	s2 =	sadd.s32 s2, s16  }
0x8e: {  	[smem:$0x3FB9] =	sst s2  }
0x8f: {  	_ = 	snop  }
0x90: {  	(tm) =	ssettm $0x1  }
0x91: {  	s17 =	sld [smem:$0x3FFB];
	_ =	sdelay $0x3  }
0x92: {  	_ =	strace s17  }
0x93: {  	s2 =	sld [smem:$0x3FFC];
	_ =	sdelay $0x3  }
0x94: {  	_ =	strace s2  }
0x95: {  	s2 =	sld [smem:$0x3FFD];
	_ =	sdelay $0x3  }
0x96: {  	_ =	strace s2  }
0x97: {  	_ =	strace $0x8FFFFFFF  }
0x98: {  	s18 =	sld [smem:$0x3FDB];
	_ =	sdelay $0x1  }
0x99: {  	s19 =	simm.s32 $_scs_section_size  }
0x9a: {  	s4 =	simm.s32 $_size__tile_overlayer_lowered;
	s5 =	simm.s32 $_tile_overlayer_lowered  }
0x9b: {  	s22 =	simm.s32 $0x1BFF;
	s21 =	sshll.u32 s5, $0x1;
	s2 =	sadd.s32 s19, s18  }
0x9c: {  	s6 =	simm.s32 $0x0;
	s20 =	sshll.u32 s4, $0x1;
	s4 =	sadd.s32 s21, s2  }
0x9d: {  	[timem:s6], [sflag:s22] =	dma.local [hbm:s4], s20  }
0x9e: {  	_ =	swait.ge [sflag:s22], s20  }
0x9f: {  	s3 =	ssub.s32 $0x0, s20;
	[sflag:s22] =	ssyncset.done $0x0  }
0xa0: {  	[sflag:s22] =	ssyncadd.s32 s3;
	_ =	sdelay $0x1  }
0xa1: {  	s23 =	simm.s32 $0x1B8B  }
0xa2: {  	_ =	swait.ge [sflag:s23], $0x1  }
0xa3: {  	[sflag:s23] =	ssyncset.done $0x0  }
0xa4: {  	s25 =	simm.s32 $0x1B8E;
	s24 =	sld [smem:$0x3FFE];
	[sflag:s23] =	ssyncadd.s32 $0xFFFFFFFF  }
0xa5: {  	s26 =	simm.s32 $execute0_lowered;
	[smem:$0x3FD2] =	sst s25  }
0xa6: {  	s4 =	sshll.u32 s26, $0x1;
	_ =	strace $0x8000004C;
	[dreg:$0x1] =	wrdreg $0xFFFFFFFF  }
0xa7: {  	s28 =	simm.s32 $_size_execute0_lowered;
	s2 =	sadd.s32 s2, s4;
	[dreg:$0x0] =	wrdreg $0x0  }
0xa8: {  	s4 =	sshll.u32 s28, $0x1;
	[dreg:$0x2] =	wrdreg s2  }
0xa9: {  	[dreg:$0x3] =	wrdreg s4  }
0xaa: {  	[dreg:$0x4] =	wrdreg $0xC0  }
0xab: {  	_ =	task [dreg:s6], $0x5FFFF  }
0xac: {  	[dreg:$0x1] =	wrdreg $0xFFFFFFFF  }
0xad: {  	[dreg:$0x0] =	wrdreg $0x60  }
0xae: {  	[dreg:$0x2] =	wrdreg s24  }
0xaf: {  	[dreg:$0x3] =	wrdreg $0xA8000  }
0xb0: {  	[dreg:$0x4] =	wrdreg $0x9  }
0xb1: {  	_ =	task.clear_ibuf [dreg:s6], $0x5FFFF;
	_ =	strace $0x9000004C  }
0xb2: {  	s29 =	simm.s32 $0x9;
	_ =	strace $0x8000004E  }
0xb3: {  	_ =	swait.ge [sflag:s29], $0x1  }
0xb4: {  	[sflag:s29] =	ssyncadd.s32 $0xFFFFFFFF  }
0xb5: {  	_ =	strace $0x9000004E  }
0xb6: {  	_ =	sfence  }
0xb7: {  	s30 =	sld [smem:$0x0];
	_ =	sdelay $0x2  }
0xb8: {  	s31 =	sshll.u32 s1, $0xD;
	s1 =	sshrl.u32 s1, $0x2  }
0xb9: {  	s3 =	sand.u32 $0x4000, s31;
	s1 =	sadd.s32 s1, s30  }
0xba: {  	s0 =	sor.u32 s3, s0;
	s1 =	sshll.u32 s1, $0x11  }
0xbb: {  	s0 =	sor.u32 s1, s0  }
0xbc: {  	s0 =	sadd.s32 $0x8F2B, s0  }
0xbd: {  	[sflag:s0] =	ssyncadd.remote.s32 $0x1  }
0xbe: {  	_ =	sfence.sel $0xFFFF  }
0xbf: {  	[dreg:$0x0] =	wrdreg $0xFFFFFFFF;
	(pc) =	sbr.abs _section_cstart, $3  }
0xc0: {  	[dreg:$0x1] =	wrdreg $0xFFFFFFFF  }
0xc1: {  	_ =	task.clear_ibuf [dreg:s6], $0x2FFFF;
	_ =	strace $0x9FFFFFFF  }
0xc2: {  	(tm) =	ssettm $0x7FFFFFFF  }
0xc3: {  	_ =	shalt  }
tec
execute0_lowered:
.L_overlay_start_1:
0x0: {  	(tag) =	ssettag $0x1  }
0x1: {  	s0 =	rddreg [dreg:$0x0]  }
0x2: {  	s2 =	rddreg [dreg:$0x1]  }
0x3: {  	s18 =	stileid.u32;
	s1 =	srdreg.scid  }
0x4: {  	s3 =	simm.s32 $0x0;
	s19 =	simm.s32 $0x5;
	s20 =	simm.s32 $0x1400  }
0x5: {  	s21 =	simm.s32 $0x80;
	s28 =	simm.s32 $0x4;
	s11 =	smul.u32 $0x2780, s18  }
0x6: {  	s29 =	simm.s32 $0x2780;
	s30 =	simm.s32 $0x0;
	s6 =	smul.u32 $0x13C00, s18  }
0x7: {  	s1 =	sand.u32 $0x1, s1;
	[smem:$0x7FF] =	sst s3;
	s22 =	smul.u32 $0x2800, s18  }
0x8: {  	s4 =	sadd.s32 $0x17200, s0;
	s14 =	sadd.s32 $0xD200, s0;
	s9 =	smul.u32 $0x4F000, s18  }
0x9: {  	s15 =	sadd.s32 $0x3200, s0;
	s13 =	smul.u32 $0x500, s18;
	s31 =	sshll.u32 s18, $0x6  }
0xa: {  	s5 =	smul.u32 $0x13C000, s1;
	_ =	strace $0x8000004D;
	s8 =	ssub.s32 $0x2, s1  }
0xb: {  	p0 =	seq.s32 s1, $0x0;
	s18 =	sor.u32 $0x1C05, s31;
	s7 =	sadd.s32 s11, s0  }
0xc: {  	s23 =	sshrl.u32 s8, $0x1;
	s16 =	sshrl.u32 s22, $0x3;
	s24 =	sshrl.u32 s9, $0x2  }
0xd: {  	s11 =	sadd.s32 s4, s11;
	s12 =	sadd.s32 s14, s13;
	s13 =	sadd.s32 s15, s13  }
0xe: {  	s22 =	simm.s32 $0x2800;
	s5 =	sadd.s32 s6, s5;
	s17 =	ssub.s32 s8, s23  }
0xf: {  	s25 =	sadd.s32 $0x5000, s16;
	s26 =	sadd.s32 $0x3EA00, s7;
	s10 =	sadd.s32 $0x5280, s16  }
0x10: {  	s16 =	sadd.s32 $0x280, s16;
	s23 =	simm.s32 $0x6800;
	s5 =	sshrl.u32 s5, $0x3  }
.Ltmp0:
0x11: {  	[dreg:$0x3] =	wrdreg s26;
	s7 =	sadd.s32 s14, s25;
	(pc) =	sbr.rel .LBB2_1-.Ltmp0, $4  }
0x12: {  	s8 =	sadd.s32 s15, s25;
	s9 =	sadd.s32 s14, s10;
	s10 =	sadd.s32 s15, s10  }
0x13: {  	s14 =	sadd.s32 s14, s16;
	s15 =	sadd.s32 s15, s16;
	s17 =	smax.u32 s17, $0x1  }
0x14: {  	s25 =	simm.s32 $0x3;
	s26 =	simm.s32 $0x2;
	s0 =	sadd.s32 s5, s0  }
0x15: {  	s5 =	sadd.s32 s24, s2;
	s24 =	simm.s32 $0x1;
	s16 =	sadd.s32 $0x66200, s0  }
.LBB2_11:
0x16: {  	[spmem:s2] =	stream.indirect.scatter.add.f32 [tilespmem:s22], [sflag:$0x3], $0x80, s1, s21, $0xb8;
	[tilespmem:$0x1E400] =	vst v63  }
.LBB2_12:
0x17: {  	_ =	swait.ge [sflag:s25], $0x4000  }
0x18: {  	[sflag:s25] =	ssyncset.done $0x0  }
0x19: {  	[sflag:s25] =	ssyncadd.s32 $0xFFFFC000  }
0x1a: {  	_ =	swait.ge [sflag:s26], $0x4000  }
0x1b: {  	[sflag:s26] =	ssyncset.done $0x0  }
0x1c: {  	[sflag:s26] =	ssyncadd.s32 $0xFFFFC000  }
0x1d: {  	[spmem:s2] =	stream.indirect.scatter.add.f32 [tilespmem:s23], [sflag:$0x4], $0x80, s29, s21, $0xb8;
	[tilespmem:$0x1E400] =	vst v63  }
0x1e: {  	_ =	swait.ge [sflag:s28], $0x4000  }
0x1f: {  	s30 =	sadd.s32 $0x1, s30;
	[sflag:s28] =	ssyncset.done $0x0  }
0x20: {  	p1 =	sne.s32 s30, s17;
	[sflag:s28] =	ssyncadd.s32 $0xFFFFC000  }
.Ltmp1:
0x21: {  	[bflag:$0x0] =	sbarrier.arrive $0xFFFF;
	(pc) =	sbr.rel @!p1 .LBB2_13-.Ltmp1, $4  }
0x22: {  	[hbm:s16], [sflag:s18] =	dma.local [spmem:s31], $0x2780  }
0x23: {  	_ =	swait.ge [sflag:s19], $0x2780  }
0x24: {  	[sflag:s19] =	ssyncset.done $0x0  }
0x25: {  	[sflag:s19] =	ssyncadd.s32 $0xFFFFD880  }
.LBB2_1:
.Ltmp2:
0x26: {  	(pc) =	sbr.rel @!p0 .LBB2_2-.Ltmp2, $2  }
0x27: {  	_ =	sdelay $0x2  }
0x28: {  	s31 =	sshrl.u32 s5, $0x3  }
0x29: {  	[spmem:s31], [sflag:s18] =	dma.local [hbm:s11], $0x2780  }
0x2a: {  	_ =	swait.ge [sflag:s19], $0x2780  }
0x2b: {  	[sflag:s19] =	ssyncset.done $0x0  }
0x2c: {  	[sflag:s19] =	ssyncadd.s32 $0xFFFFD880  }
0x2d: {  	[bflag:$0x0] =	sbarrier.arrive $0xFFFF  }
0x2e: {  	[tilespmem:s3], [sflag:$0x5] =	stream.linear.gather [hbm4b:s12+s3], $0x1400, $0x38;
	[tilespmem:$0x1E400] =	vst v63  }
0x2f: {  	_ =	swait.ge [sflag:s19], $0x1400  }
0x30: {  	[sflag:s19] =	ssyncset.done $0x0  }
0x31: {  	[sflag:s19] =	ssyncadd.s32 $0xFFFFEC00  }
0x32: {  	[tilespmem:s20], [sflag:$0x5] =	stream.linear.gather [hbm4b:s13+s3], $0x1400, $0x38;
	[tilespmem:$0x1E400] =	vst v63  }
0x33: {  	_ =	swait.ge [sflag:s19], $0x1400  }
0x34: {  	[sflag:s19] =	ssyncset.done $0x0  }
0x35: {  	[sflag:s19] =	ssyncadd.s32 $0xFFFFEC00  }
0x36: {  	[tilespmem:s22], [sflag:$0x1] =	stream.indirect.gather [hbm4b:s4+s21], $0x80, s3, s21, $0xb8;
	[tilespmem:$0x1E400] =	vst v63  }
0x37: {  	_ = 	snop  }
0x38: {  	[tilespmem:s23], [sflag:$0x2] =	stream.indirect.gather [hbm4b:s4+s21], $0x80, s21, s21, $0xb8;
	[tilespmem:$0x1E400] =	vst v63  }
0x39: {  	_ =	swait.ge [sflag:s24], $0x4000  }
0x3a: {  	[sflag:s24] =	ssyncset.done $0x0  }
0x3b: {  	[sflag:s24] =	ssyncadd.s32 $0xFFFFC000  }
0x3c: {  	[spmem:s2] =	stream.indirect.scatter.add.f32 [tilespmem:s22], [sflag:$0x3], $0x80, s20, s21, $0xb8;
	[tilespmem:$0x1E400] =	vst v63  }
0x3d: {  	_ =	swait.ge [sflag:s25], $0x4000  }
0x3e: {  	[sflag:s25] =	ssyncset.done $0x0  }
0x3f: {  	s0 =	simm.s32 $0x100;
	[sflag:s25] =	ssyncadd.s32 $0xFFFFC000  }
0x40: {  	[tilespmem:s22], [sflag:$0x1] =	stream.indirect.gather [hbm4b:s4+s21], $0x80, s0, s21, $0xb8;
	[tilespmem:$0x1E400] =	vst v63  }
0x41: {  	_ =	swait.ge [sflag:s26], $0x4000  }
0x42: {  	[sflag:s26] =	ssyncset.done $0x0  }
0x43: {  	s1 =	simm.s32 $0x1480;
	[sflag:s26] =	ssyncadd.s32 $0xFFFFC000  }
0x44: {  	[spmem:s2] =	stream.indirect.scatter.add.f32 [tilespmem:s23], [sflag:$0x4], $0x80, s1, s21, $0xb8;
	[tilespmem:$0x1E400] =	vst v63  }
0x45: {  	_ =	swait.ge [sflag:s28], $0x4000  }
0x46: {  	[sflag:s28] =	ssyncset.done $0x0  }
0x47: {  	s6 =	simm.s32 $0x180;
	[sflag:s28] =	ssyncadd.s32 $0xFFFFC000  }
0x48: {  	[tilespmem:s23], [sflag:$0x2] =	stream.indirect.gather [hbm4b:s4+s21], $0x80, s6, s21, $0xb8;
	[tilespmem:$0x1E400] =	vst v63  }
0x49: {  	_ =	swait.ge [sflag:s24], $0x4000  }
0x4a: {  	[sflag:s24] =	ssyncset.done $0x0  }
0x4b: {  	s0 =	simm.s32 $0xFFFFB800;
	s1 =	simm.s32 $0x1500;
	[sflag:s24] =	ssyncadd.s32 $0xFFFFC000  }
.LBB2_8:
0x4c: {  	[spmem:s2] =	stream.indirect.scatter.add.f32 [tilespmem:s22], [sflag:$0x3], $0x80, s1, s21, $0xb8;
	[tilespmem:$0x1E400] =	vst v63  }
0x4d: {  	s1 =	smov.u32 s0  }
0x4e: {  	p1 =	sne.s32 s0, $0xFFFFFC00;
	s0 =	sadd.s32 $0x400, s0;
	_ =	swait.ge [sflag:s25], $0x4000  }
0x4f: {  	s1 =	sshra.s32 s1, $0x2;
	[sflag:s25] =	ssyncset.done $0x0  }
0x50: {  	s6 =	sadd.s32 $0x1400, s1;
	[sflag:s25] =	ssyncadd.s32 $0xFFFFC000  }
0x51: {  	[tilespmem:s22], [sflag:$0x1] =	stream.indirect.gather [hbm4b:s4+s21], $0x80, s6, s21, $0xb8;
	[tilespmem:$0x1E400] =	vst v63  }
0x52: {  	_ =	swait.ge [sflag:s26], $0x4000  }
0x53: {  	[sflag:s26] =	ssyncset.done $0x0  }
0x54: {  	s6 =	sadd.s32 $0x2780, s1;
	[sflag:s26] =	ssyncadd.s32 $0xFFFFC000  }
0x55: {  	[spmem:s2] =	stream.indirect.scatter.add.f32 [tilespmem:s23], [sflag:$0x4], $0x80, s6, s21, $0xb8;
	[tilespmem:$0x1E400] =	vst v63  }
0x56: {  	_ =	swait.ge [sflag:s28], $0x4000  }
0x57: {  	[sflag:s28] =	ssyncset.done $0x0  }
.Ltmp3:
0x58: {  	s6 =	sadd.s32 $0x1480, s1;
	[sflag:s28] =	ssyncadd.s32 $0xFFFFC000;
	(pc) =	sbr.rel @p1 .LBB2_8-.Ltmp3, $4  }
0x59: {  	[tilespmem:s23], [sflag:$0x2] =	stream.indirect.gather [hbm4b:s4+s21], $0x80, s6, s21, $0xb8;
	[tilespmem:$0x1E400] =	vst v63  }
0x5a: {  	_ =	swait.ge [sflag:s24], $0x4000  }
0x5b: {  	[sflag:s24] =	ssyncset.done $0x0  }
0x5c: {  	s1 =	sadd.s32 $0x2800, s1;
	[sflag:s24] =	ssyncadd.s32 $0xFFFFC000  }
0x5d: {  	[spmem:s2] =	stream.indirect.scatter.add.f32 [tilespmem:s22], [sflag:$0x3], $0x80, s1, s21, $0xb8;
	[tilespmem:$0x1E400] =	vst v63  }
0x5e: {  	_ =	swait.ge [sflag:s25], $0x4000  }
0x5f: {  	[sflag:s25] =	ssyncset.done $0x0  }
0x60: {  	[sflag:s25] =	ssyncadd.s32 $0xFFFFC000  }
0x61: {  	_ =	swait.ge [sflag:s26], $0x4000  }
0x62: {  	[sflag:s26] =	ssyncset.done $0x0  }
0x63: {  	[sflag:s26] =	ssyncadd.s32 $0xFFFFC000  }
0x64: {  	[spmem:s2] =	stream.indirect.scatter.add.f32 [tilespmem:s23], [sflag:$0x4], $0x80, s29, s21, $0xb8;
	[tilespmem:$0x1E400] =	vst v63  }
0x65: {  	_ =	swait.ge [sflag:s28], $0x4000  }
0x66: {  	[sflag:s28] =	ssyncset.done $0x0  }
0x67: {  	[sflag:s28] =	ssyncadd.s32 $0xFFFFC000  }
0x68: {  	[tilespmem:s3], [sflag:$0x5] =	stream.linear.gather [hbm4b:s14+s3], $0x1400, $0x38;
	[tilespmem:$0x1E400] =	vst v63  }
0x69: {  	_ =	swait.ge [sflag:s19], $0x1400  }
0x6a: {  	[sflag:s19] =	ssyncset.done $0x0  }
0x6b: {  	[sflag:s19] =	ssyncadd.s32 $0xFFFFEC00  }
0x6c: {  	[tilespmem:s20], [sflag:$0x5] =	stream.linear.gather [hbm4b:s15+s3], $0x1400, $0x38;
	[tilespmem:$0x1E400] =	vst v63  }
0x6d: {  	_ =	swait.ge [sflag:s19], $0x1400  }
0x6e: {  	[sflag:s19] =	ssyncset.done $0x0  }
0x6f: {  	[sflag:s19] =	ssyncadd.s32 $0xFFFFEC00  }
0x70: {  	[tilespmem:s22], [sflag:$0x1] =	stream.indirect.gather [hbm4b:s4+s21], $0x80, s3, s21, $0xb8;
	[tilespmem:$0x1E400] =	vst v63  }
0x71: {  	_ = 	snop  }
0x72: {  	[tilespmem:s23], [sflag:$0x2] =	stream.indirect.gather [hbm4b:s4+s21], $0x80, s21, s21, $0xb8;
	[tilespmem:$0x1E400] =	vst v63  }
0x73: {  	_ =	swait.ge [sflag:s24], $0x4000  }
0x74: {  	[sflag:s24] =	ssyncset.done $0x0  }
0x75: {  	[sflag:s24] =	ssyncadd.s32 $0xFFFFC000  }
0x76: {  	[spmem:s2] =	stream.indirect.scatter.add.f32 [tilespmem:s22], [sflag:$0x3], $0x80, s20, s21, $0xb8;
	[tilespmem:$0x1E400] =	vst v63  }
0x77: {  	_ =	swait.ge [sflag:s25], $0x4000  }
0x78: {  	[sflag:s25] =	ssyncset.done $0x0  }
0x79: {  	s0 =	simm.s32 $0x100;
	[sflag:s25] =	ssyncadd.s32 $0xFFFFC000  }
0x7a: {  	[tilespmem:s22], [sflag:$0x1] =	stream.indirect.gather [hbm4b:s4+s21], $0x80, s0, s21, $0xb8;
	[tilespmem:$0x1E400] =	vst v63  }
0x7b: {  	_ =	swait.ge [sflag:s26], $0x4000  }
0x7c: {  	[sflag:s26] =	ssyncset.done $0x0  }
0x7d: {  	s1 =	simm.s32 $0x1480;
	[sflag:s26] =	ssyncadd.s32 $0xFFFFC000  }
0x7e: {  	[spmem:s2] =	stream.indirect.scatter.add.f32 [tilespmem:s23], [sflag:$0x4], $0x80, s1, s21, $0xb8;
	[tilespmem:$0x1E400] =	vst v63  }
0x7f: {  	_ =	swait.ge [sflag:s28], $0x4000  }
0x80: {  	[sflag:s28] =	ssyncset.done $0x0  }
0x81: {  	s6 =	simm.s32 $0x180;
	[sflag:s28] =	ssyncadd.s32 $0xFFFFC000  }
0x82: {  	[tilespmem:s23], [sflag:$0x2] =	stream.indirect.gather [hbm4b:s4+s21], $0x80, s6, s21, $0xb8;
	[tilespmem:$0x1E400] =	vst v63  }
0x83: {  	_ =	swait.ge [sflag:s24], $0x4000  }
0x84: {  	[sflag:s24] =	ssyncset.done $0x0  }
0x85: {  	s0 =	simm.s32 $0xFFFFB800;
	s1 =	simm.s32 $0x1500;
	[sflag:s24] =	ssyncadd.s32 $0xFFFFC000  }
.LBB2_10:
0x86: {  	[spmem:s2] =	stream.indirect.scatter.add.f32 [tilespmem:s22], [sflag:$0x3], $0x80, s1, s21, $0xb8;
	[tilespmem:$0x1E400] =	vst v63  }
0x87: {  	s1 =	smov.u32 s0  }
0x88: {  	p1 =	seq.s32 s0, $0xFFFFFC00;
	s0 =	sadd.s32 $0x400, s0;
	_ =	swait.ge [sflag:s25], $0x4000  }
0x89: {  	s1 =	sshra.s32 s1, $0x2;
	[sflag:s25] =	ssyncset.done $0x0  }
0x8a: {  	s6 =	sadd.s32 $0x1400, s1;
	[sflag:s25] =	ssyncadd.s32 $0xFFFFC000  }
0x8b: {  	[tilespmem:s22], [sflag:$0x1] =	stream.indirect.gather [hbm4b:s4+s21], $0x80, s6, s21, $0xb8;
	[tilespmem:$0x1E400] =	vst v63  }
0x8c: {  	_ =	swait.ge [sflag:s26], $0x4000  }
0x8d: {  	[sflag:s26] =	ssyncset.done $0x0  }
0x8e: {  	s6 =	sadd.s32 $0x2780, s1;
	[sflag:s26] =	ssyncadd.s32 $0xFFFFC000  }
0x8f: {  	[spmem:s2] =	stream.indirect.scatter.add.f32 [tilespmem:s23], [sflag:$0x4], $0x80, s6, s21, $0xb8;
	[tilespmem:$0x1E400] =	vst v63  }
0x90: {  	_ =	swait.ge [sflag:s28], $0x4000  }
0x91: {  	[sflag:s28] =	ssyncset.done $0x0  }
.Ltmp4:
0x92: {  	s6 =	sadd.s32 $0x1480, s1;
	[sflag:s28] =	ssyncadd.s32 $0xFFFFC000;
	(pc) =	sbr.rel @!p1 .LBB2_10-.Ltmp4, $4  }
0x93: {  	[tilespmem:s23], [sflag:$0x2] =	stream.indirect.gather [hbm4b:s4+s21], $0x80, s6, s21, $0xb8;
	[tilespmem:$0x1E400] =	vst v63  }
0x94: {  	_ =	swait.ge [sflag:s24], $0x4000  }
0x95: {  	[sflag:s24] =	ssyncset.done $0x0  }
0x96: {  	s1 =	sadd.s32 $0x2800, s1;
	[sflag:s24] =	ssyncadd.s32 $0xFFFFC000  }
.Ltmp5:
0x97: {  	_ = 	snop;
	(pc) =	sbr.rel .LBB2_11-.Ltmp5, $1  }
0x98: {  	_ =	sdelay $0x3  }
.LBB2_2:
0x99: {  	s0 =	rddreg [dreg:$0x3]  }
0x9a: {  	[spmem:s31], [sflag:s18] =	dma.local [hbm:s0], $0x2780  }
0x9b: {  	_ =	swait.ge [sflag:s19], $0x2780  }
0x9c: {  	[sflag:s19] =	ssyncset.done $0x0  }
0x9d: {  	[sflag:s19] =	ssyncadd.s32 $0xFFFFD880  }
0x9e: {  	[bflag:$0x0] =	sbarrier.arrive $0xFFFF  }
0x9f: {  	[tilespmem:s3], [sflag:$0x5] =	stream.linear.gather [hbm4b:s7+s3], $0x1400, $0x38;
	[tilespmem:$0x1E400] =	vst v63  }
0xa0: {  	_ =	swait.ge [sflag:s19], $0x1400  }
0xa1: {  	[sflag:s19] =	ssyncset.done $0x0  }
0xa2: {  	[sflag:s19] =	ssyncadd.s32 $0xFFFFEC00  }
0xa3: {  	[tilespmem:s20], [sflag:$0x5] =	stream.linear.gather [hbm4b:s8+s3], $0x1400, $0x38;
	[tilespmem:$0x1E400] =	vst v63  }
0xa4: {  	_ =	swait.ge [sflag:s19], $0x1400  }
0xa5: {  	[sflag:s19] =	ssyncset.done $0x0  }
0xa6: {  	[sflag:s19] =	ssyncadd.s32 $0xFFFFEC00  }
0xa7: {  	[tilespmem:s22], [sflag:$0x1] =	stream.indirect.gather [hbm4b:s4+s21], $0x80, s3, s21, $0xb8;
	[tilespmem:$0x1E400] =	vst v63  }
0xa8: {  	_ = 	snop  }
0xa9: {  	[tilespmem:s23], [sflag:$0x2] =	stream.indirect.gather [hbm4b:s4+s21], $0x80, s21, s21, $0xb8;
	[tilespmem:$0x1E400] =	vst v63  }
0xaa: {  	_ =	swait.ge [sflag:s24], $0x4000  }
0xab: {  	[sflag:s24] =	ssyncset.done $0x0  }
0xac: {  	[sflag:s24] =	ssyncadd.s32 $0xFFFFC000  }
0xad: {  	[spmem:s2] =	stream.indirect.scatter.add.f32 [tilespmem:s22], [sflag:$0x3], $0x80, s20, s21, $0xb8;
	[tilespmem:$0x1E400] =	vst v63  }
0xae: {  	_ =	swait.ge [sflag:s25], $0x4000  }
0xaf: {  	[sflag:s25] =	ssyncset.done $0x0  }
0xb0: {  	s6 =	simm.s32 $0x100;
	[sflag:s25] =	ssyncadd.s32 $0xFFFFC000  }
0xb1: {  	[tilespmem:s22], [sflag:$0x1] =	stream.indirect.gather [hbm4b:s4+s21], $0x80, s6, s21, $0xb8;
	[tilespmem:$0x1E400] =	vst v63  }
0xb2: {  	_ =	swait.ge [sflag:s26], $0x4000  }
0xb3: {  	[sflag:s26] =	ssyncset.done $0x0  }
0xb4: {  	s1 =	simm.s32 $0x1480;
	[sflag:s26] =	ssyncadd.s32 $0xFFFFC000  }
0xb5: {  	[spmem:s2] =	stream.indirect.scatter.add.f32 [tilespmem:s23], [sflag:$0x4], $0x80, s1, s21, $0xb8;
	[tilespmem:$0x1E400] =	vst v63  }
0xb6: {  	_ =	swait.ge [sflag:s28], $0x4000  }
0xb7: {  	[sflag:s28] =	ssyncset.done $0x0  }
0xb8: {  	s6 =	simm.s32 $0x180;
	[sflag:s28] =	ssyncadd.s32 $0xFFFFC000  }
0xb9: {  	[tilespmem:s23], [sflag:$0x2] =	stream.indirect.gather [hbm4b:s4+s21], $0x80, s6, s21, $0xb8;
	[tilespmem:$0x1E400] =	vst v63  }
0xba: {  	_ =	swait.ge [sflag:s24], $0x4000  }
0xbb: {  	[sflag:s24] =	ssyncset.done $0x0  }
0xbc: {  	s0 =	simm.s32 $0xFFFFB800;
	s1 =	simm.s32 $0x1500;
	[sflag:s24] =	ssyncadd.s32 $0xFFFFC000  }
.LBB2_3:
0xbd: {  	[spmem:s2] =	stream.indirect.scatter.add.f32 [tilespmem:s22], [sflag:$0x3], $0x80, s1, s21, $0xb8;
	[tilespmem:$0x1E400] =	vst v63  }
0xbe: {  	s1 =	smov.u32 s0  }
0xbf: {  	p1 =	sne.s32 s0, $0xFFFFFC00;
	s0 =	sadd.s32 $0x400, s0;
	_ =	swait.ge [sflag:s25], $0x4000  }
0xc0: {  	s1 =	sshra.s32 s1, $0x2;
	[sflag:s25] =	ssyncset.done $0x0  }
0xc1: {  	s6 =	sadd.s32 $0x1400, s1;
	[sflag:s25] =	ssyncadd.s32 $0xFFFFC000  }
0xc2: {  	[tilespmem:s22], [sflag:$0x1] =	stream.indirect.gather [hbm4b:s4+s21], $0x80, s6, s21, $0xb8;
	[tilespmem:$0x1E400] =	vst v63  }
0xc3: {  	_ =	swait.ge [sflag:s26], $0x4000  }
0xc4: {  	[sflag:s26] =	ssyncset.done $0x0  }
0xc5: {  	s6 =	sadd.s32 $0x2780, s1;
	[sflag:s26] =	ssyncadd.s32 $0xFFFFC000  }
0xc6: {  	[spmem:s2] =	stream.indirect.scatter.add.f32 [tilespmem:s23], [sflag:$0x4], $0x80, s6, s21, $0xb8;
	[tilespmem:$0x1E400] =	vst v63  }
0xc7: {  	_ =	swait.ge [sflag:s28], $0x4000  }
0xc8: {  	[sflag:s28] =	ssyncset.done $0x0  }
.Ltmp6:
0xc9: {  	s6 =	sadd.s32 $0x1480, s1;
	[sflag:s28] =	ssyncadd.s32 $0xFFFFC000;
	(pc) =	sbr.rel @p1 .LBB2_3-.Ltmp6, $4  }
0xca: {  	[tilespmem:s23], [sflag:$0x2] =	stream.indirect.gather [hbm4b:s4+s21], $0x80, s6, s21, $0xb8;
	[tilespmem:$0x1E400] =	vst v63  }
0xcb: {  	_ =	swait.ge [sflag:s24], $0x4000  }
0xcc: {  	[sflag:s24] =	ssyncset.done $0x0  }
0xcd: {  	s1 =	sadd.s32 $0x2800, s1;
	[sflag:s24] =	ssyncadd.s32 $0xFFFFC000  }
0xce: {  	[spmem:s2] =	stream.indirect.scatter.add.f32 [tilespmem:s22], [sflag:$0x3], $0x80, s1, s21, $0xb8;
	[tilespmem:$0x1E400] =	vst v63  }
0xcf: {  	_ =	swait.ge [sflag:s25], $0x4000  }
0xd0: {  	[sflag:s25] =	ssyncset.done $0x0  }
0xd1: {  	[sflag:s25] =	ssyncadd.s32 $0xFFFFC000  }
0xd2: {  	_ =	swait.ge [sflag:s26], $0x4000  }
0xd3: {  	[sflag:s26] =	ssyncset.done $0x0  }
0xd4: {  	[sflag:s26] =	ssyncadd.s32 $0xFFFFC000  }
0xd5: {  	[spmem:s2] =	stream.indirect.scatter.add.f32 [tilespmem:s23], [sflag:$0x4], $0x80, s29, s21, $0xb8;
	[tilespmem:$0x1E400] =	vst v63  }
0xd6: {  	_ =	swait.ge [sflag:s28], $0x4000  }
0xd7: {  	[sflag:s28] =	ssyncset.done $0x0  }
0xd8: {  	[sflag:s28] =	ssyncadd.s32 $0xFFFFC000  }
0xd9: {  	[tilespmem:s3], [sflag:$0x5] =	stream.linear.gather [hbm4b:s9+s3], $0x1400, $0x38;
	[tilespmem:$0x1E400] =	vst v63  }
0xda: {  	_ =	swait.ge [sflag:s19], $0x1400  }
0xdb: {  	[sflag:s19] =	ssyncset.done $0x0  }
0xdc: {  	[sflag:s19] =	ssyncadd.s32 $0xFFFFEC00  }
0xdd: {  	[tilespmem:s20], [sflag:$0x5] =	stream.linear.gather [hbm4b:s10+s3], $0x1400, $0x38;
	[tilespmem:$0x1E400] =	vst v63  }
0xde: {  	_ =	swait.ge [sflag:s19], $0x1400  }
0xdf: {  	[sflag:s19] =	ssyncset.done $0x0  }
0xe0: {  	[sflag:s19] =	ssyncadd.s32 $0xFFFFEC00  }
0xe1: {  	[tilespmem:s22], [sflag:$0x1] =	stream.indirect.gather [hbm4b:s4+s21], $0x80, s3, s21, $0xb8;
	[tilespmem:$0x1E400] =	vst v63  }
0xe2: {  	_ = 	snop  }
0xe3: {  	[tilespmem:s23], [sflag:$0x2] =	stream.indirect.gather [hbm4b:s4+s21], $0x80, s21, s21, $0xb8;
	[tilespmem:$0x1E400] =	vst v63  }
0xe4: {  	_ =	swait.ge [sflag:s24], $0x4000  }
0xe5: {  	[sflag:s24] =	ssyncset.done $0x0  }
0xe6: {  	[sflag:s24] =	ssyncadd.s32 $0xFFFFC000  }
0xe7: {  	[spmem:s2] =	stream.indirect.scatter.add.f32 [tilespmem:s22], [sflag:$0x3], $0x80, s20, s21, $0xb8;
	[tilespmem:$0x1E400] =	vst v63  }
0xe8: {  	_ =	swait.ge [sflag:s25], $0x4000  }
0xe9: {  	[sflag:s25] =	ssyncset.done $0x0  }
0xea: {  	s0 =	simm.s32 $0x100;
	[sflag:s25] =	ssyncadd.s32 $0xFFFFC000  }
0xeb: {  	[tilespmem:s22], [sflag:$0x1] =	stream.indirect.gather [hbm4b:s4+s21], $0x80, s0, s21, $0xb8;
	[tilespmem:$0x1E400] =	vst v63  }
0xec: {  	_ =	swait.ge [sflag:s26], $0x4000  }
0xed: {  	[sflag:s26] =	ssyncset.done $0x0  }
0xee: {  	s1 =	simm.s32 $0x1480;
	[sflag:s26] =	ssyncadd.s32 $0xFFFFC000  }
0xef: {  	[spmem:s2] =	stream.indirect.scatter.add.f32 [tilespmem:s23], [sflag:$0x4], $0x80, s1, s21, $0xb8;
	[tilespmem:$0x1E400] =	vst v63  }
0xf0: {  	_ =	swait.ge [sflag:s28], $0x4000  }
0xf1: {  	[sflag:s28] =	ssyncset.done $0x0  }
0xf2: {  	s6 =	simm.s32 $0x180;
	[sflag:s28] =	ssyncadd.s32 $0xFFFFC000  }
0xf3: {  	[tilespmem:s23], [sflag:$0x2] =	stream.indirect.gather [hbm4b:s4+s21], $0x80, s6, s21, $0xb8;
	[tilespmem:$0x1E400] =	vst v63  }
0xf4: {  	_ =	swait.ge [sflag:s24], $0x4000  }
0xf5: {  	[sflag:s24] =	ssyncset.done $0x0  }
0xf6: {  	s0 =	simm.s32 $0xFFFFB800;
	s1 =	simm.s32 $0x1500;
	[sflag:s24] =	ssyncadd.s32 $0xFFFFC000  }
.LBB2_5:
0xf7: {  	[spmem:s2] =	stream.indirect.scatter.add.f32 [tilespmem:s22], [sflag:$0x3], $0x80, s1, s21, $0xb8;
	[tilespmem:$0x1E400] =	vst v63  }
0xf8: {  	s1 =	smov.u32 s0  }
0xf9: {  	p1 =	sne.s32 s0, $0xFFFFFC00;
	s0 =	sadd.s32 $0x400, s0;
	_ =	swait.ge [sflag:s25], $0x4000  }
0xfa: {  	s1 =	sshra.s32 s1, $0x2;
	[sflag:s25] =	ssyncset.done $0x0  }
0xfb: {  	s6 =	sadd.s32 $0x1400, s1;
	[sflag:s25] =	ssyncadd.s32 $0xFFFFC000  }
0xfc: {  	[tilespmem:s22], [sflag:$0x1] =	stream.indirect.gather [hbm4b:s4+s21], $0x80, s6, s21, $0xb8;
	[tilespmem:$0x1E400] =	vst v63  }
0xfd: {  	_ =	swait.ge [sflag:s26], $0x4000  }
0xfe: {  	[sflag:s26] =	ssyncset.done $0x0  }
0xff: {  	s6 =	sadd.s32 $0x2780, s1;
	[sflag:s26] =	ssyncadd.s32 $0xFFFFC000  }
0x100: {  	[spmem:s2] =	stream.indirect.scatter.add.f32 [tilespmem:s23], [sflag:$0x4], $0x80, s6, s21, $0xb8;
	[tilespmem:$0x1E400] =	vst v63  }
0x101: {  	_ =	swait.ge [sflag:s28], $0x4000  }
0x102: {  	[sflag:s28] =	ssyncset.done $0x0  }
.Ltmp7:
0x103: {  	s6 =	sadd.s32 $0x1480, s1;
	[sflag:s28] =	ssyncadd.s32 $0xFFFFC000;
	(pc) =	sbr.rel @p1 .LBB2_5-.Ltmp7, $4  }
0x104: {  	[tilespmem:s23], [sflag:$0x2] =	stream.indirect.gather [hbm4b:s4+s21], $0x80, s6, s21, $0xb8;
	[tilespmem:$0x1E400] =	vst v63  }
0x105: {  	_ =	swait.ge [sflag:s24], $0x4000  }
0x106: {  	[sflag:s24] =	ssyncset.done $0x0  }
0x107: {  	s1 =	sadd.s32 $0x2800, s1;
	[sflag:s24] =	ssyncadd.s32 $0xFFFFC000  }
.Ltmp8:
0x108: {  	(pc) =	sbr.rel .LBB2_12-.Ltmp8, $2  }
0x109: {  	_ =	sdelay $0x2  }
0x10a: {  	[spmem:s2] =	stream.indirect.scatter.add.f32 [tilespmem:s22], [sflag:$0x3], $0x80, s1, s21, $0xb8;
	[tilespmem:$0x1E400] =	vst v63  }
.LBB2_13:
0x10b: {  	_ =	sfence.sel $0x180000  }
0x10c: {  	[bflag:$0x0] =	sbarrier.arrive $0xFFFF  }
0x10d: {  	_ =	strace $0x9000004D  }
0x10e: {  	s0 =	stileid.u32;
	[bflag:$0x2] =	sbarrier.arrive $0xFFFF  }
0x10f: {  	p0 =	sne.s32 s0, $0x0;
	s0 =	rddreg [dreg:$0x2]  }
0x110: {  	s0 =	sadd.s32 @!p0 $0x100000, s0  }
0x111: {  	[sflag:s0] =	ssyncadd.tile.s32 @!p0 $0x1;
	_ =	shalt  }
.Lfunc_end2:
_tile_overlayer_lowered:
.L_overlay_start_2:
0x112: {  	(tag) =	ssettag $0x2  }
0x113: {  	s0 =	rddreg [dreg:$0x0];
	s2 =	stileid.u32  }
0x114: {  	s1 =	rddreg [dreg:$0x1];
	p0 =	sne.s32 s2, $0x0  }
0x115: {  	s3 =	rddreg [dreg:$0x2];
	[bflag:$0x3] =	sbarrier.arrive $0xFFFF;
	s2 =	simm.s32 @!p0 $0x1C05  }
0x116: {  	[timem:s3], [sflag:s2] =	dma.local @!p0 [hbm:s0], s1  }
0x117: {  	s0 =	simm.s32 @!p0 $0x5  }
0x118: {  	_ =	swait.ge @!p0 [sflag:s0], s1  }
0x119: {  	s1 =	ssub.s32 @!p0 $0x0, s1;
	[sflag:s0] =	ssyncset.done @!p0 $0x0  }
0x11a: {  	[sflag:s0] =	ssyncadd.s32 @!p0 s1  }
0x11b: {  	[bflag:$0x3] =	sbarrier.arrive $0xFFFF  }
0x11c: {  	_ =	shalt  }

// kernel: kernel.19.cloned.1.call-start
scs
__scs_entry_jumppad:
0x0: {  	(pc) =	sbr.rel $0x88, $3  }
0x1: {  	(tag) =	ssettag $0x0;
	lr =	simm.s32 $0x1  }
0x2: {  	[smem:$0x3F92] =	sst lr;
	_ =	strace $0xD0000000  }
0x3: {  	_ = 	snop  }
0x4: {  	_ = 	snop  }
0x5: {  	_ = 	snop  }
0x6: {  	_ = 	snop  }
0x7: {  	_ = 	snop  }
__scs_overlays_trampoline_lowered:
0x8: {  	[smem:$0x3FA1] =	sst s0  }
0x9: {  	[smem:$0x3FA2] =	sst s1  }
0xa: {  	[smem:$0x3FA3] =	sst s2  }
0xb: {  	[smem:$0x3FA4] =	sst s3  }
0xc: {  	[smem:$0x3FA5] =	sst s4  }
0xd: {  	[smem:$0x3FA6] =	sst s5  }
0xe: {  	[smem:$0x3FA7] =	sst s6  }
0xf: {  	[smem:$0x3FA8] =	sst s7  }
0x10: {  	[smem:$0x3FA9] =	sst s8  }
0x11: {  	[smem:$0x3FAA] =	sst s9;
	s0 =	simm.s32 @!p0 $0x0  }
0x12: {  	s1 =	sld [smem:$0x3F90];
	s0 =	simm.s32 @p0 $0x1  }
0x13: {  	[smem:$0x3FAB] =	sst s0;
	s0 =	simm.s32 @!p1 $0x0  }
0x14: {  	s2 =	sld [smem:$0x3F8F];
	s0 =	simm.s32 @p1 $0x1  }
0x15: {  	[smem:$0x3FAC] =	sst s0;
	s0 =	simm.s32 @!p2 $0x0  }
0x16: {  	s3 =	sld [smem:$0x3FDB];
	s0 =	simm.s32 @p2 $0x1  }
0x17: {  	s4 =	simm.s32 $0x1BF5;
	[smem:$0x3FAE] =	sst s0  }
0x18: {  	s0 =	sld [smem:$0x3F91];
	_ =	swait.ge [sflag:s4], $0x0  }
0x19: {  	s7 =	sld [smem:$0x3F92]  }
0x1a: {  	s8 =	sadd.s32 $0xFFFFE003, lr  }
0x1b: {  	s9 =	sadd.s32 $0xFFFFFEF7, lr;
	s5 =	simm.s32 $0xFFFFFFFF;
	p2 =	slt.u32 s8, $0xFFFFF086  }
0x1c: {  	p1 =	slt.u32 s9, $0xF7A;
	s5 =	simm.s32 @!p2 $0x0  }
0x1d: {  	s5 =	simm.s32 @p1 $0x1;
	p0 =	seq.s32 s7, s2  }
0x1e: {  	s7 =	smul.u32 @!p0 $0xF7A, s2;
	p2 =	seq.s32 @!p0 s5, $0x0  }
0x1f: {  	s9 =	smul.u32 $0xF7A, s1;
	s8 =	simm.s32 @!p0 $0x1BF5;
	p2 =	por !p2, p0  }
0x20: {  	[sflag:s8] =	ssyncset.s32 @!p0 $0xFFFFF086;
	s6 =	sadd.s32 @!p0 s3, s7;
	s7 =	simm.s32 @!p0 $0x108  }
0x21: {  	s3 =	sadd.s32 s3, s9;
	s6 =	sadd.s32 @!p0 $0x88, s6;
	s7 =	simm.s32 @p2 $0x1082  }
0x22: {  	[simem:s7], [sflag:s8] =	dma.local @!p0 [hbm:s6], $0xF7A  }
0x23: {  	s9 =	sor.u32 $0xD0000000, s2;
	s6 =	simm.s32 $0x108;
	_ =	swait.ge @!p0 [sflag:s8], $0x0  }
0x24: {  	s3 =	sadd.s32 $0x88, s3;
	s6 =	simm.s32 @!p1 $0x1082;
	[sflag:s4] =	ssyncset.s32 $0xFFFFF086  }
0x25: {  	[simem:s6], [sflag:s4] =	dma.local [hbm:s3], $0xF7A  }
0x26: {  	[smem:$0x3F92] =	sst s1;
	(tag) =	ssettag s2;
	_ =	strace s9  }
0x27: {  	s1 =	sld [smem:$0x3FA2]  }
0x28: {  	s2 =	sld [smem:$0x3FA3]  }
0x29: {  	s4 =	sld [smem:$0x3FA5]  }
0x2a: {  	p0 =	seq.s32 s5, $0x0;
	s5 =	sld [smem:$0x3FA6]  }
0x2b: {  	s6 =	sld [smem:$0x3FA7]  }
0x2c: {  	s7 =	sld [smem:$0x3FA8]  }
0x2d: {  	s3 =	simm.s32 $0x108;
	s8 =	sld [smem:$0x3FA9]  }
0x2e: {  	s3 =	simm.s32 @!p0 $0x1082;
	s9 =	sld [smem:$0x3FAA]  }
0x2f: {  	lr =	sadd.s32 s0, s3;
	s0 =	sld [smem:$0x3FA1]  }
0x30: {  	s3 =	sld [smem:$0x3FA4]  }
0x31: {  	[smem:$0x3FAD] =	sst s10  }
0x32: {  	s10 =	sld [smem:$0x3FAB];
	_ =	sdelay $0x3  }
0x33: {  	p0 =	seq.s32 s10, $0x1;
	s10 =	sld [smem:$0x3FAD];
	_ =	sdelay $0x3  }
0x34: {  	[smem:$0x3FAD] =	sst s10  }
0x35: {  	s10 =	sld [smem:$0x3FAC];
	_ =	sdelay $0x3  }
0x36: {  	p1 =	seq.s32 s10, $0x1;
	s10 =	sld [smem:$0x3FAD];
	_ =	sdelay $0x3  }
0x37: {  	[smem:$0x3FAD] =	sst s10  }
0x38: {  	s10 =	sld [smem:$0x3FAE]  }
0x39: {  	_ = 	snop;
	(pc) =	sbr.ind lr, $3  }
0x3a: {  	_ = 	snop  }
0x3b: {  	_ = 	snop  }
0x3c: {  	p2 =	seq.s32 s10, $0x1;
	s10 =	sld [smem:$0x3FAD]  }
0x3d: {  	_ =	shalt  }
0x3e: {  	_ =	shalt  }
0x3f: {  	_ =	shalt  }
0x40: {  	_ =	shalt  }
0x41: {  	_ =	shalt  }
0x42: {  	_ =	shalt  }
0x43: {  	_ =	shalt  }
0x44: {  	_ =	shalt  }
0x45: {  	_ =	shalt  }
0x46: {  	_ =	shalt  }
0x47: {  	_ =	shalt  }
0x48: {  	_ =	shalt  }
0x49: {  	_ =	shalt  }
0x4a: {  	_ =	shalt  }
0x4b: {  	_ =	shalt  }
0x4c: {  	_ =	shalt  }
0x4d: {  	_ =	shalt  }
0x4e: {  	_ =	shalt  }
0x4f: {  	_ =	shalt  }
0x50: {  	_ =	shalt  }
0x51: {  	_ =	shalt  }
0x52: {  	_ =	shalt  }
0x53: {  	_ =	shalt  }
0x54: {  	_ =	shalt  }
0x55: {  	_ =	shalt  }
0x56: {  	_ =	shalt  }
0x57: {  	_ =	shalt  }
0x58: {  	_ =	shalt  }
0x59: {  	_ =	shalt  }
0x5a: {  	_ =	shalt  }
0x5b: {  	_ =	shalt  }
0x5c: {  	_ =	shalt  }
0x5d: {  	_ =	shalt  }
0x5e: {  	_ =	shalt  }
0x5f: {  	_ =	shalt  }
0x60: {  	_ =	shalt  }
0x61: {  	_ =	shalt  }
0x62: {  	_ =	shalt  }
0x63: {  	_ =	shalt  }
0x64: {  	_ =	shalt  }
0x65: {  	_ =	shalt  }
0x66: {  	_ =	shalt  }
0x67: {  	_ =	shalt  }
0x68: {  	_ =	shalt  }
0x69: {  	_ =	shalt  }
0x6a: {  	_ =	shalt  }
0x6b: {  	_ =	shalt  }
0x6c: {  	_ =	shalt  }
0x6d: {  	_ =	shalt  }
0x6e: {  	_ =	shalt  }
0x6f: {  	_ =	shalt  }
0x70: {  	_ =	shalt  }
0x71: {  	_ =	shalt  }
0x72: {  	_ =	shalt  }
0x73: {  	_ =	shalt  }
0x74: {  	_ =	shalt  }
0x75: {  	_ =	shalt  }
0x76: {  	_ =	shalt  }
0x77: {  	_ =	shalt  }
0x78: {  	_ =	shalt  }
0x79: {  	_ =	shalt  }
0x7a: {  	_ =	shalt  }
0x7b: {  	_ =	shalt  }
0x7c: {  	_ =	shalt  }
0x7d: {  	_ =	shalt  }
0x7e: {  	_ =	shalt  }
0x7f: {  	_ =	shalt  }
0x80: {  	_ =	shalt  }
0x81: {  	_ =	shalt  }
0x82: {  	_ =	shalt  }
0x83: {  	_ =	shalt  }
0x84: {  	_ =	shalt  }
0x85: {  	_ =	shalt  }
0x86: {  	_ =	shalt  }
0x87: {  	_ =	shalt  }
.Lfunc_end0:
.L_simem_size_0:
called_computation.3_lowered:
.L_overlay_start_0:
0x88: {  	s2 =	sld [smem:$0x3FD9]  }
0x89: {  	s3 =	sld [smem:$0x3FFE];
	_ =	sdelay $0x1  }
0x8a: {  	s1 =	srdreg.scid  }
0x8b: {  	s0 =	sand.u32 $0x1, s1  }
0x8c: {  	s16 =	sshll.u32 s0, $0xA;
	s2 =	sadd.s32 s3, s2  }
0x8d: {  	s2 =	sadd.s32 s2, s16  }
0x8e: {  	[smem:$0x3FB9] =	sst s2  }
0x8f: {  	_ = 	snop  }
0x90: {  	(tm) =	ssettm $0x1  }
0x91: {  	s17 =	sld [smem:$0x3FFB];
	_ =	sdelay $0x3  }
0x92: {  	_ =	strace s17  }
0x93: {  	s2 =	sld [smem:$0x3FFC];
	_ =	sdelay $0x3  }
0x94: {  	_ =	strace s2  }
0x95: {  	s2 =	sld [smem:$0x3FFD];
	_ =	sdelay $0x3  }
0x96: {  	_ =	strace s2  }
0x97: {  	_ =	strace $0x8FFFFFFF  }
0x98: {  	s18 =	sld [smem:$0x3FDB];
	_ =	sdelay $0x1  }
0x99: {  	s19 =	simm.s32 $_scs_section_size  }
0x9a: {  	s4 =	simm.s32 $_size__tile_overlayer_lowered;
	s5 =	simm.s32 $_tile_overlayer_lowered  }
0x9b: {  	s22 =	simm.s32 $0x1BFF;
	s21 =	sshll.u32 s5, $0x1;
	s2 =	sadd.s32 s19, s18  }
0x9c: {  	s6 =	simm.s32 $0x0;
	s20 =	sshll.u32 s4, $0x1;
	s4 =	sadd.s32 s21, s2  }
0x9d: {  	[timem:s6], [sflag:s22] =	dma.local [hbm:s4], s20  }
0x9e: {  	_ =	swait.ge [sflag:s22], s20  }
0x9f: {  	s3 =	ssub.s32 $0x0, s20;
	[sflag:s22] =	ssyncset.done $0x0  }
0xa0: {  	[sflag:s22] =	ssyncadd.s32 s3;
	_ =	sdelay $0x1  }
0xa1: {  	s23 =	simm.s32 $0x1B8B  }
0xa2: {  	_ =	swait.ge [sflag:s23], $0x1  }
0xa3: {  	[sflag:s23] =	ssyncset.done $0x0  }
0xa4: {  	s25 =	simm.s32 $0x1B8E;
	s24 =	sld [smem:$0x3FFE];
	[sflag:s23] =	ssyncadd.s32 $0xFFFFFFFF  }
0xa5: {  	s26 =	simm.s32 $execute0_lowered;
	[smem:$0x3FD2] =	sst s25  }
0xa6: {  	s4 =	sshll.u32 s26, $0x1;
	_ =	strace $0x8000004F;
	[dreg:$0x1] =	wrdreg $0xFFFFFFFF  }
0xa7: {  	s28 =	simm.s32 $_size_execute0_lowered;
	s2 =	sadd.s32 s2, s4;
	[dreg:$0x0] =	wrdreg $0x0  }
0xa8: {  	s4 =	sshll.u32 s28, $0x1;
	[dreg:$0x2] =	wrdreg s2  }
0xa9: {  	[dreg:$0x3] =	wrdreg s4  }
0xaa: {  	[dreg:$0x4] =	wrdreg $0xC0  }
0xab: {  	_ =	task [dreg:s6], $0x5FFFF  }
0xac: {  	[dreg:$0x1] =	wrdreg $0xFFFFFFFF  }
0xad: {  	[dreg:$0x0] =	wrdreg $0x60  }
0xae: {  	[dreg:$0x2] =	wrdreg s24  }
0xaf: {  	[dreg:$0x3] =	wrdreg $0xA8000  }
0xb0: {  	[dreg:$0x4] =	wrdreg $0x9  }
0xb1: {  	_ =	task.clear_ibuf [dreg:s6], $0x5FFFF;
	_ =	strace $0x9000004F  }
0xb2: {  	s29 =	simm.s32 $0x9;
	_ =	strace $0x80000051  }
0xb3: {  	_ =	swait.ge [sflag:s29], $0x1  }
0xb4: {  	[sflag:s29] =	ssyncadd.s32 $0xFFFFFFFF  }
0xb5: {  	_ =	strace $0x90000051  }
0xb6: {  	_ =	sfence  }
0xb7: {  	s30 =	sld [smem:$0x0];
	_ =	sdelay $0x2  }
0xb8: {  	s31 =	sshll.u32 s1, $0xD;
	s1 =	sshrl.u32 s1, $0x2  }
0xb9: {  	s3 =	sand.u32 $0x4000, s31;
	s1 =	sadd.s32 s1, s30  }
0xba: {  	s0 =	sor.u32 s3, s0;
	s1 =	sshll.u32 s1, $0x11  }
0xbb: {  	s0 =	sor.u32 s1, s0  }
0xbc: {  	s0 =	sadd.s32 $0x8F2B, s0  }
0xbd: {  	[sflag:s0] =	ssyncadd.remote.s32 $0x1  }
0xbe: {  	_ =	sfence.sel $0xFFFF  }
0xbf: {  	[dreg:$0x0] =	wrdreg $0xFFFFFFFF;
	(pc) =	sbr.abs _section_cstart, $3  }
0xc0: {  	[dreg:$0x1] =	wrdreg $0xFFFFFFFF  }
0xc1: {  	_ =	task.clear_ibuf [dreg:s6], $0x2FFFF;
	_ =	strace $0x9FFFFFFF  }
0xc2: {  	(tm) =	ssettm $0x7FFFFFFF  }
0xc3: {  	_ =	shalt  }
tec
execute0_lowered:
.L_overlay_start_1:
0x0: {  	(tag) =	ssettag $0x1  }
0x1: {  	s0 =	rddreg [dreg:$0x0]  }
0x2: {  	s2 =	rddreg [dreg:$0x1]  }
0x3: {  	s18 =	stileid.u32;
	s1 =	srdreg.scid  }
0x4: {  	s3 =	simm.s32 $0x0;
	s19 =	simm.s32 $0x5;
	s20 =	simm.s32 $0x1400  }
0x5: {  	s21 =	simm.s32 $0x80;
	s28 =	simm.s32 $0x4;
	s11 =	smul.u32 $0x2780, s18  }
0x6: {  	s29 =	simm.s32 $0x2780;
	s30 =	simm.s32 $0x0;
	s6 =	smul.u32 $0x13C00, s18  }
0x7: {  	s1 =	sand.u32 $0x1, s1;
	[smem:$0x7FF] =	sst s3;
	s22 =	smul.u32 $0x2800, s18  }
0x8: {  	s4 =	sadd.s32 $0x17200, s0;
	s14 =	sadd.s32 $0xD200, s0;
	s9 =	smul.u32 $0x4F000, s18  }
0x9: {  	s15 =	sadd.s32 $0x3200, s0;
	s13 =	smul.u32 $0x500, s18;
	s31 =	sshll.u32 s18, $0x6  }
0xa: {  	s5 =	smul.u32 $0x13C000, s1;
	_ =	strace $0x80000050;
	s8 =	ssub.s32 $0x2, s1  }
0xb: {  	p0 =	seq.s32 s1, $0x0;
	s18 =	sor.u32 $0x1C05, s31;
	s7 =	sadd.s32 s11, s0  }
0xc: {  	s23 =	sshrl.u32 s8, $0x1;
	s16 =	sshrl.u32 s22, $0x3;
	s24 =	sshrl.u32 s9, $0x2  }
0xd: {  	s11 =	sadd.s32 s4, s11;
	s12 =	sadd.s32 s14, s13;
	s13 =	sadd.s32 s15, s13  }
0xe: {  	s22 =	simm.s32 $0x2800;
	s5 =	sadd.s32 s6, s5;
	s17 =	ssub.s32 s8, s23  }
0xf: {  	s25 =	sadd.s32 $0x5000, s16;
	s26 =	sadd.s32 $0x3EA00, s7;
	s10 =	sadd.s32 $0x5280, s16  }
0x10: {  	s16 =	sadd.s32 $0x280, s16;
	s23 =	simm.s32 $0x6800;
	s5 =	sshrl.u32 s5, $0x3  }
.Ltmp0:
0x11: {  	[dreg:$0x3] =	wrdreg s26;
	s7 =	sadd.s32 s14, s25;
	(pc) =	sbr.rel .LBB2_1-.Ltmp0, $4  }
0x12: {  	s8 =	sadd.s32 s15, s25;
	s9 =	sadd.s32 s14, s10;
	s10 =	sadd.s32 s15, s10  }
0x13: {  	s14 =	sadd.s32 s14, s16;
	s15 =	sadd.s32 s15, s16;
	s17 =	smax.u32 s17, $0x1  }
0x14: {  	s25 =	simm.s32 $0x3;
	s26 =	simm.s32 $0x2;
	s0 =	sadd.s32 s5, s0  }
0x15: {  	s5 =	sadd.s32 s24, s2;
	s24 =	simm.s32 $0x1;
	s16 =	sadd.s32 $0x66200, s0  }
.LBB2_11:
0x16: {  	[spmem:s2] =	stream.indirect.scatter.add.f32 [tilespmem:s22], [sflag:$0x3], $0x80, s1, s21, $0xb8;
	[tilespmem:$0x1E400] =	vst v63  }
.LBB2_12:
0x17: {  	_ =	swait.ge [sflag:s25], $0x4000  }
0x18: {  	[sflag:s25] =	ssyncset.done $0x0  }
0x19: {  	[sflag:s25] =	ssyncadd.s32 $0xFFFFC000  }
0x1a: {  	_ =	swait.ge [sflag:s26], $0x4000  }
0x1b: {  	[sflag:s26] =	ssyncset.done $0x0  }
0x1c: {  	[sflag:s26] =	ssyncadd.s32 $0xFFFFC000  }
0x1d: {  	[spmem:s2] =	stream.indirect.scatter.add.f32 [tilespmem:s23], [sflag:$0x4], $0x80, s29, s21, $0xb8;
	[tilespmem:$0x1E400] =	vst v63  }
0x1e: {  	_ =	swait.ge [sflag:s28], $0x4000  }
0x1f: {  	s30 =	sadd.s32 $0x1, s30;
	[sflag:s28] =	ssyncset.done $0x0  }
0x20: {  	p1 =	sne.s32 s30, s17;
	[sflag:s28] =	ssyncadd.s32 $0xFFFFC000  }
.Ltmp1:
0x21: {  	[bflag:$0x0] =	sbarrier.arrive $0xFFFF;
	(pc) =	sbr.rel @!p1 .LBB2_13-.Ltmp1, $4  }
0x22: {  	[hbm:s16], [sflag:s18] =	dma.local [spmem:s31], $0x2780  }
0x23: {  	_ =	swait.ge [sflag:s19], $0x2780  }
0x24: {  	[sflag:s19] =	ssyncset.done $0x0  }
0x25: {  	[sflag:s19] =	ssyncadd.s32 $0xFFFFD880  }
.LBB2_1:
.Ltmp2:
0x26: {  	(pc) =	sbr.rel @!p0 .LBB2_2-.Ltmp2, $2  }
0x27: {  	_ =	sdelay $0x2  }
0x28: {  	s31 =	sshrl.u32 s5, $0x3  }
0x29: {  	[spmem:s31], [sflag:s18] =	dma.local [hbm:s11], $0x2780  }
0x2a: {  	_ =	swait.ge [sflag:s19], $0x2780  }
0x2b: {  	[sflag:s19] =	ssyncset.done $0x0  }
0x2c: {  	[sflag:s19] =	ssyncadd.s32 $0xFFFFD880  }
0x2d: {  	[bflag:$0x0] =	sbarrier.arrive $0xFFFF  }
0x2e: {  	[tilespmem:s3], [sflag:$0x5] =	stream.linear.gather [hbm4b:s12+s3], $0x1400, $0x38;
	[tilespmem:$0x1E400] =	vst v63  }
0x2f: {  	_ =	swait.ge [sflag:s19], $0x1400  }
0x30: {  	[sflag:s19] =	ssyncset.done $0x0  }
0x31: {  	[sflag:s19] =	ssyncadd.s32 $0xFFFFEC00  }
0x32: {  	[tilespmem:s20], [sflag:$0x5] =	stream.linear.gather [hbm4b:s13+s3], $0x1400, $0x38;
	[tilespmem:$0x1E400] =	vst v63  }
0x33: {  	_ =	swait.ge [sflag:s19], $0x1400  }
0x34: {  	[sflag:s19] =	ssyncset.done $0x0  }
0x35: {  	[sflag:s19] =	ssyncadd.s32 $0xFFFFEC00  }
0x36: {  	[tilespmem:s22], [sflag:$0x1] =	stream.indirect.gather [hbm4b:s4+s21], $0x80, s3, s21, $0xb8;
	[tilespmem:$0x1E400] =	vst v63  }
0x37: {  	_ = 	snop  }
0x38: {  	[tilespmem:s23], [sflag:$0x2] =	stream.indirect.gather [hbm4b:s4+s21], $0x80, s21, s21, $0xb8;
	[tilespmem:$0x1E400] =	vst v63  }
0x39: {  	_ =	swait.ge [sflag:s24], $0x4000  }
0x3a: {  	[sflag:s24] =	ssyncset.done $0x0  }
0x3b: {  	[sflag:s24] =	ssyncadd.s32 $0xFFFFC000  }
0x3c: {  	[spmem:s2] =	stream.indirect.scatter.add.f32 [tilespmem:s22], [sflag:$0x3], $0x80, s20, s21, $0xb8;
	[tilespmem:$0x1E400] =	vst v63  }
0x3d: {  	_ =	swait.ge [sflag:s25], $0x4000  }
0x3e: {  	[sflag:s25] =	ssyncset.done $0x0  }
0x3f: {  	s0 =	simm.s32 $0x100;
	[sflag:s25] =	ssyncadd.s32 $0xFFFFC000  }
0x40: {  	[tilespmem:s22], [sflag:$0x1] =	stream.indirect.gather [hbm4b:s4+s21], $0x80, s0, s21, $0xb8;
	[tilespmem:$0x1E400] =	vst v63  }
0x41: {  	_ =	swait.ge [sflag:s26], $0x4000  }
0x42: {  	[sflag:s26] =	ssyncset.done $0x0  }
0x43: {  	s1 =	simm.s32 $0x1480;
	[sflag:s26] =	ssyncadd.s32 $0xFFFFC000  }
0x44: {  	[spmem:s2] =	stream.indirect.scatter.add.f32 [tilespmem:s23], [sflag:$0x4], $0x80, s1, s21, $0xb8;
	[tilespmem:$0x1E400] =	vst v63  }
0x45: {  	_ =	swait.ge [sflag:s28], $0x4000  }
0x46: {  	[sflag:s28] =	ssyncset.done $0x0  }
0x47: {  	s6 =	simm.s32 $0x180;
	[sflag:s28] =	ssyncadd.s32 $0xFFFFC000  }
0x48: {  	[tilespmem:s23], [sflag:$0x2] =	stream.indirect.gather [hbm4b:s4+s21], $0x80, s6, s21, $0xb8;
	[tilespmem:$0x1E400] =	vst v63  }
0x49: {  	_ =	swait.ge [sflag:s24], $0x4000  }
0x4a: {  	[sflag:s24] =	ssyncset.done $0x0  }
0x4b: {  	s0 =	simm.s32 $0xFFFFB800;
	s1 =	simm.s32 $0x1500;
	[sflag:s24] =	ssyncadd.s32 $0xFFFFC000  }
.LBB2_8:
0x4c: {  	[spmem:s2] =	stream.indirect.scatter.add.f32 [tilespmem:s22], [sflag:$0x3], $0x80, s1, s21, $0xb8;
	[tilespmem:$0x1E400] =	vst v63  }
0x4d: {  	s1 =	smov.u32 s0  }
0x4e: {  	p1 =	sne.s32 s0, $0xFFFFFC00;
	s0 =	sadd.s32 $0x400, s0;
	_ =	swait.ge [sflag:s25], $0x4000  }
0x4f: {  	s1 =	sshra.s32 s1, $0x2;
	[sflag:s25] =	ssyncset.done $0x0  }
0x50: {  	s6 =	sadd.s32 $0x1400, s1;
	[sflag:s25] =	ssyncadd.s32 $0xFFFFC000  }
0x51: {  	[tilespmem:s22], [sflag:$0x1] =	stream.indirect.gather [hbm4b:s4+s21], $0x80, s6, s21, $0xb8;
	[tilespmem:$0x1E400] =	vst v63  }
0x52: {  	_ =	swait.ge [sflag:s26], $0x4000  }
0x53: {  	[sflag:s26] =	ssyncset.done $0x0  }
0x54: {  	s6 =	sadd.s32 $0x2780, s1;
	[sflag:s26] =	ssyncadd.s32 $0xFFFFC000  }
0x55: {  	[spmem:s2] =	stream.indirect.scatter.add.f32 [tilespmem:s23], [sflag:$0x4], $0x80, s6, s21, $0xb8;
	[tilespmem:$0x1E400] =	vst v63  }
0x56: {  	_ =	swait.ge [sflag:s28], $0x4000  }
0x57: {  	[sflag:s28] =	ssyncset.done $0x0  }
.Ltmp3:
0x58: {  	s6 =	sadd.s32 $0x1480, s1;
	[sflag:s28] =	ssyncadd.s32 $0xFFFFC000;
	(pc) =	sbr.rel @p1 .LBB2_8-.Ltmp3, $4  }
0x59: {  	[tilespmem:s23], [sflag:$0x2] =	stream.indirect.gather [hbm4b:s4+s21], $0x80, s6, s21, $0xb8;
	[tilespmem:$0x1E400] =	vst v63  }
0x5a: {  	_ =	swait.ge [sflag:s24], $0x4000  }
0x5b: {  	[sflag:s24] =	ssyncset.done $0x0  }
0x5c: {  	s1 =	sadd.s32 $0x2800, s1;
	[sflag:s24] =	ssyncadd.s32 $0xFFFFC000  }
0x5d: {  	[spmem:s2] =	stream.indirect.scatter.add.f32 [tilespmem:s22], [sflag:$0x3], $0x80, s1, s21, $0xb8;
	[tilespmem:$0x1E400] =	vst v63  }
0x5e: {  	_ =	swait.ge [sflag:s25], $0x4000  }
0x5f: {  	[sflag:s25] =	ssyncset.done $0x0  }
0x60: {  	[sflag:s25] =	ssyncadd.s32 $0xFFFFC000  }
0x61: {  	_ =	swait.ge [sflag:s26], $0x4000  }
0x62: {  	[sflag:s26] =	ssyncset.done $0x0  }
0x63: {  	[sflag:s26] =	ssyncadd.s32 $0xFFFFC000  }
0x64: {  	[spmem:s2] =	stream.indirect.scatter.add.f32 [tilespmem:s23], [sflag:$0x4], $0x80, s29, s21, $0xb8;
	[tilespmem:$0x1E400] =	vst v63  }
0x65: {  	_ =	swait.ge [sflag:s28], $0x4000  }
0x66: {  	[sflag:s28] =	ssyncset.done $0x0  }
0x67: {  	[sflag:s28] =	ssyncadd.s32 $0xFFFFC000  }
0x68: {  	[tilespmem:s3], [sflag:$0x5] =	stream.linear.gather [hbm4b:s14+s3], $0x1400, $0x38;
	[tilespmem:$0x1E400] =	vst v63  }
0x69: {  	_ =	swait.ge [sflag:s19], $0x1400  }
0x6a: {  	[sflag:s19] =	ssyncset.done $0x0  }
0x6b: {  	[sflag:s19] =	ssyncadd.s32 $0xFFFFEC00  }
0x6c: {  	[tilespmem:s20], [sflag:$0x5] =	stream.linear.gather [hbm4b:s15+s3], $0x1400, $0x38;
	[tilespmem:$0x1E400] =	vst v63  }
0x6d: {  	_ =	swait.ge [sflag:s19], $0x1400  }
0x6e: {  	[sflag:s19] =	ssyncset.done $0x0  }
0x6f: {  	[sflag:s19] =	ssyncadd.s32 $0xFFFFEC00  }
0x70: {  	[tilespmem:s22], [sflag:$0x1] =	stream.indirect.gather [hbm4b:s4+s21], $0x80, s3, s21, $0xb8;
	[tilespmem:$0x1E400] =	vst v63  }
0x71: {  	_ = 	snop  }
0x72: {  	[tilespmem:s23], [sflag:$0x2] =	stream.indirect.gather [hbm4b:s4+s21], $0x80, s21, s21, $0xb8;
	[tilespmem:$0x1E400] =	vst v63  }
0x73: {  	_ =	swait.ge [sflag:s24], $0x4000  }
0x74: {  	[sflag:s24] =	ssyncset.done $0x0  }
0x75: {  	[sflag:s24] =	ssyncadd.s32 $0xFFFFC000  }
0x76: {  	[spmem:s2] =	stream.indirect.scatter.add.f32 [tilespmem:s22], [sflag:$0x3], $0x80, s20, s21, $0xb8;
	[tilespmem:$0x1E400] =	vst v63  }
0x77: {  	_ =	swait.ge [sflag:s25], $0x4000  }
0x78: {  	[sflag:s25] =	ssyncset.done $0x0  }
0x79: {  	s0 =	simm.s32 $0x100;
	[sflag:s25] =	ssyncadd.s32 $0xFFFFC000  }
0x7a: {  	[tilespmem:s22], [sflag:$0x1] =	stream.indirect.gather [hbm4b:s4+s21], $0x80, s0, s21, $0xb8;
	[tilespmem:$0x1E400] =	vst v63  }
0x7b: {  	_ =	swait.ge [sflag:s26], $0x4000  }
0x7c: {  	[sflag:s26] =	ssyncset.done $0x0  }
0x7d: {  	s1 =	simm.s32 $0x1480;
	[sflag:s26] =	ssyncadd.s32 $0xFFFFC000  }
0x7e: {  	[spmem:s2] =	stream.indirect.scatter.add.f32 [tilespmem:s23], [sflag:$0x4], $0x80, s1, s21, $0xb8;
	[tilespmem:$0x1E400] =	vst v63  }
0x7f: {  	_ =	swait.ge [sflag:s28], $0x4000  }
0x80: {  	[sflag:s28] =	ssyncset.done $0x0  }
0x81: {  	s6 =	simm.s32 $0x180;
	[sflag:s28] =	ssyncadd.s32 $0xFFFFC000  }
0x82: {  	[tilespmem:s23], [sflag:$0x2] =	stream.indirect.gather [hbm4b:s4+s21], $0x80, s6, s21, $0xb8;
	[tilespmem:$0x1E400] =	vst v63  }
0x83: {  	_ =	swait.ge [sflag:s24], $0x4000  }
0x84: {  	[sflag:s24] =	ssyncset.done $0x0  }
0x85: {  	s0 =	simm.s32 $0xFFFFB800;
	s1 =	simm.s32 $0x1500;
	[sflag:s24] =	ssyncadd.s32 $0xFFFFC000  }
.LBB2_10:
0x86: {  	[spmem:s2] =	stream.indirect.scatter.add.f32 [tilespmem:s22], [sflag:$0x3], $0x80, s1, s21, $0xb8;
	[tilespmem:$0x1E400] =	vst v63  }
0x87: {  	s1 =	smov.u32 s0  }
0x88: {  	p1 =	seq.s32 s0, $0xFFFFFC00;
	s0 =	sadd.s32 $0x400, s0;
	_ =	swait.ge [sflag:s25], $0x4000  }
0x89: {  	s1 =	sshra.s32 s1, $0x2;
	[sflag:s25] =	ssyncset.done $0x0  }
0x8a: {  	s6 =	sadd.s32 $0x1400, s1;
	[sflag:s25] =	ssyncadd.s32 $0xFFFFC000  }
0x8b: {  	[tilespmem:s22], [sflag:$0x1] =	stream.indirect.gather [hbm4b:s4+s21], $0x80, s6, s21, $0xb8;
	[tilespmem:$0x1E400] =	vst v63  }
0x8c: {  	_ =	swait.ge [sflag:s26], $0x4000  }
0x8d: {  	[sflag:s26] =	ssyncset.done $0x0  }
0x8e: {  	s6 =	sadd.s32 $0x2780, s1;
	[sflag:s26] =	ssyncadd.s32 $0xFFFFC000  }
0x8f: {  	[spmem:s2] =	stream.indirect.scatter.add.f32 [tilespmem:s23], [sflag:$0x4], $0x80, s6, s21, $0xb8;
	[tilespmem:$0x1E400] =	vst v63  }
0x90: {  	_ =	swait.ge [sflag:s28], $0x4000  }
0x91: {  	[sflag:s28] =	ssyncset.done $0x0  }
.Ltmp4:
0x92: {  	s6 =	sadd.s32 $0x1480, s1;
	[sflag:s28] =	ssyncadd.s32 $0xFFFFC000;
	(pc) =	sbr.rel @!p1 .LBB2_10-.Ltmp4, $4  }
0x93: {  	[tilespmem:s23], [sflag:$0x2] =	stream.indirect.gather [hbm4b:s4+s21], $0x80, s6, s21, $0xb8;
	[tilespmem:$0x1E400] =	vst v63  }
0x94: {  	_ =	swait.ge [sflag:s24], $0x4000  }
0x95: {  	[sflag:s24] =	ssyncset.done $0x0  }
0x96: {  	s1 =	sadd.s32 $0x2800, s1;
	[sflag:s24] =	ssyncadd.s32 $0xFFFFC000  }
.Ltmp5:
0x97: {  	_ = 	snop;
	(pc) =	sbr.rel .LBB2_11-.Ltmp5, $1  }
0x98: {  	_ =	sdelay $0x3  }
.LBB2_2:
0x99: {  	s0 =	rddreg [dreg:$0x3]  }
0x9a: {  	[spmem:s31], [sflag:s18] =	dma.local [hbm:s0], $0x2780  }
0x9b: {  	_ =	swait.ge [sflag:s19], $0x2780  }
0x9c: {  	[sflag:s19] =	ssyncset.done $0x0  }
0x9d: {  	[sflag:s19] =	ssyncadd.s32 $0xFFFFD880  }
0x9e: {  	[bflag:$0x0] =	sbarrier.arrive $0xFFFF  }
0x9f: {  	[tilespmem:s3], [sflag:$0x5] =	stream.linear.gather [hbm4b:s7+s3], $0x1400, $0x38;
	[tilespmem:$0x1E400] =	vst v63  }
0xa0: {  	_ =	swait.ge [sflag:s19], $0x1400  }
0xa1: {  	[sflag:s19] =	ssyncset.done $0x0  }
0xa2: {  	[sflag:s19] =	ssyncadd.s32 $0xFFFFEC00  }
0xa3: {  	[tilespmem:s20], [sflag:$0x5] =	stream.linear.gather [hbm4b:s8+s3], $0x1400, $0x38;
	[tilespmem:$0x1E400] =	vst v63  }
0xa4: {  	_ =	swait.ge [sflag:s19], $0x1400  }
0xa5: {  	[sflag:s19] =	ssyncset.done $0x0  }
0xa6: {  	[sflag:s19] =	ssyncadd.s32 $0xFFFFEC00  }
0xa7: {  	[tilespmem:s22], [sflag:$0x1] =	stream.indirect.gather [hbm4b:s4+s21], $0x80, s3, s21, $0xb8;
	[tilespmem:$0x1E400] =	vst v63  }
0xa8: {  	_ = 	snop  }
0xa9: {  	[tilespmem:s23], [sflag:$0x2] =	stream.indirect.gather [hbm4b:s4+s21], $0x80, s21, s21, $0xb8;
	[tilespmem:$0x1E400] =	vst v63  }
0xaa: {  	_ =	swait.ge [sflag:s24], $0x4000  }
0xab: {  	[sflag:s24] =	ssyncset.done $0x0  }
0xac: {  	[sflag:s24] =	ssyncadd.s32 $0xFFFFC000  }
0xad: {  	[spmem:s2] =	stream.indirect.scatter.add.f32 [tilespmem:s22], [sflag:$0x3], $0x80, s20, s21, $0xb8;
	[tilespmem:$0x1E400] =	vst v63  }
0xae: {  	_ =	swait.ge [sflag:s25], $0x4000  }
0xaf: {  	[sflag:s25] =	ssyncset.done $0x0  }
0xb0: {  	s6 =	simm.s32 $0x100;
	[sflag:s25] =	ssyncadd.s32 $0xFFFFC000  }
0xb1: {  	[tilespmem:s22], [sflag:$0x1] =	stream.indirect.gather [hbm4b:s4+s21], $0x80, s6, s21, $0xb8;
	[tilespmem:$0x1E400] =	vst v63  }
0xb2: {  	_ =	swait.ge [sflag:s26], $0x4000  }
0xb3: {  	[sflag:s26] =	ssyncset.done $0x0  }
0xb4: {  	s1 =	simm.s32 $0x1480;
	[sflag:s26] =	ssyncadd.s32 $0xFFFFC000  }
0xb5: {  	[spmem:s2] =	stream.indirect.scatter.add.f32 [tilespmem:s23], [sflag:$0x4], $0x80, s1, s21, $0xb8;
	[tilespmem:$0x1E400] =	vst v63  }
0xb6: {  	_ =	swait.ge [sflag:s28], $0x4000  }
0xb7: {  	[sflag:s28] =	ssyncset.done $0x0  }
0xb8: {  	s6 =	simm.s32 $0x180;
	[sflag:s28] =	ssyncadd.s32 $0xFFFFC000  }
0xb9: {  	[tilespmem:s23], [sflag:$0x2] =	stream.indirect.gather [hbm4b:s4+s21], $0x80, s6, s21, $0xb8;
	[tilespmem:$0x1E400] =	vst v63  }
0xba: {  	_ =	swait.ge [sflag:s24], $0x4000  }
0xbb: {  	[sflag:s24] =	ssyncset.done $0x0  }
0xbc: {  	s0 =	simm.s32 $0xFFFFB800;
	s1 =	simm.s32 $0x1500;
	[sflag:s24] =	ssyncadd.s32 $0xFFFFC000  }
.LBB2_3:
0xbd: {  	[spmem:s2] =	stream.indirect.scatter.add.f32 [tilespmem:s22], [sflag:$0x3], $0x80, s1, s21, $0xb8;
	[tilespmem:$0x1E400] =	vst v63  }
0xbe: {  	s1 =	smov.u32 s0  }
0xbf: {  	p1 =	sne.s32 s0, $0xFFFFFC00;
	s0 =	sadd.s32 $0x400, s0;
	_ =	swait.ge [sflag:s25], $0x4000  }
0xc0: {  	s1 =	sshra.s32 s1, $0x2;
	[sflag:s25] =	ssyncset.done $0x0  }
0xc1: {  	s6 =	sadd.s32 $0x1400, s1;
	[sflag:s25] =	ssyncadd.s32 $0xFFFFC000  }
0xc2: {  	[tilespmem:s22], [sflag:$0x1] =	stream.indirect.gather [hbm4b:s4+s21], $0x80, s6, s21, $0xb8;
	[tilespmem:$0x1E400] =	vst v63  }
0xc3: {  	_ =	swait.ge [sflag:s26], $0x4000  }
0xc4: {  	[sflag:s26] =	ssyncset.done $0x0  }
0xc5: {  	s6 =	sadd.s32 $0x2780, s1;
	[sflag:s26] =	ssyncadd.s32 $0xFFFFC000  }
0xc6: {  	[spmem:s2] =	stream.indirect.scatter.add.f32 [tilespmem:s23], [sflag:$0x4], $0x80, s6, s21, $0xb8;
	[tilespmem:$0x1E400] =	vst v63  }
0xc7: {  	_ =	swait.ge [sflag:s28], $0x4000  }
0xc8: {  	[sflag:s28] =	ssyncset.done $0x0  }
.Ltmp6:
0xc9: {  	s6 =	sadd.s32 $0x1480, s1;
	[sflag:s28] =	ssyncadd.s32 $0xFFFFC000;
	(pc) =	sbr.rel @p1 .LBB2_3-.Ltmp6, $4  }
0xca: {  	[tilespmem:s23], [sflag:$0x2] =	stream.indirect.gather [hbm4b:s4+s21], $0x80, s6, s21, $0xb8;
	[tilespmem:$0x1E400] =	vst v63  }
0xcb: {  	_ =	swait.ge [sflag:s24], $0x4000  }
0xcc: {  	[sflag:s24] =	ssyncset.done $0x0  }
0xcd: {  	s1 =	sadd.s32 $0x2800, s1;
	[sflag:s24] =	ssyncadd.s32 $0xFFFFC000  }
0xce: {  	[spmem:s2] =	stream.indirect.scatter.add.f32 [tilespmem:s22], [sflag:$0x3], $0x80, s1, s21, $0xb8;
	[tilespmem:$0x1E400] =	vst v63  }
0xcf: {  	_ =	swait.ge [sflag:s25], $0x4000  }
0xd0: {  	[sflag:s25] =	ssyncset.done $0x0  }
0xd1: {  	[sflag:s25] =	ssyncadd.s32 $0xFFFFC000  }
0xd2: {  	_ =	swait.ge [sflag:s26], $0x4000  }
0xd3: {  	[sflag:s26] =	ssyncset.done $0x0  }
0xd4: {  	[sflag:s26] =	ssyncadd.s32 $0xFFFFC000  }
0xd5: {  	[spmem:s2] =	stream.indirect.scatter.add.f32 [tilespmem:s23], [sflag:$0x4], $0x80, s29, s21, $0xb8;
	[tilespmem:$0x1E400] =	vst v63  }
0xd6: {  	_ =	swait.ge [sflag:s28], $0x4000  }
0xd7: {  	[sflag:s28] =	ssyncset.done $0x0  }
0xd8: {  	[sflag:s28] =	ssyncadd.s32 $0xFFFFC000  }
0xd9: {  	[tilespmem:s3], [sflag:$0x5] =	stream.linear.gather [hbm4b:s9+s3], $0x1400, $0x38;
	[tilespmem:$0x1E400] =	vst v63  }
0xda: {  	_ =	swait.ge [sflag:s19], $0x1400  }
0xdb: {  	[sflag:s19] =	ssyncset.done $0x0  }
0xdc: {  	[sflag:s19] =	ssyncadd.s32 $0xFFFFEC00  }
0xdd: {  	[tilespmem:s20], [sflag:$0x5] =	stream.linear.gather [hbm4b:s10+s3], $0x1400, $0x38;
	[tilespmem:$0x1E400] =	vst v63  }
0xde: {  	_ =	swait.ge [sflag:s19], $0x1400  }
0xdf: {  	[sflag:s19] =	ssyncset.done $0x0  }
0xe0: {  	[sflag:s19] =	ssyncadd.s32 $0xFFFFEC00  }
0xe1: {  	[tilespmem:s22], [sflag:$0x1] =	stream.indirect.gather [hbm4b:s4+s21], $0x80, s3, s21, $0xb8;
	[tilespmem:$0x1E400] =	vst v63  }
0xe2: {  	_ = 	snop  }
0xe3: {  	[tilespmem:s23], [sflag:$0x2] =	stream.indirect.gather [hbm4b:s4+s21], $0x80, s21, s21, $0xb8;
	[tilespmem:$0x1E400] =	vst v63  }
0xe4: {  	_ =	swait.ge [sflag:s24], $0x4000  }
0xe5: {  	[sflag:s24] =	ssyncset.done $0x0  }
0xe6: {  	[sflag:s24] =	ssyncadd.s32 $0xFFFFC000  }
0xe7: {  	[spmem:s2] =	stream.indirect.scatter.add.f32 [tilespmem:s22], [sflag:$0x3], $0x80, s20, s21, $0xb8;
	[tilespmem:$0x1E400] =	vst v63  }
0xe8: {  	_ =	swait.ge [sflag:s25], $0x4000  }
0xe9: {  	[sflag:s25] =	ssyncset.done $0x0  }
0xea: {  	s0 =	simm.s32 $0x100;
	[sflag:s25] =	ssyncadd.s32 $0xFFFFC000  }
0xeb: {  	[tilespmem:s22], [sflag:$0x1] =	stream.indirect.gather [hbm4b:s4+s21], $0x80, s0, s21, $0xb8;
	[tilespmem:$0x1E400] =	vst v63  }
0xec: {  	_ =	swait.ge [sflag:s26], $0x4000  }
0xed: {  	[sflag:s26] =	ssyncset.done $0x0  }
0xee: {  	s1 =	simm.s32 $0x1480;
	[sflag:s26] =	ssyncadd.s32 $0xFFFFC000  }
0xef: {  	[spmem:s2] =	stream.indirect.scatter.add.f32 [tilespmem:s23], [sflag:$0x4], $0x80, s1, s21, $0xb8;
	[tilespmem:$0x1E400] =	vst v63  }
0xf0: {  	_ =	swait.ge [sflag:s28], $0x4000  }
0xf1: {  	[sflag:s28] =	ssyncset.done $0x0  }
0xf2: {  	s6 =	simm.s32 $0x180;
	[sflag:s28] =	ssyncadd.s32 $0xFFFFC000  }
0xf3: {  	[tilespmem:s23], [sflag:$0x2] =	stream.indirect.gather [hbm4b:s4+s21], $0x80, s6, s21, $0xb8;
	[tilespmem:$0x1E400] =	vst v63  }
0xf4: {  	_ =	swait.ge [sflag:s24], $0x4000  }
0xf5: {  	[sflag:s24] =	ssyncset.done $0x0  }
0xf6: {  	s0 =	simm.s32 $0xFFFFB800;
	s1 =	simm.s32 $0x1500;
	[sflag:s24] =	ssyncadd.s32 $0xFFFFC000  }
.LBB2_5:
0xf7: {  	[spmem:s2] =	stream.indirect.scatter.add.f32 [tilespmem:s22], [sflag:$0x3], $0x80, s1, s21, $0xb8;
	[tilespmem:$0x1E400] =	vst v63  }
0xf8: {  	s1 =	smov.u32 s0  }
0xf9: {  	p1 =	sne.s32 s0, $0xFFFFFC00;
	s0 =	sadd.s32 $0x400, s0;
	_ =	swait.ge [sflag:s25], $0x4000  }
0xfa: {  	s1 =	sshra.s32 s1, $0x2;
	[sflag:s25] =	ssyncset.done $0x0  }
0xfb: {  	s6 =	sadd.s32 $0x1400, s1;
	[sflag:s25] =	ssyncadd.s32 $0xFFFFC000  }
0xfc: {  	[tilespmem:s22], [sflag:$0x1] =	stream.indirect.gather [hbm4b:s4+s21], $0x80, s6, s21, $0xb8;
	[tilespmem:$0x1E400] =	vst v63  }
0xfd: {  	_ =	swait.ge [sflag:s26], $0x4000  }
0xfe: {  	[sflag:s26] =	ssyncset.done $0x0  }
0xff: {  	s6 =	sadd.s32 $0x2780, s1;
	[sflag:s26] =	ssyncadd.s32 $0xFFFFC000  }
0x100: {  	[spmem:s2] =	stream.indirect.scatter.add.f32 [tilespmem:s23], [sflag:$0x4], $0x80, s6, s21, $0xb8;
	[tilespmem:$0x1E400] =	vst v63  }
0x101: {  	_ =	swait.ge [sflag:s28], $0x4000  }
0x102: {  	[sflag:s28] =	ssyncset.done $0x0  }
.Ltmp7:
0x103: {  	s6 =	sadd.s32 $0x1480, s1;
	[sflag:s28] =	ssyncadd.s32 $0xFFFFC000;
	(pc) =	sbr.rel @p1 .LBB2_5-.Ltmp7, $4  }
0x104: {  	[tilespmem:s23], [sflag:$0x2] =	stream.indirect.gather [hbm4b:s4+s21], $0x80, s6, s21, $0xb8;
	[tilespmem:$0x1E400] =	vst v63  }
0x105: {  	_ =	swait.ge [sflag:s24], $0x4000  }
0x106: {  	[sflag:s24] =	ssyncset.done $0x0  }
0x107: {  	s1 =	sadd.s32 $0x2800, s1;
	[sflag:s24] =	ssyncadd.s32 $0xFFFFC000  }
.Ltmp8:
0x108: {  	(pc) =	sbr.rel .LBB2_12-.Ltmp8, $2  }
0x109: {  	_ =	sdelay $0x2  }
0x10a: {  	[spmem:s2] =	stream.indirect.scatter.add.f32 [tilespmem:s22], [sflag:$0x3], $0x80, s1, s21, $0xb8;
	[tilespmem:$0x1E400] =	vst v63  }
.LBB2_13:
0x10b: {  	_ =	sfence.sel $0x180000  }
0x10c: {  	[bflag:$0x0] =	sbarrier.arrive $0xFFFF  }
0x10d: {  	_ =	strace $0x90000050  }
0x10e: {  	s0 =	stileid.u32;
	[bflag:$0x2] =	sbarrier.arrive $0xFFFF  }
0x10f: {  	p0 =	sne.s32 s0, $0x0;
	s0 =	rddreg [dreg:$0x2]  }
0x110: {  	s0 =	sadd.s32 @!p0 $0x100000, s0  }
0x111: {  	[sflag:s0] =	ssyncadd.tile.s32 @!p0 $0x1;
	_ =	shalt  }
.Lfunc_end2:
_tile_overlayer_lowered:
.L_overlay_start_2:
0x112: {  	(tag) =	ssettag $0x2  }
0x113: {  	s0 =	rddreg [dreg:$0x0];
	s2 =	stileid.u32  }
0x114: {  	s1 =	rddreg [dreg:$0x1];
	p0 =	sne.s32 s2, $0x0  }
0x115: {  	s3 =	rddreg [dreg:$0x2];
	[bflag:$0x3] =	sbarrier.arrive $0xFFFF;
	s2 =	simm.s32 @!p0 $0x1C05  }
0x116: {  	[timem:s3], [sflag:s2] =	dma.local @!p0 [hbm:s0], s1  }
0x117: {  	s0 =	simm.s32 @!p0 $0x5  }
0x118: {  	_ =	swait.ge @!p0 [sflag:s0], s1  }
0x119: {  	s1 =	ssub.s32 @!p0 $0x0, s1;
	[sflag:s0] =	ssyncset.done @!p0 $0x0  }
0x11a: {  	[sflag:s0] =	ssyncadd.s32 @!p0 s1  }
0x11b: {  	[bflag:$0x3] =	sbarrier.arrive $0xFFFF  }
0x11c: {  	_ =	shalt  }

</sc_bundles>
